<compile_context>
chip_gen: v7x
topology: tpu7x:2x2x1
jax: 0.10.2.dev20260603
libtpu: 0.0.44.dev20260713+nightly
codegen_flags: <defaults>
</compile_context>

<pallas_src>
import functools

import jax
import jax.numpy as jnp
import numpy as np
from jax import lax
from jax.experimental import pallas as pl
from jax.experimental.pallas import tpu as pltpu
from jax.experimental.pallas import tpu_sc as plsc

N_NODES = 10000
N_EDGES = 320000
CH = 128
AVG_NEIGH = 32.0

_NSUB = 16
_B = 64
_NB = 316
_EPT = _B * _NB
_EPAD = _NSUB * _EPT
_ROWS = 624
_TAIL = N_NODES - _NSUB * _ROWS


def _linup_body(nf_ref, w_ref, o_ref):
    o_ref[...] = jnp.dot(nf_ref[...], w_ref[...],
                         preferred_element_type=jnp.float32)


def _linear_up(node_feats, w_up_s):
    bn = 2000
    return pl.pallas_call(
        _linup_body,
        grid=(N_NODES // bn,),
        in_specs=[
            pl.BlockSpec((bn, CH), lambda i: (i, 0)),
            pl.BlockSpec((CH, CH), lambda i: (0, 0)),
        ],
        out_specs=pl.BlockSpec((bn, CH), lambda i: (i, 0)),
        out_shape=jax.ShapeDtypeStruct((N_NODES, CH), jnp.float32),
    )(node_feats, w_up_s)


def _mlp_tc(x, w1_ref, w2_ref, w3_ref, w4_ref):
    h = jax.nn.silu(jnp.dot(x.astype(jnp.bfloat16), w1_ref[...],
                            preferred_element_type=jnp.float32))
    h = jax.nn.silu(jnp.dot(h.astype(jnp.bfloat16), w2_ref[...],
                            preferred_element_type=jnp.float32))
    h = jax.nn.silu(jnp.dot(h.astype(jnp.bfloat16), w3_ref[...],
                            preferred_element_type=jnp.float32))
    return jnp.dot(h.astype(jnp.bfloat16), w4_ref[...],
                   preferred_element_type=jnp.float32)


def _rne_bf16_bits(a):
    u = jax.lax.bitcast_convert_type(a, jnp.int32)
    return jax.lax.shift_right_logical(
        u + jnp.int32(0x7FFF) + (jax.lax.shift_right_logical(u, 16)
                                 & jnp.int32(1)), 16)


def _edgew_body(sel, ef_ref, ea_ref, w1_ref, w2_ref, w3_ref, w4_ref,
                wv_ref):
    efp = ef_ref[...]
    eap = ea_ref[...]
    tpe = _mlp_tc(efp[:, :8], w1_ref, w2_ref, w3_ref, w4_ref)
    tpo = _mlp_tc(efp[:, 8:], w1_ref, w2_ref, w3_ref, w4_ref)
    w0e, w1e = tpe[:, :CH], tpe[:, CH:]
    w0o, w1o = tpo[:, :CH], tpo[:, CH:]

    def pack(a, b):
        return _rne_bf16_bits(a) | (_rne_bf16_bits(b) << 16)

    if sel == 0:
        wv_ref[0] = pack(w0e * eap[:, 0:1], w0o * eap[:, 4:5])
        wv_ref[1] = pack(w1e * eap[:, 1:2], w1o * eap[:, 5:6])
    else:
        wv_ref[0] = pack(w1e * eap[:, 2:3], w1o * eap[:, 6:7])
        wv_ref[1] = pack(w1e * eap[:, 3:4], w1o * eap[:, 7:8])


def _edge_weights(sel, efp, eap, w1s, w2s, w3s, w4s):
    be2 = 2048
    return pl.pallas_call(
        functools.partial(_edgew_body, sel),
        grid=(_EPAD // 2 // be2,),
        in_specs=[
            pl.BlockSpec((be2, 16), lambda i: (i, 0)),
            pl.BlockSpec((be2, 8), lambda i: (i, 0)),
            pl.BlockSpec((8, 64), lambda i: (0, 0)),
            pl.BlockSpec((64, 64), lambda i: (0, 0)),
            pl.BlockSpec((64, 64), lambda i: (0, 0)),
            pl.BlockSpec((64, 2 * CH), lambda i: (0, 0)),
        ],
        out_specs=pl.BlockSpec((2, be2, CH), lambda i: (0, i, 0)),
        out_shape=jax.ShapeDtypeStruct((2, _EPAD // 2, CH), jnp.int32),
    )(efp, eap, w1s, w2s, w3s, w4s)


def _sc_body(snd_hbm, rcv_hbm, x_hbm, wv_hbm, out_hbm,
             snd0, snd1, rcv0, rcv1, ridx0, ridx1,
             xs0, xs1, wv0, wv1, prod0, prod1, acc_sh,
             is0, is1, ir0, ir1, gs0, gs1, ws0, ws1, ss0, ss1):
    cid = lax.axis_index("c")
    sid = lax.axis_index("s")
    ebase = sid * _EPT

    snd_b = (snd0, snd1)
    rcv_b = (rcv0, rcv1)
    ridx_b = (ridx0, ridx1)
    xs_b = (xs0, xs1)
    wv_b = (wv0, wv1)
    prod_b = (prod0, prod1)
    is_b = (is0, is1)
    ir_b = (ir0, ir1)
    gs_b = (gs0, gs1)
    ws_b = (ws0, ws1)
    ss_b = (ss0, ss1)

    for r in range(1):
        chunk = cid
        wvbase = chunk * (_EPAD // 2) + sid * (_EPT // 2)

        def zrow(i, carry):
            for k in range(CH // 16):
                prod0[i, pl.ds(k * 16, 16)] = jnp.zeros((16,), jnp.float32)
            return carry
        lax.fori_loop(0, _B, zrow, 0)
        for z in range(9):
            pltpu.sync_copy(prod0,
                            acc_sh.at[pl.ds(sid * _ROWS + z * _B, _B)])
        pltpu.sync_copy(prod0.at[pl.ds(0, 48)],
                        acc_sh.at[pl.ds(sid * _ROWS + 9 * _B, 48)])

        @pl.when(sid == 0)
        def _zero_tail():
            pltpu.sync_copy(prod0.at[pl.ds(0, _TAIL)],
                            acc_sh.at[pl.ds(_NSUB * _ROWS, _TAIL)])
        plsc.subcore_barrier()

        def idx_start(i, b):
            eb = ebase + i * _B
            pltpu.async_copy(snd_hbm.at[pl.ds(eb, _B)], snd_b[b], is_b[b])
            pltpu.async_copy(rcv_hbm.at[pl.ds(eb, _B)], rcv_b[b], ir_b[b])

        def idx_wait(i, b):
            eb = ebase + i * _B
            pltpu.make_async_copy(snd_hbm.at[pl.ds(eb, _B)], snd_b[b],
                                  is_b[b]).wait()
            pltpu.make_async_copy(rcv_hbm.at[pl.ds(eb, _B)], rcv_b[b],
                                  ir_b[b]).wait()

        def fetch_start(i, b):
            pltpu.async_copy(x_hbm.at[snd_b[b]], xs_b[b], gs_b[b])
            pltpu.async_copy(wv_hbm.at[pl.ds(wvbase + i * (_B // 2),
                                             _B // 2)],
                             wv_b[b], ws_b[b])

        def fetch_wait(i, b):
            pltpu.make_async_copy(x_hbm.at[snd_b[b]], xs_b[b],
                                  gs_b[b]).wait()
            pltpu.make_async_copy(wv_hbm.at[pl.ds(wvbase + i * (_B // 2),
                                                  _B // 2)],
                                  wv_b[b], ws_b[b]).wait()

        def scatter_wait(b):
            pltpu.make_async_copy(prod_b[b], acc_sh.at[ridx_b[b]],
                                  ss_b[b]).wait()

        idx_start(0, 0)
        idx_start(1, 1)
        idx_wait(0, 0)
        fetch_start(0, 0)

        def half(i, b):
            q = 1 - b
            xs_p, wv_p, prod_p = xs_b[b], wv_b[b], prod_b[b]

            @pl.when(i >= 2)
            def _():
                scatter_wait(b)
            fetch_wait(i, b)

            for t in range(_B // 16):
                ridx_b[b][pl.ds(t * 16, 16)] = rcv_b[b][pl.ds(t * 16, 16)]

            @pl.when(i + 2 < _NB)
            def _():
                idx_start(i + 2, b)

            @pl.when(i + 1 < _NB)
            def _():
                idx_wait(i + 1, q)
                fetch_start(i + 1, q)

            @plsc.parallel_loop(0, _B // 2, 1, unroll=4)
            def _mul(m):
                e0 = 2 * m
                for t in range(CH // 16):
                    wvv = wv_p[m, pl.ds(t * 16, 16)]
                    wa = lax.bitcast_convert_type(wvv << 16, jnp.float32)
                    wb = lax.bitcast_convert_type(
                        wvv & jnp.int32(-65536), jnp.float32)
                    prod_p[e0, pl.ds(t * 16, 16)] = (
                        xs_p[e0, pl.ds(t * 16, 16)] * wa)
                    prod_p[e0 + 1, pl.ds(t * 16, 16)] = (
                        xs_p[e0 + 1, pl.ds(t * 16, 16)] * wb)

            pltpu.async_copy(prod_p, acc_sh.at[ridx_b[b]], ss_b[b],
                             add=True)

        def pair(j, carry):
            half(2 * j, 0)
            half(2 * j + 1, 1)
            return carry
        lax.fori_loop(0, _NB // 2, pair, 0)

        scatter_wait(0)
        scatter_wait(1)
        plsc.subcore_barrier()

        pltpu.sync_copy(acc_sh.at[pl.ds(sid * _ROWS, _ROWS)],
                        out_hbm.at[pl.ds(chunk * N_NODES + sid * _ROWS,
                                         _ROWS)])

        @pl.when(sid == 0)
        def _dump_tail():
            pltpu.sync_copy(
                acc_sh.at[pl.ds(_NSUB * _ROWS, _TAIL)],
                out_hbm.at[pl.ds(chunk * N_NODES + _NSUB * _ROWS, _TAIL)])


def _sc_message(snd, rcv, x, wv2d):
    mesh = plsc.VectorSubcoreMesh(core_axis_name="c", subcore_axis_name="s")
    dma = pltpu.SemaphoreType.DMA
    k = functools.partial(
        pl.kernel,
        mesh=mesh,
        out_type=jax.ShapeDtypeStruct((2 * N_NODES, CH), jnp.float32),
        scratch_types=[
            pltpu.VMEM((_B,), jnp.int32),
            pltpu.VMEM((_B,), jnp.int32),
            pltpu.VMEM((_B,), jnp.int32),
            pltpu.VMEM((_B,), jnp.int32),
            pltpu.VMEM((_B,), jnp.int32),
            pltpu.VMEM((_B,), jnp.int32),
            pltpu.VMEM((_B, CH), jnp.float32),
            pltpu.VMEM((_B, CH), jnp.float32),
            pltpu.VMEM((_B // 2, CH), jnp.int32),
            pltpu.VMEM((_B // 2, CH), jnp.int32),
            pltpu.VMEM((_B, CH), jnp.float32),
            pltpu.VMEM((_B, CH), jnp.float32),
            pltpu.VMEM_SHARED((N_NODES, CH), jnp.float32),
            dma, dma, dma, dma, dma, dma, dma, dma, dma, dma,
        ],
    )(_sc_body)
    return k(snd, rcv, x, wv2d)


def _outlin_body(m_ref, w_ref, o_ref):
    o_ref[0] = jnp.dot(m_ref[0], w_ref[0],
                       preferred_element_type=jnp.float32)


def _out_linear(msg, w_stack):
    bn = 2000
    return pl.pallas_call(
        _outlin_body,
        grid=(4, N_NODES // bn),
        in_specs=[
            pl.BlockSpec((1, bn, CH), lambda c, i: (c, i, 0)),
            pl.BlockSpec((1, CH, CH), lambda c, i: (c, 0, 0)),
        ],
        out_specs=pl.BlockSpec((1, bn, CH), lambda c, i: (c, i, 0)),
        out_shape=jax.ShapeDtypeStruct((4, N_NODES, CH), jnp.float32),
    )(msg, w_stack)


def kernel(node_attrs, node_feats, edge_attrs, edge_feats, edge_index,
           W_up, W1, W2, W3, W4, W_lin0, W_lin1):
    del node_attrs
    pad = _EPAD - N_EDGES
    snd = jnp.pad(edge_index[0], (0, pad))
    rcv = jnp.pad(edge_index[1], (0, pad))
    ef = jnp.pad(edge_feats, ((0, pad), (0, 0)))
    ea = jnp.pad(edge_attrs, ((0, pad), (0, 0)))
    w_up_s = W_up * np.float32(1.0 / np.sqrt(CH))
    w1s = (W1 * np.float32(1.0 / np.sqrt(8.0))).astype(jnp.bfloat16)
    w2s = (W2 * np.float32(1.0 / np.sqrt(64.0))).astype(jnp.bfloat16)
    w3s = (W3 * np.float32(1.0 / np.sqrt(64.0))).astype(jnp.bfloat16)
    w4s = (W4 * np.float32(1.0 / np.sqrt(64.0))).astype(jnp.bfloat16)
    out_scale = np.float32(1.0 / (np.sqrt(CH) * AVG_NEIGH))
    w_stack = jnp.stack([W_lin0, W_lin1, W_lin1, W_lin1], axis=0) * out_scale

    x = _linear_up(node_feats, w_up_s)
    efp = ef.reshape(_EPAD // 2, 16)
    eap = ea.reshape(_EPAD // 2, 8)
    wva = _edge_weights(0, efp, eap, w1s, w2s, w3s, w4s)
    wvb = _edge_weights(1, efp, eap, w1s, w2s, w3s, w4s)
    ma = _sc_message(snd, rcv, x, wva.reshape(2 * _EPAD // 2, CH))
    mb = _sc_message(snd, rcv, x, wvb.reshape(2 * _EPAD // 2, CH))
    msg = jnp.concatenate([ma, mb], axis=0).reshape(4, N_NODES, CH)
    m = _out_linear(msg, w_stack)
    m1 = jnp.stack([m[1], m[2], m[3]], axis=-1).reshape(N_NODES, 3 * CH)
    return jnp.concatenate([m[0], m1], axis=1)

# --- scband reference (transcript-rebuilt; emitter-appended) ---
"""Pipeline reference for scband-macenode-message-block-40724879901208 (READ-ONLY COPY).

The authoritative reference and input builder live on the scoring server;
editing this copy changes nothing except your own understanding.
"""

import jax, jax.numpy as jnp
import numpy as np

N_NODES = 10000
N_EDGES = 320000
CH = 128
NATTR = 10
NRAD = 8
HID = 64
AVG_NEIGH = 32.0


def setup_inputs(seed: int = 0) -> dict:
    key = jax.random.key(seed)
    ks = jax.random.split(key, 12)
    node_attrs = jax.random.normal(ks[0], (N_NODES, NATTR), dtype=jnp.float32)
    node_feats = jax.random.normal(ks[1], (N_NODES, CH), dtype=jnp.float32)
    edge_attrs = jax.random.normal(ks[2], (N_EDGES, 4), dtype=jnp.float32)
    edge_feats = jax.random.normal(ks[3], (N_EDGES, NRAD), dtype=jnp.float32)
    edge_index = jax.random.randint(ks[4], (2, N_EDGES), 0, N_NODES, dtype=jnp.int32)
    # learned parameters
    W_up = jax.random.normal(ks[5], (CH, CH), dtype=jnp.float32)      # o3.Linear 128x0e->128x0e
    W1 = jax.random.normal(ks[6], (NRAD, HID), dtype=jnp.float32)     # FullyConnectedNet [8,64,64,64,256]
    W2 = jax.random.normal(ks[7], (HID, HID), dtype=jnp.float32)
    W3 = jax.random.normal(ks[8], (HID, HID), dtype=jnp.float32)
    W4 = jax.random.normal(ks[9], (HID, 2 * CH), dtype=jnp.float32)   # conv_tp.weight_numel = 256 (128 per instruction)
    W_lin0 = jax.random.normal(ks[10], (CH, CH), dtype=jnp.float32)   # output o3.Linear, 0e block
    W_lin1 = jax.random.normal(ks[11], (CH, CH), dtype=jnp.float32)   # output o3.Linear, 1o block
    return {"node_attrs": node_attrs, "node_feats": node_feats, "edge_attrs": edge_attrs,
            "edge_feats": edge_feats, "edge_index": edge_index, "W_up": W_up,
            "W1": W1, "W2": W2, "W3": W3, "W4": W4, "W_lin0": W_lin0, "W_lin1": W_lin1}


def _mlp(x, W1, W2, W3, W4):
    # e3nn FullyConnectedNet: weight / sqrt(fan_in), SiLU nonlinearity
    h = jax.nn.silu(x @ (W1 / np.sqrt(NRAD)))
    h = jax.nn.silu(h @ (W2 / np.sqrt(HID)))
    h = jax.nn.silu(h @ (W3 / np.sqrt(HID)))
    return h @ (W4 / np.sqrt(HID))


def reference(node_attrs, node_feats, edge_attrs, edge_feats, edge_index,
              W_up, W1, W2, W3, W4, W_lin0, W_lin1):
    # node_attrs is a forward arg of the original block but unused in its body
    sender = edge_index[0]
    receiver = edge_index[1]
    # linear_up (single 0e irrep block -> plain dense with 1/sqrt(fan_in) path norm)
    x = node_feats @ (W_up / np.sqrt(CH))
    # radial MLP producing per-edge tensor-product weights [E, 256]
    tpw = _mlp(edge_feats, W1, W2, W3, W4)
    w0 = tpw[:, :CH]
    w1 = tpw[:, CH:]
    # gather sender node features per edge (SparseCore gather)
    xs = x[sender]                      # [E, 128]
    sh0 = edge_attrs[:, 0:1]            # l=0 spherical harmonic, [E, 1]
    sh1 = edge_attrs[:, 1:4]            # l=1 spherical harmonics, [E, 3]
    # conv_tp: uvu instructions 0e x 0e -> 0e and 0e x 1o -> 1o (CG coeff 1)
    mji0 = xs * sh0 * w0                                    # [E, 128]
    mji1 = (xs * w1)[:, :, None] * sh1[:, None, :]          # [E, 128, 3]
    mji = jnp.concatenate([mji0, mji1.reshape(N_EDGES, 3 * CH)], axis=1)  # [E, 512]
    # scatter_sum over receiver nodes (SparseCore scatter-add)
    message = jax.ops.segment_sum(mji, receiver, num_segments=N_NODES)   # [N, 512]
    # output o3.Linear per-l mixing
    m0 = message[:, :CH] @ (W_lin0 / np.sqrt(CH))
    m1 = message[:, CH:].reshape(N_NODES, CH, 3)
    m1 = jnp.einsum('nuc,uv->nvc', m1, W_lin1 / np.sqrt(CH)).reshape(N_NODES, 3 * CH)
    out = jnp.concatenate([m0, m1], axis=1) / AVG_NEIGH
    return out

if __name__ == "__main__":
    import jax
    _d = setup_inputs()
    print(jax.jit(kernel)(*tuple(_d.values())))

</pallas_src>

<mosaic_0001>
#map = affine_map<(d0, d1) -> (0)>
#map1 = affine_map<(d0, d1) -> (0, 0)>
module attributes {stable_mosaic.version = 14 : i64} {
  func.func @_sc_body(%arg0: i32, %arg1: i32, %arg2: memref<323584xi32, #tpu.memory_space<hbm>>, %arg3: memref<323584xi32, #tpu.memory_space<hbm>>, %arg4: memref<10000x128xf32, #tpu.memory_space<hbm>>, %arg5: memref<323584x128xi32, #tpu.memory_space<hbm>>, %arg6: memref<20000x128xf32, #tpu.memory_space<hbm>>, %arg7: memref<64xi32, #tpu.memory_space<vmem>>, %arg8: memref<64xi32, #tpu.memory_space<vmem>>, %arg9: memref<64xi32, #tpu.memory_space<vmem>>, %arg10: memref<64xi32, #tpu.memory_space<vmem>>, %arg11: memref<64xi32, #tpu.memory_space<vmem>>, %arg12: memref<64xi32, #tpu.memory_space<vmem>>, %arg13: memref<64x128xf32, #tpu.memory_space<vmem>>, %arg14: memref<64x128xf32, #tpu.memory_space<vmem>>, %arg15: memref<32x128xi32, #tpu.memory_space<vmem>>, %arg16: memref<32x128xi32, #tpu.memory_space<vmem>>, %arg17: memref<64x128xf32, #tpu.memory_space<vmem>>, %arg18: memref<64x128xf32, #tpu.memory_space<vmem>>, %arg19: memref<10000x128xf32, #tpu.memory_space<vmem_shared>>, %arg20: memref<!tpu.dma_semaphore, #tpu.memory_space<semaphore_mem>>, %arg21: memref<!tpu.dma_semaphore, #tpu.memory_space<semaphore_mem>>, %arg22: memref<!tpu.dma_semaphore, #tpu.memory_space<semaphore_mem>>, %arg23: memref<!tpu.dma_semaphore, #tpu.memory_space<semaphore_mem>>, %arg24: memref<!tpu.dma_semaphore, #tpu.memory_space<semaphore_mem>>, %arg25: memref<!tpu.dma_semaphore, #tpu.memory_space<semaphore_mem>>, %arg26: memref<!tpu.dma_semaphore, #tpu.memory_space<semaphore_mem>>, %arg27: memref<!tpu.dma_semaphore, #tpu.memory_space<semaphore_mem>>, %arg28: memref<!tpu.dma_semaphore, #tpu.memory_space<semaphore_mem>>, %arg29: memref<!tpu.dma_semaphore, #tpu.memory_space<semaphore_mem>>) attributes {dimension_semantics = [#tpu.dimension_semantics<core_parallel>, #tpu.dimension_semantics<subcore_parallel>], iteration_bounds = array<i64: 2, 16>, scalar_prefetch = 0 : i64, scratch_operands = 23 : i64, tpu.core_type = #tpu.core_type<sc_vector_subcore>, window_params = [{transform_indices = #map}, {transform_indices = #map}, {transform_indices = #map1}, {transform_indices = #map1}, {transform_indices = #map1}]} {
    %mul3A = arith.constant 20224 : i32
    %mul3A_0 = arith.muli %arg1, %mul3A : i32
    %mul3A_1 = arith.constant 161792 : i32
    %mul3A_2 = arith.muli %arg0, %mul3A_1 : i32
    %mul3A_3 = arith.constant 10112 : i32
    %mul3A_4 = arith.muli %arg1, %mul3A_3 : i32
    %add3A = arith.addi %mul3A_2, %mul3A_4 : i32
    %scan3A = arith.constant 0 : i32
    %scan3A_5 = arith.constant 0 : i32
    %scan3A_6 = arith.constant 64 : i32
    %scan3A_7 = arith.addi %scan3A_5, %scan3A_6 : i32
    %scan3A_8 = arith.constant 1 : i32
    scf.for %scan3A_102 = %scan3A_5 to %scan3A_7 step %scan3A_8  : i32 {
      %broadcast_in_dim3A = arith.constant 0.000000e+00 : f32
      %broadcast_in_dim3A_103 = vector.broadcast %broadcast_in_dim3A : f32 to vector<16xf32>
      %swap3A = arith.index_cast %scan3A_102 : i32 to index
      %swap3A_104 = arith.constant 0 : index
      %swap3A_105 = tpu.vector_load %arg17[%swap3A, %swap3A_104] {strides = array<i32>} : memref<64x128xf32, #tpu.memory_space<vmem>>, vector<1x16xf32>,
      %swap3A_106 = vector.shape_cast %swap3A_105 : vector<1x16xf32> to vector<16xf32>
      %swap3A_107 = vector.shape_cast %broadcast_in_dim3A_103 : vector<16xf32> to vector<1x16xf32>
      tpu.vector_store %arg17[%swap3A, %swap3A_104], %swap3A_107 {strides = array<i32>} : memref<64x128xf32, #tpu.memory_space<vmem>>, vector<1x16xf32>,
      %broadcast_in_dim3A_108 = arith.constant 0.000000e+00 : f32
      %broadcast_in_dim3A_109 = vector.broadcast %broadcast_in_dim3A_108 : f32 to vector<16xf32>
      %swap3A_110 = arith.index_cast %scan3A_102 : i32 to index
      %swap3A_111 = arith.constant 16 : index
      %swap3A_112 = tpu.vector_load %arg17[%swap3A_110, %swap3A_111] {strides = array<i32>} : memref<64x128xf32, #tpu.memory_space<vmem>>, vector<1x16xf32>,
      %swap3A_113 = vector.shape_cast %swap3A_112 : vector<1x16xf32> to vector<16xf32>
      %swap3A_114 = vector.shape_cast %broadcast_in_dim3A_109 : vector<16xf32> to vector<1x16xf32>
      tpu.vector_store %arg17[%swap3A_110, %swap3A_111], %swap3A_114 {strides = array<i32>} : memref<64x128xf32, #tpu.memory_space<vmem>>, vector<1x16xf32>,
      %broadcast_in_dim3A_115 = arith.constant 0.000000e+00 : f32
      %broadcast_in_dim3A_116 = vector.broadcast %broadcast_in_dim3A_115 : f32 to vector<16xf32>
      %swap3A_117 = arith.index_cast %scan3A_102 : i32 to index
      %swap3A_118 = arith.constant 32 : index
      %swap3A_119 = tpu.vector_load %arg17[%swap3A_117, %swap3A_118] {strides = array<i32>} : memref<64x128xf32, #tpu.memory_space<vmem>>, vector<1x16xf32>,
      %swap3A_120 = vector.shape_cast %swap3A_119 : vector<1x16xf32> to vector<16xf32>
      %swap3A_121 = vector.shape_cast %broadcast_in_dim3A_116 : vector<16xf32> to vector<1x16xf32>
      tpu.vector_store %arg17[%swap3A_117, %swap3A_118], %swap3A_121 {strides = array<i32>} : memref<64x128xf32, #tpu.memory_space<vmem>>, vector<1x16xf32>,
      %broadcast_in_dim3A_122 = arith.constant 0.000000e+00 : f32
      %broadcast_in_dim3A_123 = vector.broadcast %broadcast_in_dim3A_122 : f32 to vector<16xf32>
      %swap3A_124 = arith.index_cast %scan3A_102 : i32 to index
      %swap3A_125 = arith.constant 48 : index
      %swap3A_126 = tpu.vector_load %arg17[%swap3A_124, %swap3A_125] {strides = array<i32>} : memref<64x128xf32, #tpu.memory_space<vmem>>, vector<1x16xf32>,
      %swap3A_127 = vector.shape_cast %swap3A_126 : vector<1x16xf32> to vector<16xf32>
      %swap3A_128 = vector.shape_cast %broadcast_in_dim3A_123 : vector<16xf32> to vector<1x16xf32>
      tpu.vector_store %arg17[%swap3A_124, %swap3A_125], %swap3A_128 {strides = array<i32>} : memref<64x128xf32, #tpu.memory_space<vmem>>, vector<1x16xf32>,
      %broadcast_in_dim3A_129 = arith.constant 0.000000e+00 : f32
      %broadcast_in_dim3A_130 = vector.broadcast %broadcast_in_dim3A_129 : f32 to vector<16xf32>
      %swap3A_131 = arith.index_cast %scan3A_102 : i32 to index
      %swap3A_132 = arith.constant 64 : index
      %swap3A_133 = tpu.vector_load %arg17[%swap3A_131, %swap3A_132] {strides = array<i32>} : memref<64x128xf32, #tpu.memory_space<vmem>>, vector<1x16xf32>,
      %swap3A_134 = vector.shape_cast %swap3A_133 : vector<1x16xf32> to vector<16xf32>
      %swap3A_135 = vector.shape_cast %broadcast_in_dim3A_130 : vector<16xf32> to vector<1x16xf32>
      tpu.vector_store %arg17[%swap3A_131, %swap3A_132], %swap3A_135 {strides = array<i32>} : memref<64x128xf32, #tpu.memory_space<vmem>>, vector<1x16xf32>,
      %broadcast_in_dim3A_136 = arith.constant 0.000000e+00 : f32
      %broadcast_in_dim3A_137 = vector.broadcast %broadcast_in_dim3A_136 : f32 to vector<16xf32>
      %swap3A_138 = arith.index_cast %scan3A_102 : i32 to index
      %swap3A_139 = arith.constant 80 : index
      %swap3A_140 = tpu.vector_load %arg17[%swap3A_138, %swap3A_139] {strides = array<i32>} : memref<64x128xf32, #tpu.memory_space<vmem>>, vector<1x16xf32>,
      %swap3A_141 = vector.shape_cast %swap3A_140 : vector<1x16xf32> to vector<16xf32>
      %swap3A_142 = vector.shape_cast %broadcast_in_dim3A_137 : vector<16xf32> to vector<1x16xf32>
      tpu.vector_store %arg17[%swap3A_138, %swap3A_139], %swap3A_142 {strides = array<i32>} : memref<64x128xf32, #tpu.memory_space<vmem>>, vector<1x16xf32>,
      %broadcast_in_dim3A_143 = arith.constant 0.000000e+00 : f32
      %broadcast_in_dim3A_144 = vector.broadcast %broadcast_in_dim3A_143 : f32 to vector<16xf32>
      %swap3A_145 = arith.index_cast %scan3A_102 : i32 to index
      %swap3A_146 = arith.constant 96 : index
      %swap3A_147 = tpu.vector_load %arg17[%swap3A_145, %swap3A_146] {strides = array<i32>} : memref<64x128xf32, #tpu.memory_space<vmem>>, vector<1x16xf32>,
      %swap3A_148 = vector.shape_cast %swap3A_147 : vector<1x16xf32> to vector<16xf32>
      %swap3A_149 = vector.shape_cast %broadcast_in_dim3A_144 : vector<16xf32> to vector<1x16xf32>
      tpu.vector_store %arg17[%swap3A_145, %swap3A_146], %swap3A_149 {strides = array<i32>} : memref<64x128xf32, #tpu.memory_space<vmem>>, vector<1x16xf32>,
      %broadcast_in_dim3A_150 = arith.constant 0.000000e+00 : f32
      %broadcast_in_dim3A_151 = vector.broadcast %broadcast_in_dim3A_150 : f32 to vector<16xf32>
      %swap3A_152 = arith.index_cast %scan3A_102 : i32 to index
      %swap3A_153 = arith.constant 112 : index
      %swap3A_154 = tpu.vector_load %arg17[%swap3A_152, %swap3A_153] {strides = array<i32>} : memref<64x128xf32, #tpu.memory_space<vmem>>, vector<1x16xf32>,
      %swap3A_155 = vector.shape_cast %swap3A_154 : vector<1x16xf32> to vector<16xf32>
      %swap3A_156 = vector.shape_cast %broadcast_in_dim3A_151 : vector<16xf32> to vector<1x16xf32>
      tpu.vector_store %arg17[%swap3A_152, %swap3A_153], %swap3A_156 {strides = array<i32>} : memref<64x128xf32, #tpu.memory_space<vmem>>, vector<1x16xf32>,
    }
    %scan3A_9 = arith.constant 64 : i32
    %mul3A_10 = arith.constant 624 : i32
    %mul3A_11 = arith.muli %arg1, %mul3A_10 : i32
    %add3A_12 = arith.constant 0 : i32
    %add3A_13 = arith.addi %mul3A_11, %add3A_12 : i32
    "tpu.region"() ({
      %run_scoped3A = tpu.sem_alloc : memref<!tpu.dma_semaphore, #tpu.memory_space<semaphore_mem>>
      %dma_start3A_102 = arith.constant 0 : i32
      %dma_start3A_103 = tpu.memref_slice %arg19[%add3A_13, %dma_start3A_102] : memref<10000x128xf32, #tpu.memory_space<vmem_shared>> -> memref<64x128xf32, #tpu.memory_space<vmem_shared>>
      %dma_start3A_104 = arith.constant 0 : i32
      %dma_start3A_105 = tpu.memref_slice %arg19[%add3A_13, %dma_start3A_104] : memref<10000x128xf32, #tpu.memory_space<vmem_shared>> -> memref<64x128xf32, #tpu.memory_space<vmem_shared>>
      tpu.enqueue_dma source(%arg17 : memref<64x128xf32, #tpu.memory_space<vmem>>) target(%dma_start3A_105 : memref<64x128xf32, #tpu.memory_space<vmem_shared>>) target_semaphore(%run_scoped3A : memref<!tpu.dma_semaphore, #tpu.memory_space<semaphore_mem>>)
      %dma_wait3A_106 = arith.constant 0 : i32
      %dma_wait3A_107 = tpu.memref_slice %arg19[%add3A_13, %dma_wait3A_106] : memref<10000x128xf32, #tpu.memory_space<vmem_shared>> -> memref<64x128xf32, #tpu.memory_space<vmem_shared>>
      %dma_wait3A_108 = arith.constant 0 : i32
      %dma_wait3A_109 = tpu.memref_slice %arg19[%add3A_13, %dma_wait3A_108] : memref<10000x128xf32, #tpu.memory_space<vmem_shared>> -> memref<64x128xf32, #tpu.memory_space<vmem_shared>>
      tpu.wait_dma2 semaphore(%run_scoped3A : memref<!tpu.dma_semaphore, #tpu.memory_space<semaphore_mem>>) src(%arg17 : memref<64x128xf32, #tpu.memory_space<vmem>>) dst(%dma_wait3A_109 : memref<64x128xf32, #tpu.memory_space<vmem_shared>>)
      tpu.yield
    }) : () -> ()
    %mul3A_14 = arith.constant 624 : i32
    %mul3A_15 = arith.muli %arg1, %mul3A_14 : i32
    %add3A_16 = arith.constant 64 : i32
    %add3A_17 = arith.addi %mul3A_15, %add3A_16 : i32
    "tpu.region"() ({
      %run_scoped3A = tpu.sem_alloc : memref<!tpu.dma_semaphore, #tpu.memory_space<semaphore_mem>>
      %dma_start3A_102 = arith.constant 0 : i32
      %dma_start3A_103 = tpu.memref_slice %arg19[%add3A_17, %dma_start3A_102] : memref<10000x128xf32, #tpu.memory_space<vmem_shared>> -> memref<64x128xf32, #tpu.memory_space<vmem_shared>>
      %dma_start3A_104 = arith.constant 0 : i32
      %dma_start3A_105 = tpu.memref_slice %arg19[%add3A_17, %dma_start3A_104] : memref<10000x128xf32, #tpu.memory_space<vmem_shared>> -> memref<64x128xf32, #tpu.memory_space<vmem_shared>>
      tpu.enqueue_dma source(%arg17 : memref<64x128xf32, #tpu.memory_space<vmem>>) target(%dma_start3A_105 : memref<64x128xf32, #tpu.memory_space<vmem_shared>>) target_semaphore(%run_scoped3A : memref<!tpu.dma_semaphore, #tpu.memory_space<semaphore_mem>>)
      %dma_wait3A_106 = arith.constant 0 : i32
      %dma_wait3A_107 = tpu.memref_slice %arg19[%add3A_17, %dma_wait3A_106] : memref<10000x128xf32, #tpu.memory_space<vmem_shared>> -> memref<64x128xf32, #tpu.memory_space<vmem_shared>>
      %dma_wait3A_108 = arith.constant 0 : i32
      %dma_wait3A_109 = tpu.memref_slice %arg19[%add3A_17, %dma_wait3A_108] : memref<10000x128xf32, #tpu.memory_space<vmem_shared>> -> memref<64x128xf32, #tpu.memory_space<vmem_shared>>
      tpu.wait_dma2 semaphore(%run_scoped3A : memref<!tpu.dma_semaphore, #tpu.memory_space<semaphore_mem>>) src(%arg17 : memref<64x128xf32, #tpu.memory_space<vmem>>) dst(%dma_wait3A_109 : memref<64x128xf32, #tpu.memory_space<vmem_shared>>)
      tpu.yield
    }) : () -> ()
    %mul3A_18 = arith.constant 624 : i32
    %mul3A_19 = arith.muli %arg1, %mul3A_18 : i32
    %add3A_20 = arith.constant 128 : i32
    %add3A_21 = arith.addi %mul3A_19, %add3A_20 : i32
    "tpu.region"() ({
      %run_scoped3A = tpu.sem_alloc : memref<!tpu.dma_semaphore, #tpu.memory_space<semaphore_mem>>
      %dma_start3A_102 = arith.constant 0 : i32
      %dma_start3A_103 = tpu.memref_slice %arg19[%add3A_21, %dma_start3A_102] : memref<10000x128xf32, #tpu.memory_space<vmem_shared>> -> memref<64x128xf32, #tpu.memory_space<vmem_shared>>
      %dma_start3A_104 = arith.constant 0 : i32
      %dma_start3A_105 = tpu.memref_slice %arg19[%add3A_21, %dma_start3A_104] : memref<10000x128xf32, #tpu.memory_space<vmem_shared>> -> memref<64x128xf32, #tpu.memory_space<vmem_shared>>
      tpu.enqueue_dma source(%arg17 : memref<64x128xf32, #tpu.memory_space<vmem>>) target(%dma_start3A_105 : memref<64x128xf32, #tpu.memory_space<vmem_shared>>) target_semaphore(%run_scoped3A : memref<!tpu.dma_semaphore, #tpu.memory_space<semaphore_mem>>)
      %dma_wait3A_106 = arith.constant 0 : i32
      %dma_wait3A_107 = tpu.memref_slice %arg19[%add3A_21, %dma_wait3A_106] : memref<10000x128xf32, #tpu.memory_space<vmem_shared>> -> memref<64x128xf32, #tpu.memory_space<vmem_shared>>
      %dma_wait3A_108 = arith.constant 0 : i32
      %dma_wait3A_109 = tpu.memref_slice %arg19[%add3A_21, %dma_wait3A_108] : memref<10000x128xf32, #tpu.memory_space<vmem_shared>> -> memref<64x128xf32, #tpu.memory_space<vmem_shared>>
      tpu.wait_dma2 semaphore(%run_scoped3A : memref<!tpu.dma_semaphore, #tpu.memory_space<semaphore_mem>>) src(%arg17 : memref<64x128xf32, #tpu.memory_space<vmem>>) dst(%dma_wait3A_109 : memref<64x128xf32, #tpu.memory_space<vmem_shared>>)
      tpu.yield
    }) : () -> ()
    %mul3A_22 = arith.constant 624 : i32
    %mul3A_23 = arith.muli %arg1, %mul3A_22 : i32
    %add3A_24 = arith.constant 192 : i32
    %add3A_25 = arith.addi %mul3A_23, %add3A_24 : i32
    "tpu.region"() ({
      %run_scoped3A = tpu.sem_alloc : memref<!tpu.dma_semaphore, #tpu.memory_space<semaphore_mem>>
      %dma_start3A_102 = arith.constant 0 : i32
      %dma_start3A_103 = tpu.memref_slice %arg19[%add3A_25, %dma_start3A_102] : memref<10000x128xf32, #tpu.memory_space<vmem_shared>> -> memref<64x128xf32, #tpu.memory_space<vmem_shared>>
      %dma_start3A_104 = arith.constant 0 : i32
      %dma_start3A_105 = tpu.memref_slice %arg19[%add3A_25, %dma_start3A_104] : memref<10000x128xf32, #tpu.memory_space<vmem_shared>> -> memref<64x128xf32, #tpu.memory_space<vmem_shared>>
      tpu.enqueue_dma source(%arg17 : memref<64x128xf32, #tpu.memory_space<vmem>>) target(%dma_start3A_105 : memref<64x128xf32, #tpu.memory_space<vmem_shared>>) target_semaphore(%run_scoped3A : memref<!tpu.dma_semaphore, #tpu.memory_space<semaphore_mem>>)
      %dma_wait3A_106 = arith.constant 0 : i32
      %dma_wait3A_107 = tpu.memref_slice %arg19[%add3A_25, %dma_wait3A_106] : memref<10000x128xf32, #tpu.memory_space<vmem_shared>> -> memref<64x128xf32, #tpu.memory_space<vmem_shared>>
      %dma_wait3A_108 = arith.constant 0 : i32
      %dma_wait3A_109 = tpu.memref_slice %arg19[%add3A_25, %dma_wait3A_108] : memref<10000x128xf32, #tpu.memory_space<vmem_shared>> -> memref<64x128xf32, #tpu.memory_space<vmem_shared>>
      tpu.wait_dma2 semaphore(%run_scoped3A : memref<!tpu.dma_semaphore, #tpu.memory_space<semaphore_mem>>) src(%arg17 : memref<64x128xf32, #tpu.memory_space<vmem>>) dst(%dma_wait3A_109 : memref<64x128xf32, #tpu.memory_space<vmem_shared>>)
      tpu.yield
    }) : () -> ()
    %mul3A_26 = arith.constant 624 : i32
    %mul3A_27 = arith.muli %arg1, %mul3A_26 : i32
    %add3A_28 = arith.constant 256 : i32
    %add3A_29 = arith.addi %mul3A_27, %add3A_28 : i32
    "tpu.region"() ({
      %run_scoped3A = tpu.sem_alloc : memref<!tpu.dma_semaphore, #tpu.memory_space<semaphore_mem>>
      %dma_start3A_102 = arith.constant 0 : i32
      %dma_start3A_103 = tpu.memref_slice %arg19[%add3A_29, %dma_start3A_102] : memref<10000x128xf32, #tpu.memory_space<vmem_shared>> -> memref<64x128xf32, #tpu.memory_space<vmem_shared>>
      %dma_start3A_104 = arith.constant 0 : i32
      %dma_start3A_105 = tpu.memref_slice %arg19[%add3A_29, %dma_start3A_104] : memref<10000x128xf32, #tpu.memory_space<vmem_shared>> -> memref<64x128xf32, #tpu.memory_space<vmem_shared>>
      tpu.enqueue_dma source(%arg17 : memref<64x128xf32, #tpu.memory_space<vmem>>) target(%dma_start3A_105 : memref<64x128xf32, #tpu.memory_space<vmem_shared>>) target_semaphore(%run_scoped3A : memref<!tpu.dma_semaphore, #tpu.memory_space<semaphore_mem>>)
      %dma_wait3A_106 = arith.constant 0 : i32
      %dma_wait3A_107 = tpu.memref_slice %arg19[%add3A_29, %dma_wait3A_106] : memref<10000x128xf32, #tpu.memory_space<vmem_shared>> -> memref<64x128xf32, #tpu.memory_space<vmem_shared>>
      %dma_wait3A_108 = arith.constant 0 : i32
      %dma_wait3A_109 = tpu.memref_slice %arg19[%add3A_29, %dma_wait3A_108] : memref<10000x128xf32, #tpu.memory_space<vmem_shared>> -> memref<64x128xf32, #tpu.memory_space<vmem_shared>>
      tpu.wait_dma2 semaphore(%run_scoped3A : memref<!tpu.dma_semaphore, #tpu.memory_space<semaphore_mem>>) src(%arg17 : memref<64x128xf32, #tpu.memory_space<vmem>>) dst(%dma_wait3A_109 : memref<64x128xf32, #tpu.memory_space<vmem_shared>>)
      tpu.yield
    }) : () -> ()
    %mul3A_30 = arith.constant 624 : i32
    %mul3A_31 = arith.muli %arg1, %mul3A_30 : i32
    %add3A_32 = arith.constant 320 : i32
    %add3A_33 = arith.addi %mul3A_31, %add3A_32 : i32
    "tpu.region"() ({
      %run_scoped3A = tpu.sem_alloc : memref<!tpu.dma_semaphore, #tpu.memory_space<semaphore_mem>>
      %dma_start3A_102 = arith.constant 0 : i32
      %dma_start3A_103 = tpu.memref_slice %arg19[%add3A_33, %dma_start3A_102] : memref<10000x128xf32, #tpu.memory_space<vmem_shared>> -> memref<64x128xf32, #tpu.memory_space<vmem_shared>>
      %dma_start3A_104 = arith.constant 0 : i32
      %dma_start3A_105 = tpu.memref_slice %arg19[%add3A_33, %dma_start3A_104] : memref<10000x128xf32, #tpu.memory_space<vmem_shared>> -> memref<64x128xf32, #tpu.memory_space<vmem_shared>>
      tpu.enqueue_dma source(%arg17 : memref<64x128xf32, #tpu.memory_space<vmem>>) target(%dma_start3A_105 : memref<64x128xf32, #tpu.memory_space<vmem_shared>>) target_semaphore(%run_scoped3A : memref<!tpu.dma_semaphore, #tpu.memory_space<semaphore_mem>>)
      %dma_wait3A_106 = arith.constant 0 : i32
      %dma_wait3A_107 = tpu.memref_slice %arg19[%add3A_33, %dma_wait3A_106] : memref<10000x128xf32, #tpu.memory_space<vmem_shared>> -> memref<64x128xf32, #tpu.memory_space<vmem_shared>>
      %dma_wait3A_108 = arith.constant 0 : i32
      %dma_wait3A_109 = tpu.memref_slice %arg19[%add3A_33, %dma_wait3A_108] : memref<10000x128xf32, #tpu.memory_space<vmem_shared>> -> memref<64x128xf32, #tpu.memory_space<vmem_shared>>
      tpu.wait_dma2 semaphore(%run_scoped3A : memref<!tpu.dma_semaphore, #tpu.memory_space<semaphore_mem>>) src(%arg17 : memref<64x128xf32, #tpu.memory_space<vmem>>) dst(%dma_wait3A_109 : memref<64x128xf32, #tpu.memory_space<vmem_shared>>)
      tpu.yield
    }) : () -> ()
    %mul3A_34 = arith.constant 624 : i32
    %mul3A_35 = arith.muli %arg1, %mul3A_34 : i32
    %add3A_36 = arith.constant 384 : i32
    %add3A_37 = arith.addi %mul3A_35, %add3A_36 : i32
    "tpu.region"() ({
      %run_scoped3A = tpu.sem_alloc : memref<!tpu.dma_semaphore, #tpu.memory_space<semaphore_mem>>
      %dma_start3A_102 = arith.constant 0 : i32
      %dma_start3A_103 = tpu.memref_slice %arg19[%add3A_37, %dma_start3A_102] : memref<10000x128xf32, #tpu.memory_space<vmem_shared>> -> memref<64x128xf32, #tpu.memory_space<vmem_shared>>
      %dma_start3A_104 = arith.constant 0 : i32
      %dma_start3A_105 = tpu.memref_slice %arg19[%add3A_37, %dma_start3A_104] : memref<10000x128xf32, #tpu.memory_space<vmem_shared>> -> memref<64x128xf32, #tpu.memory_space<vmem_shared>>
      tpu.enqueue_dma source(%arg17 : memref<64x128xf32, #tpu.memory_space<vmem>>) target(%dma_start3A_105 : memref<64x128xf32, #tpu.memory_space<vmem_shared>>) target_semaphore(%run_scoped3A : memref<!tpu.dma_semaphore, #tpu.memory_space<semaphore_mem>>)
      %dma_wait3A_106 = arith.constant 0 : i32
      %dma_wait3A_107 = tpu.memref_slice %arg19[%add3A_37, %dma_wait3A_106] : memref<10000x128xf32, #tpu.memory_space<vmem_shared>> -> memref<64x128xf32, #tpu.memory_space<vmem_shared>>
      %dma_wait3A_108 = arith.constant 0 : i32
      %dma_wait3A_109 = tpu.memref_slice %arg19[%add3A_37, %dma_wait3A_108] : memref<10000x128xf32, #tpu.memory_space<vmem_shared>> -> memref<64x128xf32, #tpu.memory_space<vmem_shared>>
      tpu.wait_dma2 semaphore(%run_scoped3A : memref<!tpu.dma_semaphore, #tpu.memory_space<semaphore_mem>>) src(%arg17 : memref<64x128xf32, #tpu.memory_space<vmem>>) dst(%dma_wait3A_109 : memref<64x128xf32, #tpu.memory_space<vmem_shared>>)
      tpu.yield
    }) : () -> ()
    %mul3A_38 = arith.constant 624 : i32
    %mul3A_39 = arith.muli %arg1, %mul3A_38 : i32
    %add3A_40 = arith.constant 448 : i32
    %add3A_41 = arith.addi %mul3A_39, %add3A_40 : i32
    "tpu.region"() ({
      %run_scoped3A = tpu.sem_alloc : memref<!tpu.dma_semaphore, #tpu.memory_space<semaphore_mem>>
      %dma_start3A_102 = arith.constant 0 : i32
      %dma_start3A_103 = tpu.memref_slice %arg19[%add3A_41, %dma_start3A_102] : memref<10000x128xf32, #tpu.memory_space<vmem_shared>> -> memref<64x128xf32, #tpu.memory_space<vmem_shared>>
      %dma_start3A_104 = arith.constant 0 : i32
      %dma_start3A_105 = tpu.memref_slice %arg19[%add3A_41, %dma_start3A_104] : memref<10000x128xf32, #tpu.memory_space<vmem_shared>> -> memref<64x128xf32, #tpu.memory_space<vmem_shared>>
      tpu.enqueue_dma source(%arg17 : memref<64x128xf32, #tpu.memory_space<vmem>>) target(%dma_start3A_105 : memref<64x128xf32, #tpu.memory_space<vmem_shared>>) target_semaphore(%run_scoped3A : memref<!tpu.dma_semaphore, #tpu.memory_space<semaphore_mem>>)
      %dma_wait3A_106 = arith.constant 0 : i32
      %dma_wait3A_107 = tpu.memref_slice %arg19[%add3A_41, %dma_wait3A_106] : memref<10000x128xf32, #tpu.memory_space<vmem_shared>> -> memref<64x128xf32, #tpu.memory_space<vmem_shared>>
      %dma_wait3A_108 = arith.constant 0 : i32
      %dma_wait3A_109 = tpu.memref_slice %arg19[%add3A_41, %dma_wait3A_108] : memref<10000x128xf32, #tpu.memory_space<vmem_shared>> -> memref<64x128xf32, #tpu.memory_space<vmem_shared>>
      tpu.wait_dma2 semaphore(%run_scoped3A : memref<!tpu.dma_semaphore, #tpu.memory_space<semaphore_mem>>) src(%arg17 : memref<64x128xf32, #tpu.memory_space<vmem>>) dst(%dma_wait3A_109 : memref<64x128xf32, #tpu.memory_space<vmem_shared>>)
      tpu.yield
    }) : () -> ()
    %mul3A_42 = arith.constant 624 : i32
    %mul3A_43 = arith.muli %arg1, %mul3A_42 : i32
    %add3A_44 = arith.constant 512 : i32
    %add3A_45 = arith.addi %mul3A_43, %add3A_44 : i32
    "tpu.region"() ({
      %run_scoped3A = tpu.sem_alloc : memref<!tpu.dma_semaphore, #tpu.memory_space<semaphore_mem>>
      %dma_start3A_102 = arith.constant 0 : i32
      %dma_start3A_103 = tpu.memref_slice %arg19[%add3A_45, %dma_start3A_102] : memref<10000x128xf32, #tpu.memory_space<vmem_shared>> -> memref<64x128xf32, #tpu.memory_space<vmem_shared>>
      %dma_start3A_104 = arith.constant 0 : i32
      %dma_start3A_105 = tpu.memref_slice %arg19[%add3A_45, %dma_start3A_104] : memref<10000x128xf32, #tpu.memory_space<vmem_shared>> -> memref<64x128xf32, #tpu.memory_space<vmem_shared>>
      tpu.enqueue_dma source(%arg17 : memref<64x128xf32, #tpu.memory_space<vmem>>) target(%dma_start3A_105 : memref<64x128xf32, #tpu.memory_space<vmem_shared>>) target_semaphore(%run_scoped3A : memref<!tpu.dma_semaphore, #tpu.memory_space<semaphore_mem>>)
      %dma_wait3A_106 = arith.constant 0 : i32
      %dma_wait3A_107 = tpu.memref_slice %arg19[%add3A_45, %dma_wait3A_106] : memref<10000x128xf32, #tpu.memory_space<vmem_shared>> -> memref<64x128xf32, #tpu.memory_space<vmem_shared>>
      %dma_wait3A_108 = arith.constant 0 : i32
      %dma_wait3A_109 = tpu.memref_slice %arg19[%add3A_45, %dma_wait3A_108] : memref<10000x128xf32, #tpu.memory_space<vmem_shared>> -> memref<64x128xf32, #tpu.memory_space<vmem_shared>>
      tpu.wait_dma2 semaphore(%run_scoped3A : memref<!tpu.dma_semaphore, #tpu.memory_space<semaphore_mem>>) src(%arg17 : memref<64x128xf32, #tpu.memory_space<vmem>>) dst(%dma_wait3A_109 : memref<64x128xf32, #tpu.memory_space<vmem_shared>>)
      tpu.yield
    }) : () -> ()
    %mul3A_46 = arith.constant 624 : i32
    %mul3A_47 = arith.muli %arg1, %mul3A_46 : i32
    %add3A_48 = arith.constant 576 : i32
    %add3A_49 = arith.addi %mul3A_47, %add3A_48 : i32
    "tpu.region"() ({
      %run_scoped3A = tpu.sem_alloc : memref<!tpu.dma_semaphore, #tpu.memory_space<semaphore_mem>>
      %dma_start3A_102 = arith.constant 0 : i32
      %dma_start3A_103 = arith.constant 0 : i32
      %dma_start3A_104 = tpu.memref_slice %arg17[%dma_start3A_102, %dma_start3A_103] : memref<64x128xf32, #tpu.memory_space<vmem>> -> memref<48x128xf32, #tpu.memory_space<vmem>>
      %dma_start3A_105 = arith.constant 0 : i32
      %dma_start3A_106 = tpu.memref_slice %arg19[%add3A_49, %dma_start3A_105] : memref<10000x128xf32, #tpu.memory_space<vmem_shared>> -> memref<48x128xf32, #tpu.memory_space<vmem_shared>>
      %dma_start3A_107 = arith.constant 0 : i32
      %dma_start3A_108 = tpu.memref_slice %arg19[%add3A_49, %dma_start3A_107] : memref<10000x128xf32, #tpu.memory_space<vmem_shared>> -> memref<48x128xf32, #tpu.memory_space<vmem_shared>>
      %dma_start3A_109 = arith.constant 0 : i32
      %dma_start3A_110 = arith.constant 0 : i32
      %dma_start3A_111 = tpu.memref_slice %arg17[%dma_start3A_109, %dma_start3A_110] : memref<64x128xf32, #tpu.memory_space<vmem>> -> memref<48x128xf32, #tpu.memory_space<vmem>>
      tpu.enqueue_dma source(%dma_start3A_111 : memref<48x128xf32, #tpu.memory_space<vmem>>) target(%dma_start3A_108 : memref<48x128xf32, #tpu.memory_space<vmem_shared>>) target_semaphore(%run_scoped3A : memref<!tpu.dma_semaphore, #tpu.memory_space<semaphore_mem>>)
      %dma_wait3A_112 = arith.constant 0 : i32
      %dma_wait3A_113 = arith.constant 0 : i32
      %dma_wait3A_114 = tpu.memref_slice %arg17[%dma_wait3A_112, %dma_wait3A_113] : memref<64x128xf32, #tpu.memory_space<vmem>> -> memref<48x128xf32, #tpu.memory_space<vmem>>
      %dma_wait3A_115 = arith.constant 0 : i32
      %dma_wait3A_116 = tpu.memref_slice %arg19[%add3A_49, %dma_wait3A_115] : memref<10000x128xf32, #tpu.memory_space<vmem_shared>> -> memref<48x128xf32, #tpu.memory_space<vmem_shared>>
      %dma_wait3A_117 = arith.constant 0 : i32
      %dma_wait3A_118 = tpu.memref_slice %arg19[%add3A_49, %dma_wait3A_117] : memref<10000x128xf32, #tpu.memory_space<vmem_shared>> -> memref<48x128xf32, #tpu.memory_space<vmem_shared>>
      %dma_wait3A_119 = arith.constant 0 : i32
      %dma_wait3A_120 = arith.constant 0 : i32
      %dma_wait3A_121 = tpu.memref_slice %arg17[%dma_wait3A_119, %dma_wait3A_120] : memref<64x128xf32, #tpu.memory_space<vmem>> -> memref<48x128xf32, #tpu.memory_space<vmem>>
      tpu.wait_dma2 semaphore(%run_scoped3A : memref<!tpu.dma_semaphore, #tpu.memory_space<semaphore_mem>>) src(%dma_wait3A_121 : memref<48x128xf32, #tpu.memory_space<vmem>>) dst(%dma_wait3A_118 : memref<48x128xf32, #tpu.memory_space<vmem_shared>>)
      tpu.yield
    }) : () -> ()
    %eq3A = arith.constant 0 : i32
    %eq3A_50 = arith.cmpi eq, %arg1, %eq3A : i32
    %convert_element_type3A = arith.extui %eq3A_50 : i1 to i32
    %cond3A = arith.constant 0 : i32
    %cond3A_51 = arith.cmpi ne, %convert_element_type3A, %cond3A : i32
    scf.if %cond3A_51 {
      "tpu.region"() ({
        %run_scoped3A = tpu.sem_alloc : memref<!tpu.dma_semaphore, #tpu.memory_space<semaphore_mem>>
        %dma_start3A_102 = arith.constant 0 : i32
        %dma_start3A_103 = arith.constant 0 : i32
        %dma_start3A_104 = tpu.memref_slice %arg17[%dma_start3A_102, %dma_start3A_103] : memref<64x128xf32, #tpu.memory_space<vmem>> -> memref<16x128xf32, #tpu.memory_space<vmem>>
        %dma_start3A_105 = arith.constant 9984 : i32
        %dma_start3A_106 = arith.constant 0 : i32
        %dma_start3A_107 = tpu.memref_slice %arg19[%dma_start3A_105, %dma_start3A_106] : memref<10000x128xf32, #tpu.memory_space<vmem_shared>> -> memref<16x128xf32, #tpu.memory_space<vmem_shared>>
        %dma_start3A_108 = arith.constant 9984 : i32
        %dma_start3A_109 = arith.constant 0 : i32
        %dma_start3A_110 = tpu.memref_slice %arg19[%dma_start3A_108, %dma_start3A_109] : memref<10000x128xf32, #tpu.memory_space<vmem_shared>> -> memref<16x128xf32, #tpu.memory_space<vmem_shared>>
        %dma_start3A_111 = arith.constant 0 : i32
        %dma_start3A_112 = arith.constant 0 : i32
        %dma_start3A_113 = tpu.memref_slice %arg17[%dma_start3A_111, %dma_start3A_112] : memref<64x128xf32, #tpu.memory_space<vmem>> -> memref<16x128xf32, #tpu.memory_space<vmem>>
        tpu.enqueue_dma source(%dma_start3A_113 : memref<16x128xf32, #tpu.memory_space<vmem>>) target(%dma_start3A_110 : memref<16x128xf32, #tpu.memory_space<vmem_shared>>) target_semaphore(%run_scoped3A : memref<!tpu.dma_semaphore, #tpu.memory_space<semaphore_mem>>)
        %dma_wait3A_114 = arith.constant 0 : i32
        %dma_wait3A_115 = arith.constant 0 : i32
        %dma_wait3A_116 = tpu.memref_slice %arg17[%dma_wait3A_114, %dma_wait3A_115] : memref<64x128xf32, #tpu.memory_space<vmem>> -> memref<16x128xf32, #tpu.memory_space<vmem>>
        %dma_wait3A_117 = arith.constant 9984 : i32
        %dma_wait3A_118 = arith.constant 0 : i32
        %dma_wait3A_119 = tpu.memref_slice %arg19[%dma_wait3A_117, %dma_wait3A_118] : memref<10000x128xf32, #tpu.memory_space<vmem_shared>> -> memref<16x128xf32, #tpu.memory_space<vmem_shared>>
        %dma_wait3A_120 = arith.constant 9984 : i32
        %dma_wait3A_121 = arith.constant 0 : i32
        %dma_wait3A_122 = tpu.memref_slice %arg19[%dma_wait3A_120, %dma_wait3A_121] : memref<10000x128xf32, #tpu.memory_space<vmem_shared>> -> memref<16x128xf32, #tpu.memory_space<vmem_shared>>
        %dma_wait3A_123 = arith.constant 0 : i32
        %dma_wait3A_124 = arith.constant 0 : i32
        %dma_wait3A_125 = tpu.memref_slice %arg17[%dma_wait3A_123, %dma_wait3A_124] : memref<64x128xf32, #tpu.memory_space<vmem>> -> memref<16x128xf32, #tpu.memory_space<vmem>>
        tpu.wait_dma2 semaphore(%run_scoped3A : memref<!tpu.dma_semaphore, #tpu.memory_space<semaphore_mem>>) src(%dma_wait3A_125 : memref<16x128xf32, #tpu.memory_space<vmem>>) dst(%dma_wait3A_122 : memref<16x128xf32, #tpu.memory_space<vmem_shared>>)
        tpu.yield
      }) : () -> ()
    } else {
    }
    %barrier3A = arith.constant 0 : index
    tpu.barrier barrier_id(%barrier3A)
    %add3A_52 = arith.constant 0 : i32
    %add3A_53 = arith.addi %mul3A_0, %add3A_52 : i32
    %dma_start3A = tpu.memref_slice %arg2[%add3A_53] : memref<323584xi32, #tpu.memory_space<hbm>> -> memref<64xi32, #tpu.memory_space<hbm>>
    %dma_start3A_54 = tpu.memref_slice %arg2[%add3A_53] : memref<323584xi32, #tpu.memory_space<hbm>> -> memref<64xi32, #tpu.memory_space<hbm>>
    tpu.enqueue_dma source(%dma_start3A_54 : memref<64xi32, #tpu.memory_space<hbm>>) target(%arg7 : memref<64xi32, #tpu.memory_space<vmem>>) target_semaphore(%arg20 : memref<!tpu.dma_semaphore, #tpu.memory_space<semaphore_mem>>)
    %dma_start3A_55 = tpu.memref_slice %arg3[%add3A_53] : memref<323584xi32, #tpu.memory_space<hbm>> -> memref<64xi32, #tpu.memory_space<hbm>>
    %dma_start3A_56 = tpu.memref_slice %arg3[%add3A_53] : memref<323584xi32, #tpu.memory_space<hbm>> -> memref<64xi32, #tpu.memory_space<hbm>>
    tpu.enqueue_dma source(%dma_start3A_56 : memref<64xi32, #tpu.memory_space<hbm>>) target(%arg9 : memref<64xi32, #tpu.memory_space<vmem>>) target_semaphore(%arg22 : memref<!tpu.dma_semaphore, #tpu.memory_space<semaphore_mem>>)
    %add3A_57 = arith.constant 64 : i32
    %add3A_58 = arith.addi %mul3A_0, %add3A_57 : i32
    %dma_start3A_59 = tpu.memref_slice %arg2[%add3A_58] : memref<323584xi32, #tpu.memory_space<hbm>> -> memref<64xi32, #tpu.memory_space<hbm>>
    %dma_start3A_60 = tpu.memref_slice %arg2[%add3A_58] : memref<323584xi32, #tpu.memory_space<hbm>> -> memref<64xi32, #tpu.memory_space<hbm>>
    tpu.enqueue_dma source(%dma_start3A_60 : memref<64xi32, #tpu.memory_space<hbm>>) target(%arg8 : memref<64xi32, #tpu.memory_space<vmem>>) target_semaphore(%arg21 : memref<!tpu.dma_semaphore, #tpu.memory_space<semaphore_mem>>)
    %dma_start3A_61 = tpu.memref_slice %arg3[%add3A_58] : memref<323584xi32, #tpu.memory_space<hbm>> -> memref<64xi32, #tpu.memory_space<hbm>>
    %dma_start3A_62 = tpu.memref_slice %arg3[%add3A_58] : memref<323584xi32, #tpu.memory_space<hbm>> -> memref<64xi32, #tpu.memory_space<hbm>>
    tpu.enqueue_dma source(%dma_start3A_62 : memref<64xi32, #tpu.memory_space<hbm>>) target(%arg10 : memref<64xi32, #tpu.memory_space<vmem>>) target_semaphore(%arg23 : memref<!tpu.dma_semaphore, #tpu.memory_space<semaphore_mem>>)
    %add3A_63 = arith.constant 0 : i32
    %add3A_64 = arith.addi %mul3A_0, %add3A_63 : i32
    %dma_wait3A = tpu.memref_slice %arg2[%add3A_64] : memref<323584xi32, #tpu.memory_space<hbm>> -> memref<64xi32, #tpu.memory_space<hbm>>
    %dma_wait3A_65 = tpu.memref_slice %arg2[%add3A_64] : memref<323584xi32, #tpu.memory_space<hbm>> -> memref<64xi32, #tpu.memory_space<hbm>>
    tpu.wait_dma2 semaphore(%arg20 : memref<!tpu.dma_semaphore, #tpu.memory_space<semaphore_mem>>) src(%dma_wait3A_65 : memref<64xi32, #tpu.memory_space<hbm>>) dst(%arg7 : memref<64xi32, #tpu.memory_space<vmem>>)
    %dma_wait3A_66 = tpu.memref_slice %arg3[%add3A_64] : memref<323584xi32, #tpu.memory_space<hbm>> -> memref<64xi32, #tpu.memory_space<hbm>>
    %dma_wait3A_67 = tpu.memref_slice %arg3[%add3A_64] : memref<323584xi32, #tpu.memory_space<hbm>> -> memref<64xi32, #tpu.memory_space<hbm>>
    tpu.wait_dma2 semaphore(%arg22 : memref<!tpu.dma_semaphore, #tpu.memory_space<semaphore_mem>>) src(%dma_wait3A_67 : memref<64xi32, #tpu.memory_space<hbm>>) dst(%arg9 : memref<64xi32, #tpu.memory_space<vmem>>)
    %dma_start3A_68 = arith.constant 0 : i32
    %dma_start3A_69 = arith.constant 0 : i32
    %dma_start3A_70 = tpu.memref_slice %arg4[%dma_start3A_68, %dma_start3A_69] : memref<10000x128xf32, #tpu.memory_space<hbm>> -> memref<10000x128xf32, #tpu.memory_space<hbm>>
    tpu.enqueue_indirect_dma source(%dma_start3A_70 : memref<10000x128xf32, #tpu.memory_space<hbm>>) target(%arg13 : memref<64x128xf32, #tpu.memory_space<vmem>>) offsets(%arg7 : memref<64xi32, #tpu.memory_space<vmem>>) semaphore(%arg24 : memref<!tpu.dma_semaphore, #tpu.memory_space<semaphore_mem>>)
    %add3A_71 = arith.constant 0 : i32
    %add3A_72 = arith.addi %add3A, %add3A_71 : i32
    %dma_start3A_73 = arith.constant 0 : i32
    %dma_start3A_74 = tpu.memref_slice %arg5[%add3A_72, %dma_start3A_73] : memref<323584x128xi32, #tpu.memory_space<hbm>> -> memref<32x128xi32, #tpu.memory_space<hbm>>
    %dma_start3A_75 = arith.constant 0 : i32
    %dma_start3A_76 = tpu.memref_slice %arg5[%add3A_72, %dma_start3A_75] : memref<323584x128xi32, #tpu.memory_space<hbm>> -> memref<32x128xi32, #tpu.memory_space<hbm>>
    tpu.enqueue_dma source(%dma_start3A_76 : memref<32x128xi32, #tpu.memory_space<hbm>>) target(%arg15 : memref<32x128xi32, #tpu.memory_space<vmem>>) target_semaphore(%arg26 : memref<!tpu.dma_semaphore, #tpu.memory_space<semaphore_mem>>)
    %scan3A_77 = arith.constant 0 : i32
    %scan3A_78 = arith.constant 0 : i32
    %scan3A_79 = arith.constant 158 : i32
    %scan3A_80 = arith.addi %scan3A_78, %scan3A_79 : i32
    %scan3A_81 = arith.constant 1 : i32
    scf.for %scan3A_102 = %scan3A_78 to %scan3A_80 step %scan3A_81  : i32 {
      %mul3A_103 = arith.constant 2 : i32
      %mul3A_104 = arith.muli %mul3A_103, %scan3A_102 : i32
      %ge3A = arith.constant 2 : i32
      %ge3A_105 = arith.cmpi sge, %mul3A_104, %ge3A : i32
      %convert_element_type3A_106 = arith.extui %ge3A_105 : i1 to i32
      %cond3A_107 = arith.constant 0 : i32
      %cond3A_108 = arith.cmpi ne, %convert_element_type3A_106, %cond3A_107 : i32
      scf.if %cond3A_108 {
        %dma_wait3A_230 = arith.constant 0 : i32
        %dma_wait3A_231 = arith.constant 0 : i32
        %dma_wait3A_232 = tpu.memref_slice %arg19[%dma_wait3A_230, %dma_wait3A_231] : memref<10000x128xf32, #tpu.memory_space<vmem_shared>> -> memref<10000x128xf32, #tpu.memory_space<vmem_shared>>
        tpu.wait_indirect_dma semaphore(%arg28 : memref<!tpu.dma_semaphore, #tpu.memory_space<semaphore_mem>>) src(%arg17 : memref<64x128xf32, #tpu.memory_space<vmem>>) dst(%dma_wait3A_232 : memref<10000x128xf32, #tpu.memory_space<vmem_shared>>)
      } else {
      }
      %dma_wait3A_109 = arith.constant 0 : i32
      %dma_wait3A_110 = arith.constant 0 : i32
      %dma_wait3A_111 = tpu.memref_slice %arg4[%dma_wait3A_109, %dma_wait3A_110] : memref<10000x128xf32, #tpu.memory_space<hbm>> -> memref<10000x128xf32, #tpu.memory_space<hbm>>
      tpu.wait_indirect_dma semaphore(%arg24 : memref<!tpu.dma_semaphore, #tpu.memory_space<semaphore_mem>>) src(%dma_wait3A_111 : memref<10000x128xf32, #tpu.memory_space<hbm>>) dst(%arg13 : memref<64x128xf32, #tpu.memory_space<vmem>>)
      %mul3A_112 = arith.constant 32 : i32
      %mul3A_113 = arith.muli %mul3A_104, %mul3A_112 : i32
      %add3A_114 = arith.addi %add3A, %mul3A_113 : i32
      %dma_wait3A_115 = arith.constant 0 : i32
      %dma_wait3A_116 = tpu.memref_slice %arg5[%add3A_114, %dma_wait3A_115] : memref<323584x128xi32, #tpu.memory_space<hbm>> -> memref<32x128xi32, #tpu.memory_space<hbm>>
      %dma_wait3A_117 = arith.constant 0 : i32
      %dma_wait3A_118 = tpu.memref_slice %arg5[%add3A_114, %dma_wait3A_117] : memref<323584x128xi32, #tpu.memory_space<hbm>> -> memref<32x128xi32, #tpu.memory_space<hbm>>
      tpu.wait_dma2 semaphore(%arg26 : memref<!tpu.dma_semaphore, #tpu.memory_space<semaphore_mem>>) src(%dma_wait3A_118 : memref<32x128xi32, #tpu.memory_space<hbm>>) dst(%arg15 : memref<32x128xi32, #tpu.memory_space<vmem>>)
      %get3A = arith.constant 0 : index
      %get3A_119 = tpu.vector_load %arg9[%get3A] {strides = array<i32>} : memref<64xi32, #tpu.memory_space<vmem>>, vector<16xi32>,
      %get3A_120 = vector.shape_cast %get3A_119 : vector<16xi32> to vector<16xi32>
      %swap3A = arith.constant 0 : index
      %swap3A_121 = tpu.vector_load %arg11[%swap3A] {strides = array<i32>} : memref<64xi32, #tpu.memory_space<vmem>>, vector<16xi32>,
      %swap3A_122 = vector.shape_cast %swap3A_121 : vector<16xi32> to vector<16xi32>
      %swap3A_123 = vector.shape_cast %get3A_120 : vector<16xi32> to vector<16xi32>
      tpu.vector_store %arg11[%swap3A], %swap3A_123 {strides = array<i32>} : memref<64xi32, #tpu.memory_space<vmem>>, vector<16xi32>,
      %get3A_124 = arith.constant 16 : index
      %get3A_125 = tpu.vector_load %arg9[%get3A_124] {strides = array<i32>} : memref<64xi32, #tpu.memory_space<vmem>>, vector<16xi32>,
      %get3A_126 = vector.shape_cast %get3A_125 : vector<16xi32> to vector<16xi32>
      %swap3A_127 = arith.constant 16 : index
      %swap3A_128 = tpu.vector_load %arg11[%swap3A_127] {strides = array<i32>} : memref<64xi32, #tpu.memory_space<vmem>>, vector<16xi32>,
      %swap3A_129 = vector.shape_cast %swap3A_128 : vector<16xi32> to vector<16xi32>
      %swap3A_130 = vector.shape_cast %get3A_126 : vector<16xi32> to vector<16xi32>
      tpu.vector_store %arg11[%swap3A_127], %swap3A_130 {strides = array<i32>} : memref<64xi32, #tpu.memory_space<vmem>>, vector<16xi32>,
      %get3A_131 = arith.constant 32 : index
      %get3A_132 = tpu.vector_load %arg9[%get3A_131] {strides = array<i32>} : memref<64xi32, #tpu.memory_space<vmem>>, vector<16xi32>,
      %get3A_133 = vector.shape_cast %get3A_132 : vector<16xi32> to vector<16xi32>
      %swap3A_134 = arith.constant 32 : index
      %swap3A_135 = tpu.vector_load %arg11[%swap3A_134] {strides = array<i32>} : memref<64xi32, #tpu.memory_space<vmem>>, vector<16xi32>,
      %swap3A_136 = vector.shape_cast %swap3A_135 : vector<16xi32> to vector<16xi32>
      %swap3A_137 = vector.shape_cast %get3A_133 : vector<16xi32> to vector<16xi32>
      tpu.vector_store %arg11[%swap3A_134], %swap3A_137 {strides = array<i32>} : memref<64xi32, #tpu.memory_space<vmem>>, vector<16xi32>,
      %get3A_138 = arith.constant 48 : index
      %get3A_139 = tpu.vector_load %arg9[%get3A_138] {strides = array<i32>} : memref<64xi32, #tpu.memory_space<vmem>>, vector<16xi32>,
      %get3A_140 = vector.shape_cast %get3A_139 : vector<16xi32> to vector<16xi32>
      %swap3A_141 = arith.constant 48 : index
      %swap3A_142 = tpu.vector_load %arg11[%swap3A_141] {strides = array<i32>} : memref<64xi32, #tpu.memory_space<vmem>>, vector<16xi32>,
      %swap3A_143 = vector.shape_cast %swap3A_142 : vector<16xi32> to vector<16xi32>
      %swap3A_144 = vector.shape_cast %get3A_140 : vector<16xi32> to vector<16xi32>
      tpu.vector_store %arg11[%swap3A_141], %swap3A_144 {strides = array<i32>} : memref<64xi32, #tpu.memory_space<vmem>>, vector<16xi32>,
      %add3A_145 = arith.constant 2 : i32
      %add3A_146 = arith.addi %mul3A_104, %add3A_145 : i32
      %lt3A = arith.constant 316 : i32
      %lt3A_147 = arith.cmpi slt, %add3A_146, %lt3A : i32
      %convert_element_type3A_148 = arith.extui %lt3A_147 : i1 to i32
      %cond3A_149 = arith.constant 0 : i32
      %cond3A_150 = arith.cmpi ne, %convert_element_type3A_148, %cond3A_149 : i32
      scf.if %cond3A_150 {
        %add3A_230 = arith.constant 2 : i32
        %add3A_231 = arith.addi %mul3A_104, %add3A_230 : i32
        %mul3A_232 = arith.constant 64 : i32
        %mul3A_233 = arith.muli %add3A_231, %mul3A_232 : i32
        %add3A_234 = arith.addi %mul3A_0, %mul3A_233 : i32
        %dma_start3A_235 = tpu.memref_slice %arg2[%add3A_234] : memref<323584xi32, #tpu.memory_space<hbm>> -> memref<64xi32, #tpu.memory_space<hbm>>
        %dma_start3A_236 = tpu.memref_slice %arg2[%add3A_234] : memref<323584xi32, #tpu.memory_space<hbm>> -> memref<64xi32, #tpu.memory_space<hbm>>
        tpu.enqueue_dma source(%dma_start3A_236 : memref<64xi32, #tpu.memory_space<hbm>>) target(%arg7 : memref<64xi32, #tpu.memory_space<vmem>>) target_semaphore(%arg20 : memref<!tpu.dma_semaphore, #tpu.memory_space<semaphore_mem>>)
        %dma_start3A_237 = tpu.memref_slice %arg3[%add3A_234] : memref<323584xi32, #tpu.memory_space<hbm>> -> memref<64xi32, #tpu.memory_space<hbm>>
        %dma_start3A_238 = tpu.memref_slice %arg3[%add3A_234] : memref<323584xi32, #tpu.memory_space<hbm>> -> memref<64xi32, #tpu.memory_space<hbm>>
        tpu.enqueue_dma source(%dma_start3A_238 : memref<64xi32, #tpu.memory_space<hbm>>) target(%arg9 : memref<64xi32, #tpu.memory_space<vmem>>) target_semaphore(%arg22 : memref<!tpu.dma_semaphore, #tpu.memory_space<semaphore_mem>>)
      } else {
      }
      %add3A_151 = arith.constant 1 : i32
      %add3A_152 = arith.addi %mul3A_104, %add3A_151 : i32
      %lt3A_153 = arith.constant 316 : i32
      %lt3A_154 = arith.cmpi slt, %add3A_152, %lt3A_153 : i32
      %convert_element_type3A_155 = arith.extui %lt3A_154 : i1 to i32
      %cond3A_156 = arith.constant 0 : i32
      %cond3A_157 = arith.cmpi ne, %convert_element_type3A_155, %cond3A_156 : i32
      scf.if %cond3A_157 {
        %add3A_230 = arith.constant 1 : i32
        %add3A_231 = arith.addi %mul3A_104, %add3A_230 : i32
        %mul3A_232 = arith.constant 64 : i32
        %mul3A_233 = arith.muli %add3A_231, %mul3A_232 : i32
        %add3A_234 = arith.addi %mul3A_0, %mul3A_233 : i32
        %dma_wait3A_235 = tpu.memref_slice %arg2[%add3A_234] : memref<323584xi32, #tpu.memory_space<hbm>> -> memref<64xi32, #tpu.memory_space<hbm>>
        %dma_wait3A_236 = tpu.memref_slice %arg2[%add3A_234] : memref<323584xi32, #tpu.memory_space<hbm>> -> memref<64xi32, #tpu.memory_space<hbm>>
        tpu.wait_dma2 semaphore(%arg21 : memref<!tpu.dma_semaphore, #tpu.memory_space<semaphore_mem>>) src(%dma_wait3A_236 : memref<64xi32, #tpu.memory_space<hbm>>) dst(%arg8 : memref<64xi32, #tpu.memory_space<vmem>>)
        %dma_wait3A_237 = tpu.memref_slice %arg3[%add3A_234] : memref<323584xi32, #tpu.memory_space<hbm>> -> memref<64xi32, #tpu.memory_space<hbm>>
        %dma_wait3A_238 = tpu.memref_slice %arg3[%add3A_234] : memref<323584xi32, #tpu.memory_space<hbm>> -> memref<64xi32, #tpu.memory_space<hbm>>
        tpu.wait_dma2 semaphore(%arg23 : memref<!tpu.dma_semaphore, #tpu.memory_space<semaphore_mem>>) src(%dma_wait3A_238 : memref<64xi32, #tpu.memory_space<hbm>>) dst(%arg10 : memref<64xi32, #tpu.memory_space<vmem>>)
        %add3A_239 = arith.constant 1 : i32
        %add3A_240 = arith.addi %mul3A_104, %add3A_239 : i32
        %dma_start3A_241 = arith.constant 0 : i32
        %dma_start3A_242 = arith.constant 0 : i32
        %dma_start3A_243 = tpu.memref_slice %arg4[%dma_start3A_241, %dma_start3A_242] : memref<10000x128xf32, #tpu.memory_space<hbm>> -> memref<10000x128xf32, #tpu.memory_space<hbm>>
        tpu.enqueue_indirect_dma source(%dma_start3A_243 : memref<10000x128xf32, #tpu.memory_space<hbm>>) target(%arg14 : memref<64x128xf32, #tpu.memory_space<vmem>>) offsets(%arg8 : memref<64xi32, #tpu.memory_space<vmem>>) semaphore(%arg25 : memref<!tpu.dma_semaphore, #tpu.memory_space<semaphore_mem>>)
        %mul3A_244 = arith.constant 32 : i32
        %mul3A_245 = arith.muli %add3A_240, %mul3A_244 : i32
        %add3A_246 = arith.addi %add3A, %mul3A_245 : i32
        %dma_start3A_247 = arith.constant 0 : i32
        %dma_start3A_248 = tpu.memref_slice %arg5[%add3A_246, %dma_start3A_247] : memref<323584x128xi32, #tpu.memory_space<hbm>> -> memref<32x128xi32, #tpu.memory_space<hbm>>
        %dma_start3A_249 = arith.constant 0 : i32
        %dma_start3A_250 = tpu.memref_slice %arg5[%add3A_246, %dma_start3A_249] : memref<323584x128xi32, #tpu.memory_space<hbm>> -> memref<32x128xi32, #tpu.memory_space<hbm>>
        tpu.enqueue_dma source(%dma_start3A_250 : memref<32x128xi32, #tpu.memory_space<hbm>>) target(%arg16 : memref<32x128xi32, #tpu.memory_space<vmem>>) target_semaphore(%arg27 : memref<!tpu.dma_semaphore, #tpu.memory_space<semaphore_mem>>)
      } else {
      }
      %parallel_loop3A = arith.constant 0 : i32
      %parallel_loop3A_158 = arith.constant 32 : i32
      %parallel_loop3A_159 = arith.constant 1 : i32
      scf.for %parallel_loop3A_230 = %parallel_loop3A to %parallel_loop3A_158 step %parallel_loop3A_159  : i32 {
        %parallel_loop3A_231 = arith.constant 2 : i32
        %parallel_loop3A_232 = arith.muli %parallel_loop3A_231, %parallel_loop3A_230 : i32
        %parallel_loop3A_233 = arith.index_cast %parallel_loop3A_230 : i32 to index
        %parallel_loop3A_234 = arith.constant 0 : index
        %parallel_loop3A_235 = tpu.vector_load %arg15[%parallel_loop3A_233, %parallel_loop3A_234] {strides = array<i32>} : memref<32x128xi32, #tpu.memory_space<vmem>>, vector<1x16xi32>,
        %parallel_loop3A_236 = vector.shape_cast %parallel_loop3A_235 : vector<1x16xi32> to vector<16xi32>
        %parallel_loop3A_237 = arith.constant 16 : i32
        %parallel_loop3A_238 = vector.broadcast %parallel_loop3A_237 : i32 to vector<16xi32>
        %parallel_loop3A_239 = arith.shli %parallel_loop3A_236, %parallel_loop3A_238 : vector<16xi32>
        %parallel_loop3A_240 = tpu.bitcast %parallel_loop3A_239 : vector<16xi32> -> vector<16xf32>
        %parallel_loop3A_241 = arith.constant -65536 : i32
        %parallel_loop3A_242 = vector.broadcast %parallel_loop3A_241 : i32 to vector<16xi32>
        %parallel_loop3A_243 = arith.andi %parallel_loop3A_236, %parallel_loop3A_242 : vector<16xi32>
        %parallel_loop3A_244 = tpu.bitcast %parallel_loop3A_243 : vector<16xi32> -> vector<16xf32>
        %parallel_loop3A_245 = arith.index_cast %parallel_loop3A_232 : i32 to index
        %parallel_loop3A_246 = arith.constant 0 : index
        %parallel_loop3A_247 = tpu.vector_load %arg13[%parallel_loop3A_245, %parallel_loop3A_246] {strides = array<i32>} : memref<64x128xf32, #tpu.memory_space<vmem>>, vector<1x16xf32>,
        %parallel_loop3A_248 = vector.shape_cast %parallel_loop3A_247 : vector<1x16xf32> to vector<16xf32>
        %parallel_loop3A_249 = arith.mulf %parallel_loop3A_248, %parallel_loop3A_240 : vector<16xf32>
        %parallel_loop3A_250 = arith.index_cast %parallel_loop3A_232 : i32 to index
        %parallel_loop3A_251 = arith.constant 0 : index
        %parallel_loop3A_252 = tpu.vector_load %arg17[%parallel_loop3A_250, %parallel_loop3A_251] {strides = array<i32>} : memref<64x128xf32, #tpu.memory_space<vmem>>, vector<1x16xf32>,
        %parallel_loop3A_253 = vector.shape_cast %parallel_loop3A_252 : vector<1x16xf32> to vector<16xf32>
        %parallel_loop3A_254 = vector.shape_cast %parallel_loop3A_249 : vector<16xf32> to vector<1x16xf32>
        tpu.vector_store %arg17[%parallel_loop3A_250, %parallel_loop3A_251], %parallel_loop3A_254 {strides = array<i32>} : memref<64x128xf32, #tpu.memory_space<vmem>>, vector<1x16xf32>,
        %parallel_loop3A_255 = arith.constant 1 : i32
        %parallel_loop3A_256 = arith.addi %parallel_loop3A_232, %parallel_loop3A_255 : i32
        %parallel_loop3A_257 = arith.index_cast %parallel_loop3A_256 : i32 to index
        %parallel_loop3A_258 = arith.constant 0 : index
        %parallel_loop3A_259 = tpu.vector_load %arg13[%parallel_loop3A_257, %parallel_loop3A_258] {strides = array<i32>} : memref<64x128xf32, #tpu.memory_space<vmem>>, vector<1x16xf32>,
        %parallel_loop3A_260 = vector.shape_cast %parallel_loop3A_259 : vector<1x16xf32> to vector<16xf32>
        %parallel_loop3A_261 = arith.mulf %parallel_loop3A_260, %parallel_loop3A_244 : vector<16xf32>
        %parallel_loop3A_262 = arith.constant 1 : i32
        %parallel_loop3A_263 = arith.addi %parallel_loop3A_232, %parallel_loop3A_262 : i32
        %parallel_loop3A_264 = arith.index_cast %parallel_loop3A_263 : i32 to index
        %parallel_loop3A_265 = arith.constant 0 : index
        %parallel_loop3A_266 = tpu.vector_load %arg17[%parallel_loop3A_264, %parallel_loop3A_265] {strides = array<i32>} : memref<64x128xf32, #tpu.memory_space<vmem>>, vector<1x16xf32>,
        %parallel_loop3A_267 = vector.shape_cast %parallel_loop3A_266 : vector<1x16xf32> to vector<16xf32>
        %parallel_loop3A_268 = vector.shape_cast %parallel_loop3A_261 : vector<16xf32> to vector<1x16xf32>
        tpu.vector_store %arg17[%parallel_loop3A_264, %parallel_loop3A_265], %parallel_loop3A_268 {strides = array<i32>} : memref<64x128xf32, #tpu.memory_space<vmem>>, vector<1x16xf32>,
        %parallel_loop3A_269 = arith.index_cast %parallel_loop3A_230 : i32 to index
        %parallel_loop3A_270 = arith.constant 16 : index
        %parallel_loop3A_271 = tpu.vector_load %arg15[%parallel_loop3A_269, %parallel_loop3A_270] {strides = array<i32>} : memref<32x128xi32, #tpu.memory_space<vmem>>, vector<1x16xi32>,
        %parallel_loop3A_272 = vector.shape_cast %parallel_loop3A_271 : vector<1x16xi32> to vector<16xi32>
        %parallel_loop3A_273 = arith.constant 16 : i32
        %parallel_loop3A_274 = vector.broadcast %parallel_loop3A_273 : i32 to vector<16xi32>
        %parallel_loop3A_275 = arith.shli %parallel_loop3A_272, %parallel_loop3A_274 : vector<16xi32>
        %parallel_loop3A_276 = tpu.bitcast %parallel_loop3A_275 : vector<16xi32> -> vector<16xf32>
        %parallel_loop3A_277 = arith.constant -65536 : i32
        %parallel_loop3A_278 = vector.broadcast %parallel_loop3A_277 : i32 to vector<16xi32>
        %parallel_loop3A_279 = arith.andi %parallel_loop3A_272, %parallel_loop3A_278 : vector<16xi32>
        %parallel_loop3A_280 = tpu.bitcast %parallel_loop3A_279 : vector<16xi32> -> vector<16xf32>
        %parallel_loop3A_281 = arith.index_cast %parallel_loop3A_232 : i32 to index
        %parallel_loop3A_282 = arith.constant 16 : index
        %parallel_loop3A_283 = tpu.vector_load %arg13[%parallel_loop3A_281, %parallel_loop3A_282] {strides = array<i32>} : memref<64x128xf32, #tpu.memory_space<vmem>>, vector<1x16xf32>,
        %parallel_loop3A_284 = vector.shape_cast %parallel_loop3A_283 : vector<1x16xf32> to vector<16xf32>
        %parallel_loop3A_285 = arith.mulf %parallel_loop3A_284, %parallel_loop3A_276 : vector<16xf32>
        %parallel_loop3A_286 = arith.index_cast %parallel_loop3A_232 : i32 to index
        %parallel_loop3A_287 = arith.constant 16 : index
        %parallel_loop3A_288 = tpu.vector_load %arg17[%parallel_loop3A_286, %parallel_loop3A_287] {strides = array<i32>} : memref<64x128xf32, #tpu.memory_space<vmem>>, vector<1x16xf32>,
        %parallel_loop3A_289 = vector.shape_cast %parallel_loop3A_288 : vector<1x16xf32> to vector<16xf32>
        %parallel_loop3A_290 = vector.shape_cast %parallel_loop3A_285 : vector<16xf32> to vector<1x16xf32>
        tpu.vector_store %arg17[%parallel_loop3A_286, %parallel_loop3A_287], %parallel_loop3A_290 {strides = array<i32>} : memref<64x128xf32, #tpu.memory_space<vmem>>, vector<1x16xf32>,
        %parallel_loop3A_291 = arith.constant 1 : i32
        %parallel_loop3A_292 = arith.addi %parallel_loop3A_232, %parallel_loop3A_291 : i32
        %parallel_loop3A_293 = arith.index_cast %parallel_loop3A_292 : i32 to index
        %parallel_loop3A_294 = arith.constant 16 : index
        %parallel_loop3A_295 = tpu.vector_load %arg13[%parallel_loop3A_293, %parallel_loop3A_294] {strides = array<i32>} : memref<64x128xf32, #tpu.memory_space<vmem>>, vector<1x16xf32>,
        %parallel_loop3A_296 = vector.shape_cast %parallel_loop3A_295 : vector<1x16xf32> to vector<16xf32>
        %parallel_loop3A_297 = arith.mulf %parallel_loop3A_296, %parallel_loop3A_280 : vector<16xf32>
        %parallel_loop3A_298 = arith.constant 1 : i32
        %parallel_loop3A_299 = arith.addi %parallel_loop3A_232, %parallel_loop3A_298 : i32
        %parallel_loop3A_300 = arith.index_cast %parallel_loop3A_299 : i32 to index
        %parallel_loop3A_301 = arith.constant 16 : index
        %parallel_loop3A_302 = tpu.vector_load %arg17[%parallel_loop3A_300, %parallel_loop3A_301] {strides = array<i32>} : memref<64x128xf32, #tpu.memory_space<vmem>>, vector<1x16xf32>,
        %parallel_loop3A_303 = vector.shape_cast %parallel_loop3A_302 : vector<1x16xf32> to vector<16xf32>
        %parallel_loop3A_304 = vector.shape_cast %parallel_loop3A_297 : vector<16xf32> to vector<1x16xf32>
        tpu.vector_store %arg17[%parallel_loop3A_300, %parallel_loop3A_301], %parallel_loop3A_304 {strides = array<i32>} : memref<64x128xf32, #tpu.memory_space<vmem>>, vector<1x16xf32>,
        %parallel_loop3A_305 = arith.index_cast %parallel_loop3A_230 : i32 to index
        %parallel_loop3A_306 = arith.constant 32 : index
        %parallel_loop3A_307 = tpu.vector_load %arg15[%parallel_loop3A_305, %parallel_loop3A_306] {strides = array<i32>} : memref<32x128xi32, #tpu.memory_space<vmem>>, vector<1x16xi32>,
        %parallel_loop3A_308 = vector.shape_cast %parallel_loop3A_307 : vector<1x16xi32> to vector<16xi32>
        %parallel_loop3A_309 = arith.constant 16 : i32
        %parallel_loop3A_310 = vector.broadcast %parallel_loop3A_309 : i32 to vector<16xi32>
        %parallel_loop3A_311 = arith.shli %parallel_loop3A_308, %parallel_loop3A_310 : vector<16xi32>
        %parallel_loop3A_312 = tpu.bitcast %parallel_loop3A_311 : vector<16xi32> -> vector<16xf32>
        %parallel_loop3A_313 = arith.constant -65536 : i32
        %parallel_loop3A_314 = vector.broadcast %parallel_loop3A_313 : i32 to vector<16xi32>
        %parallel_loop3A_315 = arith.andi %parallel_loop3A_308, %parallel_loop3A_314 : vector<16xi32>
        %parallel_loop3A_316 = tpu.bitcast %parallel_loop3A_315 : vector<16xi32> -> vector<16xf32>
        %parallel_loop3A_317 = arith.index_cast %parallel_loop3A_232 : i32 to index
        %parallel_loop3A_318 = arith.constant 32 : index
        %parallel_loop3A_319 = tpu.vector_load %arg13[%parallel_loop3A_317, %parallel_loop3A_318] {strides = array<i32>} : memref<64x128xf32, #tpu.memory_space<vmem>>, vector<1x16xf32>,
        %parallel_loop3A_320 = vector.shape_cast %parallel_loop3A_319 : vector<1x16xf32> to vector<16xf32>
        %parallel_loop3A_321 = arith.mulf %parallel_loop3A_320, %parallel_loop3A_312 : vector<16xf32>
        %parallel_loop3A_322 = arith.index_cast %parallel_loop3A_232 : i32 to index
        %parallel_loop3A_323 = arith.constant 32 : index
        %parallel_loop3A_324 = tpu.vector_load %arg17[%parallel_loop3A_322, %parallel_loop3A_323] {strides = array<i32>} : memref<64x128xf32, #tpu.memory_space<vmem>>, vector<1x16xf32>,
        %parallel_loop3A_325 = vector.shape_cast %parallel_loop3A_324 : vector<1x16xf32> to vector<16xf32>
        %parallel_loop3A_326 = vector.shape_cast %parallel_loop3A_321 : vector<16xf32> to vector<1x16xf32>
        tpu.vector_store %arg17[%parallel_loop3A_322, %parallel_loop3A_323], %parallel_loop3A_326 {strides = array<i32>} : memref<64x128xf32, #tpu.memory_space<vmem>>, vector<1x16xf32>,
        %parallel_loop3A_327 = arith.constant 1 : i32
        %parallel_loop3A_328 = arith.addi %parallel_loop3A_232, %parallel_loop3A_327 : i32
        %parallel_loop3A_329 = arith.index_cast %parallel_loop3A_328 : i32 to index
        %parallel_loop3A_330 = arith.constant 32 : index
        %parallel_loop3A_331 = tpu.vector_load %arg13[%parallel_loop3A_329, %parallel_loop3A_330] {strides = array<i32>} : memref<64x128xf32, #tpu.memory_space<vmem>>, vector<1x16xf32>,
        %parallel_loop3A_332 = vector.shape_cast %parallel_loop3A_331 : vector<1x16xf32> to vector<16xf32>
        %parallel_loop3A_333 = arith.mulf %parallel_loop3A_332, %parallel_loop3A_316 : vector<16xf32>
        %parallel_loop3A_334 = arith.constant 1 : i32
        %parallel_loop3A_335 = arith.addi %parallel_loop3A_232, %parallel_loop3A_334 : i32
        %parallel_loop3A_336 = arith.index_cast %parallel_loop3A_335 : i32 to index
        %parallel_loop3A_337 = arith.constant 32 : index
        %parallel_loop3A_338 = tpu.vector_load %arg17[%parallel_loop3A_336, %parallel_loop3A_337] {strides = array<i32>} : memref<64x128xf32, #tpu.memory_space<vmem>>, vector<1x16xf32>,
        %parallel_loop3A_339 = vector.shape_cast %parallel_loop3A_338 : vector<1x16xf32> to vector<16xf32>
        %parallel_loop3A_340 = vector.shape_cast %parallel_loop3A_333 : vector<16xf32> to vector<1x16xf32>
        tpu.vector_store %arg17[%parallel_loop3A_336, %parallel_loop3A_337], %parallel_loop3A_340 {strides = array<i32>} : memref<64x128xf32, #tpu.memory_space<vmem>>, vector<1x16xf32>,
        %parallel_loop3A_341 = arith.index_cast %parallel_loop3A_230 : i32 to index
        %parallel_loop3A_342 = arith.constant 48 : index
        %parallel_loop3A_343 = tpu.vector_load %arg15[%parallel_loop3A_341, %parallel_loop3A_342] {strides = array<i32>} : memref<32x128xi32, #tpu.memory_space<vmem>>, vector<1x16xi32>,
        %parallel_loop3A_344 = vector.shape_cast %parallel_loop3A_343 : vector<1x16xi32> to vector<16xi32>
        %parallel_loop3A_345 = arith.constant 16 : i32
        %parallel_loop3A_346 = vector.broadcast %parallel_loop3A_345 : i32 to vector<16xi32>
        %parallel_loop3A_347 = arith.shli %parallel_loop3A_344, %parallel_loop3A_346 : vector<16xi32>
        %parallel_loop3A_348 = tpu.bitcast %parallel_loop3A_347 : vector<16xi32> -> vector<16xf32>
        %parallel_loop3A_349 = arith.constant -65536 : i32
        %parallel_loop3A_350 = vector.broadcast %parallel_loop3A_349 : i32 to vector<16xi32>
        %parallel_loop3A_351 = arith.andi %parallel_loop3A_344, %parallel_loop3A_350 : vector<16xi32>
        %parallel_loop3A_352 = tpu.bitcast %parallel_loop3A_351 : vector<16xi32> -> vector<16xf32>
        %parallel_loop3A_353 = arith.index_cast %parallel_loop3A_232 : i32 to index
        %parallel_loop3A_354 = arith.constant 48 : index
        %parallel_loop3A_355 = tpu.vector_load %arg13[%parallel_loop3A_353, %parallel_loop3A_354] {strides = array<i32>} : memref<64x128xf32, #tpu.memory_space<vmem>>, vector<1x16xf32>,
        %parallel_loop3A_356 = vector.shape_cast %parallel_loop3A_355 : vector<1x16xf32> to vector<16xf32>
        %parallel_loop3A_357 = arith.mulf %parallel_loop3A_356, %parallel_loop3A_348 : vector<16xf32>
        %parallel_loop3A_358 = arith.index_cast %parallel_loop3A_232 : i32 to index
        %parallel_loop3A_359 = arith.constant 48 : index
        %parallel_loop3A_360 = tpu.vector_load %arg17[%parallel_loop3A_358, %parallel_loop3A_359] {strides = array<i32>} : memref<64x128xf32, #tpu.memory_space<vmem>>, vector<1x16xf32>,
        %parallel_loop3A_361 = vector.shape_cast %parallel_loop3A_360 : vector<1x16xf32> to vector<16xf32>
        %parallel_loop3A_362 = vector.shape_cast %parallel_loop3A_357 : vector<16xf32> to vector<1x16xf32>
        tpu.vector_store %arg17[%parallel_loop3A_358, %parallel_loop3A_359], %parallel_loop3A_362 {strides = array<i32>} : memref<64x128xf32, #tpu.memory_space<vmem>>, vector<1x16xf32>,
        %parallel_loop3A_363 = arith.constant 1 : i32
        %parallel_loop3A_364 = arith.addi %parallel_loop3A_232, %parallel_loop3A_363 : i32
        %parallel_loop3A_365 = arith.index_cast %parallel_loop3A_364 : i32 to index
        %parallel_loop3A_366 = arith.constant 48 : index
        %parallel_loop3A_367 = tpu.vector_load %arg13[%parallel_loop3A_365, %parallel_loop3A_366] {strides = array<i32>} : memref<64x128xf32, #tpu.memory_space<vmem>>, vector<1x16xf32>,
        %parallel_loop3A_368 = vector.shape_cast %parallel_loop3A_367 : vector<1x16xf32> to vector<16xf32>
        %parallel_loop3A_369 = arith.mulf %parallel_loop3A_368, %parallel_loop3A_352 : vector<16xf32>
        %parallel_loop3A_370 = arith.constant 1 : i32
        %parallel_loop3A_371 = arith.addi %parallel_loop3A_232, %parallel_loop3A_370 : i32
        %parallel_loop3A_372 = arith.index_cast %parallel_loop3A_371 : i32 to index
        %parallel_loop3A_373 = arith.constant 48 : index
        %parallel_loop3A_374 = tpu.vector_load %arg17[%parallel_loop3A_372, %parallel_loop3A_373] {strides = array<i32>} : memref<64x128xf32, #tpu.memory_space<vmem>>, vector<1x16xf32>,
        %parallel_loop3A_375 = vector.shape_cast %parallel_loop3A_374 : vector<1x16xf32> to vector<16xf32>
        %parallel_loop3A_376 = vector.shape_cast %parallel_loop3A_369 : vector<16xf32> to vector<1x16xf32>
        tpu.vector_store %arg17[%parallel_loop3A_372, %parallel_loop3A_373], %parallel_loop3A_376 {strides = array<i32>} : memref<64x128xf32, #tpu.memory_space<vmem>>, vector<1x16xf32>,
        %parallel_loop3A_377 = arith.index_cast %parallel_loop3A_230 : i32 to index
        %parallel_loop3A_378 = arith.constant 64 : index
        %parallel_loop3A_379 = tpu.vector_load %arg15[%parallel_loop3A_377, %parallel_loop3A_378] {strides = array<i32>} : memref<32x128xi32, #tpu.memory_space<vmem>>, vector<1x16xi32>,
        %parallel_loop3A_380 = vector.shape_cast %parallel_loop3A_379 : vector<1x16xi32> to vector<16xi32>
        %parallel_loop3A_381 = arith.constant 16 : i32
        %parallel_loop3A_382 = vector.broadcast %parallel_loop3A_381 : i32 to vector<16xi32>
        %parallel_loop3A_383 = arith.shli %parallel_loop3A_380, %parallel_loop3A_382 : vector<16xi32>
        %parallel_loop3A_384 = tpu.bitcast %parallel_loop3A_383 : vector<16xi32> -> vector<16xf32>
        %parallel_loop3A_385 = arith.constant -65536 : i32
        %parallel_loop3A_386 = vector.broadcast %parallel_loop3A_385 : i32 to vector<16xi32>
        %parallel_loop3A_387 = arith.andi %parallel_loop3A_380, %parallel_loop3A_386 : vector<16xi32>
        %parallel_loop3A_388 = tpu.bitcast %parallel_loop3A_387 : vector<16xi32> -> vector<16xf32>
        %parallel_loop3A_389 = arith.index_cast %parallel_loop3A_232 : i32 to index
        %parallel_loop3A_390 = arith.constant 64 : index
        %parallel_loop3A_391 = tpu.vector_load %arg13[%parallel_loop3A_389, %parallel_loop3A_390] {strides = array<i32>} : memref<64x128xf32, #tpu.memory_space<vmem>>, vector<1x16xf32>,
        %parallel_loop3A_392 = vector.shape_cast %parallel_loop3A_391 : vector<1x16xf32> to vector<16xf32>
        %parallel_loop3A_393 = arith.mulf %parallel_loop3A_392, %parallel_loop3A_384 : vector<16xf32>
        %parallel_loop3A_394 = arith.index_cast %parallel_loop3A_232 : i32 to index
        %parallel_loop3A_395 = arith.constant 64 : index
        %parallel_loop3A_396 = tpu.vector_load %arg17[%parallel_loop3A_394, %parallel_loop3A_395] {strides = array<i32>} : memref<64x128xf32, #tpu.memory_space<vmem>>, vector<1x16xf32>,
        %parallel_loop3A_397 = vector.shape_cast %parallel_loop3A_396 : vector<1x16xf32> to vector<16xf32>
        %parallel_loop3A_398 = vector.shape_cast %parallel_loop3A_393 : vector<16xf32> to vector<1x16xf32>
        tpu.vector_store %arg17[%parallel_loop3A_394, %parallel_loop3A_395], %parallel_loop3A_398 {strides = array<i32>} : memref<64x128xf32, #tpu.memory_space<vmem>>, vector<1x16xf32>,
        %parallel_loop3A_399 = arith.constant 1 : i32
        %parallel_loop3A_400 = arith.addi %parallel_loop3A_232, %parallel_loop3A_399 : i32
        %parallel_loop3A_401 = arith.index_cast %parallel_loop3A_400 : i32 to index
        %parallel_loop3A_402 = arith.constant 64 : index
        %parallel_loop3A_403 = tpu.vector_load %arg13[%parallel_loop3A_401, %parallel_loop3A_402] {strides = array<i32>} : memref<64x128xf32, #tpu.memory_space<vmem>>, vector<1x16xf32>,
        %parallel_loop3A_404 = vector.shape_cast %parallel_loop3A_403 : vector<1x16xf32> to vector<16xf32>
        %parallel_loop3A_405 = arith.mulf %parallel_loop3A_404, %parallel_loop3A_388 : vector<16xf32>
        %parallel_loop3A_406 = arith.constant 1 : i32
        %parallel_loop3A_407 = arith.addi %parallel_loop3A_232, %parallel_loop3A_406 : i32
        %parallel_loop3A_408 = arith.index_cast %parallel_loop3A_407 : i32 to index
        %parallel_loop3A_409 = arith.constant 64 : index
        %parallel_loop3A_410 = tpu.vector_load %arg17[%parallel_loop3A_408, %parallel_loop3A_409] {strides = array<i32>} : memref<64x128xf32, #tpu.memory_space<vmem>>, vector<1x16xf32>,
        %parallel_loop3A_411 = vector.shape_cast %parallel_loop3A_410 : vector<1x16xf32> to vector<16xf32>
        %parallel_loop3A_412 = vector.shape_cast %parallel_loop3A_405 : vector<16xf32> to vector<1x16xf32>
        tpu.vector_store %arg17[%parallel_loop3A_408, %parallel_loop3A_409], %parallel_loop3A_412 {strides = array<i32>} : memref<64x128xf32, #tpu.memory_space<vmem>>, vector<1x16xf32>,
        %parallel_loop3A_413 = arith.index_cast %parallel_loop3A_230 : i32 to index
        %parallel_loop3A_414 = arith.constant 80 : index
        %parallel_loop3A_415 = tpu.vector_load %arg15[%parallel_loop3A_413, %parallel_loop3A_414] {strides = array<i32>} : memref<32x128xi32, #tpu.memory_space<vmem>>, vector<1x16xi32>,
        %parallel_loop3A_416 = vector.shape_cast %parallel_loop3A_415 : vector<1x16xi32> to vector<16xi32>
        %parallel_loop3A_417 = arith.constant 16 : i32
        %parallel_loop3A_418 = vector.broadcast %parallel_loop3A_417 : i32 to vector<16xi32>
        %parallel_loop3A_419 = arith.shli %parallel_loop3A_416, %parallel_loop3A_418 : vector<16xi32>
        %parallel_loop3A_420 = tpu.bitcast %parallel_loop3A_419 : vector<16xi32> -> vector<16xf32>
        %parallel_loop3A_421 = arith.constant -65536 : i32
        %parallel_loop3A_422 = vector.broadcast %parallel_loop3A_421 : i32 to vector<16xi32>
        %parallel_loop3A_423 = arith.andi %parallel_loop3A_416, %parallel_loop3A_422 : vector<16xi32>
        %parallel_loop3A_424 = tpu.bitcast %parallel_loop3A_423 : vector<16xi32> -> vector<16xf32>
        %parallel_loop3A_425 = arith.index_cast %parallel_loop3A_232 : i32 to index
        %parallel_loop3A_426 = arith.constant 80 : index
        %parallel_loop3A_427 = tpu.vector_load %arg13[%parallel_loop3A_425, %parallel_loop3A_426] {strides = array<i32>} : memref<64x128xf32, #tpu.memory_space<vmem>>, vector<1x16xf32>,
        %parallel_loop3A_428 = vector.shape_cast %parallel_loop3A_427 : vector<1x16xf32> to vector<16xf32>
        %parallel_loop3A_429 = arith.mulf %parallel_loop3A_428, %parallel_loop3A_420 : vector<16xf32>
        %parallel_loop3A_430 = arith.index_cast %parallel_loop3A_232 : i32 to index
        %parallel_loop3A_431 = arith.constant 80 : index
        %parallel_loop3A_432 = tpu.vector_load %arg17[%parallel_loop3A_430, %parallel_loop3A_431] {strides = array<i32>} : memref<64x128xf32, #tpu.memory_space<vmem>>, vector<1x16xf32>,
        %parallel_loop3A_433 = vector.shape_cast %parallel_loop3A_432 : vector<1x16xf32> to vector<16xf32>
        %parallel_loop3A_434 = vector.shape_cast %parallel_loop3A_429 : vector<16xf32> to vector<1x16xf32>
        tpu.vector_store %arg17[%parallel_loop3A_430, %parallel_loop3A_431], %parallel_loop3A_434 {strides = array<i32>} : memref<64x128xf32, #tpu.memory_space<vmem>>, vector<1x16xf32>,
        %parallel_loop3A_435 = arith.constant 1 : i32
        %parallel_loop3A_436 = arith.addi %parallel_loop3A_232, %parallel_loop3A_435 : i32
        %parallel_loop3A_437 = arith.index_cast %parallel_loop3A_436 : i32 to index
        %parallel_loop3A_438 = arith.constant 80 : index
        %parallel_loop3A_439 = tpu.vector_load %arg13[%parallel_loop3A_437, %parallel_loop3A_438] {strides = array<i32>} : memref<64x128xf32, #tpu.memory_space<vmem>>, vector<1x16xf32>,
        %parallel_loop3A_440 = vector.shape_cast %parallel_loop3A_439 : vector<1x16xf32> to vector<16xf32>
        %parallel_loop3A_441 = arith.mulf %parallel_loop3A_440, %parallel_loop3A_424 : vector<16xf32>
        %parallel_loop3A_442 = arith.constant 1 : i32
        %parallel_loop3A_443 = arith.addi %parallel_loop3A_232, %parallel_loop3A_442 : i32
        %parallel_loop3A_444 = arith.index_cast %parallel_loop3A_443 : i32 to index
        %parallel_loop3A_445 = arith.constant 80 : index
        %parallel_loop3A_446 = tpu.vector_load %arg17[%parallel_loop3A_444, %parallel_loop3A_445] {strides = array<i32>} : memref<64x128xf32, #tpu.memory_space<vmem>>, vector<1x16xf32>,
        %parallel_loop3A_447 = vector.shape_cast %parallel_loop3A_446 : vector<1x16xf32> to vector<16xf32>
        %parallel_loop3A_448 = vector.shape_cast %parallel_loop3A_441 : vector<16xf32> to vector<1x16xf32>
        tpu.vector_store %arg17[%parallel_loop3A_444, %parallel_loop3A_445], %parallel_loop3A_448 {strides = array<i32>} : memref<64x128xf32, #tpu.memory_space<vmem>>, vector<1x16xf32>,
        %parallel_loop3A_449 = arith.index_cast %parallel_loop3A_230 : i32 to index
        %parallel_loop3A_450 = arith.constant 96 : index
        %parallel_loop3A_451 = tpu.vector_load %arg15[%parallel_loop3A_449, %parallel_loop3A_450] {strides = array<i32>} : memref<32x128xi32, #tpu.memory_space<vmem>>, vector<1x16xi32>,
        %parallel_loop3A_452 = vector.shape_cast %parallel_loop3A_451 : vector<1x16xi32> to vector<16xi32>
        %parallel_loop3A_453 = arith.constant 16 : i32
        %parallel_loop3A_454 = vector.broadcast %parallel_loop3A_453 : i32 to vector<16xi32>
        %parallel_loop3A_455 = arith.shli %parallel_loop3A_452, %parallel_loop3A_454 : vector<16xi32>
        %parallel_loop3A_456 = tpu.bitcast %parallel_loop3A_455 : vector<16xi32> -> vector<16xf32>
        %parallel_loop3A_457 = arith.constant -65536 : i32
        %parallel_loop3A_458 = vector.broadcast %parallel_loop3A_457 : i32 to vector<16xi32>
        %parallel_loop3A_459 = arith.andi %parallel_loop3A_452, %parallel_loop3A_458 : vector<16xi32>
        %parallel_loop3A_460 = tpu.bitcast %parallel_loop3A_459 : vector<16xi32> -> vector<16xf32>
        %parallel_loop3A_461 = arith.index_cast %parallel_loop3A_232 : i32 to index
        %parallel_loop3A_462 = arith.constant 96 : index
        %parallel_loop3A_463 = tpu.vector_load %arg13[%parallel_loop3A_461, %parallel_loop3A_462] {strides = array<i32>} : memref<64x128xf32, #tpu.memory_space<vmem>>, vector<1x16xf32>,
        %parallel_loop3A_464 = vector.shape_cast %parallel_loop3A_463 : vector<1x16xf32> to vector<16xf32>
        %parallel_loop3A_465 = arith.mulf %parallel_loop3A_464, %parallel_loop3A_456 : vector<16xf32>
        %parallel_loop3A_466 = arith.index_cast %parallel_loop3A_232 : i32 to index
        %parallel_loop3A_467 = arith.constant 96 : index
        %parallel_loop3A_468 = tpu.vector_load %arg17[%parallel_loop3A_466, %parallel_loop3A_467] {strides = array<i32>} : memref<64x128xf32, #tpu.memory_space<vmem>>, vector<1x16xf32>,
        %parallel_loop3A_469 = vector.shape_cast %parallel_loop3A_468 : vector<1x16xf32> to vector<16xf32>
        %parallel_loop3A_470 = vector.shape_cast %parallel_loop3A_465 : vector<16xf32> to vector<1x16xf32>
        tpu.vector_store %arg17[%parallel_loop3A_466, %parallel_loop3A_467], %parallel_loop3A_470 {strides = array<i32>} : memref<64x128xf32, #tpu.memory_space<vmem>>, vector<1x16xf32>,
        %parallel_loop3A_471 = arith.constant 1 : i32
        %parallel_loop3A_472 = arith.addi %parallel_loop3A_232, %parallel_loop3A_471 : i32
        %parallel_loop3A_473 = arith.index_cast %parallel_loop3A_472 : i32 to index
        %parallel_loop3A_474 = arith.constant 96 : index
        %parallel_loop3A_475 = tpu.vector_load %arg13[%parallel_loop3A_473, %parallel_loop3A_474] {strides = array<i32>} : memref<64x128xf32, #tpu.memory_space<vmem>>, vector<1x16xf32>,
        %parallel_loop3A_476 = vector.shape_cast %parallel_loop3A_475 : vector<1x16xf32> to vector<16xf32>
        %parallel_loop3A_477 = arith.mulf %parallel_loop3A_476, %parallel_loop3A_460 : vector<16xf32>
        %parallel_loop3A_478 = arith.constant 1 : i32
        %parallel_loop3A_479 = arith.addi %parallel_loop3A_232, %parallel_loop3A_478 : i32
        %parallel_loop3A_480 = arith.index_cast %parallel_loop3A_479 : i32 to index
        %parallel_loop3A_481 = arith.constant 96 : index
        %parallel_loop3A_482 = tpu.vector_load %arg17[%parallel_loop3A_480, %parallel_loop3A_481] {strides = array<i32>} : memref<64x128xf32, #tpu.memory_space<vmem>>, vector<1x16xf32>,
        %parallel_loop3A_483 = vector.shape_cast %parallel_loop3A_482 : vector<1x16xf32> to vector<16xf32>
        %parallel_loop3A_484 = vector.shape_cast %parallel_loop3A_477 : vector<16xf32> to vector<1x16xf32>
        tpu.vector_store %arg17[%parallel_loop3A_480, %parallel_loop3A_481], %parallel_loop3A_484 {strides = array<i32>} : memref<64x128xf32, #tpu.memory_space<vmem>>, vector<1x16xf32>,
        %parallel_loop3A_485 = arith.index_cast %parallel_loop3A_230 : i32 to index
        %parallel_loop3A_486 = arith.constant 112 : index
        %parallel_loop3A_487 = tpu.vector_load %arg15[%parallel_loop3A_485, %parallel_loop3A_486] {strides = array<i32>} : memref<32x128xi32, #tpu.memory_space<vmem>>, vector<1x16xi32>,
        %parallel_loop3A_488 = vector.shape_cast %parallel_loop3A_487 : vector<1x16xi32> to vector<16xi32>
        %parallel_loop3A_489 = arith.constant 16 : i32
        %parallel_loop3A_490 = vector.broadcast %parallel_loop3A_489 : i32 to vector<16xi32>
        %parallel_loop3A_491 = arith.shli %parallel_loop3A_488, %parallel_loop3A_490 : vector<16xi32>
        %parallel_loop3A_492 = tpu.bitcast %parallel_loop3A_491 : vector<16xi32> -> vector<16xf32>
        %parallel_loop3A_493 = arith.constant -65536 : i32
        %parallel_loop3A_494 = vector.broadcast %parallel_loop3A_493 : i32 to vector<16xi32>
        %parallel_loop3A_495 = arith.andi %parallel_loop3A_488, %parallel_loop3A_494 : vector<16xi32>
        %parallel_loop3A_496 = tpu.bitcast %parallel_loop3A_495 : vector<16xi32> -> vector<16xf32>
        %parallel_loop3A_497 = arith.index_cast %parallel_loop3A_232 : i32 to index
        %parallel_loop3A_498 = arith.constant 112 : index
        %parallel_loop3A_499 = tpu.vector_load %arg13[%parallel_loop3A_497, %parallel_loop3A_498] {strides = array<i32>} : memref<64x128xf32, #tpu.memory_space<vmem>>, vector<1x16xf32>,
        %parallel_loop3A_500 = vector.shape_cast %parallel_loop3A_499 : vector<1x16xf32> to vector<16xf32>
        %parallel_loop3A_501 = arith.mulf %parallel_loop3A_500, %parallel_loop3A_492 : vector<16xf32>
        %parallel_loop3A_502 = arith.index_cast %parallel_loop3A_232 : i32 to index
        %parallel_loop3A_503 = arith.constant 112 : index
        %parallel_loop3A_504 = tpu.vector_load %arg17[%parallel_loop3A_502, %parallel_loop3A_503] {strides = array<i32>} : memref<64x128xf32, #tpu.memory_space<vmem>>, vector<1x16xf32>,
        %parallel_loop3A_505 = vector.shape_cast %parallel_loop3A_504 : vector<1x16xf32> to vector<16xf32>
        %parallel_loop3A_506 = vector.shape_cast %parallel_loop3A_501 : vector<16xf32> to vector<1x16xf32>
        tpu.vector_store %arg17[%parallel_loop3A_502, %parallel_loop3A_503], %parallel_loop3A_506 {strides = array<i32>} : memref<64x128xf32, #tpu.memory_space<vmem>>, vector<1x16xf32>,
        %parallel_loop3A_507 = arith.constant 1 : i32
        %parallel_loop3A_508 = arith.addi %parallel_loop3A_232, %parallel_loop3A_507 : i32
        %parallel_loop3A_509 = arith.index_cast %parallel_loop3A_508 : i32 to index
        %parallel_loop3A_510 = arith.constant 112 : index
        %parallel_loop3A_511 = tpu.vector_load %arg13[%parallel_loop3A_509, %parallel_loop3A_510] {strides = array<i32>} : memref<64x128xf32, #tpu.memory_space<vmem>>, vector<1x16xf32>,
        %parallel_loop3A_512 = vector.shape_cast %parallel_loop3A_511 : vector<1x16xf32> to vector<16xf32>
        %parallel_loop3A_513 = arith.mulf %parallel_loop3A_512, %parallel_loop3A_496 : vector<16xf32>
        %parallel_loop3A_514 = arith.constant 1 : i32
        %parallel_loop3A_515 = arith.addi %parallel_loop3A_232, %parallel_loop3A_514 : i32
        %parallel_loop3A_516 = arith.index_cast %parallel_loop3A_515 : i32 to index
        %parallel_loop3A_517 = arith.constant 112 : index
        %parallel_loop3A_518 = tpu.vector_load %arg17[%parallel_loop3A_516, %parallel_loop3A_517] {strides = array<i32>} : memref<64x128xf32, #tpu.memory_space<vmem>>, vector<1x16xf32>,
        %parallel_loop3A_519 = vector.shape_cast %parallel_loop3A_518 : vector<1x16xf32> to vector<16xf32>
        %parallel_loop3A_520 = vector.shape_cast %parallel_loop3A_513 : vector<16xf32> to vector<1x16xf32>
        tpu.vector_store %arg17[%parallel_loop3A_516, %parallel_loop3A_517], %parallel_loop3A_520 {strides = array<i32>} : memref<64x128xf32, #tpu.memory_space<vmem>>, vector<1x16xf32>,
      } {sc.loop_unroll_factor = 4 : i64, sc.parallel_access}
      %dma_start3A_160 = arith.constant 0 : i32
      %dma_start3A_161 = arith.constant 0 : i32
      %dma_start3A_162 = tpu.memref_slice %arg19[%dma_start3A_160, %dma_start3A_161] : memref<10000x128xf32, #tpu.memory_space<vmem_shared>> -> memref<10000x128xf32, #tpu.memory_space<vmem_shared>>
      tpu.enqueue_indirect_dma source(%arg17 : memref<64x128xf32, #tpu.memory_space<vmem>>) target(%dma_start3A_162 : memref<10000x128xf32, #tpu.memory_space<vmem_shared>>) offsets(%arg11 : memref<64xi32, #tpu.memory_space<vmem>>) semaphore(%arg28 : memref<!tpu.dma_semaphore, #tpu.memory_space<semaphore_mem>>) {add = true}
      %mul3A_163 = arith.constant 2 : i32
      %mul3A_164 = arith.muli %mul3A_163, %scan3A_102 : i32
      %add3A_165 = arith.constant 1 : i32
      %add3A_166 = arith.addi %mul3A_164, %add3A_165 : i32
      %ge3A_167 = arith.constant 2 : i32
      %ge3A_168 = arith.cmpi sge, %add3A_166, %ge3A_167 : i32
      %convert_element_type3A_169 = arith.extui %ge3A_168 : i1 to i32
      %cond3A_170 = arith.constant 0 : i32
      %cond3A_171 = arith.cmpi ne, %convert_element_type3A_169, %cond3A_170 : i32
      scf.if %cond3A_171 {
        %dma_wait3A_230 = arith.constant 0 : i32
        %dma_wait3A_231 = arith.constant 0 : i32
        %dma_wait3A_232 = tpu.memref_slice %arg19[%dma_wait3A_230, %dma_wait3A_231] : memref<10000x128xf32, #tpu.memory_space<vmem_shared>> -> memref<10000x128xf32, #tpu.memory_space<vmem_shared>>
        tpu.wait_indirect_dma semaphore(%arg29 : memref<!tpu.dma_semaphore, #tpu.memory_space<semaphore_mem>>) src(%arg18 : memref<64x128xf32, #tpu.memory_space<vmem>>) dst(%dma_wait3A_232 : memref<10000x128xf32, #tpu.memory_space<vmem_shared>>)
      } else {
      }
      %dma_wait3A_172 = arith.constant 0 : i32
      %dma_wait3A_173 = arith.constant 0 : i32
      %dma_wait3A_174 = tpu.memref_slice %arg4[%dma_wait3A_172, %dma_wait3A_173] : memref<10000x128xf32, #tpu.memory_space<hbm>> -> memref<10000x128xf32, #tpu.memory_space<hbm>>
      tpu.wait_indirect_dma semaphore(%arg25 : memref<!tpu.dma_semaphore, #tpu.memory_space<semaphore_mem>>) src(%dma_wait3A_174 : memref<10000x128xf32, #tpu.memory_space<hbm>>) dst(%arg14 : memref<64x128xf32, #tpu.memory_space<vmem>>)
      %mul3A_175 = arith.constant 32 : i32
      %mul3A_176 = arith.muli %add3A_166, %mul3A_175 : i32
      %add3A_177 = arith.addi %add3A, %mul3A_176 : i32
      %dma_wait3A_178 = arith.constant 0 : i32
      %dma_wait3A_179 = tpu.memref_slice %arg5[%add3A_177, %dma_wait3A_178] : memref<323584x128xi32, #tpu.memory_space<hbm>> -> memref<32x128xi32, #tpu.memory_space<hbm>>
      %dma_wait3A_180 = arith.constant 0 : i32
      %dma_wait3A_181 = tpu.memref_slice %arg5[%add3A_177, %dma_wait3A_180] : memref<323584x128xi32, #tpu.memory_space<hbm>> -> memref<32x128xi32, #tpu.memory_space<hbm>>
      tpu.wait_dma2 semaphore(%arg27 : memref<!tpu.dma_semaphore, #tpu.memory_space<semaphore_mem>>) src(%dma_wait3A_181 : memref<32x128xi32, #tpu.memory_space<hbm>>) dst(%arg16 : memref<32x128xi32, #tpu.memory_space<vmem>>)
      %get3A_182 = arith.constant 0 : index
      %get3A_183 = tpu.vector_load %arg10[%get3A_182] {strides = array<i32>} : memref<64xi32, #tpu.memory_space<vmem>>, vector<16xi32>,
      %get3A_184 = vector.shape_cast %get3A_183 : vector<16xi32> to vector<16xi32>
      %swap3A_185 = arith.constant 0 : index
      %swap3A_186 = tpu.vector_load %arg12[%swap3A_185] {strides = array<i32>} : memref<64xi32, #tpu.memory_space<vmem>>, vector<16xi32>,
      %swap3A_187 = vector.shape_cast %swap3A_186 : vector<16xi32> to vector<16xi32>
      %swap3A_188 = vector.shape_cast %get3A_184 : vector<16xi32> to vector<16xi32>
      tpu.vector_store %arg12[%swap3A_185], %swap3A_188 {strides = array<i32>} : memref<64xi32, #tpu.memory_space<vmem>>, vector<16xi32>,
      %get3A_189 = arith.constant 16 : index
      %get3A_190 = tpu.vector_load %arg10[%get3A_189] {strides = array<i32>} : memref<64xi32, #tpu.memory_space<vmem>>, vector<16xi32>,
      %get3A_191 = vector.shape_cast %get3A_190 : vector<16xi32> to vector<16xi32>
      %swap3A_192 = arith.constant 16 : index
      %swap3A_193 = tpu.vector_load %arg12[%swap3A_192] {strides = array<i32>} : memref<64xi32, #tpu.memory_space<vmem>>, vector<16xi32>,
      %swap3A_194 = vector.shape_cast %swap3A_193 : vector<16xi32> to vector<16xi32>
      %swap3A_195 = vector.shape_cast %get3A_191 : vector<16xi32> to vector<16xi32>
      tpu.vector_store %arg12[%swap3A_192], %swap3A_195 {strides = array<i32>} : memref<64xi32, #tpu.memory_space<vmem>>, vector<16xi32>,
      %get3A_196 = arith.constant 32 : index
      %get3A_197 = tpu.vector_load %arg10[%get3A_196] {strides = array<i32>} : memref<64xi32, #tpu.memory_space<vmem>>, vector<16xi32>,
      %get3A_198 = vector.shape_cast %get3A_197 : vector<16xi32> to vector<16xi32>
      %swap3A_199 = arith.constant 32 : index
      %swap3A_200 = tpu.vector_load %arg12[%swap3A_199] {strides = array<i32>} : memref<64xi32, #tpu.memory_space<vmem>>, vector<16xi32>,
      %swap3A_201 = vector.shape_cast %swap3A_200 : vector<16xi32> to vector<16xi32>
      %swap3A_202 = vector.shape_cast %get3A_198 : vector<16xi32> to vector<16xi32>
      tpu.vector_store %arg12[%swap3A_199], %swap3A_202 {strides = array<i32>} : memref<64xi32, #tpu.memory_space<vmem>>, vector<16xi32>,
      %get3A_203 = arith.constant 48 : index
      %get3A_204 = tpu.vector_load %arg10[%get3A_203] {strides = array<i32>} : memref<64xi32, #tpu.memory_space<vmem>>, vector<16xi32>,
      %get3A_205 = vector.shape_cast %get3A_204 : vector<16xi32> to vector<16xi32>
      %swap3A_206 = arith.constant 48 : index
      %swap3A_207 = tpu.vector_load %arg12[%swap3A_206] {strides = array<i32>} : memref<64xi32, #tpu.memory_space<vmem>>, vector<16xi32>,
      %swap3A_208 = vector.shape_cast %swap3A_207 : vector<16xi32> to vector<16xi32>
      %swap3A_209 = vector.shape_cast %get3A_205 : vector<16xi32> to vector<16xi32>
      tpu.vector_store %arg12[%swap3A_206], %swap3A_209 {strides = array<i32>} : memref<64xi32, #tpu.memory_space<vmem>>, vector<16xi32>,
      %add3A_210 = arith.constant 2 : i32
      %add3A_211 = arith.addi %add3A_166, %add3A_210 : i32
      %lt3A_212 = arith.constant 316 : i32
      %lt3A_213 = arith.cmpi slt, %add3A_211, %lt3A_212 : i32
      %convert_element_type3A_214 = arith.extui %lt3A_213 : i1 to i32
      %cond3A_215 = arith.constant 0 : i32
      %cond3A_216 = arith.cmpi ne, %convert_element_type3A_214, %cond3A_215 : i32
      scf.if %cond3A_216 {
        %add3A_230 = arith.constant 2 : i32
        %add3A_231 = arith.addi %add3A_166, %add3A_230 : i32
        %mul3A_232 = arith.constant 64 : i32
        %mul3A_233 = arith.muli %add3A_231, %mul3A_232 : i32
        %add3A_234 = arith.addi %mul3A_0, %mul3A_233 : i32
        %dma_start3A_235 = tpu.memref_slice %arg2[%add3A_234] : memref<323584xi32, #tpu.memory_space<hbm>> -> memref<64xi32, #tpu.memory_space<hbm>>
        %dma_start3A_236 = tpu.memref_slice %arg2[%add3A_234] : memref<323584xi32, #tpu.memory_space<hbm>> -> memref<64xi32, #tpu.memory_space<hbm>>
        tpu.enqueue_dma source(%dma_start3A_236 : memref<64xi32, #tpu.memory_space<hbm>>) target(%arg8 : memref<64xi32, #tpu.memory_space<vmem>>) target_semaphore(%arg21 : memref<!tpu.dma_semaphore, #tpu.memory_space<semaphore_mem>>)
        %dma_start3A_237 = tpu.memref_slice %arg3[%add3A_234] : memref<323584xi32, #tpu.memory_space<hbm>> -> memref<64xi32, #tpu.memory_space<hbm>>
        %dma_start3A_238 = tpu.memref_slice %arg3[%add3A_234] : memref<323584xi32, #tpu.memory_space<hbm>> -> memref<64xi32, #tpu.memory_space<hbm>>
        tpu.enqueue_dma source(%dma_start3A_238 : memref<64xi32, #tpu.memory_space<hbm>>) target(%arg10 : memref<64xi32, #tpu.memory_space<vmem>>) target_semaphore(%arg23 : memref<!tpu.dma_semaphore, #tpu.memory_space<semaphore_mem>>)
      } else {
      }
      %add3A_217 = arith.constant 1 : i32
      %add3A_218 = arith.addi %add3A_166, %add3A_217 : i32
      %lt3A_219 = arith.constant 316 : i32
      %lt3A_220 = arith.cmpi slt, %add3A_218, %lt3A_219 : i32
      %convert_element_type3A_221 = arith.extui %lt3A_220 : i1 to i32
      %cond3A_222 = arith.constant 0 : i32
      %cond3A_223 = arith.cmpi ne, %convert_element_type3A_221, %cond3A_222 : i32
      scf.if %cond3A_223 {
        %add3A_230 = arith.constant 1 : i32
        %add3A_231 = arith.addi %add3A_166, %add3A_230 : i32
        %mul3A_232 = arith.constant 64 : i32
        %mul3A_233 = arith.muli %add3A_231, %mul3A_232 : i32
        %add3A_234 = arith.addi %mul3A_0, %mul3A_233 : i32
        %dma_wait3A_235 = tpu.memref_slice %arg2[%add3A_234] : memref<323584xi32, #tpu.memory_space<hbm>> -> memref<64xi32, #tpu.memory_space<hbm>>
        %dma_wait3A_236 = tpu.memref_slice %arg2[%add3A_234] : memref<323584xi32, #tpu.memory_space<hbm>> -> memref<64xi32, #tpu.memory_space<hbm>>
        tpu.wait_dma2 semaphore(%arg20 : memref<!tpu.dma_semaphore, #tpu.memory_space<semaphore_mem>>) src(%dma_wait3A_236 : memref<64xi32, #tpu.memory_space<hbm>>) dst(%arg7 : memref<64xi32, #tpu.memory_space<vmem>>)
        %dma_wait3A_237 = tpu.memref_slice %arg3[%add3A_234] : memref<323584xi32, #tpu.memory_space<hbm>> -> memref<64xi32, #tpu.memory_space<hbm>>
        %dma_wait3A_238 = tpu.memref_slice %arg3[%add3A_234] : memref<323584xi32, #tpu.memory_space<hbm>> -> memref<64xi32, #tpu.memory_space<hbm>>
        tpu.wait_dma2 semaphore(%arg22 : memref<!tpu.dma_semaphore, #tpu.memory_space<semaphore_mem>>) src(%dma_wait3A_238 : memref<64xi32, #tpu.memory_space<hbm>>) dst(%arg9 : memref<64xi32, #tpu.memory_space<vmem>>)
        %add3A_239 = arith.constant 1 : i32
        %add3A_240 = arith.addi %add3A_166, %add3A_239 : i32
        %dma_start3A_241 = arith.constant 0 : i32
        %dma_start3A_242 = arith.constant 0 : i32
        %dma_start3A_243 = tpu.memref_slice %arg4[%dma_start3A_241, %dma_start3A_242] : memref<10000x128xf32, #tpu.memory_space<hbm>> -> memref<10000x128xf32, #tpu.memory_space<hbm>>
        tpu.enqueue_indirect_dma source(%dma_start3A_243 : memref<10000x128xf32, #tpu.memory_space<hbm>>) target(%arg13 : memref<64x128xf32, #tpu.memory_space<vmem>>) offsets(%arg7 : memref<64xi32, #tpu.memory_space<vmem>>) semaphore(%arg24 : memref<!tpu.dma_semaphore, #tpu.memory_space<semaphore_mem>>)
        %mul3A_244 = arith.constant 32 : i32
        %mul3A_245 = arith.muli %add3A_240, %mul3A_244 : i32
        %add3A_246 = arith.addi %add3A, %mul3A_245 : i32
        %dma_start3A_247 = arith.constant 0 : i32
        %dma_start3A_248 = tpu.memref_slice %arg5[%add3A_246, %dma_start3A_247] : memref<323584x128xi32, #tpu.memory_space<hbm>> -> memref<32x128xi32, #tpu.memory_space<hbm>>
        %dma_start3A_249 = arith.constant 0 : i32
        %dma_start3A_250 = tpu.memref_slice %arg5[%add3A_246, %dma_start3A_249] : memref<323584x128xi32, #tpu.memory_space<hbm>> -> memref<32x128xi32, #tpu.memory_space<hbm>>
        tpu.enqueue_dma source(%dma_start3A_250 : memref<32x128xi32, #tpu.memory_space<hbm>>) target(%arg15 : memref<32x128xi32, #tpu.memory_space<vmem>>) target_semaphore(%arg26 : memref<!tpu.dma_semaphore, #tpu.memory_space<semaphore_mem>>)
      } else {
      }
      %parallel_loop3A_224 = arith.constant 0 : i32
      %parallel_loop3A_225 = arith.constant 32 : i32
      %parallel_loop3A_226 = arith.constant 1 : i32
      scf.for %parallel_loop3A_230 = %parallel_loop3A_224 to %parallel_loop3A_225 step %parallel_loop3A_226  : i32 {
        %parallel_loop3A_231 = arith.constant 2 : i32
        %parallel_loop3A_232 = arith.muli %parallel_loop3A_231, %parallel_loop3A_230 : i32
        %parallel_loop3A_233 = arith.index_cast %parallel_loop3A_230 : i32 to index
        %parallel_loop3A_234 = arith.constant 0 : index
        %parallel_loop3A_235 = tpu.vector_load %arg16[%parallel_loop3A_233, %parallel_loop3A_234] {strides = array<i32>} : memref<32x128xi32, #tpu.memory_space<vmem>>, vector<1x16xi32>,
        %parallel_loop3A_236 = vector.shape_cast %parallel_loop3A_235 : vector<1x16xi32> to vector<16xi32>
        %parallel_loop3A_237 = arith.constant 16 : i32
        %parallel_loop3A_238 = vector.broadcast %parallel_loop3A_237 : i32 to vector<16xi32>
        %parallel_loop3A_239 = arith.shli %parallel_loop3A_236, %parallel_loop3A_238 : vector<16xi32>
        %parallel_loop3A_240 = tpu.bitcast %parallel_loop3A_239 : vector<16xi32> -> vector<16xf32>
        %parallel_loop3A_241 = arith.constant -65536 : i32
        %parallel_loop3A_242 = vector.broadcast %parallel_loop3A_241 : i32 to vector<16xi32>
        %parallel_loop3A_243 = arith.andi %parallel_loop3A_236, %parallel_loop3A_242 : vector<16xi32>
        %parallel_loop3A_244 = tpu.bitcast %parallel_loop3A_243 : vector<16xi32> -> vector<16xf32>
        %parallel_loop3A_245 = arith.index_cast %parallel_loop3A_232 : i32 to index
        %parallel_loop3A_246 = arith.constant 0 : index
        %parallel_loop3A_247 = tpu.vector_load %arg14[%parallel_loop3A_245, %parallel_loop3A_246] {strides = array<i32>} : memref<64x128xf32, #tpu.memory_space<vmem>>, vector<1x16xf32>,
        %parallel_loop3A_248 = vector.shape_cast %parallel_loop3A_247 : vector<1x16xf32> to vector<16xf32>
        %parallel_loop3A_249 = arith.mulf %parallel_loop3A_248, %parallel_loop3A_240 : vector<16xf32>
        %parallel_loop3A_250 = arith.index_cast %parallel_loop3A_232 : i32 to index
        %parallel_loop3A_251 = arith.constant 0 : index
        %parallel_loop3A_252 = tpu.vector_load %arg18[%parallel_loop3A_250, %parallel_loop3A_251] {strides = array<i32>} : memref<64x128xf32, #tpu.memory_space<vmem>>, vector<1x16xf32>,
        %parallel_loop3A_253 = vector.shape_cast %parallel_loop3A_252 : vector<1x16xf32> to vector<16xf32>
        %parallel_loop3A_254 = vector.shape_cast %parallel_loop3A_249 : vector<16xf32> to vector<1x16xf32>
        tpu.vector_store %arg18[%parallel_loop3A_250, %parallel_loop3A_251], %parallel_loop3A_254 {strides = array<i32>} : memref<64x128xf32, #tpu.memory_space<vmem>>, vector<1x16xf32>,
        %parallel_loop3A_255 = arith.constant 1 : i32
        %parallel_loop3A_256 = arith.addi %parallel_loop3A_232, %parallel_loop3A_255 : i32
        %parallel_loop3A_257 = arith.index_cast %parallel_loop3A_256 : i32 to index
        %parallel_loop3A_258 = arith.constant 0 : index
        %parallel_loop3A_259 = tpu.vector_load %arg14[%parallel_loop3A_257, %parallel_loop3A_258] {strides = array<i32>} : memref<64x128xf32, #tpu.memory_space<vmem>>, vector<1x16xf32>,
        %parallel_loop3A_260 = vector.shape_cast %parallel_loop3A_259 : vector<1x16xf32> to vector<16xf32>
        %parallel_loop3A_261 = arith.mulf %parallel_loop3A_260, %parallel_loop3A_244 : vector<16xf32>
        %parallel_loop3A_262 = arith.constant 1 : i32
        %parallel_loop3A_263 = arith.addi %parallel_loop3A_232, %parallel_loop3A_262 : i32
        %parallel_loop3A_264 = arith.index_cast %parallel_loop3A_263 : i32 to index
        %parallel_loop3A_265 = arith.constant 0 : index
        %parallel_loop3A_266 = tpu.vector_load %arg18[%parallel_loop3A_264, %parallel_loop3A_265] {strides = array<i32>} : memref<64x128xf32, #tpu.memory_space<vmem>>, vector<1x16xf32>,
        %parallel_loop3A_267 = vector.shape_cast %parallel_loop3A_266 : vector<1x16xf32> to vector<16xf32>
        %parallel_loop3A_268 = vector.shape_cast %parallel_loop3A_261 : vector<16xf32> to vector<1x16xf32>
        tpu.vector_store %arg18[%parallel_loop3A_264, %parallel_loop3A_265], %parallel_loop3A_268 {strides = array<i32>} : memref<64x128xf32, #tpu.memory_space<vmem>>, vector<1x16xf32>,
        %parallel_loop3A_269 = arith.index_cast %parallel_loop3A_230 : i32 to index
        %parallel_loop3A_270 = arith.constant 16 : index
        %parallel_loop3A_271 = tpu.vector_load %arg16[%parallel_loop3A_269, %parallel_loop3A_270] {strides = array<i32>} : memref<32x128xi32, #tpu.memory_space<vmem>>, vector<1x16xi32>,
        %parallel_loop3A_272 = vector.shape_cast %parallel_loop3A_271 : vector<1x16xi32> to vector<16xi32>
        %parallel_loop3A_273 = arith.constant 16 : i32
        %parallel_loop3A_274 = vector.broadcast %parallel_loop3A_273 : i32 to vector<16xi32>
        %parallel_loop3A_275 = arith.shli %parallel_loop3A_272, %parallel_loop3A_274 : vector<16xi32>
        %parallel_loop3A_276 = tpu.bitcast %parallel_loop3A_275 : vector<16xi32> -> vector<16xf32>
        %parallel_loop3A_277 = arith.constant -65536 : i32
        %parallel_loop3A_278 = vector.broadcast %parallel_loop3A_277 : i32 to vector<16xi32>
        %parallel_loop3A_279 = arith.andi %parallel_loop3A_272, %parallel_loop3A_278 : vector<16xi32>
        %parallel_loop3A_280 = tpu.bitcast %parallel_loop3A_279 : vector<16xi32> -> vector<16xf32>
        %parallel_loop3A_281 = arith.index_cast %parallel_loop3A_232 : i32 to index
        %parallel_loop3A_282 = arith.constant 16 : index
        %parallel_loop3A_283 = tpu.vector_load %arg14[%parallel_loop3A_281, %parallel_loop3A_282] {strides = array<i32>} : memref<64x128xf32, #tpu.memory_space<vmem>>, vector<1x16xf32>,
        %parallel_loop3A_284 = vector.shape_cast %parallel_loop3A_283 : vector<1x16xf32> to vector<16xf32>
        %parallel_loop3A_285 = arith.mulf %parallel_loop3A_284, %parallel_loop3A_276 : vector<16xf32>
        %parallel_loop3A_286 = arith.index_cast %parallel_loop3A_232 : i32 to index
        %parallel_loop3A_287 = arith.constant 16 : index
        %parallel_loop3A_288 = tpu.vector_load %arg18[%parallel_loop3A_286, %parallel_loop3A_287] {strides = array<i32>} : memref<64x128xf32, #tpu.memory_space<vmem>>, vector<1x16xf32>,
        %parallel_loop3A_289 = vector.shape_cast %parallel_loop3A_288 : vector<1x16xf32> to vector<16xf32>
        %parallel_loop3A_290 = vector.shape_cast %parallel_loop3A_285 : vector<16xf32> to vector<1x16xf32>
        tpu.vector_store %arg18[%parallel_loop3A_286, %parallel_loop3A_287], %parallel_loop3A_290 {strides = array<i32>} : memref<64x128xf32, #tpu.memory_space<vmem>>, vector<1x16xf32>,
        %parallel_loop3A_291 = arith.constant 1 : i32
        %parallel_loop3A_292 = arith.addi %parallel_loop3A_232, %parallel_loop3A_291 : i32
        %parallel_loop3A_293 = arith.index_cast %parallel_loop3A_292 : i32 to index
        %parallel_loop3A_294 = arith.constant 16 : index
        %parallel_loop3A_295 = tpu.vector_load %arg14[%parallel_loop3A_293, %parallel_loop3A_294] {strides = array<i32>} : memref<64x128xf32, #tpu.memory_space<vmem>>, vector<1x16xf32>,
        %parallel_loop3A_296 = vector.shape_cast %parallel_loop3A_295 : vector<1x16xf32> to vector<16xf32>
        %parallel_loop3A_297 = arith.mulf %parallel_loop3A_296, %parallel_loop3A_280 : vector<16xf32>
        %parallel_loop3A_298 = arith.constant 1 : i32
        %parallel_loop3A_299 = arith.addi %parallel_loop3A_232, %parallel_loop3A_298 : i32
        %parallel_loop3A_300 = arith.index_cast %parallel_loop3A_299 : i32 to index
        %parallel_loop3A_301 = arith.constant 16 : index
        %parallel_loop3A_302 = tpu.vector_load %arg18[%parallel_loop3A_300, %parallel_loop3A_301] {strides = array<i32>} : memref<64x128xf32, #tpu.memory_space<vmem>>, vector<1x16xf32>,
        %parallel_loop3A_303 = vector.shape_cast %parallel_loop3A_302 : vector<1x16xf32> to vector<16xf32>
        %parallel_loop3A_304 = vector.shape_cast %parallel_loop3A_297 : vector<16xf32> to vector<1x16xf32>
        tpu.vector_store %arg18[%parallel_loop3A_300, %parallel_loop3A_301], %parallel_loop3A_304 {strides = array<i32>} : memref<64x128xf32, #tpu.memory_space<vmem>>, vector<1x16xf32>,
        %parallel_loop3A_305 = arith.index_cast %parallel_loop3A_230 : i32 to index
        %parallel_loop3A_306 = arith.constant 32 : index
        %parallel_loop3A_307 = tpu.vector_load %arg16[%parallel_loop3A_305, %parallel_loop3A_306] {strides = array<i32>} : memref<32x128xi32, #tpu.memory_space<vmem>>, vector<1x16xi32>,
        %parallel_loop3A_308 = vector.shape_cast %parallel_loop3A_307 : vector<1x16xi32> to vector<16xi32>
        %parallel_loop3A_309 = arith.constant 16 : i32
        %parallel_loop3A_310 = vector.broadcast %parallel_loop3A_309 : i32 to vector<16xi32>
        %parallel_loop3A_311 = arith.shli %parallel_loop3A_308, %parallel_loop3A_310 : vector<16xi32>
        %parallel_loop3A_312 = tpu.bitcast %parallel_loop3A_311 : vector<16xi32> -> vector<16xf32>
        %parallel_loop3A_313 = arith.constant -65536 : i32
        %parallel_loop3A_314 = vector.broadcast %parallel_loop3A_313 : i32 to vector<16xi32>
        %parallel_loop3A_315 = arith.andi %parallel_loop3A_308, %parallel_loop3A_314 : vector<16xi32>
        %parallel_loop3A_316 = tpu.bitcast %parallel_loop3A_315 : vector<16xi32> -> vector<16xf32>
        %parallel_loop3A_317 = arith.index_cast %parallel_loop3A_232 : i32 to index
        %parallel_loop3A_318 = arith.constant 32 : index
        %parallel_loop3A_319 = tpu.vector_load %arg14[%parallel_loop3A_317, %parallel_loop3A_318] {strides = array<i32>} : memref<64x128xf32, #tpu.memory_space<vmem>>, vector<1x16xf32>,
        %parallel_loop3A_320 = vector.shape_cast %parallel_loop3A_319 : vector<1x16xf32> to vector<16xf32>
        %parallel_loop3A_321 = arith.mulf %parallel_loop3A_320, %parallel_loop3A_312 : vector<16xf32>
        %parallel_loop3A_322 = arith.index_cast %parallel_loop3A_232 : i32 to index
        %parallel_loop3A_323 = arith.constant 32 : index
        %parallel_loop3A_324 = tpu.vector_load %arg18[%parallel_loop3A_322, %parallel_loop3A_323] {strides = array<i32>} : memref<64x128xf32, #tpu.memory_space<vmem>>, vector<1x16xf32>,
        %parallel_loop3A_325 = vector.shape_cast %parallel_loop3A_324 : vector<1x16xf32> to vector<16xf32>
        %parallel_loop3A_326 = vector.shape_cast %parallel_loop3A_321 : vector<16xf32> to vector<1x16xf32>
        tpu.vector_store %arg18[%parallel_loop3A_322, %parallel_loop3A_323], %parallel_loop3A_326 {strides = array<i32>} : memref<64x128xf32, #tpu.memory_space<vmem>>, vector<1x16xf32>,
        %parallel_loop3A_327 = arith.constant 1 : i32
        %parallel_loop3A_328 = arith.addi %parallel_loop3A_232, %parallel_loop3A_327 : i32
        %parallel_loop3A_329 = arith.index_cast %parallel_loop3A_328 : i32 to index
        %parallel_loop3A_330 = arith.constant 32 : index
        %parallel_loop3A_331 = tpu.vector_load %arg14[%parallel_loop3A_329, %parallel_loop3A_330] {strides = array<i32>} : memref<64x128xf32, #tpu.memory_space<vmem>>, vector<1x16xf32>,
        %parallel_loop3A_332 = vector.shape_cast %parallel_loop3A_331 : vector<1x16xf32> to vector<16xf32>
        %parallel_loop3A_333 = arith.mulf %parallel_loop3A_332, %parallel_loop3A_316 : vector<16xf32>
        %parallel_loop3A_334 = arith.constant 1 : i32
        %parallel_loop3A_335 = arith.addi %parallel_loop3A_232, %parallel_loop3A_334 : i32
        %parallel_loop3A_336 = arith.index_cast %parallel_loop3A_335 : i32 to index
        %parallel_loop3A_337 = arith.constant 32 : index
        %parallel_loop3A_338 = tpu.vector_load %arg18[%parallel_loop3A_336, %parallel_loop3A_337] {strides = array<i32>} : memref<64x128xf32, #tpu.memory_space<vmem>>, vector<1x16xf32>,
        %parallel_loop3A_339 = vector.shape_cast %parallel_loop3A_338 : vector<1x16xf32> to vector<16xf32>
        %parallel_loop3A_340 = vector.shape_cast %parallel_loop3A_333 : vector<16xf32> to vector<1x16xf32>
        tpu.vector_store %arg18[%parallel_loop3A_336, %parallel_loop3A_337], %parallel_loop3A_340 {strides = array<i32>} : memref<64x128xf32, #tpu.memory_space<vmem>>, vector<1x16xf32>,
        %parallel_loop3A_341 = arith.index_cast %parallel_loop3A_230 : i32 to index
        %parallel_loop3A_342 = arith.constant 48 : index
        %parallel_loop3A_343 = tpu.vector_load %arg16[%parallel_loop3A_341, %parallel_loop3A_342] {strides = array<i32>} : memref<32x128xi32, #tpu.memory_space<vmem>>, vector<1x16xi32>,
        %parallel_loop3A_344 = vector.shape_cast %parallel_loop3A_343 : vector<1x16xi32> to vector<16xi32>
        %parallel_loop3A_345 = arith.constant 16 : i32
        %parallel_loop3A_346 = vector.broadcast %parallel_loop3A_345 : i32 to vector<16xi32>
        %parallel_loop3A_347 = arith.shli %parallel_loop3A_344, %parallel_loop3A_346 : vector<16xi32>
        %parallel_loop3A_348 = tpu.bitcast %parallel_loop3A_347 : vector<16xi32> -> vector<16xf32>
        %parallel_loop3A_349 = arith.constant -65536 : i32
        %parallel_loop3A_350 = vector.broadcast %parallel_loop3A_349 : i32 to vector<16xi32>
        %parallel_loop3A_351 = arith.andi %parallel_loop3A_344, %parallel_loop3A_350 : vector<16xi32>
        %parallel_loop3A_352 = tpu.bitcast %parallel_loop3A_351 : vector<16xi32> -> vector<16xf32>
        %parallel_loop3A_353 = arith.index_cast %parallel_loop3A_232 : i32 to index
        %parallel_loop3A_354 = arith.constant 48 : index
        %parallel_loop3A_355 = tpu.vector_load %arg14[%parallel_loop3A_353, %parallel_loop3A_354] {strides = array<i32>} : memref<64x128xf32, #tpu.memory_space<vmem>>, vector<1x16xf32>,
        %parallel_loop3A_356 = vector.shape_cast %parallel_loop3A_355 : vector<1x16xf32> to vector<16xf32>
        %parallel_loop3A_357 = arith.mulf %parallel_loop3A_356, %parallel_loop3A_348 : vector<16xf32>
        %parallel_loop3A_358 = arith.index_cast %parallel_loop3A_232 : i32 to index
        %parallel_loop3A_359 = arith.constant 48 : index
        %parallel_loop3A_360 = tpu.vector_load %arg18[%parallel_loop3A_358, %parallel_loop3A_359] {strides = array<i32>} : memref<64x128xf32, #tpu.memory_space<vmem>>, vector<1x16xf32>,
        %parallel_loop3A_361 = vector.shape_cast %parallel_loop3A_360 : vector<1x16xf32> to vector<16xf32>
        %parallel_loop3A_362 = vector.shape_cast %parallel_loop3A_357 : vector<16xf32> to vector<1x16xf32>
        tpu.vector_store %arg18[%parallel_loop3A_358, %parallel_loop3A_359], %parallel_loop3A_362 {strides = array<i32>} : memref<64x128xf32, #tpu.memory_space<vmem>>, vector<1x16xf32>,
        %parallel_loop3A_363 = arith.constant 1 : i32
        %parallel_loop3A_364 = arith.addi %parallel_loop3A_232, %parallel_loop3A_363 : i32
        %parallel_loop3A_365 = arith.index_cast %parallel_loop3A_364 : i32 to index
        %parallel_loop3A_366 = arith.constant 48 : index
        %parallel_loop3A_367 = tpu.vector_load %arg14[%parallel_loop3A_365, %parallel_loop3A_366] {strides = array<i32>} : memref<64x128xf32, #tpu.memory_space<vmem>>, vector<1x16xf32>,
        %parallel_loop3A_368 = vector.shape_cast %parallel_loop3A_367 : vector<1x16xf32> to vector<16xf32>
        %parallel_loop3A_369 = arith.mulf %parallel_loop3A_368, %parallel_loop3A_352 : vector<16xf32>
        %parallel_loop3A_370 = arith.constant 1 : i32
        %parallel_loop3A_371 = arith.addi %parallel_loop3A_232, %parallel_loop3A_370 : i32
        %parallel_loop3A_372 = arith.index_cast %parallel_loop3A_371 : i32 to index
        %parallel_loop3A_373 = arith.constant 48 : index
        %parallel_loop3A_374 = tpu.vector_load %arg18[%parallel_loop3A_372, %parallel_loop3A_373] {strides = array<i32>} : memref<64x128xf32, #tpu.memory_space<vmem>>, vector<1x16xf32>,
        %parallel_loop3A_375 = vector.shape_cast %parallel_loop3A_374 : vector<1x16xf32> to vector<16xf32>
        %parallel_loop3A_376 = vector.shape_cast %parallel_loop3A_369 : vector<16xf32> to vector<1x16xf32>
        tpu.vector_store %arg18[%parallel_loop3A_372, %parallel_loop3A_373], %parallel_loop3A_376 {strides = array<i32>} : memref<64x128xf32, #tpu.memory_space<vmem>>, vector<1x16xf32>,
        %parallel_loop3A_377 = arith.index_cast %parallel_loop3A_230 : i32 to index
        %parallel_loop3A_378 = arith.constant 64 : index
        %parallel_loop3A_379 = tpu.vector_load %arg16[%parallel_loop3A_377, %parallel_loop3A_378] {strides = array<i32>} : memref<32x128xi32, #tpu.memory_space<vmem>>, vector<1x16xi32>,
        %parallel_loop3A_380 = vector.shape_cast %parallel_loop3A_379 : vector<1x16xi32> to vector<16xi32>
        %parallel_loop3A_381 = arith.constant 16 : i32
        %parallel_loop3A_382 = vector.broadcast %parallel_loop3A_381 : i32 to vector<16xi32>
        %parallel_loop3A_383 = arith.shli %parallel_loop3A_380, %parallel_loop3A_382 : vector<16xi32>
        %parallel_loop3A_384 = tpu.bitcast %parallel_loop3A_383 : vector<16xi32> -> vector<16xf32>
        %parallel_loop3A_385 = arith.constant -65536 : i32
        %parallel_loop3A_386 = vector.broadcast %parallel_loop3A_385 : i32 to vector<16xi32>
        %parallel_loop3A_387 = arith.andi %parallel_loop3A_380, %parallel_loop3A_386 : vector<16xi32>
        %parallel_loop3A_388 = tpu.bitcast %parallel_loop3A_387 : vector<16xi32> -> vector<16xf32>
        %parallel_loop3A_389 = arith.index_cast %parallel_loop3A_232 : i32 to index
        %parallel_loop3A_390 = arith.constant 64 : index
        %parallel_loop3A_391 = tpu.vector_load %arg14[%parallel_loop3A_389, %parallel_loop3A_390] {strides = array<i32>} : memref<64x128xf32, #tpu.memory_space<vmem>>, vector<1x16xf32>,
        %parallel_loop3A_392 = vector.shape_cast %parallel_loop3A_391 : vector<1x16xf32> to vector<16xf32>
        %parallel_loop3A_393 = arith.mulf %parallel_loop3A_392, %parallel_loop3A_384 : vector<16xf32>
        %parallel_loop3A_394 = arith.index_cast %parallel_loop3A_232 : i32 to index
        %parallel_loop3A_395 = arith.constant 64 : index
        %parallel_loop3A_396 = tpu.vector_load %arg18[%parallel_loop3A_394, %parallel_loop3A_395] {strides = array<i32>} : memref<64x128xf32, #tpu.memory_space<vmem>>, vector<1x16xf32>,
        %parallel_loop3A_397 = vector.shape_cast %parallel_loop3A_396 : vector<1x16xf32> to vector<16xf32>
        %parallel_loop3A_398 = vector.shape_cast %parallel_loop3A_393 : vector<16xf32> to vector<1x16xf32>
        tpu.vector_store %arg18[%parallel_loop3A_394, %parallel_loop3A_395], %parallel_loop3A_398 {strides = array<i32>} : memref<64x128xf32, #tpu.memory_space<vmem>>, vector<1x16xf32>,
        %parallel_loop3A_399 = arith.constant 1 : i32
        %parallel_loop3A_400 = arith.addi %parallel_loop3A_232, %parallel_loop3A_399 : i32
        %parallel_loop3A_401 = arith.index_cast %parallel_loop3A_400 : i32 to index
        %parallel_loop3A_402 = arith.constant 64 : index
        %parallel_loop3A_403 = tpu.vector_load %arg14[%parallel_loop3A_401, %parallel_loop3A_402] {strides = array<i32>} : memref<64x128xf32, #tpu.memory_space<vmem>>, vector<1x16xf32>,
        %parallel_loop3A_404 = vector.shape_cast %parallel_loop3A_403 : vector<1x16xf32> to vector<16xf32>
        %parallel_loop3A_405 = arith.mulf %parallel_loop3A_404, %parallel_loop3A_388 : vector<16xf32>
        %parallel_loop3A_406 = arith.constant 1 : i32
        %parallel_loop3A_407 = arith.addi %parallel_loop3A_232, %parallel_loop3A_406 : i32
        %parallel_loop3A_408 = arith.index_cast %parallel_loop3A_407 : i32 to index
        %parallel_loop3A_409 = arith.constant 64 : index
        %parallel_loop3A_410 = tpu.vector_load %arg18[%parallel_loop3A_408, %parallel_loop3A_409] {strides = array<i32>} : memref<64x128xf32, #tpu.memory_space<vmem>>, vector<1x16xf32>,
        %parallel_loop3A_411 = vector.shape_cast %parallel_loop3A_410 : vector<1x16xf32> to vector<16xf32>
        %parallel_loop3A_412 = vector.shape_cast %parallel_loop3A_405 : vector<16xf32> to vector<1x16xf32>
        tpu.vector_store %arg18[%parallel_loop3A_408, %parallel_loop3A_409], %parallel_loop3A_412 {strides = array<i32>} : memref<64x128xf32, #tpu.memory_space<vmem>>, vector<1x16xf32>,
        %parallel_loop3A_413 = arith.index_cast %parallel_loop3A_230 : i32 to index
        %parallel_loop3A_414 = arith.constant 80 : index
        %parallel_loop3A_415 = tpu.vector_load %arg16[%parallel_loop3A_413, %parallel_loop3A_414] {strides = array<i32>} : memref<32x128xi32, #tpu.memory_space<vmem>>, vector<1x16xi32>,
        %parallel_loop3A_416 = vector.shape_cast %parallel_loop3A_415 : vector<1x16xi32> to vector<16xi32>
        %parallel_loop3A_417 = arith.constant 16 : i32
        %parallel_loop3A_418 = vector.broadcast %parallel_loop3A_417 : i32 to vector<16xi32>
        %parallel_loop3A_419 = arith.shli %parallel_loop3A_416, %parallel_loop3A_418 : vector<16xi32>
        %parallel_loop3A_420 = tpu.bitcast %parallel_loop3A_419 : vector<16xi32> -> vector<16xf32>
        %parallel_loop3A_421 = arith.constant -65536 : i32
        %parallel_loop3A_422 = vector.broadcast %parallel_loop3A_421 : i32 to vector<16xi32>
        %parallel_loop3A_423 = arith.andi %parallel_loop3A_416, %parallel_loop3A_422 : vector<16xi32>
        %parallel_loop3A_424 = tpu.bitcast %parallel_loop3A_423 : vector<16xi32> -> vector<16xf32>
        %parallel_loop3A_425 = arith.index_cast %parallel_loop3A_232 : i32 to index
        %parallel_loop3A_426 = arith.constant 80 : index
        %parallel_loop3A_427 = tpu.vector_load %arg14[%parallel_loop3A_425, %parallel_loop3A_426] {strides = array<i32>} : memref<64x128xf32, #tpu.memory_space<vmem>>, vector<1x16xf32>,
        %parallel_loop3A_428 = vector.shape_cast %parallel_loop3A_427 : vector<1x16xf32> to vector<16xf32>
        %parallel_loop3A_429 = arith.mulf %parallel_loop3A_428, %parallel_loop3A_420 : vector<16xf32>
        %parallel_loop3A_430 = arith.index_cast %parallel_loop3A_232 : i32 to index
        %parallel_loop3A_431 = arith.constant 80 : index
        %parallel_loop3A_432 = tpu.vector_load %arg18[%parallel_loop3A_430, %parallel_loop3A_431] {strides = array<i32>} : memref<64x128xf32, #tpu.memory_space<vmem>>, vector<1x16xf32>,
        %parallel_loop3A_433 = vector.shape_cast %parallel_loop3A_432 : vector<1x16xf32> to vector<16xf32>
        %parallel_loop3A_434 = vector.shape_cast %parallel_loop3A_429 : vector<16xf32> to vector<1x16xf32>
        tpu.vector_store %arg18[%parallel_loop3A_430, %parallel_loop3A_431], %parallel_loop3A_434 {strides = array<i32>} : memref<64x128xf32, #tpu.memory_space<vmem>>, vector<1x16xf32>,
        %parallel_loop3A_435 = arith.constant 1 : i32
        %parallel_loop3A_436 = arith.addi %parallel_loop3A_232, %parallel_loop3A_435 : i32
        %parallel_loop3A_437 = arith.index_cast %parallel_loop3A_436 : i32 to index
        %parallel_loop3A_438 = arith.constant 80 : index
        %parallel_loop3A_439 = tpu.vector_load %arg14[%parallel_loop3A_437, %parallel_loop3A_438] {strides = array<i32>} : memref<64x128xf32, #tpu.memory_space<vmem>>, vector<1x16xf32>,
        %parallel_loop3A_440 = vector.shape_cast %parallel_loop3A_439 : vector<1x16xf32> to vector<16xf32>
        %parallel_loop3A_441 = arith.mulf %parallel_loop3A_440, %parallel_loop3A_424 : vector<16xf32>
        %parallel_loop3A_442 = arith.constant 1 : i32
        %parallel_loop3A_443 = arith.addi %parallel_loop3A_232, %parallel_loop3A_442 : i32
        %parallel_loop3A_444 = arith.index_cast %parallel_loop3A_443 : i32 to index
        %parallel_loop3A_445 = arith.constant 80 : index
        %parallel_loop3A_446 = tpu.vector_load %arg18[%parallel_loop3A_444, %parallel_loop3A_445] {strides = array<i32>} : memref<64x128xf32, #tpu.memory_space<vmem>>, vector<1x16xf32>,
        %parallel_loop3A_447 = vector.shape_cast %parallel_loop3A_446 : vector<1x16xf32> to vector<16xf32>
        %parallel_loop3A_448 = vector.shape_cast %parallel_loop3A_441 : vector<16xf32> to vector<1x16xf32>
        tpu.vector_store %arg18[%parallel_loop3A_444, %parallel_loop3A_445], %parallel_loop3A_448 {strides = array<i32>} : memref<64x128xf32, #tpu.memory_space<vmem>>, vector<1x16xf32>,
        %parallel_loop3A_449 = arith.index_cast %parallel_loop3A_230 : i32 to index
        %parallel_loop3A_450 = arith.constant 96 : index
        %parallel_loop3A_451 = tpu.vector_load %arg16[%parallel_loop3A_449, %parallel_loop3A_450] {strides = array<i32>} : memref<32x128xi32, #tpu.memory_space<vmem>>, vector<1x16xi32>,
        %parallel_loop3A_452 = vector.shape_cast %parallel_loop3A_451 : vector<1x16xi32> to vector<16xi32>
        %parallel_loop3A_453 = arith.constant 16 : i32
        %parallel_loop3A_454 = vector.broadcast %parallel_loop3A_453 : i32 to vector<16xi32>
        %parallel_loop3A_455 = arith.shli %parallel_loop3A_452, %parallel_loop3A_454 : vector<16xi32>
        %parallel_loop3A_456 = tpu.bitcast %parallel_loop3A_455 : vector<16xi32> -> vector<16xf32>
        %parallel_loop3A_457 = arith.constant -65536 : i32
        %parallel_loop3A_458 = vector.broadcast %parallel_loop3A_457 : i32 to vector<16xi32>
        %parallel_loop3A_459 = arith.andi %parallel_loop3A_452, %parallel_loop3A_458 : vector<16xi32>
        %parallel_loop3A_460 = tpu.bitcast %parallel_loop3A_459 : vector<16xi32> -> vector<16xf32>
        %parallel_loop3A_461 = arith.index_cast %parallel_loop3A_232 : i32 to index
        %parallel_loop3A_462 = arith.constant 96 : index
        %parallel_loop3A_463 = tpu.vector_load %arg14[%parallel_loop3A_461, %parallel_loop3A_462] {strides = array<i32>} : memref<64x128xf32, #tpu.memory_space<vmem>>, vector<1x16xf32>,
        %parallel_loop3A_464 = vector.shape_cast %parallel_loop3A_463 : vector<1x16xf32> to vector<16xf32>
        %parallel_loop3A_465 = arith.mulf %parallel_loop3A_464, %parallel_loop3A_456 : vector<16xf32>
        %parallel_loop3A_466 = arith.index_cast %parallel_loop3A_232 : i32 to index
        %parallel_loop3A_467 = arith.constant 96 : index
        %parallel_loop3A_468 = tpu.vector_load %arg18[%parallel_loop3A_466, %parallel_loop3A_467] {strides = array<i32>} : memref<64x128xf32, #tpu.memory_space<vmem>>, vector<1x16xf32>,
        %parallel_loop3A_469 = vector.shape_cast %parallel_loop3A_468 : vector<1x16xf32> to vector<16xf32>
        %parallel_loop3A_470 = vector.shape_cast %parallel_loop3A_465 : vector<16xf32> to vector<1x16xf32>
        tpu.vector_store %arg18[%parallel_loop3A_466, %parallel_loop3A_467], %parallel_loop3A_470 {strides = array<i32>} : memref<64x128xf32, #tpu.memory_space<vmem>>, vector<1x16xf32>,
        %parallel_loop3A_471 = arith.constant 1 : i32
        %parallel_loop3A_472 = arith.addi %parallel_loop3A_232, %parallel_loop3A_471 : i32
        %parallel_loop3A_473 = arith.index_cast %parallel_loop3A_472 : i32 to index
        %parallel_loop3A_474 = arith.constant 96 : index
        %parallel_loop3A_475 = tpu.vector_load %arg14[%parallel_loop3A_473, %parallel_loop3A_474] {strides = array<i32>} : memref<64x128xf32, #tpu.memory_space<vmem>>, vector<1x16xf32>,
        %parallel_loop3A_476 = vector.shape_cast %parallel_loop3A_475 : vector<1x16xf32> to vector<16xf32>
        %parallel_loop3A_477 = arith.mulf %parallel_loop3A_476, %parallel_loop3A_460 : vector<16xf32>
        %parallel_loop3A_478 = arith.constant 1 : i32
        %parallel_loop3A_479 = arith.addi %parallel_loop3A_232, %parallel_loop3A_478 : i32
        %parallel_loop3A_480 = arith.index_cast %parallel_loop3A_479 : i32 to index
        %parallel_loop3A_481 = arith.constant 96 : index
        %parallel_loop3A_482 = tpu.vector_load %arg18[%parallel_loop3A_480, %parallel_loop3A_481] {strides = array<i32>} : memref<64x128xf32, #tpu.memory_space<vmem>>, vector<1x16xf32>,
        %parallel_loop3A_483 = vector.shape_cast %parallel_loop3A_482 : vector<1x16xf32> to vector<16xf32>
        %parallel_loop3A_484 = vector.shape_cast %parallel_loop3A_477 : vector<16xf32> to vector<1x16xf32>
        tpu.vector_store %arg18[%parallel_loop3A_480, %parallel_loop3A_481], %parallel_loop3A_484 {strides = array<i32>} : memref<64x128xf32, #tpu.memory_space<vmem>>, vector<1x16xf32>,
        %parallel_loop3A_485 = arith.index_cast %parallel_loop3A_230 : i32 to index
        %parallel_loop3A_486 = arith.constant 112 : index
        %parallel_loop3A_487 = tpu.vector_load %arg16[%parallel_loop3A_485, %parallel_loop3A_486] {strides = array<i32>} : memref<32x128xi32, #tpu.memory_space<vmem>>, vector<1x16xi32>,
        %parallel_loop3A_488 = vector.shape_cast %parallel_loop3A_487 : vector<1x16xi32> to vector<16xi32>
        %parallel_loop3A_489 = arith.constant 16 : i32
        %parallel_loop3A_490 = vector.broadcast %parallel_loop3A_489 : i32 to vector<16xi32>
        %parallel_loop3A_491 = arith.shli %parallel_loop3A_488, %parallel_loop3A_490 : vector<16xi32>
        %parallel_loop3A_492 = tpu.bitcast %parallel_loop3A_491 : vector<16xi32> -> vector<16xf32>
        %parallel_loop3A_493 = arith.constant -65536 : i32
        %parallel_loop3A_494 = vector.broadcast %parallel_loop3A_493 : i32 to vector<16xi32>
        %parallel_loop3A_495 = arith.andi %parallel_loop3A_488, %parallel_loop3A_494 : vector<16xi32>
        %parallel_loop3A_496 = tpu.bitcast %parallel_loop3A_495 : vector<16xi32> -> vector<16xf32>
        %parallel_loop3A_497 = arith.index_cast %parallel_loop3A_232 : i32 to index
        %parallel_loop3A_498 = arith.constant 112 : index
        %parallel_loop3A_499 = tpu.vector_load %arg14[%parallel_loop3A_497, %parallel_loop3A_498] {strides = array<i32>} : memref<64x128xf32, #tpu.memory_space<vmem>>, vector<1x16xf32>,
        %parallel_loop3A_500 = vector.shape_cast %parallel_loop3A_499 : vector<1x16xf32> to vector<16xf32>
        %parallel_loop3A_501 = arith.mulf %parallel_loop3A_500, %parallel_loop3A_492 : vector<16xf32>
        %parallel_loop3A_502 = arith.index_cast %parallel_loop3A_232 : i32 to index
        %parallel_loop3A_503 = arith.constant 112 : index
        %parallel_loop3A_504 = tpu.vector_load %arg18[%parallel_loop3A_502, %parallel_loop3A_503] {strides = array<i32>} : memref<64x128xf32, #tpu.memory_space<vmem>>, vector<1x16xf32>,
        %parallel_loop3A_505 = vector.shape_cast %parallel_loop3A_504 : vector<1x16xf32> to vector<16xf32>
        %parallel_loop3A_506 = vector.shape_cast %parallel_loop3A_501 : vector<16xf32> to vector<1x16xf32>
        tpu.vector_store %arg18[%parallel_loop3A_502, %parallel_loop3A_503], %parallel_loop3A_506 {strides = array<i32>} : memref<64x128xf32, #tpu.memory_space<vmem>>, vector<1x16xf32>,
        %parallel_loop3A_507 = arith.constant 1 : i32
        %parallel_loop3A_508 = arith.addi %parallel_loop3A_232, %parallel_loop3A_507 : i32
        %parallel_loop3A_509 = arith.index_cast %parallel_loop3A_508 : i32 to index
        %parallel_loop3A_510 = arith.constant 112 : index
        %parallel_loop3A_511 = tpu.vector_load %arg14[%parallel_loop3A_509, %parallel_loop3A_510] {strides = array<i32>} : memref<64x128xf32, #tpu.memory_space<vmem>>, vector<1x16xf32>,
        %parallel_loop3A_512 = vector.shape_cast %parallel_loop3A_511 : vector<1x16xf32> to vector<16xf32>
        %parallel_loop3A_513 = arith.mulf %parallel_loop3A_512, %parallel_loop3A_496 : vector<16xf32>
        %parallel_loop3A_514 = arith.constant 1 : i32
        %parallel_loop3A_515 = arith.addi %parallel_loop3A_232, %parallel_loop3A_514 : i32
        %parallel_loop3A_516 = arith.index_cast %parallel_loop3A_515 : i32 to index
        %parallel_loop3A_517 = arith.constant 112 : index
        %parallel_loop3A_518 = tpu.vector_load %arg18[%parallel_loop3A_516, %parallel_loop3A_517] {strides = array<i32>} : memref<64x128xf32, #tpu.memory_space<vmem>>, vector<1x16xf32>,
        %parallel_loop3A_519 = vector.shape_cast %parallel_loop3A_518 : vector<1x16xf32> to vector<16xf32>
        %parallel_loop3A_520 = vector.shape_cast %parallel_loop3A_513 : vector<16xf32> to vector<1x16xf32>
        tpu.vector_store %arg18[%parallel_loop3A_516, %parallel_loop3A_517], %parallel_loop3A_520 {strides = array<i32>} : memref<64x128xf32, #tpu.memory_space<vmem>>, vector<1x16xf32>,
      } {sc.loop_unroll_factor = 4 : i64, sc.parallel_access}
      %dma_start3A_227 = arith.constant 0 : i32
      %dma_start3A_228 = arith.constant 0 : i32
      %dma_start3A_229 = tpu.memref_slice %arg19[%dma_start3A_227, %dma_start3A_228] : memref<10000x128xf32, #tpu.memory_space<vmem_shared>> -> memref<10000x128xf32, #tpu.memory_space<vmem_shared>>
      tpu.enqueue_indirect_dma source(%arg18 : memref<64x128xf32, #tpu.memory_space<vmem>>) target(%dma_start3A_229 : memref<10000x128xf32, #tpu.memory_space<vmem_shared>>) offsets(%arg12 : memref<64xi32, #tpu.memory_space<vmem>>) semaphore(%arg29 : memref<!tpu.dma_semaphore, #tpu.memory_space<semaphore_mem>>) {add = true}
    }
    %scan3A_82 = arith.constant 158 : i32
    %dma_wait3A_83 = arith.constant 0 : i32
    %dma_wait3A_84 = arith.constant 0 : i32
    %dma_wait3A_85 = tpu.memref_slice %arg19[%dma_wait3A_83, %dma_wait3A_84] : memref<10000x128xf32, #tpu.memory_space<vmem_shared>> -> memref<10000x128xf32, #tpu.memory_space<vmem_shared>>
    tpu.wait_indirect_dma semaphore(%arg28 : memref<!tpu.dma_semaphore, #tpu.memory_space<semaphore_mem>>) src(%arg17 : memref<64x128xf32, #tpu.memory_space<vmem>>) dst(%dma_wait3A_85 : memref<10000x128xf32, #tpu.memory_space<vmem_shared>>)
    %dma_wait3A_86 = arith.constant 0 : i32
    %dma_wait3A_87 = arith.constant 0 : i32
    %dma_wait3A_88 = tpu.memref_slice %arg19[%dma_wait3A_86, %dma_wait3A_87] : memref<10000x128xf32, #tpu.memory_space<vmem_shared>> -> memref<10000x128xf32, #tpu.memory_space<vmem_shared>>
    tpu.wait_indirect_dma semaphore(%arg29 : memref<!tpu.dma_semaphore, #tpu.memory_space<semaphore_mem>>) src(%arg18 : memref<64x128xf32, #tpu.memory_space<vmem>>) dst(%dma_wait3A_88 : memref<10000x128xf32, #tpu.memory_space<vmem_shared>>)
    %barrier3A_89 = arith.constant 0 : index
    tpu.barrier barrier_id(%barrier3A_89)
    %mul3A_90 = arith.constant 624 : i32
    %mul3A_91 = arith.muli %arg1, %mul3A_90 : i32
    %mul3A_92 = arith.constant 10000 : i32
    %mul3A_93 = arith.muli %arg0, %mul3A_92 : i32
    %mul3A_94 = arith.constant 624 : i32
    %mul3A_95 = arith.muli %arg1, %mul3A_94 : i32
    %add3A_96 = arith.addi %mul3A_93, %mul3A_95 : i32
    "tpu.region"() ({
      %run_scoped3A = tpu.sem_alloc : memref<!tpu.dma_semaphore, #tpu.memory_space<semaphore_mem>>
      %dma_start3A_102 = arith.constant 0 : i32
      %dma_start3A_103 = tpu.memref_slice %arg6[%add3A_96, %dma_start3A_102] : memref<20000x128xf32, #tpu.memory_space<hbm>> -> memref<624x128xf32, #tpu.memory_space<hbm>>
      %dma_start3A_104 = arith.constant 0 : i32
      %dma_start3A_105 = tpu.memref_slice %arg19[%mul3A_91, %dma_start3A_104] : memref<10000x128xf32, #tpu.memory_space<vmem_shared>> -> memref<624x128xf32, #tpu.memory_space<vmem_shared>>
      tpu.enqueue_dma source(%dma_start3A_105 : memref<624x128xf32, #tpu.memory_space<vmem_shared>>) target(%dma_start3A_103 : memref<624x128xf32, #tpu.memory_space<hbm>>) target_semaphore(%run_scoped3A : memref<!tpu.dma_semaphore, #tpu.memory_space<semaphore_mem>>)
      %dma_wait3A_106 = arith.constant 0 : i32
      %dma_wait3A_107 = tpu.memref_slice %arg6[%add3A_96, %dma_wait3A_106] : memref<20000x128xf32, #tpu.memory_space<hbm>> -> memref<624x128xf32, #tpu.memory_space<hbm>>
      %dma_wait3A_108 = arith.constant 0 : i32
      %dma_wait3A_109 = tpu.memref_slice %arg19[%mul3A_91, %dma_wait3A_108] : memref<10000x128xf32, #tpu.memory_space<vmem_shared>> -> memref<624x128xf32, #tpu.memory_space<vmem_shared>>
      tpu.wait_dma2 semaphore(%run_scoped3A : memref<!tpu.dma_semaphore, #tpu.memory_space<semaphore_mem>>) src(%dma_wait3A_109 : memref<624x128xf32, #tpu.memory_space<vmem_shared>>) dst(%dma_wait3A_107 : memref<624x128xf32, #tpu.memory_space<hbm>>)
      tpu.yield
    }) : () -> ()
    %eq3A_97 = arith.constant 0 : i32
    %eq3A_98 = arith.cmpi eq, %arg1, %eq3A_97 : i32
    %convert_element_type3A_99 = arith.extui %eq3A_98 : i1 to i32
    %cond3A_100 = arith.constant 0 : i32
    %cond3A_101 = arith.cmpi ne, %convert_element_type3A_99, %cond3A_100 : i32
    scf.if %cond3A_101 {
      %mul3A_102 = arith.constant 10000 : i32
      %mul3A_103 = arith.muli %arg0, %mul3A_102 : i32
      %add3A_104 = arith.constant 9984 : i32
      %add3A_105 = arith.addi %mul3A_103, %add3A_104 : i32
      "tpu.region"() ({
        %run_scoped3A = tpu.sem_alloc : memref<!tpu.dma_semaphore, #tpu.memory_space<semaphore_mem>>
        %dma_start3A_106 = arith.constant 0 : i32
        %dma_start3A_107 = tpu.memref_slice %arg6[%add3A_105, %dma_start3A_106] : memref<20000x128xf32, #tpu.memory_space<hbm>> -> memref<16x128xf32, #tpu.memory_space<hbm>>
        %dma_start3A_108 = arith.constant 9984 : i32
        %dma_start3A_109 = arith.constant 0 : i32
        %dma_start3A_110 = tpu.memref_slice %arg19[%dma_start3A_108, %dma_start3A_109] : memref<10000x128xf32, #tpu.memory_space<vmem_shared>> -> memref<16x128xf32, #tpu.memory_space<vmem_shared>>
        tpu.enqueue_dma source(%dma_start3A_110 : memref<16x128xf32, #tpu.memory_space<vmem_shared>>) target(%dma_start3A_107 : memref<16x128xf32, #tpu.memory_space<hbm>>) target_semaphore(%run_scoped3A : memref<!tpu.dma_semaphore, #tpu.memory_space<semaphore_mem>>)
        %dma_wait3A_111 = arith.constant 0 : i32
        %dma_wait3A_112 = tpu.memref_slice %arg6[%add3A_105, %dma_wait3A_111] : memref<20000x128xf32, #tpu.memory_space<hbm>> -> memref<16x128xf32, #tpu.memory_space<hbm>>
        %dma_wait3A_113 = arith.constant 9984 : i32
        %dma_wait3A_114 = arith.constant 0 : i32
        %dma_wait3A_115 = tpu.memref_slice %arg19[%dma_wait3A_113, %dma_wait3A_114] : memref<10000x128xf32, #tpu.memory_space<vmem_shared>> -> memref<16x128xf32, #tpu.memory_space<vmem_shared>>
        tpu.wait_dma2 semaphore(%run_scoped3A : memref<!tpu.dma_semaphore, #tpu.memory_space<semaphore_mem>>) src(%dma_wait3A_115 : memref<16x128xf32, #tpu.memory_space<vmem_shared>>) dst(%dma_wait3A_112 : memref<16x128xf32, #tpu.memory_space<hbm>>)
        tpu.yield
      }) : () -> ()
    } else {
    }
    return
  }
}

#map = affine_map<(d0, d1) -> (0)>
#map1 = affine_map<(d0, d1) -> (0, 0)>
module attributes {stable_mosaic.version = 14 : i64} {
  func.func @_sc_body(%arg0: i32, %arg1: i32, %arg2: memref<323584xi32, #tpu.memory_space<hbm>>, %arg3: memref<323584xi32, #tpu.memory_space<hbm>>, %arg4: memref<10000x128xf32, #tpu.memory_space<hbm>>, %arg5: memref<323584x128xi32, #tpu.memory_space<hbm>>, %arg6: memref<20000x128xf32, #tpu.memory_space<hbm>>, %arg7: memref<64xi32, #tpu.memory_space<vmem>>, %arg8: memref<64xi32, #tpu.memory_space<vmem>>, %arg9: memref<64xi32, #tpu.memory_space<vmem>>, %arg10: memref<64xi32, #tpu.memory_space<vmem>>, %arg11: memref<64xi32, #tpu.memory_space<vmem>>, %arg12: memref<64xi32, #tpu.memory_space<vmem>>, %arg13: memref<64x128xf32, #tpu.memory_space<vmem>>, %arg14: memref<64x128xf32, #tpu.memory_space<vmem>>, %arg15: memref<32x128xi32, #tpu.memory_space<vmem>>, %arg16: memref<32x128xi32, #tpu.memory_space<vmem>>, %arg17: memref<64x128xf32, #tpu.memory_space<vmem>>, %arg18: memref<64x128xf32, #tpu.memory_space<vmem>>, %arg19: memref<10000x128xf32, #tpu.memory_space<vmem_shared>>, %arg20: memref<!tpu.dma_semaphore, #tpu.memory_space<semaphore_mem>>, %arg21: memref<!tpu.dma_semaphore, #tpu.memory_space<semaphore_mem>>, %arg22: memref<!tpu.dma_semaphore, #tpu.memory_space<semaphore_mem>>, %arg23: memref<!tpu.dma_semaphore, #tpu.memory_space<semaphore_mem>>, %arg24: memref<!tpu.dma_semaphore, #tpu.memory_space<semaphore_mem>>, %arg25: memref<!tpu.dma_semaphore, #tpu.memory_space<semaphore_mem>>, %arg26: memref<!tpu.dma_semaphore, #tpu.memory_space<semaphore_mem>>, %arg27: memref<!tpu.dma_semaphore, #tpu.memory_space<semaphore_mem>>, %arg28: memref<!tpu.dma_semaphore, #tpu.memory_space<semaphore_mem>>, %arg29: memref<!tpu.dma_semaphore, #tpu.memory_space<semaphore_mem>>) attributes {dimension_semantics = [#tpu.dimension_semantics<core_parallel>, #tpu.dimension_semantics<subcore_parallel>], iteration_bounds = array<i64: 2, 16>, scalar_prefetch = 0 : i64, scratch_operands = 23 : i64, tpu.core_type = #tpu.core_type<sc_vector_subcore>, window_params = [{transform_indices = #map}, {transform_indices = #map}, {transform_indices = #map1}, {transform_indices = #map1}, {transform_indices = #map1}]} {
    %mul3A = arith.constant 20224 : i32
    %mul3A_0 = arith.muli %arg1, %mul3A : i32
    %mul3A_1 = arith.constant 161792 : i32
    %mul3A_2 = arith.muli %arg0, %mul3A_1 : i32
    %mul3A_3 = arith.constant 10112 : i32
    %mul3A_4 = arith.muli %arg1, %mul3A_3 : i32
    %add3A = arith.addi %mul3A_2, %mul3A_4 : i32
    %scan3A = arith.constant 0 : i32
    %scan3A_5 = arith.constant 0 : i32
    %scan3A_6 = arith.constant 64 : i32
    %scan3A_7 = arith.addi %scan3A_5, %scan3A_6 : i32
    %scan3A_8 = arith.constant 1 : i32
    scf.for %scan3A_102 = %scan3A_5 to %scan3A_7 step %scan3A_8  : i32 {
      %broadcast_in_dim3A = arith.constant 0.000000e+00 : f32
      %broadcast_in_dim3A_103 = vector.broadcast %broadcast_in_dim3A : f32 to vector<16xf32>
      %swap3A = arith.index_cast %scan3A_102 : i32 to index
      %swap3A_104 = arith.constant 0 : index
      %swap3A_105 = tpu.vector_load %arg17[%swap3A, %swap3A_104] {strides = array<i32>} : memref<64x128xf32, #tpu.memory_space<vmem>>, vector<1x16xf32>,
      %swap3A_106 = vector.shape_cast %swap3A_105 : vector<1x16xf32> to vector<16xf32>
      %swap3A_107 = vector.shape_cast %broadcast_in_dim3A_103 : vector<16xf32> to vector<1x16xf32>
      tpu.vector_store %arg17[%swap3A, %swap3A_104], %swap3A_107 {strides = array<i32>} : memref<64x128xf32, #tpu.memory_space<vmem>>, vector<1x16xf32>,
      %broadcast_in_dim3A_108 = arith.constant 0.000000e+00 : f32
      %broadcast_in_dim3A_109 = vector.broadcast %broadcast_in_dim3A_108 : f32 to vector<16xf32>
      %swap3A_110 = arith.index_cast %scan3A_102 : i32 to index
      %swap3A_111 = arith.constant 16 : index
      %swap3A_112 = tpu.vector_load %arg17[%swap3A_110, %swap3A_111] {strides = array<i32>} : memref<64x128xf32, #tpu.memory_space<vmem>>, vector<1x16xf32>,
      %swap3A_113 = vector.shape_cast %swap3A_112 : vector<1x16xf32> to vector<16xf32>
      %swap3A_114 = vector.shape_cast %broadcast_in_dim3A_109 : vector<16xf32> to vector<1x16xf32>
      tpu.vector_store %arg17[%swap3A_110, %swap3A_111], %swap3A_114 {strides = array<i32>} : memref<64x128xf32, #tpu.memory_space<vmem>>, vector<1x16xf32>,
      %broadcast_in_dim3A_115 = arith.constant 0.000000e+00 : f32
      %broadcast_in_dim3A_116 = vector.broadcast %broadcast_in_dim3A_115 : f32 to vector<16xf32>
      %swap3A_117 = arith.index_cast %scan3A_102 : i32 to index
      %swap3A_118 = arith.constant 32 : index
      %swap3A_119 = tpu.vector_load %arg17[%swap3A_117, %swap3A_118] {strides = array<i32>} : memref<64x128xf32, #tpu.memory_space<vmem>>, vector<1x16xf32>,
      %swap3A_120 = vector.shape_cast %swap3A_119 : vector<1x16xf32> to vector<16xf32>
      %swap3A_121 = vector.shape_cast %broadcast_in_dim3A_116 : vector<16xf32> to vector<1x16xf32>
      tpu.vector_store %arg17[%swap3A_117, %swap3A_118], %swap3A_121 {strides = array<i32>} : memref<64x128xf32, #tpu.memory_space<vmem>>, vector<1x16xf32>,
      %broadcast_in_dim3A_122 = arith.constant 0.000000e+00 : f32
      %broadcast_in_dim3A_123 = vector.broadcast %broadcast_in_dim3A_122 : f32 to vector<16xf32>
      %swap3A_124 = arith.index_cast %scan3A_102 : i32 to index
      %swap3A_125 = arith.constant 48 : index
      %swap3A_126 = tpu.vector_load %arg17[%swap3A_124, %swap3A_125] {strides = array<i32>} : memref<64x128xf32, #tpu.memory_space<vmem>>, vector<1x16xf32>,
      %swap3A_127 = vector.shape_cast %swap3A_126 : vector<1x16xf32> to vector<16xf32>
      %swap3A_128 = vector.shape_cast %broadcast_in_dim3A_123 : vector<16xf32> to vector<1x16xf32>
      tpu.vector_store %arg17[%swap3A_124, %swap3A_125], %swap3A_128 {strides = array<i32>} : memref<64x128xf32, #tpu.memory_space<vmem>>, vector<1x16xf32>,
      %broadcast_in_dim3A_129 = arith.constant 0.000000e+00 : f32
      %broadcast_in_dim3A_130 = vector.broadcast %broadcast_in_dim3A_129 : f32 to vector<16xf32>
      %swap3A_131 = arith.index_cast %scan3A_102 : i32 to index
      %swap3A_132 = arith.constant 64 : index
      %swap3A_133 = tpu.vector_load %arg17[%swap3A_131, %swap3A_132] {strides = array<i32>} : memref<64x128xf32, #tpu.memory_space<vmem>>, vector<1x16xf32>,
      %swap3A_134 = vector.shape_cast %swap3A_133 : vector<1x16xf32> to vector<16xf32>
      %swap3A_135 = vector.shape_cast %broadcast_in_dim3A_130 : vector<16xf32> to vector<1x16xf32>
      tpu.vector_store %arg17[%swap3A_131, %swap3A_132], %swap3A_135 {strides = array<i32>} : memref<64x128xf32, #tpu.memory_space<vmem>>, vector<1x16xf32>,
      %broadcast_in_dim3A_136 = arith.constant 0.000000e+00 : f32
      %broadcast_in_dim3A_137 = vector.broadcast %broadcast_in_dim3A_136 : f32 to vector<16xf32>
      %swap3A_138 = arith.index_cast %scan3A_102 : i32 to index
      %swap3A_139 = arith.constant 80 : index
      %swap3A_140 = tpu.vector_load %arg17[%swap3A_138, %swap3A_139] {strides = array<i32>} : memref<64x128xf32, #tpu.memory_space<vmem>>, vector<1x16xf32>,
      %swap3A_141 = vector.shape_cast %swap3A_140 : vector<1x16xf32> to vector<16xf32>
      %swap3A_142 = vector.shape_cast %broadcast_in_dim3A_137 : vector<16xf32> to vector<1x16xf32>
      tpu.vector_store %arg17[%swap3A_138, %swap3A_139], %swap3A_142 {strides = array<i32>} : memref<64x128xf32, #tpu.memory_space<vmem>>, vector<1x16xf32>,
      %broadcast_in_dim3A_143 = arith.constant 0.000000e+00 : f32
      %broadcast_in_dim3A_144 = vector.broadcast %broadcast_in_dim3A_143 : f32 to vector<16xf32>
      %swap3A_145 = arith.index_cast %scan3A_102 : i32 to index
      %swap3A_146 = arith.constant 96 : index
      %swap3A_147 = tpu.vector_load %arg17[%swap3A_145, %swap3A_146] {strides = array<i32>} : memref<64x128xf32, #tpu.memory_space<vmem>>, vector<1x16xf32>,
      %swap3A_148 = vector.shape_cast %swap3A_147 : vector<1x16xf32> to vector<16xf32>
      %swap3A_149 = vector.shape_cast %broadcast_in_dim3A_144 : vector<16xf32> to vector<1x16xf32>
      tpu.vector_store %arg17[%swap3A_145, %swap3A_146], %swap3A_149 {strides = array<i32>} : memref<64x128xf32, #tpu.memory_space<vmem>>, vector<1x16xf32>,
      %broadcast_in_dim3A_150 = arith.constant 0.000000e+00 : f32
      %broadcast_in_dim3A_151 = vector.broadcast %broadcast_in_dim3A_150 : f32 to vector<16xf32>
      %swap3A_152 = arith.index_cast %scan3A_102 : i32 to index
      %swap3A_153 = arith.constant 112 : index
      %swap3A_154 = tpu.vector_load %arg17[%swap3A_152, %swap3A_153] {strides = array<i32>} : memref<64x128xf32, #tpu.memory_space<vmem>>, vector<1x16xf32>,
      %swap3A_155 = vector.shape_cast %swap3A_154 : vector<1x16xf32> to vector<16xf32>
      %swap3A_156 = vector.shape_cast %broadcast_in_dim3A_151 : vector<16xf32> to vector<1x16xf32>
      tpu.vector_store %arg17[%swap3A_152, %swap3A_153], %swap3A_156 {strides = array<i32>} : memref<64x128xf32, #tpu.memory_space<vmem>>, vector<1x16xf32>,
    }
    %scan3A_9 = arith.constant 64 : i32
    %mul3A_10 = arith.constant 624 : i32
    %mul3A_11 = arith.muli %arg1, %mul3A_10 : i32
    %add3A_12 = arith.constant 0 : i32
    %add3A_13 = arith.addi %mul3A_11, %add3A_12 : i32
    "tpu.region"() ({
      %run_scoped3A = tpu.sem_alloc : memref<!tpu.dma_semaphore, #tpu.memory_space<semaphore_mem>>
      %dma_start3A_102 = arith.constant 0 : i32
      %dma_start3A_103 = tpu.memref_slice %arg19[%add3A_13, %dma_start3A_102] : memref<10000x128xf32, #tpu.memory_space<vmem_shared>> -> memref<64x128xf32, #tpu.memory_space<vmem_shared>>
      %dma_start3A_104 = arith.constant 0 : i32
      %dma_start3A_105 = tpu.memref_slice %arg19[%add3A_13, %dma_start3A_104] : memref<10000x128xf32, #tpu.memory_space<vmem_shared>> -> memref<64x128xf32, #tpu.memory_space<vmem_shared>>
      tpu.enqueue_dma source(%arg17 : memref<64x128xf32, #tpu.memory_space<vmem>>) target(%dma_start3A_105 : memref<64x128xf32, #tpu.memory_space<vmem_shared>>) target_semaphore(%run_scoped3A : memref<!tpu.dma_semaphore, #tpu.memory_space<semaphore_mem>>)
      %dma_wait3A_106 = arith.constant 0 : i32
      %dma_wait3A_107 = tpu.memref_slice %arg19[%add3A_13, %dma_wait3A_106] : memref<10000x128xf32, #tpu.memory_space<vmem_shared>> -> memref<64x128xf32, #tpu.memory_space<vmem_shared>>
      %dma_wait3A_108 = arith.constant 0 : i32
      %dma_wait3A_109 = tpu.memref_slice %arg19[%add3A_13, %dma_wait3A_108] : memref<10000x128xf32, #tpu.memory_space<vmem_shared>> -> memref<64x128xf32, #tpu.memory_space<vmem_shared>>
      tpu.wait_dma2 semaphore(%run_scoped3A : memref<!tpu.dma_semaphore, #tpu.memory_space<semaphore_mem>>) src(%arg17 : memref<64x128xf32, #tpu.memory_space<vmem>>) dst(%dma_wait3A_109 : memref<64x128xf32, #tpu.memory_space<vmem_shared>>)
      tpu.yield
    }) : () -> ()
    %mul3A_14 = arith.constant 624 : i32
    %mul3A_15 = arith.muli %arg1, %mul3A_14 : i32
    %add3A_16 = arith.constant 64 : i32
    %add3A_17 = arith.addi %mul3A_15, %add3A_16 : i32
    "tpu.region"() ({
      %run_scoped3A = tpu.sem_alloc : memref<!tpu.dma_semaphore, #tpu.memory_space<semaphore_mem>>
      %dma_start3A_102 = arith.constant 0 : i32
      %dma_start3A_103 = tpu.memref_slice %arg19[%add3A_17, %dma_start3A_102] : memref<10000x128xf32, #tpu.memory_space<vmem_shared>> -> memref<64x128xf32, #tpu.memory_space<vmem_shared>>
      %dma_start3A_104 = arith.constant 0 : i32
      %dma_start3A_105 = tpu.memref_slice %arg19[%add3A_17, %dma_start3A_104] : memref<10000x128xf32, #tpu.memory_space<vmem_shared>> -> memref<64x128xf32, #tpu.memory_space<vmem_shared>>
      tpu.enqueue_dma source(%arg17 : memref<64x128xf32, #tpu.memory_space<vmem>>) target(%dma_start3A_105 : memref<64x128xf32, #tpu.memory_space<vmem_shared>>) target_semaphore(%run_scoped3A : memref<!tpu.dma_semaphore, #tpu.memory_space<semaphore_mem>>)
      %dma_wait3A_106 = arith.constant 0 : i32
      %dma_wait3A_107 = tpu.memref_slice %arg19[%add3A_17, %dma_wait3A_106] : memref<10000x128xf32, #tpu.memory_space<vmem_shared>> -> memref<64x128xf32, #tpu.memory_space<vmem_shared>>
      %dma_wait3A_108 = arith.constant 0 : i32
      %dma_wait3A_109 = tpu.memref_slice %arg19[%add3A_17, %dma_wait3A_108] : memref<10000x128xf32, #tpu.memory_space<vmem_shared>> -> memref<64x128xf32, #tpu.memory_space<vmem_shared>>
      tpu.wait_dma2 semaphore(%run_scoped3A : memref<!tpu.dma_semaphore, #tpu.memory_space<semaphore_mem>>) src(%arg17 : memref<64x128xf32, #tpu.memory_space<vmem>>) dst(%dma_wait3A_109 : memref<64x128xf32, #tpu.memory_space<vmem_shared>>)
      tpu.yield
    }) : () -> ()
    %mul3A_18 = arith.constant 624 : i32
    %mul3A_19 = arith.muli %arg1, %mul3A_18 : i32
    %add3A_20 = arith.constant 128 : i32
    %add3A_21 = arith.addi %mul3A_19, %add3A_20 : i32
    "tpu.region"() ({
      %run_scoped3A = tpu.sem_alloc : memref<!tpu.dma_semaphore, #tpu.memory_space<semaphore_mem>>
      %dma_start3A_102 = arith.constant 0 : i32
      %dma_start3A_103 = tpu.memref_slice %arg19[%add3A_21, %dma_start3A_102] : memref<10000x128xf32, #tpu.memory_space<vmem_shared>> -> memref<64x128xf32, #tpu.memory_space<vmem_shared>>
      %dma_start3A_104 = arith.constant 0 : i32
      %dma_start3A_105 = tpu.memref_slice %arg19[%add3A_21, %dma_start3A_104] : memref<10000x128xf32, #tpu.memory_space<vmem_shared>> -> memref<64x128xf32, #tpu.memory_space<vmem_shared>>
      tpu.enqueue_dma source(%arg17 : memref<64x128xf32, #tpu.memory_space<vmem>>) target(%dma_start3A_105 : memref<64x128xf32, #tpu.memory_space<vmem_shared>>) target_semaphore(%run_scoped3A : memref<!tpu.dma_semaphore, #tpu.memory_space<semaphore_mem>>)
      %dma_wait3A_106 = arith.constant 0 : i32
      %dma_wait3A_107 = tpu.memref_slice %arg19[%add3A_21, %dma_wait3A_106] : memref<10000x128xf32, #tpu.memory_space<vmem_shared>> -> memref<64x128xf32, #tpu.memory_space<vmem_shared>>
      %dma_wait3A_108 = arith.constant 0 : i32
      %dma_wait3A_109 = tpu.memref_slice %arg19[%add3A_21, %dma_wait3A_108] : memref<10000x128xf32, #tpu.memory_space<vmem_shared>> -> memref<64x128xf32, #tpu.memory_space<vmem_shared>>
      tpu.wait_dma2 semaphore(%run_scoped3A : memref<!tpu.dma_semaphore, #tpu.memory_space<semaphore_mem>>) src(%arg17 : memref<64x128xf32, #tpu.memory_space<vmem>>) dst(%dma_wait3A_109 : memref<64x128xf32, #tpu.memory_space<vmem_shared>>)
      tpu.yield
    }) : () -> ()
    %mul3A_22 = arith.constant 624 : i32
    %mul3A_23 = arith.muli %arg1, %mul3A_22 : i32
    %add3A_24 = arith.constant 192 : i32
    %add3A_25 = arith.addi %mul3A_23, %add3A_24 : i32
    "tpu.region"() ({
      %run_scoped3A = tpu.sem_alloc : memref<!tpu.dma_semaphore, #tpu.memory_space<semaphore_mem>>
      %dma_start3A_102 = arith.constant 0 : i32
      %dma_start3A_103 = tpu.memref_slice %arg19[%add3A_25, %dma_start3A_102] : memref<10000x128xf32, #tpu.memory_space<vmem_shared>> -> memref<64x128xf32, #tpu.memory_space<vmem_shared>>
      %dma_start3A_104 = arith.constant 0 : i32
      %dma_start3A_105 = tpu.memref_slice %arg19[%add3A_25, %dma_start3A_104] : memref<10000x128xf32, #tpu.memory_space<vmem_shared>> -> memref<64x128xf32, #tpu.memory_space<vmem_shared>>
      tpu.enqueue_dma source(%arg17 : memref<64x128xf32, #tpu.memory_space<vmem>>) target(%dma_start3A_105 : memref<64x128xf32, #tpu.memory_space<vmem_shared>>) target_semaphore(%run_scoped3A : memref<!tpu.dma_semaphore, #tpu.memory_space<semaphore_mem>>)
      %dma_wait3A_106 = arith.constant 0 : i32
      %dma_wait3A_107 = tpu.memref_slice %arg19[%add3A_25, %dma_wait3A_106] : memref<10000x128xf32, #tpu.memory_space<vmem_shared>> -> memref<64x128xf32, #tpu.memory_space<vmem_shared>>
      %dma_wait3A_108 = arith.constant 0 : i32
      %dma_wait3A_109 = tpu.memref_slice %arg19[%add3A_25, %dma_wait3A_108] : memref<10000x128xf32, #tpu.memory_space<vmem_shared>> -> memref<64x128xf32, #tpu.memory_space<vmem_shared>>
      tpu.wait_dma2 semaphore(%run_scoped3A : memref<!tpu.dma_semaphore, #tpu.memory_space<semaphore_mem>>) src(%arg17 : memref<64x128xf32, #tpu.memory_space<vmem>>) dst(%dma_wait3A_109 : memref<64x128xf32, #tpu.memory_space<vmem_shared>>)
      tpu.yield
    }) : () -> ()
    %mul3A_26 = arith.constant 624 : i32
    %mul3A_27 = arith.muli %arg1, %mul3A_26 : i32
    %add3A_28 = arith.constant 256 : i32
    %add3A_29 = arith.addi %mul3A_27, %add3A_28 : i32
    "tpu.region"() ({
      %run_scoped3A = tpu.sem_alloc : memref<!tpu.dma_semaphore, #tpu.memory_space<semaphore_mem>>
      %dma_start3A_102 = arith.constant 0 : i32
      %dma_start3A_103 = tpu.memref_slice %arg19[%add3A_29, %dma_start3A_102] : memref<10000x128xf32, #tpu.memory_space<vmem_shared>> -> memref<64x128xf32, #tpu.memory_space<vmem_shared>>
      %dma_start3A_104 = arith.constant 0 : i32
      %dma_start3A_105 = tpu.memref_slice %arg19[%add3A_29, %dma_start3A_104] : memref<10000x128xf32, #tpu.memory_space<vmem_shared>> -> memref<64x128xf32, #tpu.memory_space<vmem_shared>>
      tpu.enqueue_dma source(%arg17 : memref<64x128xf32, #tpu.memory_space<vmem>>) target(%dma_start3A_105 : memref<64x128xf32, #tpu.memory_space<vmem_shared>>) target_semaphore(%run_scoped3A : memref<!tpu.dma_semaphore, #tpu.memory_space<semaphore_mem>>)
      %dma_wait3A_106 = arith.constant 0 : i32
      %dma_wait3A_107 = tpu.memref_slice %arg19[%add3A_29, %dma_wait3A_106] : memref<10000x128xf32, #tpu.memory_space<vmem_shared>> -> memref<64x128xf32, #tpu.memory_space<vmem_shared>>
      %dma_wait3A_108 = arith.constant 0 : i32
      %dma_wait3A_109 = tpu.memref_slice %arg19[%add3A_29, %dma_wait3A_108] : memref<10000x128xf32, #tpu.memory_space<vmem_shared>> -> memref<64x128xf32, #tpu.memory_space<vmem_shared>>
      tpu.wait_dma2 semaphore(%run_scoped3A : memref<!tpu.dma_semaphore, #tpu.memory_space<semaphore_mem>>) src(%arg17 : memref<64x128xf32, #tpu.memory_space<vmem>>) dst(%dma_wait3A_109 : memref<64x128xf32, #tpu.memory_space<vmem_shared>>)
      tpu.yield
    }) : () -> ()
    %mul3A_30 = arith.constant 624 : i32
    %mul3A_31 = arith.muli %arg1, %mul3A_30 : i32
    %add3A_32 = arith.constant 320 : i32
    %add3A_33 = arith.addi %mul3A_31, %add3A_32 : i32
    "tpu.region"() ({
      %run_scoped3A = tpu.sem_alloc : memref<!tpu.dma_semaphore, #tpu.memory_space<semaphore_mem>>
      %dma_start3A_102 = arith.constant 0 : i32
      %dma_start3A_103 = tpu.memref_slice %arg19[%add3A_33, %dma_start3A_102] : memref<10000x128xf32, #tpu.memory_space<vmem_shared>> -> memref<64x128xf32, #tpu.memory_space<vmem_shared>>
      %dma_start3A_104 = arith.constant 0 : i32
      %dma_start3A_105 = tpu.memref_slice %arg19[%add3A_33, %dma_start3A_104] : memref<10000x128xf32, #tpu.memory_space<vmem_shared>> -> memref<64x128xf32, #tpu.memory_space<vmem_shared>>
      tpu.enqueue_dma source(%arg17 : memref<64x128xf32, #tpu.memory_space<vmem>>) target(%dma_start3A_105 : memref<64x128xf32, #tpu.memory_space<vmem_shared>>) target_semaphore(%run_scoped3A : memref<!tpu.dma_semaphore, #tpu.memory_space<semaphore_mem>>)
      %dma_wait3A_106 = arith.constant 0 : i32
      %dma_wait3A_107 = tpu.memref_slice %arg19[%add3A_33, %dma_wait3A_106] : memref<10000x128xf32, #tpu.memory_space<vmem_shared>> -> memref<64x128xf32, #tpu.memory_space<vmem_shared>>
      %dma_wait3A_108 = arith.constant 0 : i32
      %dma_wait3A_109 = tpu.memref_slice %arg19[%add3A_33, %dma_wait3A_108] : memref<10000x128xf32, #tpu.memory_space<vmem_shared>> -> memref<64x128xf32, #tpu.memory_space<vmem_shared>>
      tpu.wait_dma2 semaphore(%run_scoped3A : memref<!tpu.dma_semaphore, #tpu.memory_space<semaphore_mem>>) src(%arg17 : memref<64x128xf32, #tpu.memory_space<vmem>>) dst(%dma_wait3A_109 : memref<64x128xf32, #tpu.memory_space<vmem_shared>>)
      tpu.yield
    }) : () -> ()
    %mul3A_34 = arith.constant 624 : i32
    %mul3A_35 = arith.muli %arg1, %mul3A_34 : i32
    %add3A_36 = arith.constant 384 : i32
    %add3A_37 = arith.addi %mul3A_35, %add3A_36 : i32
    "tpu.region"() ({
      %run_scoped3A = tpu.sem_alloc : memref<!tpu.dma_semaphore, #tpu.memory_space<semaphore_mem>>
      %dma_start3A_102 = arith.constant 0 : i32
      %dma_start3A_103 = tpu.memref_slice %arg19[%add3A_37, %dma_start3A_102] : memref<10000x128xf32, #tpu.memory_space<vmem_shared>> -> memref<64x128xf32, #tpu.memory_space<vmem_shared>>
      %dma_start3A_104 = arith.constant 0 : i32
      %dma_start3A_105 = tpu.memref_slice %arg19[%add3A_37, %dma_start3A_104] : memref<10000x128xf32, #tpu.memory_space<vmem_shared>> -> memref<64x128xf32, #tpu.memory_space<vmem_shared>>
      tpu.enqueue_dma source(%arg17 : memref<64x128xf32, #tpu.memory_space<vmem>>) target(%dma_start3A_105 : memref<64x128xf32, #tpu.memory_space<vmem_shared>>) target_semaphore(%run_scoped3A : memref<!tpu.dma_semaphore, #tpu.memory_space<semaphore_mem>>)
      %dma_wait3A_106 = arith.constant 0 : i32
      %dma_wait3A_107 = tpu.memref_slice %arg19[%add3A_37, %dma_wait3A_106] : memref<10000x128xf32, #tpu.memory_space<vmem_shared>> -> memref<64x128xf32, #tpu.memory_space<vmem_shared>>
      %dma_wait3A_108 = arith.constant 0 : i32
      %dma_wait3A_109 = tpu.memref_slice %arg19[%add3A_37, %dma_wait3A_108] : memref<10000x128xf32, #tpu.memory_space<vmem_shared>> -> memref<64x128xf32, #tpu.memory_space<vmem_shared>>
      tpu.wait_dma2 semaphore(%run_scoped3A : memref<!tpu.dma_semaphore, #tpu.memory_space<semaphore_mem>>) src(%arg17 : memref<64x128xf32, #tpu.memory_space<vmem>>) dst(%dma_wait3A_109 : memref<64x128xf32, #tpu.memory_space<vmem_shared>>)
      tpu.yield
    }) : () -> ()
    %mul3A_38 = arith.constant 624 : i32
    %mul3A_39 = arith.muli %arg1, %mul3A_38 : i32
    %add3A_40 = arith.constant 448 : i32
    %add3A_41 = arith.addi %mul3A_39, %add3A_40 : i32
    "tpu.region"() ({
      %run_scoped3A = tpu.sem_alloc : memref<!tpu.dma_semaphore, #tpu.memory_space<semaphore_mem>>
      %dma_start3A_102 = arith.constant 0 : i32
      %dma_start3A_103 = tpu.memref_slice %arg19[%add3A_41, %dma_start3A_102] : memref<10000x128xf32, #tpu.memory_space<vmem_shared>> -> memref<64x128xf32, #tpu.memory_space<vmem_shared>>
      %dma_start3A_104 = arith.constant 0 : i32
      %dma_start3A_105 = tpu.memref_slice %arg19[%add3A_41, %dma_start3A_104] : memref<10000x128xf32, #tpu.memory_space<vmem_shared>> -> memref<64x128xf32, #tpu.memory_space<vmem_shared>>
      tpu.enqueue_dma source(%arg17 : memref<64x128xf32, #tpu.memory_space<vmem>>) target(%dma_start3A_105 : memref<64x128xf32, #tpu.memory_space<vmem_shared>>) target_semaphore(%run_scoped3A : memref<!tpu.dma_semaphore, #tpu.memory_space<semaphore_mem>>)
      %dma_wait3A_106 = arith.constant 0 : i32
      %dma_wait3A_107 = tpu.memref_slice %arg19[%add3A_41, %dma_wait3A_106] : memref<10000x128xf32, #tpu.memory_space<vmem_shared>> -> memref<64x128xf32, #tpu.memory_space<vmem_shared>>
      %dma_wait3A_108 = arith.constant 0 : i32
      %dma_wait3A_109 = tpu.memref_slice %arg19[%add3A_41, %dma_wait3A_108] : memref<10000x128xf32, #tpu.memory_space<vmem_shared>> -> memref<64x128xf32, #tpu.memory_space<vmem_shared>>
      tpu.wait_dma2 semaphore(%run_scoped3A : memref<!tpu.dma_semaphore, #tpu.memory_space<semaphore_mem>>) src(%arg17 : memref<64x128xf32, #tpu.memory_space<vmem>>) dst(%dma_wait3A_109 : memref<64x128xf32, #tpu.memory_space<vmem_shared>>)
      tpu.yield
    }) : () -> ()
    %mul3A_42 = arith.constant 624 : i32
    %mul3A_43 = arith.muli %arg1, %mul3A_42 : i32
    %add3A_44 = arith.constant 512 : i32
    %add3A_45 = arith.addi %mul3A_43, %add3A_44 : i32
    "tpu.region"() ({
      %run_scoped3A = tpu.sem_alloc : memref<!tpu.dma_semaphore, #tpu.memory_space<semaphore_mem>>
      %dma_start3A_102 = arith.constant 0 : i32
      %dma_start3A_103 = tpu.memref_slice %arg19[%add3A_45, %dma_start3A_102] : memref<10000x128xf32, #tpu.memory_space<vmem_shared>> -> memref<64x128xf32, #tpu.memory_space<vmem_shared>>
      %dma_start3A_104 = arith.constant 0 : i32
      %dma_start3A_105 = tpu.memref_slice %arg19[%add3A_45, %dma_start3A_104] : memref<10000x128xf32, #tpu.memory_space<vmem_shared>> -> memref<64x128xf32, #tpu.memory_space<vmem_shared>>
      tpu.enqueue_dma source(%arg17 : memref<64x128xf32, #tpu.memory_space<vmem>>) target(%dma_start3A_105 : memref<64x128xf32, #tpu.memory_space<vmem_shared>>) target_semaphore(%run_scoped3A : memref<!tpu.dma_semaphore, #tpu.memory_space<semaphore_mem>>)
      %dma_wait3A_106 = arith.constant 0 : i32
      %dma_wait3A_107 = tpu.memref_slice %arg19[%add3A_45, %dma_wait3A_106] : memref<10000x128xf32, #tpu.memory_space<vmem_shared>> -> memref<64x128xf32, #tpu.memory_space<vmem_shared>>
      %dma_wait3A_108 = arith.constant 0 : i32
      %dma_wait3A_109 = tpu.memref_slice %arg19[%add3A_45, %dma_wait3A_108] : memref<10000x128xf32, #tpu.memory_space<vmem_shared>> -> memref<64x128xf32, #tpu.memory_space<vmem_shared>>
      tpu.wait_dma2 semaphore(%run_scoped3A : memref<!tpu.dma_semaphore, #tpu.memory_space<semaphore_mem>>) src(%arg17 : memref<64x128xf32, #tpu.memory_space<vmem>>) dst(%dma_wait3A_109 : memref<64x128xf32, #tpu.memory_space<vmem_shared>>)
      tpu.yield
    }) : () -> ()
    %mul3A_46 = arith.constant 624 : i32
    %mul3A_47 = arith.muli %arg1, %mul3A_46 : i32
    %add3A_48 = arith.constant 576 : i32
    %add3A_49 = arith.addi %mul3A_47, %add3A_48 : i32
    "tpu.region"() ({
      %run_scoped3A = tpu.sem_alloc : memref<!tpu.dma_semaphore, #tpu.memory_space<semaphore_mem>>
      %dma_start3A_102 = arith.constant 0 : i32
      %dma_start3A_103 = arith.constant 0 : i32
      %dma_start3A_104 = tpu.memref_slice %arg17[%dma_start3A_102, %dma_start3A_103] : memref<64x128xf32, #tpu.memory_space<vmem>> -> memref<48x128xf32, #tpu.memory_space<vmem>>
      %dma_start3A_105 = arith.constant 0 : i32
      %dma_start3A_106 = tpu.memref_slice %arg19[%add3A_49, %dma_start3A_105] : memref<10000x128xf32, #tpu.memory_space<vmem_shared>> -> memref<48x128xf32, #tpu.memory_space<vmem_shared>>
      %dma_start3A_107 = arith.constant 0 : i32
      %dma_start3A_108 = tpu.memref_slice %arg19[%add3A_49, %dma_start3A_107] : memref<10000x128xf32, #tpu.memory_space<vmem_shared>> -> memref<48x128xf32, #tpu.memory_space<vmem_shared>>
      %dma_start3A_109 = arith.constant 0 : i32
      %dma_start3A_110 = arith.constant 0 : i32
      %dma_start3A_111 = tpu.memref_slice %arg17[%dma_start3A_109, %dma_start3A_110] : memref<64x128xf32, #tpu.memory_space<vmem>> -> memref<48x128xf32, #tpu.memory_space<vmem>>
      tpu.enqueue_dma source(%dma_start3A_111 : memref<48x128xf32, #tpu.memory_space<vmem>>) target(%dma_start3A_108 : memref<48x128xf32, #tpu.memory_space<vmem_shared>>) target_semaphore(%run_scoped3A : memref<!tpu.dma_semaphore, #tpu.memory_space<semaphore_mem>>)
      %dma_wait3A_112 = arith.constant 0 : i32
      %dma_wait3A_113 = arith.constant 0 : i32
      %dma_wait3A_114 = tpu.memref_slice %arg17[%dma_wait3A_112, %dma_wait3A_113] : memref<64x128xf32, #tpu.memory_space<vmem>> -> memref<48x128xf32, #tpu.memory_space<vmem>>
      %dma_wait3A_115 = arith.constant 0 : i32
      %dma_wait3A_116 = tpu.memref_slice %arg19[%add3A_49, %dma_wait3A_115] : memref<10000x128xf32, #tpu.memory_space<vmem_shared>> -> memref<48x128xf32, #tpu.memory_space<vmem_shared>>
      %dma_wait3A_117 = arith.constant 0 : i32
      %dma_wait3A_118 = tpu.memref_slice %arg19[%add3A_49, %dma_wait3A_117] : memref<10000x128xf32, #tpu.memory_space<vmem_shared>> -> memref<48x128xf32, #tpu.memory_space<vmem_shared>>
      %dma_wait3A_119 = arith.constant 0 : i32
      %dma_wait3A_120 = arith.constant 0 : i32
      %dma_wait3A_121 = tpu.memref_slice %arg17[%dma_wait3A_119, %dma_wait3A_120] : memref<64x128xf32, #tpu.memory_space<vmem>> -> memref<48x128xf32, #tpu.memory_space<vmem>>
      tpu.wait_dma2 semaphore(%run_scoped3A : memref<!tpu.dma_semaphore, #tpu.memory_space<semaphore_mem>>) src(%dma_wait3A_121 : memref<48x128xf32, #tpu.memory_space<vmem>>) dst(%dma_wait3A_118 : memref<48x128xf32, #tpu.memory_space<vmem_shared>>)
      tpu.yield
    }) : () -> ()
    %eq3A = arith.constant 0 : i32
    %eq3A_50 = arith.cmpi eq, %arg1, %eq3A : i32
    %convert_element_type3A = arith.extui %eq3A_50 : i1 to i32
    %cond3A = arith.constant 0 : i32
    %cond3A_51 = arith.cmpi ne, %convert_element_type3A, %cond3A : i32
    scf.if %cond3A_51 {
      "tpu.region"() ({
        %run_scoped3A = tpu.sem_alloc : memref<!tpu.dma_semaphore, #tpu.memory_space<semaphore_mem>>
        %dma_start3A_102 = arith.constant 0 : i32
        %dma_start3A_103 = arith.constant 0 : i32
        %dma_start3A_104 = tpu.memref_slice %arg17[%dma_start3A_102, %dma_start3A_103] : memref<64x128xf32, #tpu.memory_space<vmem>> -> memref<16x128xf32, #tpu.memory_space<vmem>>
        %dma_start3A_105 = arith.constant 9984 : i32
        %dma_start3A_106 = arith.constant 0 : i32
        %dma_start3A_107 = tpu.memref_slice %arg19[%dma_start3A_105, %dma_start3A_106] : memref<10000x128xf32, #tpu.memory_space<vmem_shared>> -> memref<16x128xf32, #tpu.memory_space<vmem_shared>>
        %dma_start3A_108 = arith.constant 9984 : i32
        %dma_start3A_109 = arith.constant 0 : i32
        %dma_start3A_110 = tpu.memref_slice %arg19[%dma_start3A_108, %dma_start3A_109] : memref<10000x128xf32, #tpu.memory_space<vmem_shared>> -> memref<16x128xf32, #tpu.memory_space<vmem_shared>>
        %dma_start3A_111 = arith.constant 0 : i32
        %dma_start3A_112 = arith.constant 0 : i32
        %dma_start3A_113 = tpu.memref_slice %arg17[%dma_start3A_111, %dma_start3A_112] : memref<64x128xf32, #tpu.memory_space<vmem>> -> memref<16x128xf32, #tpu.memory_space<vmem>>
        tpu.enqueue_dma source(%dma_start3A_113 : memref<16x128xf32, #tpu.memory_space<vmem>>) target(%dma_start3A_110 : memref<16x128xf32, #tpu.memory_space<vmem_shared>>) target_semaphore(%run_scoped3A : memref<!tpu.dma_semaphore, #tpu.memory_space<semaphore_mem>>)
        %dma_wait3A_114 = arith.constant 0 : i32
        %dma_wait3A_115 = arith.constant 0 : i32
        %dma_wait3A_116 = tpu.memref_slice %arg17[%dma_wait3A_114, %dma_wait3A_115] : memref<64x128xf32, #tpu.memory_space<vmem>> -> memref<16x128xf32, #tpu.memory_space<vmem>>
        %dma_wait3A_117 = arith.constant 9984 : i32
        %dma_wait3A_118 = arith.constant 0 : i32
        %dma_wait3A_119 = tpu.memref_slice %arg19[%dma_wait3A_117, %dma_wait3A_118] : memref<10000x128xf32, #tpu.memory_space<vmem_shared>> -> memref<16x128xf32, #tpu.memory_space<vmem_shared>>
        %dma_wait3A_120 = arith.constant 9984 : i32
        %dma_wait3A_121 = arith.constant 0 : i32
        %dma_wait3A_122 = tpu.memref_slice %arg19[%dma_wait3A_120, %dma_wait3A_121] : memref<10000x128xf32, #tpu.memory_space<vmem_shared>> -> memref<16x128xf32, #tpu.memory_space<vmem_shared>>
        %dma_wait3A_123 = arith.constant 0 : i32
        %dma_wait3A_124 = arith.constant 0 : i32
        %dma_wait3A_125 = tpu.memref_slice %arg17[%dma_wait3A_123, %dma_wait3A_124] : memref<64x128xf32, #tpu.memory_space<vmem>> -> memref<16x128xf32, #tpu.memory_space<vmem>>
        tpu.wait_dma2 semaphore(%run_scoped3A : memref<!tpu.dma_semaphore, #tpu.memory_space<semaphore_mem>>) src(%dma_wait3A_125 : memref<16x128xf32, #tpu.memory_space<vmem>>) dst(%dma_wait3A_122 : memref<16x128xf32, #tpu.memory_space<vmem_shared>>)
        tpu.yield
      }) : () -> ()
    } else {
    }
    %barrier3A = arith.constant 0 : index
    tpu.barrier barrier_id(%barrier3A)
    %add3A_52 = arith.constant 0 : i32
    %add3A_53 = arith.addi %mul3A_0, %add3A_52 : i32
    %dma_start3A = tpu.memref_slice %arg2[%add3A_53] : memref<323584xi32, #tpu.memory_space<hbm>> -> memref<64xi32, #tpu.memory_space<hbm>>
    %dma_start3A_54 = tpu.memref_slice %arg2[%add3A_53] : memref<323584xi32, #tpu.memory_space<hbm>> -> memref<64xi32, #tpu.memory_space<hbm>>
    tpu.enqueue_dma source(%dma_start3A_54 : memref<64xi32, #tpu.memory_space<hbm>>) target(%arg7 : memref<64xi32, #tpu.memory_space<vmem>>) target_semaphore(%arg20 : memref<!tpu.dma_semaphore, #tpu.memory_space<semaphore_mem>>)
    %dma_start3A_55 = tpu.memref_slice %arg3[%add3A_53] : memref<323584xi32, #tpu.memory_space<hbm>> -> memref<64xi32, #tpu.memory_space<hbm>>
    %dma_start3A_56 = tpu.memref_slice %arg3[%add3A_53] : memref<323584xi32, #tpu.memory_space<hbm>> -> memref<64xi32, #tpu.memory_space<hbm>>
    tpu.enqueue_dma source(%dma_start3A_56 : memref<64xi32, #tpu.memory_space<hbm>>) target(%arg9 : memref<64xi32, #tpu.memory_space<vmem>>) target_semaphore(%arg22 : memref<!tpu.dma_semaphore, #tpu.memory_space<semaphore_mem>>)
    %add3A_57 = arith.constant 64 : i32
    %add3A_58 = arith.addi %mul3A_0, %add3A_57 : i32
    %dma_start3A_59 = tpu.memref_slice %arg2[%add3A_58] : memref<323584xi32, #tpu.memory_space<hbm>> -> memref<64xi32, #tpu.memory_space<hbm>>
    %dma_start3A_60 = tpu.memref_slice %arg2[%add3A_58] : memref<323584xi32, #tpu.memory_space<hbm>> -> memref<64xi32, #tpu.memory_space<hbm>>
    tpu.enqueue_dma source(%dma_start3A_60 : memref<64xi32, #tpu.memory_space<hbm>>) target(%arg8 : memref<64xi32, #tpu.memory_space<vmem>>) target_semaphore(%arg21 : memref<!tpu.dma_semaphore, #tpu.memory_space<semaphore_mem>>)
    %dma_start3A_61 = tpu.memref_slice %arg3[%add3A_58] : memref<323584xi32, #tpu.memory_space<hbm>> -> memref<64xi32, #tpu.memory_space<hbm>>
    %dma_start3A_62 = tpu.memref_slice %arg3[%add3A_58] : memref<323584xi32, #tpu.memory_space<hbm>> -> memref<64xi32, #tpu.memory_space<hbm>>
    tpu.enqueue_dma source(%dma_start3A_62 : memref<64xi32, #tpu.memory_space<hbm>>) target(%arg10 : memref<64xi32, #tpu.memory_space<vmem>>) target_semaphore(%arg23 : memref<!tpu.dma_semaphore, #tpu.memory_space<semaphore_mem>>)
    %add3A_63 = arith.constant 0 : i32
    %add3A_64 = arith.addi %mul3A_0, %add3A_63 : i32
    %dma_wait3A = tpu.memref_slice %arg2[%add3A_64] : memref<323584xi32, #tpu.memory_space<hbm>> -> memref<64xi32, #tpu.memory_space<hbm>>
    %dma_wait3A_65 = tpu.memref_slice %arg2[%add3A_64] : memref<323584xi32, #tpu.memory_space<hbm>> -> memref<64xi32, #tpu.memory_space<hbm>>
    tpu.wait_dma2 semaphore(%arg20 : memref<!tpu.dma_semaphore, #tpu.memory_space<semaphore_mem>>) src(%dma_wait3A_65 : memref<64xi32, #tpu.memory_space<hbm>>) dst(%arg7 : memref<64xi32, #tpu.memory_space<vmem>>)
    %dma_wait3A_66 = tpu.memref_slice %arg3[%add3A_64] : memref<323584xi32, #tpu.memory_space<hbm>> -> memref<64xi32, #tpu.memory_space<hbm>>
    %dma_wait3A_67 = tpu.memref_slice %arg3[%add3A_64] : memref<323584xi32, #tpu.memory_space<hbm>> -> memref<64xi32, #tpu.memory_space<hbm>>
    tpu.wait_dma2 semaphore(%arg22 : memref<!tpu.dma_semaphore, #tpu.memory_space<semaphore_mem>>) src(%dma_wait3A_67 : memref<64xi32, #tpu.memory_space<hbm>>) dst(%arg9 : memref<64xi32, #tpu.memory_space<vmem>>)
    %dma_start3A_68 = arith.constant 0 : i32
    %dma_start3A_69 = arith.constant 0 : i32
    %dma_start3A_70 = tpu.memref_slice %arg4[%dma_start3A_68, %dma_start3A_69] : memref<10000x128xf32, #tpu.memory_space<hbm>> -> memref<10000x128xf32, #tpu.memory_space<hbm>>
    tpu.enqueue_indirect_dma source(%dma_start3A_70 : memref<10000x128xf32, #tpu.memory_space<hbm>>) target(%arg13 : memref<64x128xf32, #tpu.memory_space<vmem>>) offsets(%arg7 : memref<64xi32, #tpu.memory_space<vmem>>) semaphore(%arg24 : memref<!tpu.dma_semaphore, #tpu.memory_space<semaphore_mem>>)
    %add3A_71 = arith.constant 0 : i32
    %add3A_72 = arith.addi %add3A, %add3A_71 : i32
    %dma_start3A_73 = arith.constant 0 : i32
    %dma_start3A_74 = tpu.memref_slice %arg5[%add3A_72, %dma_start3A_73] : memref<323584x128xi32, #tpu.memory_space<hbm>> -> memref<32x128xi32, #tpu.memory_space<hbm>>
    %dma_start3A_75 = arith.constant 0 : i32
    %dma_start3A_76 = tpu.memref_slice %arg5[%add3A_72, %dma_start3A_75] : memref<323584x128xi32, #tpu.memory_space<hbm>> -> memref<32x128xi32, #tpu.memory_space<hbm>>
    tpu.enqueue_dma source(%dma_start3A_76 : memref<32x128xi32, #tpu.memory_space<hbm>>) target(%arg15 : memref<32x128xi32, #tpu.memory_space<vmem>>) target_semaphore(%arg26 : memref<!tpu.dma_semaphore, #tpu.memory_space<semaphore_mem>>)
    %scan3A_77 = arith.constant 0 : i32
    %scan3A_78 = arith.constant 0 : i32
    %scan3A_79 = arith.constant 158 : i32
    %scan3A_80 = arith.addi %scan3A_78, %scan3A_79 : i32
    %scan3A_81 = arith.constant 1 : i32
    scf.for %scan3A_102 = %scan3A_78 to %scan3A_80 step %scan3A_81  : i32 {
      %mul3A_103 = arith.constant 2 : i32
      %mul3A_104 = arith.muli %mul3A_103, %scan3A_102 : i32
      %ge3A = arith.constant 2 : i32
      %ge3A_105 = arith.cmpi sge, %mul3A_104, %ge3A : i32
      %convert_element_type3A_106 = arith.extui %ge3A_105 : i1 to i32
      %cond3A_107 = arith.constant 0 : i32
      %cond3A_108 = arith.cmpi ne, %convert_element_type3A_106, %cond3A_107 : i32
      scf.if %cond3A_108 {
        %dma_wait3A_230 = arith.constant 0 : i32
        %dma_wait3A_231 = arith.constant 0 : i32
        %dma_wait3A_232 = tpu.memref_slice %arg19[%dma_wait3A_230, %dma_wait3A_231] : memref<10000x128xf32, #tpu.memory_space<vmem_shared>> -> memref<10000x128xf32, #tpu.memory_space<vmem_shared>>
        tpu.wait_indirect_dma semaphore(%arg28 : memref<!tpu.dma_semaphore, #tpu.memory_space<semaphore_mem>>) src(%arg17 : memref<64x128xf32, #tpu.memory_space<vmem>>) dst(%dma_wait3A_232 : memref<10000x128xf32, #tpu.memory_space<vmem_shared>>)
      } else {
      }
      %dma_wait3A_109 = arith.constant 0 : i32
      %dma_wait3A_110 = arith.constant 0 : i32
      %dma_wait3A_111 = tpu.memref_slice %arg4[%dma_wait3A_109, %dma_wait3A_110] : memref<10000x128xf32, #tpu.memory_space<hbm>> -> memref<10000x128xf32, #tpu.memory_space<hbm>>
      tpu.wait_indirect_dma semaphore(%arg24 : memref<!tpu.dma_semaphore, #tpu.memory_space<semaphore_mem>>) src(%dma_wait3A_111 : memref<10000x128xf32, #tpu.memory_space<hbm>>) dst(%arg13 : memref<64x128xf32, #tpu.memory_space<vmem>>)
      %mul3A_112 = arith.constant 32 : i32
      %mul3A_113 = arith.muli %mul3A_104, %mul3A_112 : i32
      %add3A_114 = arith.addi %add3A, %mul3A_113 : i32
      %dma_wait3A_115 = arith.constant 0 : i32
      %dma_wait3A_116 = tpu.memref_slice %arg5[%add3A_114, %dma_wait3A_115] : memref<323584x128xi32, #tpu.memory_space<hbm>> -> memref<32x128xi32, #tpu.memory_space<hbm>>
      %dma_wait3A_117 = arith.constant 0 : i32
      %dma_wait3A_118 = tpu.memref_slice %arg5[%add3A_114, %dma_wait3A_117] : memref<323584x128xi32, #tpu.memory_space<hbm>> -> memref<32x128xi32, #tpu.memory_space<hbm>>
      tpu.wait_dma2 semaphore(%arg26 : memref<!tpu.dma_semaphore, #tpu.memory_space<semaphore_mem>>) src(%dma_wait3A_118 : memref<32x128xi32, #tpu.memory_space<hbm>>) dst(%arg15 : memref<32x128xi32, #tpu.memory_space<vmem>>)
      %get3A = arith.constant 0 : index
      %get3A_119 = tpu.vector_load %arg9[%get3A] {strides = array<i32>} : memref<64xi32, #tpu.memory_space<vmem>>, vector<16xi32>,
      %get3A_120 = vector.shape_cast %get3A_119 : vector<16xi32> to vector<16xi32>
      %swap3A = arith.constant 0 : index
      %swap3A_121 = tpu.vector_load %arg11[%swap3A] {strides = array<i32>} : memref<64xi32, #tpu.memory_space<vmem>>, vector<16xi32>,
      %swap3A_122 = vector.shape_cast %swap3A_121 : vector<16xi32> to vector<16xi32>
      %swap3A_123 = vector.shape_cast %get3A_120 : vector<16xi32> to vector<16xi32>
      tpu.vector_store %arg11[%swap3A], %swap3A_123 {strides = array<i32>} : memref<64xi32, #tpu.memory_space<vmem>>, vector<16xi32>,
      %get3A_124 = arith.constant 16 : index
      %get3A_125 = tpu.vector_load %arg9[%get3A_124] {strides = array<i32>} : memref<64xi32, #tpu.memory_space<vmem>>, vector<16xi32>,
      %get3A_126 = vector.shape_cast %get3A_125 : vector<16xi32> to vector<16xi32>
      %swap3A_127 = arith.constant 16 : index
      %swap3A_128 = tpu.vector_load %arg11[%swap3A_127] {strides = array<i32>} : memref<64xi32, #tpu.memory_space<vmem>>, vector<16xi32>,
      %swap3A_129 = vector.shape_cast %swap3A_128 : vector<16xi32> to vector<16xi32>
      %swap3A_130 = vector.shape_cast %get3A_126 : vector<16xi32> to vector<16xi32>
      tpu.vector_store %arg11[%swap3A_127], %swap3A_130 {strides = array<i32>} : memref<64xi32, #tpu.memory_space<vmem>>, vector<16xi32>,
      %get3A_131 = arith.constant 32 : index
      %get3A_132 = tpu.vector_load %arg9[%get3A_131] {strides = array<i32>} : memref<64xi32, #tpu.memory_space<vmem>>, vector<16xi32>,
      %get3A_133 = vector.shape_cast %get3A_132 : vector<16xi32> to vector<16xi32>
      %swap3A_134 = arith.constant 32 : index
      %swap3A_135 = tpu.vector_load %arg11[%swap3A_134] {strides = array<i32>} : memref<64xi32, #tpu.memory_space<vmem>>, vector<16xi32>,
      %swap3A_136 = vector.shape_cast %swap3A_135 : vector<16xi32> to vector<16xi32>
      %swap3A_137 = vector.shape_cast %get3A_133 : vector<16xi32> to vector<16xi32>
      tpu.vector_store %arg11[%swap3A_134], %swap3A_137 {strides = array<i32>} : memref<64xi32, #tpu.memory_space<vmem>>, vector<16xi32>,
      %get3A_138 = arith.constant 48 : index
      %get3A_139 = tpu.vector_load %arg9[%get3A_138] {strides = array<i32>} : memref<64xi32, #tpu.memory_space<vmem>>, vector<16xi32>,
      %get3A_140 = vector.shape_cast %get3A_139 : vector<16xi32> to vector<16xi32>
      %swap3A_141 = arith.constant 48 : index
      %swap3A_142 = tpu.vector_load %arg11[%swap3A_141] {strides = array<i32>} : memref<64xi32, #tpu.memory_space<vmem>>, vector<16xi32>,
      %swap3A_143 = vector.shape_cast %swap3A_142 : vector<16xi32> to vector<16xi32>
      %swap3A_144 = vector.shape_cast %get3A_140 : vector<16xi32> to vector<16xi32>
      tpu.vector_store %arg11[%swap3A_141], %swap3A_144 {strides = array<i32>} : memref<64xi32, #tpu.memory_space<vmem>>, vector<16xi32>,
      %add3A_145 = arith.constant 2 : i32
      %add3A_146 = arith.addi %mul3A_104, %add3A_145 : i32
      %lt3A = arith.constant 316 : i32
      %lt3A_147 = arith.cmpi slt, %add3A_146, %lt3A : i32
      %convert_element_type3A_148 = arith.extui %lt3A_147 : i1 to i32
      %cond3A_149 = arith.constant 0 : i32
      %cond3A_150 = arith.cmpi ne, %convert_element_type3A_148, %cond3A_149 : i32
      scf.if %cond3A_150 {
        %add3A_230 = arith.constant 2 : i32
        %add3A_231 = arith.addi %mul3A_104, %add3A_230 : i32
        %mul3A_232 = arith.constant 64 : i32
        %mul3A_233 = arith.muli %add3A_231, %mul3A_232 : i32
        %add3A_234 = arith.addi %mul3A_0, %mul3A_233 : i32
        %dma_start3A_235 = tpu.memref_slice %arg2[%add3A_234] : memref<323584xi32, #tpu.memory_space<hbm>> -> memref<64xi32, #tpu.memory_space<hbm>>
        %dma_start3A_236 = tpu.memref_slice %arg2[%add3A_234] : memref<323584xi32, #tpu.memory_space<hbm>> -> memref<64xi32, #tpu.memory_space<hbm>>
        tpu.enqueue_dma source(%dma_start3A_236 : memref<64xi32, #tpu.memory_space<hbm>>) target(%arg7 : memref<64xi32, #tpu.memory_space<vmem>>) target_semaphore(%arg20 : memref<!tpu.dma_semaphore, #tpu.memory_space<semaphore_mem>>)
        %dma_start3A_237 = tpu.memref_slice %arg3[%add3A_234] : memref<323584xi32, #tpu.memory_space<hbm>> -> memref<64xi32, #tpu.memory_space<hbm>>
        %dma_start3A_238 = tpu.memref_slice %arg3[%add3A_234] : memref<323584xi32, #tpu.memory_space<hbm>> -> memref<64xi32, #tpu.memory_space<hbm>>
        tpu.enqueue_dma source(%dma_start3A_238 : memref<64xi32, #tpu.memory_space<hbm>>) target(%arg9 : memref<64xi32, #tpu.memory_space<vmem>>) target_semaphore(%arg22 : memref<!tpu.dma_semaphore, #tpu.memory_space<semaphore_mem>>)
      } else {
      }
      %add3A_151 = arith.constant 1 : i32
      %add3A_152 = arith.addi %mul3A_104, %add3A_151 : i32
      %lt3A_153 = arith.constant 316 : i32
      %lt3A_154 = arith.cmpi slt, %add3A_152, %lt3A_153 : i32
      %convert_element_type3A_155 = arith.extui %lt3A_154 : i1 to i32
      %cond3A_156 = arith.constant 0 : i32
      %cond3A_157 = arith.cmpi ne, %convert_element_type3A_155, %cond3A_156 : i32
      scf.if %cond3A_157 {
        %add3A_230 = arith.constant 1 : i32
        %add3A_231 = arith.addi %mul3A_104, %add3A_230 : i32
        %mul3A_232 = arith.constant 64 : i32
        %mul3A_233 = arith.muli %add3A_231, %mul3A_232 : i32
        %add3A_234 = arith.addi %mul3A_0, %mul3A_233 : i32
        %dma_wait3A_235 = tpu.memref_slice %arg2[%add3A_234] : memref<323584xi32, #tpu.memory_space<hbm>> -> memref<64xi32, #tpu.memory_space<hbm>>
        %dma_wait3A_236 = tpu.memref_slice %arg2[%add3A_234] : memref<323584xi32, #tpu.memory_space<hbm>> -> memref<64xi32, #tpu.memory_space<hbm>>
        tpu.wait_dma2 semaphore(%arg21 : memref<!tpu.dma_semaphore, #tpu.memory_space<semaphore_mem>>) src(%dma_wait3A_236 : memref<64xi32, #tpu.memory_space<hbm>>) dst(%arg8 : memref<64xi32, #tpu.memory_space<vmem>>)
        %dma_wait3A_237 = tpu.memref_slice %arg3[%add3A_234] : memref<323584xi32, #tpu.memory_space<hbm>> -> memref<64xi32, #tpu.memory_space<hbm>>
        %dma_wait3A_238 = tpu.memref_slice %arg3[%add3A_234] : memref<323584xi32, #tpu.memory_space<hbm>> -> memref<64xi32, #tpu.memory_space<hbm>>
        tpu.wait_dma2 semaphore(%arg23 : memref<!tpu.dma_semaphore, #tpu.memory_space<semaphore_mem>>) src(%dma_wait3A_238 : memref<64xi32, #tpu.memory_space<hbm>>) dst(%arg10 : memref<64xi32, #tpu.memory_space<vmem>>)
        %add3A_239 = arith.constant 1 : i32
        %add3A_240 = arith.addi %mul3A_104, %add3A_239 : i32
        %dma_start3A_241 = arith.constant 0 : i32
        %dma_start3A_242 = arith.constant 0 : i32
        %dma_start3A_243 = tpu.memref_slice %arg4[%dma_start3A_241, %dma_start3A_242] : memref<10000x128xf32, #tpu.memory_space<hbm>> -> memref<10000x128xf32, #tpu.memory_space<hbm>>
        tpu.enqueue_indirect_dma source(%dma_start3A_243 : memref<10000x128xf32, #tpu.memory_space<hbm>>) target(%arg14 : memref<64x128xf32, #tpu.memory_space<vmem>>) offsets(%arg8 : memref<64xi32, #tpu.memory_space<vmem>>) semaphore(%arg25 : memref<!tpu.dma_semaphore, #tpu.memory_space<semaphore_mem>>)
        %mul3A_244 = arith.constant 32 : i32
        %mul3A_245 = arith.muli %add3A_240, %mul3A_244 : i32
        %add3A_246 = arith.addi %add3A, %mul3A_245 : i32
        %dma_start3A_247 = arith.constant 0 : i32
        %dma_start3A_248 = tpu.memref_slice %arg5[%add3A_246, %dma_start3A_247] : memref<323584x128xi32, #tpu.memory_space<hbm>> -> memref<32x128xi32, #tpu.memory_space<hbm>>
        %dma_start3A_249 = arith.constant 0 : i32
        %dma_start3A_250 = tpu.memref_slice %arg5[%add3A_246, %dma_start3A_249] : memref<323584x128xi32, #tpu.memory_space<hbm>> -> memref<32x128xi32, #tpu.memory_space<hbm>>
        tpu.enqueue_dma source(%dma_start3A_250 : memref<32x128xi32, #tpu.memory_space<hbm>>) target(%arg16 : memref<32x128xi32, #tpu.memory_space<vmem>>) target_semaphore(%arg27 : memref<!tpu.dma_semaphore, #tpu.memory_space<semaphore_mem>>)
      } else {
      }
      %parallel_loop3A = arith.constant 0 : i32
      %parallel_loop3A_158 = arith.constant 32 : i32
      %parallel_loop3A_159 = arith.constant 1 : i32
      scf.for %parallel_loop3A_230 = %parallel_loop3A to %parallel_loop3A_158 step %parallel_loop3A_159  : i32 {
        %parallel_loop3A_231 = arith.constant 2 : i32
        %parallel_loop3A_232 = arith.muli %parallel_loop3A_231, %parallel_loop3A_230 : i32
        %parallel_loop3A_233 = arith.index_cast %parallel_loop3A_230 : i32 to index
        %parallel_loop3A_234 = arith.constant 0 : index
        %parallel_loop3A_235 = tpu.vector_load %arg15[%parallel_loop3A_233, %parallel_loop3A_234] {strides = array<i32>} : memref<32x128xi32, #tpu.memory_space<vmem>>, vector<1x16xi32>,
        %parallel_loop3A_236 = vector.shape_cast %parallel_loop3A_235 : vector<1x16xi32> to vector<16xi32>
        %parallel_loop3A_237 = arith.constant 16 : i32
        %parallel_loop3A_238 = vector.broadcast %parallel_loop3A_237 : i32 to vector<16xi32>
        %parallel_loop3A_239 = arith.shli %parallel_loop3A_236, %parallel_loop3A_238 : vector<16xi32>
        %parallel_loop3A_240 = tpu.bitcast %parallel_loop3A_239 : vector<16xi32> -> vector<16xf32>
        %parallel_loop3A_241 = arith.constant -65536 : i32
        %parallel_loop3A_242 = vector.broadcast %parallel_loop3A_241 : i32 to vector<16xi32>
        %parallel_loop3A_243 = arith.andi %parallel_loop3A_236, %parallel_loop3A_242 : vector<16xi32>
        %parallel_loop3A_244 = tpu.bitcast %parallel_loop3A_243 : vector<16xi32> -> vector<16xf32>
        %parallel_loop3A_245 = arith.index_cast %parallel_loop3A_232 : i32 to index
        %parallel_loop3A_246 = arith.constant 0 : index
        %parallel_loop3A_247 = tpu.vector_load %arg13[%parallel_loop3A_245, %parallel_loop3A_246] {strides = array<i32>} : memref<64x128xf32, #tpu.memory_space<vmem>>, vector<1x16xf32>,
        %parallel_loop3A_248 = vector.shape_cast %parallel_loop3A_247 : vector<1x16xf32> to vector<16xf32>
        %parallel_loop3A_249 = arith.mulf %parallel_loop3A_248, %parallel_loop3A_240 : vector<16xf32>
        %parallel_loop3A_250 = arith.index_cast %parallel_loop3A_232 : i32 to index
        %parallel_loop3A_251 = arith.constant 0 : index
        %parallel_loop3A_252 = tpu.vector_load %arg17[%parallel_loop3A_250, %parallel_loop3A_251] {strides = array<i32>} : memref<64x128xf32, #tpu.memory_space<vmem>>, vector<1x16xf32>,
        %parallel_loop3A_253 = vector.shape_cast %parallel_loop3A_252 : vector<1x16xf32> to vector<16xf32>
        %parallel_loop3A_254 = vector.shape_cast %parallel_loop3A_249 : vector<16xf32> to vector<1x16xf32>
        tpu.vector_store %arg17[%parallel_loop3A_250, %parallel_loop3A_251], %parallel_loop3A_254 {strides = array<i32>} : memref<64x128xf32, #tpu.memory_space<vmem>>, vector<1x16xf32>,
        %parallel_loop3A_255 = arith.constant 1 : i32
        %parallel_loop3A_256 = arith.addi %parallel_loop3A_232, %parallel_loop3A_255 : i32
        %parallel_loop3A_257 = arith.index_cast %parallel_loop3A_256 : i32 to index
        %parallel_loop3A_258 = arith.constant 0 : index
        %parallel_loop3A_259 = tpu.vector_load %arg13[%parallel_loop3A_257, %parallel_loop3A_258] {strides = array<i32>} : memref<64x128xf32, #tpu.memory_space<vmem>>, vector<1x16xf32>,
        %parallel_loop3A_260 = vector.shape_cast %parallel_loop3A_259 : vector<1x16xf32> to vector<16xf32>
        %parallel_loop3A_261 = arith.mulf %parallel_loop3A_260, %parallel_loop3A_244 : vector<16xf32>
        %parallel_loop3A_262 = arith.constant 1 : i32
        %parallel_loop3A_263 = arith.addi %parallel_loop3A_232, %parallel_loop3A_262 : i32
        %parallel_loop3A_264 = arith.index_cast %parallel_loop3A_263 : i32 to index
        %parallel_loop3A_265 = arith.constant 0 : index
        %parallel_loop3A_266 = tpu.vector_load %arg17[%parallel_loop3A_264, %parallel_loop3A_265] {strides = array<i32>} : memref<64x128xf32, #tpu.memory_space<vmem>>, vector<1x16xf32>,
        %parallel_loop3A_267 = vector.shape_cast %parallel_loop3A_266 : vector<1x16xf32> to vector<16xf32>
        %parallel_loop3A_268 = vector.shape_cast %parallel_loop3A_261 : vector<16xf32> to vector<1x16xf32>
        tpu.vector_store %arg17[%parallel_loop3A_264, %parallel_loop3A_265], %parallel_loop3A_268 {strides = array<i32>} : memref<64x128xf32, #tpu.memory_space<vmem>>, vector<1x16xf32>,
        %parallel_loop3A_269 = arith.index_cast %parallel_loop3A_230 : i32 to index
        %parallel_loop3A_270 = arith.constant 16 : index
        %parallel_loop3A_271 = tpu.vector_load %arg15[%parallel_loop3A_269, %parallel_loop3A_270] {strides = array<i32>} : memref<32x128xi32, #tpu.memory_space<vmem>>, vector<1x16xi32>,
        %parallel_loop3A_272 = vector.shape_cast %parallel_loop3A_271 : vector<1x16xi32> to vector<16xi32>
        %parallel_loop3A_273 = arith.constant 16 : i32
        %parallel_loop3A_274 = vector.broadcast %parallel_loop3A_273 : i32 to vector<16xi32>
        %parallel_loop3A_275 = arith.shli %parallel_loop3A_272, %parallel_loop3A_274 : vector<16xi32>
        %parallel_loop3A_276 = tpu.bitcast %parallel_loop3A_275 : vector<16xi32> -> vector<16xf32>
        %parallel_loop3A_277 = arith.constant -65536 : i32
        %parallel_loop3A_278 = vector.broadcast %parallel_loop3A_277 : i32 to vector<16xi32>
        %parallel_loop3A_279 = arith.andi %parallel_loop3A_272, %parallel_loop3A_278 : vector<16xi32>
        %parallel_loop3A_280 = tpu.bitcast %parallel_loop3A_279 : vector<16xi32> -> vector<16xf32>
        %parallel_loop3A_281 = arith.index_cast %parallel_loop3A_232 : i32 to index
        %parallel_loop3A_282 = arith.constant 16 : index
        %parallel_loop3A_283 = tpu.vector_load %arg13[%parallel_loop3A_281, %parallel_loop3A_282] {strides = array<i32>} : memref<64x128xf32, #tpu.memory_space<vmem>>, vector<1x16xf32>,
        %parallel_loop3A_284 = vector.shape_cast %parallel_loop3A_283 : vector<1x16xf32> to vector<16xf32>
        %parallel_loop3A_285 = arith.mulf %parallel_loop3A_284, %parallel_loop3A_276 : vector<16xf32>
        %parallel_loop3A_286 = arith.index_cast %parallel_loop3A_232 : i32 to index
        %parallel_loop3A_287 = arith.constant 16 : index
        %parallel_loop3A_288 = tpu.vector_load %arg17[%parallel_loop3A_286, %parallel_loop3A_287] {strides = array<i32>} : memref<64x128xf32, #tpu.memory_space<vmem>>, vector<1x16xf32>,
        %parallel_loop3A_289 = vector.shape_cast %parallel_loop3A_288 : vector<1x16xf32> to vector<16xf32>
        %parallel_loop3A_290 = vector.shape_cast %parallel_loop3A_285 : vector<16xf32> to vector<1x16xf32>
        tpu.vector_store %arg17[%parallel_loop3A_286, %parallel_loop3A_287], %parallel_loop3A_290 {strides = array<i32>} : memref<64x128xf32, #tpu.memory_space<vmem>>, vector<1x16xf32>,
        %parallel_loop3A_291 = arith.constant 1 : i32
        %parallel_loop3A_292 = arith.addi %parallel_loop3A_232, %parallel_loop3A_291 : i32
        %parallel_loop3A_293 = arith.index_cast %parallel_loop3A_292 : i32 to index
        %parallel_loop3A_294 = arith.constant 16 : index
        %parallel_loop3A_295 = tpu.vector_load %arg13[%parallel_loop3A_293, %parallel_loop3A_294] {strides = array<i32>} : memref<64x128xf32, #tpu.memory_space<vmem>>, vector<1x16xf32>,
        %parallel_loop3A_296 = vector.shape_cast %parallel_loop3A_295 : vector<1x16xf32> to vector<16xf32>
        %parallel_loop3A_297 = arith.mulf %parallel_loop3A_296, %parallel_loop3A_280 : vector<16xf32>
        %parallel_loop3A_298 = arith.constant 1 : i32
        %parallel_loop3A_299 = arith.addi %parallel_loop3A_232, %parallel_loop3A_298 : i32
        %parallel_loop3A_300 = arith.index_cast %parallel_loop3A_299 : i32 to index
        %parallel_loop3A_301 = arith.constant 16 : index
        %parallel_loop3A_302 = tpu.vector_load %arg17[%parallel_loop3A_300, %parallel_loop3A_301] {strides = array<i32>} : memref<64x128xf32, #tpu.memory_space<vmem>>, vector<1x16xf32>,
        %parallel_loop3A_303 = vector.shape_cast %parallel_loop3A_302 : vector<1x16xf32> to vector<16xf32>
        %parallel_loop3A_304 = vector.shape_cast %parallel_loop3A_297 : vector<16xf32> to vector<1x16xf32>
        tpu.vector_store %arg17[%parallel_loop3A_300, %parallel_loop3A_301], %parallel_loop3A_304 {strides = array<i32>} : memref<64x128xf32, #tpu.memory_space<vmem>>, vector<1x16xf32>,
        %parallel_loop3A_305 = arith.index_cast %parallel_loop3A_230 : i32 to index
        %parallel_loop3A_306 = arith.constant 32 : index
        %parallel_loop3A_307 = tpu.vector_load %arg15[%parallel_loop3A_305, %parallel_loop3A_306] {strides = array<i32>} : memref<32x128xi32, #tpu.memory_space<vmem>>, vector<1x16xi32>,
        %parallel_loop3A_308 = vector.shape_cast %parallel_loop3A_307 : vector<1x16xi32> to vector<16xi32>
        %parallel_loop3A_309 = arith.constant 16 : i32
        %parallel_loop3A_310 = vector.broadcast %parallel_loop3A_309 : i32 to vector<16xi32>
        %parallel_loop3A_311 = arith.shli %parallel_loop3A_308, %parallel_loop3A_310 : vector<16xi32>
        %parallel_loop3A_312 = tpu.bitcast %parallel_loop3A_311 : vector<16xi32> -> vector<16xf32>
        %parallel_loop3A_313 = arith.constant -65536 : i32
        %parallel_loop3A_314 = vector.broadcast %parallel_loop3A_313 : i32 to vector<16xi32>
        %parallel_loop3A_315 = arith.andi %parallel_loop3A_308, %parallel_loop3A_314 : vector<16xi32>
        %parallel_loop3A_316 = tpu.bitcast %parallel_loop3A_315 : vector<16xi32> -> vector<16xf32>
        %parallel_loop3A_317 = arith.index_cast %parallel_loop3A_232 : i32 to index
        %parallel_loop3A_318 = arith.constant 32 : index
        %parallel_loop3A_319 = tpu.vector_load %arg13[%parallel_loop3A_317, %parallel_loop3A_318] {strides = array<i32>} : memref<64x128xf32, #tpu.memory_space<vmem>>, vector<1x16xf32>,
        %parallel_loop3A_320 = vector.shape_cast %parallel_loop3A_319 : vector<1x16xf32> to vector<16xf32>
        %parallel_loop3A_321 = arith.mulf %parallel_loop3A_320, %parallel_loop3A_312 : vector<16xf32>
        %parallel_loop3A_322 = arith.index_cast %parallel_loop3A_232 : i32 to index
        %parallel_loop3A_323 = arith.constant 32 : index
        %parallel_loop3A_324 = tpu.vector_load %arg17[%parallel_loop3A_322, %parallel_loop3A_323] {strides = array<i32>} : memref<64x128xf32, #tpu.memory_space<vmem>>, vector<1x16xf32>,
        %parallel_loop3A_325 = vector.shape_cast %parallel_loop3A_324 : vector<1x16xf32> to vector<16xf32>
        %parallel_loop3A_326 = vector.shape_cast %parallel_loop3A_321 : vector<16xf32> to vector<1x16xf32>
        tpu.vector_store %arg17[%parallel_loop3A_322, %parallel_loop3A_323], %parallel_loop3A_326 {strides = array<i32>} : memref<64x128xf32, #tpu.memory_space<vmem>>, vector<1x16xf32>,
        %parallel_loop3A_327 = arith.constant 1 : i32
        %parallel_loop3A_328 = arith.addi %parallel_loop3A_232, %parallel_loop3A_327 : i32
        %parallel_loop3A_329 = arith.index_cast %parallel_loop3A_328 : i32 to index
        %parallel_loop3A_330 = arith.constant 32 : index
        %parallel_loop3A_331 = tpu.vector_load %arg13[%parallel_loop3A_329, %parallel_loop3A_330] {strides = array<i32>} : memref<64x128xf32, #tpu.memory_space<vmem>>, vector<1x16xf32>,
        %parallel_loop3A_332 = vector.shape_cast %parallel_loop3A_331 : vector<1x16xf32> to vector<16xf32>
        %parallel_loop3A_333 = arith.mulf %parallel_loop3A_332, %parallel_loop3A_316 : vector<16xf32>
        %parallel_loop3A_334 = arith.constant 1 : i32
        %parallel_loop3A_335 = arith.addi %parallel_loop3A_232, %parallel_loop3A_334 : i32
        %parallel_loop3A_336 = arith.index_cast %parallel_loop3A_335 : i32 to index
        %parallel_loop3A_337 = arith.constant 32 : index
        %parallel_loop3A_338 = tpu.vector_load %arg17[%parallel_loop3A_336, %parallel_loop3A_337] {strides = array<i32>} : memref<64x128xf32, #tpu.memory_space<vmem>>, vector<1x16xf32>,
        %parallel_loop3A_339 = vector.shape_cast %parallel_loop3A_338 : vector<1x16xf32> to vector<16xf32>
        %parallel_loop3A_340 = vector.shape_cast %parallel_loop3A_333 : vector<16xf32> to vector<1x16xf32>
        tpu.vector_store %arg17[%parallel_loop3A_336, %parallel_loop3A_337], %parallel_loop3A_340 {strides = array<i32>} : memref<64x128xf32, #tpu.memory_space<vmem>>, vector<1x16xf32>,
        %parallel_loop3A_341 = arith.index_cast %parallel_loop3A_230 : i32 to index
        %parallel_loop3A_342 = arith.constant 48 : index
        %parallel_loop3A_343 = tpu.vector_load %arg15[%parallel_loop3A_341, %parallel_loop3A_342] {strides = array<i32>} : memref<32x128xi32, #tpu.memory_space<vmem>>, vector<1x16xi32>,
        %parallel_loop3A_344 = vector.shape_cast %parallel_loop3A_343 : vector<1x16xi32> to vector<16xi32>
        %parallel_loop3A_345 = arith.constant 16 : i32
        %parallel_loop3A_346 = vector.broadcast %parallel_loop3A_345 : i32 to vector<16xi32>
        %parallel_loop3A_347 = arith.shli %parallel_loop3A_344, %parallel_loop3A_346 : vector<16xi32>
        %parallel_loop3A_348 = tpu.bitcast %parallel_loop3A_347 : vector<16xi32> -> vector<16xf32>
        %parallel_loop3A_349 = arith.constant -65536 : i32
        %parallel_loop3A_350 = vector.broadcast %parallel_loop3A_349 : i32 to vector<16xi32>
        %parallel_loop3A_351 = arith.andi %parallel_loop3A_344, %parallel_loop3A_350 : vector<16xi32>
        %parallel_loop3A_352 = tpu.bitcast %parallel_loop3A_351 : vector<16xi32> -> vector<16xf32>
        %parallel_loop3A_353 = arith.index_cast %parallel_loop3A_232 : i32 to index
        %parallel_loop3A_354 = arith.constant 48 : index
        %parallel_loop3A_355 = tpu.vector_load %arg13[%parallel_loop3A_353, %parallel_loop3A_354] {strides = array<i32>} : memref<64x128xf32, #tpu.memory_space<vmem>>, vector<1x16xf32>,
        %parallel_loop3A_356 = vector.shape_cast %parallel_loop3A_355 : vector<1x16xf32> to vector<16xf32>
        %parallel_loop3A_357 = arith.mulf %parallel_loop3A_356, %parallel_loop3A_348 : vector<16xf32>
        %parallel_loop3A_358 = arith.index_cast %parallel_loop3A_232 : i32 to index
        %parallel_loop3A_359 = arith.constant 48 : index
        %parallel_loop3A_360 = tpu.vector_load %arg17[%parallel_loop3A_358, %parallel_loop3A_359] {strides = array<i32>} : memref<64x128xf32, #tpu.memory_space<vmem>>, vector<1x16xf32>,
        %parallel_loop3A_361 = vector.shape_cast %parallel_loop3A_360 : vector<1x16xf32> to vector<16xf32>
        %parallel_loop3A_362 = vector.shape_cast %parallel_loop3A_357 : vector<16xf32> to vector<1x16xf32>
        tpu.vector_store %arg17[%parallel_loop3A_358, %parallel_loop3A_359], %parallel_loop3A_362 {strides = array<i32>} : memref<64x128xf32, #tpu.memory_space<vmem>>, vector<1x16xf32>,
        %parallel_loop3A_363 = arith.constant 1 : i32
        %parallel_loop3A_364 = arith.addi %parallel_loop3A_232, %parallel_loop3A_363 : i32
        %parallel_loop3A_365 = arith.index_cast %parallel_loop3A_364 : i32 to index
        %parallel_loop3A_366 = arith.constant 48 : index
        %parallel_loop3A_367 = tpu.vector_load %arg13[%parallel_loop3A_365, %parallel_loop3A_366] {strides = array<i32>} : memref<64x128xf32, #tpu.memory_space<vmem>>, vector<1x16xf32>,
        %parallel_loop3A_368 = vector.shape_cast %parallel_loop3A_367 : vector<1x16xf32> to vector<16xf32>
        %parallel_loop3A_369 = arith.mulf %parallel_loop3A_368, %parallel_loop3A_352 : vector<16xf32>
        %parallel_loop3A_370 = arith.constant 1 : i32
        %parallel_loop3A_371 = arith.addi %parallel_loop3A_232, %parallel_loop3A_370 : i32
        %parallel_loop3A_372 = arith.index_cast %parallel_loop3A_371 : i32 to index
        %parallel_loop3A_373 = arith.constant 48 : index
        %parallel_loop3A_374 = tpu.vector_load %arg17[%parallel_loop3A_372, %parallel_loop3A_373] {strides = array<i32>} : memref<64x128xf32, #tpu.memory_space<vmem>>, vector<1x16xf32>,
        %parallel_loop3A_375 = vector.shape_cast %parallel_loop3A_374 : vector<1x16xf32> to vector<16xf32>
        %parallel_loop3A_376 = vector.shape_cast %parallel_loop3A_369 : vector<16xf32> to vector<1x16xf32>
        tpu.vector_store %arg17[%parallel_loop3A_372, %parallel_loop3A_373], %parallel_loop3A_376 {strides = array<i32>} : memref<64x128xf32, #tpu.memory_space<vmem>>, vector<1x16xf32>,
        %parallel_loop3A_377 = arith.index_cast %parallel_loop3A_230 : i32 to index
        %parallel_loop3A_378 = arith.constant 64 : index
        %parallel_loop3A_379 = tpu.vector_load %arg15[%parallel_loop3A_377, %parallel_loop3A_378] {strides = array<i32>} : memref<32x128xi32, #tpu.memory_space<vmem>>, vector<1x16xi32>,
        %parallel_loop3A_380 = vector.shape_cast %parallel_loop3A_379 : vector<1x16xi32> to vector<16xi32>
        %parallel_loop3A_381 = arith.constant 16 : i32
        %parallel_loop3A_382 = vector.broadcast %parallel_loop3A_381 : i32 to vector<16xi32>
        %parallel_loop3A_383 = arith.shli %parallel_loop3A_380, %parallel_loop3A_382 : vector<16xi32>
        %parallel_loop3A_384 = tpu.bitcast %parallel_loop3A_383 : vector<16xi32> -> vector<16xf32>
        %parallel_loop3A_385 = arith.constant -65536 : i32
        %parallel_loop3A_386 = vector.broadcast %parallel_loop3A_385 : i32 to vector<16xi32>
        %parallel_loop3A_387 = arith.andi %parallel_loop3A_380, %parallel_loop3A_386 : vector<16xi32>
        %parallel_loop3A_388 = tpu.bitcast %parallel_loop3A_387 : vector<16xi32> -> vector<16xf32>
        %parallel_loop3A_389 = arith.index_cast %parallel_loop3A_232 : i32 to index
        %parallel_loop3A_390 = arith.constant 64 : index
        %parallel_loop3A_391 = tpu.vector_load %arg13[%parallel_loop3A_389, %parallel_loop3A_390] {strides = array<i32>} : memref<64x128xf32, #tpu.memory_space<vmem>>, vector<1x16xf32>,
        %parallel_loop3A_392 = vector.shape_cast %parallel_loop3A_391 : vector<1x16xf32> to vector<16xf32>
        %parallel_loop3A_393 = arith.mulf %parallel_loop3A_392, %parallel_loop3A_384 : vector<16xf32>
        %parallel_loop3A_394 = arith.index_cast %parallel_loop3A_232 : i32 to index
        %parallel_loop3A_395 = arith.constant 64 : index
        %parallel_loop3A_396 = tpu.vector_load %arg17[%parallel_loop3A_394, %parallel_loop3A_395] {strides = array<i32>} : memref<64x128xf32, #tpu.memory_space<vmem>>, vector<1x16xf32>,
        %parallel_loop3A_397 = vector.shape_cast %parallel_loop3A_396 : vector<1x16xf32> to vector<16xf32>
        %parallel_loop3A_398 = vector.shape_cast %parallel_loop3A_393 : vector<16xf32> to vector<1x16xf32>
        tpu.vector_store %arg17[%parallel_loop3A_394, %parallel_loop3A_395], %parallel_loop3A_398 {strides = array<i32>} : memref<64x128xf32, #tpu.memory_space<vmem>>, vector<1x16xf32>,
        %parallel_loop3A_399 = arith.constant 1 : i32
        %parallel_loop3A_400 = arith.addi %parallel_loop3A_232, %parallel_loop3A_399 : i32
        %parallel_loop3A_401 = arith.index_cast %parallel_loop3A_400 : i32 to index
        %parallel_loop3A_402 = arith.constant 64 : index
        %parallel_loop3A_403 = tpu.vector_load %arg13[%parallel_loop3A_401, %parallel_loop3A_402] {strides = array<i32>} : memref<64x128xf32, #tpu.memory_space<vmem>>, vector<1x16xf32>,
        %parallel_loop3A_404 = vector.shape_cast %parallel_loop3A_403 : vector<1x16xf32> to vector<16xf32>
        %parallel_loop3A_405 = arith.mulf %parallel_loop3A_404, %parallel_loop3A_388 : vector<16xf32>
        %parallel_loop3A_406 = arith.constant 1 : i32
        %parallel_loop3A_407 = arith.addi %parallel_loop3A_232, %parallel_loop3A_406 : i32
        %parallel_loop3A_408 = arith.index_cast %parallel_loop3A_407 : i32 to index
        %parallel_loop3A_409 = arith.constant 64 : index
        %parallel_loop3A_410 = tpu.vector_load %arg17[%parallel_loop3A_408, %parallel_loop3A_409] {strides = array<i32>} : memref<64x128xf32, #tpu.memory_space<vmem>>, vector<1x16xf32>,
        %parallel_loop3A_411 = vector.shape_cast %parallel_loop3A_410 : vector<1x16xf32> to vector<16xf32>
        %parallel_loop3A_412 = vector.shape_cast %parallel_loop3A_405 : vector<16xf32> to vector<1x16xf32>
        tpu.vector_store %arg17[%parallel_loop3A_408, %parallel_loop3A_409], %parallel_loop3A_412 {strides = array<i32>} : memref<64x128xf32, #tpu.memory_space<vmem>>, vector<1x16xf32>,
        %parallel_loop3A_413 = arith.index_cast %parallel_loop3A_230 : i32 to index
        %parallel_loop3A_414 = arith.constant 80 : index
        %parallel_loop3A_415 = tpu.vector_load %arg15[%parallel_loop3A_413, %parallel_loop3A_414] {strides = array<i32>} : memref<32x128xi32, #tpu.memory_space<vmem>>, vector<1x16xi32>,
        %parallel_loop3A_416 = vector.shape_cast %parallel_loop3A_415 : vector<1x16xi32> to vector<16xi32>
        %parallel_loop3A_417 = arith.constant 16 : i32
        %parallel_loop3A_418 = vector.broadcast %parallel_loop3A_417 : i32 to vector<16xi32>
        %parallel_loop3A_419 = arith.shli %parallel_loop3A_416, %parallel_loop3A_418 : vector<16xi32>
        %parallel_loop3A_420 = tpu.bitcast %parallel_loop3A_419 : vector<16xi32> -> vector<16xf32>
        %parallel_loop3A_421 = arith.constant -65536 : i32
        %parallel_loop3A_422 = vector.broadcast %parallel_loop3A_421 : i32 to vector<16xi32>
        %parallel_loop3A_423 = arith.andi %parallel_loop3A_416, %parallel_loop3A_422 : vector<16xi32>
        %parallel_loop3A_424 = tpu.bitcast %parallel_loop3A_423 : vector<16xi32> -> vector<16xf32>
        %parallel_loop3A_425 = arith.index_cast %parallel_loop3A_232 : i32 to index
        %parallel_loop3A_426 = arith.constant 80 : index
        %parallel_loop3A_427 = tpu.vector_load %arg13[%parallel_loop3A_425, %parallel_loop3A_426] {strides = array<i32>} : memref<64x128xf32, #tpu.memory_space<vmem>>, vector<1x16xf32>,
        %parallel_loop3A_428 = vector.shape_cast %parallel_loop3A_427 : vector<1x16xf32> to vector<16xf32>
        %parallel_loop3A_429 = arith.mulf %parallel_loop3A_428, %parallel_loop3A_420 : vector<16xf32>
        %parallel_loop3A_430 = arith.index_cast %parallel_loop3A_232 : i32 to index
        %parallel_loop3A_431 = arith.constant 80 : index
        %parallel_loop3A_432 = tpu.vector_load %arg17[%parallel_loop3A_430, %parallel_loop3A_431] {strides = array<i32>} : memref<64x128xf32, #tpu.memory_space<vmem>>, vector<1x16xf32>,
        %parallel_loop3A_433 = vector.shape_cast %parallel_loop3A_432 : vector<1x16xf32> to vector<16xf32>
        %parallel_loop3A_434 = vector.shape_cast %parallel_loop3A_429 : vector<16xf32> to vector<1x16xf32>
        tpu.vector_store %arg17[%parallel_loop3A_430, %parallel_loop3A_431], %parallel_loop3A_434 {strides = array<i32>} : memref<64x128xf32, #tpu.memory_space<vmem>>, vector<1x16xf32>,
        %parallel_loop3A_435 = arith.constant 1 : i32
        %parallel_loop3A_436 = arith.addi %parallel_loop3A_232, %parallel_loop3A_435 : i32
        %parallel_loop3A_437 = arith.index_cast %parallel_loop3A_436 : i32 to index
        %parallel_loop3A_438 = arith.constant 80 : index
        %parallel_loop3A_439 = tpu.vector_load %arg13[%parallel_loop3A_437, %parallel_loop3A_438] {strides = array<i32>} : memref<64x128xf32, #tpu.memory_space<vmem>>, vector<1x16xf32>,
        %parallel_loop3A_440 = vector.shape_cast %parallel_loop3A_439 : vector<1x16xf32> to vector<16xf32>
        %parallel_loop3A_441 = arith.mulf %parallel_loop3A_440, %parallel_loop3A_424 : vector<16xf32>
        %parallel_loop3A_442 = arith.constant 1 : i32
        %parallel_loop3A_443 = arith.addi %parallel_loop3A_232, %parallel_loop3A_442 : i32
        %parallel_loop3A_444 = arith.index_cast %parallel_loop3A_443 : i32 to index
        %parallel_loop3A_445 = arith.constant 80 : index
        %parallel_loop3A_446 = tpu.vector_load %arg17[%parallel_loop3A_444, %parallel_loop3A_445] {strides = array<i32>} : memref<64x128xf32, #tpu.memory_space<vmem>>, vector<1x16xf32>,
        %parallel_loop3A_447 = vector.shape_cast %parallel_loop3A_446 : vector<1x16xf32> to vector<16xf32>
        %parallel_loop3A_448 = vector.shape_cast %parallel_loop3A_441 : vector<16xf32> to vector<1x16xf32>
        tpu.vector_store %arg17[%parallel_loop3A_444, %parallel_loop3A_445], %parallel_loop3A_448 {strides = array<i32>} : memref<64x128xf32, #tpu.memory_space<vmem>>, vector<1x16xf32>,
        %parallel_loop3A_449 = arith.index_cast %parallel_loop3A_230 : i32 to index
        %parallel_loop3A_450 = arith.constant 96 : index
        %parallel_loop3A_451 = tpu.vector_load %arg15[%parallel_loop3A_449, %parallel_loop3A_450] {strides = array<i32>} : memref<32x128xi32, #tpu.memory_space<vmem>>, vector<1x16xi32>,
        %parallel_loop3A_452 = vector.shape_cast %parallel_loop3A_451 : vector<1x16xi32> to vector<16xi32>
        %parallel_loop3A_453 = arith.constant 16 : i32
        %parallel_loop3A_454 = vector.broadcast %parallel_loop3A_453 : i32 to vector<16xi32>
        %parallel_loop3A_455 = arith.shli %parallel_loop3A_452, %parallel_loop3A_454 : vector<16xi32>
        %parallel_loop3A_456 = tpu.bitcast %parallel_loop3A_455 : vector<16xi32> -> vector<16xf32>
        %parallel_loop3A_457 = arith.constant -65536 : i32
        %parallel_loop3A_458 = vector.broadcast %parallel_loop3A_457 : i32 to vector<16xi32>
        %parallel_loop3A_459 = arith.andi %parallel_loop3A_452, %parallel_loop3A_458 : vector<16xi32>
        %parallel_loop3A_460 = tpu.bitcast %parallel_loop3A_459 : vector<16xi32> -> vector<16xf32>
        %parallel_loop3A_461 = arith.index_cast %parallel_loop3A_232 : i32 to index
        %parallel_loop3A_462 = arith.constant 96 : index
        %parallel_loop3A_463 = tpu.vector_load %arg13[%parallel_loop3A_461, %parallel_loop3A_462] {strides = array<i32>} : memref<64x128xf32, #tpu.memory_space<vmem>>, vector<1x16xf32>,
        %parallel_loop3A_464 = vector.shape_cast %parallel_loop3A_463 : vector<1x16xf32> to vector<16xf32>
        %parallel_loop3A_465 = arith.mulf %parallel_loop3A_464, %parallel_loop3A_456 : vector<16xf32>
        %parallel_loop3A_466 = arith.index_cast %parallel_loop3A_232 : i32 to index
        %parallel_loop3A_467 = arith.constant 96 : index
        %parallel_loop3A_468 = tpu.vector_load %arg17[%parallel_loop3A_466, %parallel_loop3A_467] {strides = array<i32>} : memref<64x128xf32, #tpu.memory_space<vmem>>, vector<1x16xf32>,
        %parallel_loop3A_469 = vector.shape_cast %parallel_loop3A_468 : vector<1x16xf32> to vector<16xf32>
        %parallel_loop3A_470 = vector.shape_cast %parallel_loop3A_465 : vector<16xf32> to vector<1x16xf32>
        tpu.vector_store %arg17[%parallel_loop3A_466, %parallel_loop3A_467], %parallel_loop3A_470 {strides = array<i32>} : memref<64x128xf32, #tpu.memory_space<vmem>>, vector<1x16xf32>,
        %parallel_loop3A_471 = arith.constant 1 : i32
        %parallel_loop3A_472 = arith.addi %parallel_loop3A_232, %parallel_loop3A_471 : i32
        %parallel_loop3A_473 = arith.index_cast %parallel_loop3A_472 : i32 to index
        %parallel_loop3A_474 = arith.constant 96 : index
        %parallel_loop3A_475 = tpu.vector_load %arg13[%parallel_loop3A_473, %parallel_loop3A_474] {strides = array<i32>} : memref<64x128xf32, #tpu.memory_space<vmem>>, vector<1x16xf32>,
        %parallel_loop3A_476 = vector.shape_cast %parallel_loop3A_475 : vector<1x16xf32> to vector<16xf32>
        %parallel_loop3A_477 = arith.mulf %parallel_loop3A_476, %parallel_loop3A_460 : vector<16xf32>
        %parallel_loop3A_478 = arith.constant 1 : i32
        %parallel_loop3A_479 = arith.addi %parallel_loop3A_232, %parallel_loop3A_478 : i32
        %parallel_loop3A_480 = arith.index_cast %parallel_loop3A_479 : i32 to index
        %parallel_loop3A_481 = arith.constant 96 : index
        %parallel_loop3A_482 = tpu.vector_load %arg17[%parallel_loop3A_480, %parallel_loop3A_481] {strides = array<i32>} : memref<64x128xf32, #tpu.memory_space<vmem>>, vector<1x16xf32>,
        %parallel_loop3A_483 = vector.shape_cast %parallel_loop3A_482 : vector<1x16xf32> to vector<16xf32>
        %parallel_loop3A_484 = vector.shape_cast %parallel_loop3A_477 : vector<16xf32> to vector<1x16xf32>
        tpu.vector_store %arg17[%parallel_loop3A_480, %parallel_loop3A_481], %parallel_loop3A_484 {strides = array<i32>} : memref<64x128xf32, #tpu.memory_space<vmem>>, vector<1x16xf32>,
        %parallel_loop3A_485 = arith.index_cast %parallel_loop3A_230 : i32 to index
        %parallel_loop3A_486 = arith.constant 112 : index
        %parallel_loop3A_487 = tpu.vector_load %arg15[%parallel_loop3A_485, %parallel_loop3A_486] {strides = array<i32>} : memref<32x128xi32, #tpu.memory_space<vmem>>, vector<1x16xi32>,
        %parallel_loop3A_488 = vector.shape_cast %parallel_loop3A_487 : vector<1x16xi32> to vector<16xi32>
        %parallel_loop3A_489 = arith.constant 16 : i32
        %parallel_loop3A_490 = vector.broadcast %parallel_loop3A_489 : i32 to vector<16xi32>
        %parallel_loop3A_491 = arith.shli %parallel_loop3A_488, %parallel_loop3A_490 : vector<16xi32>
        %parallel_loop3A_492 = tpu.bitcast %parallel_loop3A_491 : vector<16xi32> -> vector<16xf32>
        %parallel_loop3A_493 = arith.constant -65536 : i32
        %parallel_loop3A_494 = vector.broadcast %parallel_loop3A_493 : i32 to vector<16xi32>
        %parallel_loop3A_495 = arith.andi %parallel_loop3A_488, %parallel_loop3A_494 : vector<16xi32>
        %parallel_loop3A_496 = tpu.bitcast %parallel_loop3A_495 : vector<16xi32> -> vector<16xf32>
        %parallel_loop3A_497 = arith.index_cast %parallel_loop3A_232 : i32 to index
        %parallel_loop3A_498 = arith.constant 112 : index
        %parallel_loop3A_499 = tpu.vector_load %arg13[%parallel_loop3A_497, %parallel_loop3A_498] {strides = array<i32>} : memref<64x128xf32, #tpu.memory_space<vmem>>, vector<1x16xf32>,
        %parallel_loop3A_500 = vector.shape_cast %parallel_loop3A_499 : vector<1x16xf32> to vector<16xf32>
        %parallel_loop3A_501 = arith.mulf %parallel_loop3A_500, %parallel_loop3A_492 : vector<16xf32>
        %parallel_loop3A_502 = arith.index_cast %parallel_loop3A_232 : i32 to index
        %parallel_loop3A_503 = arith.constant 112 : index
        %parallel_loop3A_504 = tpu.vector_load %arg17[%parallel_loop3A_502, %parallel_loop3A_503] {strides = array<i32>} : memref<64x128xf32, #tpu.memory_space<vmem>>, vector<1x16xf32>,
        %parallel_loop3A_505 = vector.shape_cast %parallel_loop3A_504 : vector<1x16xf32> to vector<16xf32>
        %parallel_loop3A_506 = vector.shape_cast %parallel_loop3A_501 : vector<16xf32> to vector<1x16xf32>
        tpu.vector_store %arg17[%parallel_loop3A_502, %parallel_loop3A_503], %parallel_loop3A_506 {strides = array<i32>} : memref<64x128xf32, #tpu.memory_space<vmem>>, vector<1x16xf32>,
        %parallel_loop3A_507 = arith.constant 1 : i32
        %parallel_loop3A_508 = arith.addi %parallel_loop3A_232, %parallel_loop3A_507 : i32
        %parallel_loop3A_509 = arith.index_cast %parallel_loop3A_508 : i32 to index
        %parallel_loop3A_510 = arith.constant 112 : index
        %parallel_loop3A_511 = tpu.vector_load %arg13[%parallel_loop3A_509, %parallel_loop3A_510] {strides = array<i32>} : memref<64x128xf32, #tpu.memory_space<vmem>>, vector<1x16xf32>,
        %parallel_loop3A_512 = vector.shape_cast %parallel_loop3A_511 : vector<1x16xf32> to vector<16xf32>
        %parallel_loop3A_513 = arith.mulf %parallel_loop3A_512, %parallel_loop3A_496 : vector<16xf32>
        %parallel_loop3A_514 = arith.constant 1 : i32
        %parallel_loop3A_515 = arith.addi %parallel_loop3A_232, %parallel_loop3A_514 : i32
        %parallel_loop3A_516 = arith.index_cast %parallel_loop3A_515 : i32 to index
        %parallel_loop3A_517 = arith.constant 112 : index
        %parallel_loop3A_518 = tpu.vector_load %arg17[%parallel_loop3A_516, %parallel_loop3A_517] {strides = array<i32>} : memref<64x128xf32, #tpu.memory_space<vmem>>, vector<1x16xf32>,
        %parallel_loop3A_519 = vector.shape_cast %parallel_loop3A_518 : vector<1x16xf32> to vector<16xf32>
        %parallel_loop3A_520 = vector.shape_cast %parallel_loop3A_513 : vector<16xf32> to vector<1x16xf32>
        tpu.vector_store %arg17[%parallel_loop3A_516, %parallel_loop3A_517], %parallel_loop3A_520 {strides = array<i32>} : memref<64x128xf32, #tpu.memory_space<vmem>>, vector<1x16xf32>,
      } {sc.loop_unroll_factor = 4 : i64, sc.parallel_access}
      %dma_start3A_160 = arith.constant 0 : i32
      %dma_start3A_161 = arith.constant 0 : i32
      %dma_start3A_162 = tpu.memref_slice %arg19[%dma_start3A_160, %dma_start3A_161] : memref<10000x128xf32, #tpu.memory_space<vmem_shared>> -> memref<10000x128xf32, #tpu.memory_space<vmem_shared>>
      tpu.enqueue_indirect_dma source(%arg17 : memref<64x128xf32, #tpu.memory_space<vmem>>) target(%dma_start3A_162 : memref<10000x128xf32, #tpu.memory_space<vmem_shared>>) offsets(%arg11 : memref<64xi32, #tpu.memory_space<vmem>>) semaphore(%arg28 : memref<!tpu.dma_semaphore, #tpu.memory_space<semaphore_mem>>) {add = true}
      %mul3A_163 = arith.constant 2 : i32
      %mul3A_164 = arith.muli %mul3A_163, %scan3A_102 : i32
      %add3A_165 = arith.constant 1 : i32
      %add3A_166 = arith.addi %mul3A_164, %add3A_165 : i32
      %ge3A_167 = arith.constant 2 : i32
      %ge3A_168 = arith.cmpi sge, %add3A_166, %ge3A_167 : i32
      %convert_element_type3A_169 = arith.extui %ge3A_168 : i1 to i32
      %cond3A_170 = arith.constant 0 : i32
      %cond3A_171 = arith.cmpi ne, %convert_element_type3A_169, %cond3A_170 : i32
      scf.if %cond3A_171 {
        %dma_wait3A_230 = arith.constant 0 : i32
        %dma_wait3A_231 = arith.constant 0 : i32
        %dma_wait3A_232 = tpu.memref_slice %arg19[%dma_wait3A_230, %dma_wait3A_231] : memref<10000x128xf32, #tpu.memory_space<vmem_shared>> -> memref<10000x128xf32, #tpu.memory_space<vmem_shared>>
        tpu.wait_indirect_dma semaphore(%arg29 : memref<!tpu.dma_semaphore, #tpu.memory_space<semaphore_mem>>) src(%arg18 : memref<64x128xf32, #tpu.memory_space<vmem>>) dst(%dma_wait3A_232 : memref<10000x128xf32, #tpu.memory_space<vmem_shared>>)
      } else {
      }
      %dma_wait3A_172 = arith.constant 0 : i32
      %dma_wait3A_173 = arith.constant 0 : i32
      %dma_wait3A_174 = tpu.memref_slice %arg4[%dma_wait3A_172, %dma_wait3A_173] : memref<10000x128xf32, #tpu.memory_space<hbm>> -> memref<10000x128xf32, #tpu.memory_space<hbm>>
      tpu.wait_indirect_dma semaphore(%arg25 : memref<!tpu.dma_semaphore, #tpu.memory_space<semaphore_mem>>) src(%dma_wait3A_174 : memref<10000x128xf32, #tpu.memory_space<hbm>>) dst(%arg14 : memref<64x128xf32, #tpu.memory_space<vmem>>)
      %mul3A_175 = arith.constant 32 : i32
      %mul3A_176 = arith.muli %add3A_166, %mul3A_175 : i32
      %add3A_177 = arith.addi %add3A, %mul3A_176 : i32
      %dma_wait3A_178 = arith.constant 0 : i32
      %dma_wait3A_179 = tpu.memref_slice %arg5[%add3A_177, %dma_wait3A_178] : memref<323584x128xi32, #tpu.memory_space<hbm>> -> memref<32x128xi32, #tpu.memory_space<hbm>>
      %dma_wait3A_180 = arith.constant 0 : i32
      %dma_wait3A_181 = tpu.memref_slice %arg5[%add3A_177, %dma_wait3A_180] : memref<323584x128xi32, #tpu.memory_space<hbm>> -> memref<32x128xi32, #tpu.memory_space<hbm>>
      tpu.wait_dma2 semaphore(%arg27 : memref<!tpu.dma_semaphore, #tpu.memory_space<semaphore_mem>>) src(%dma_wait3A_181 : memref<32x128xi32, #tpu.memory_space<hbm>>) dst(%arg16 : memref<32x128xi32, #tpu.memory_space<vmem>>)
      %get3A_182 = arith.constant 0 : index
      %get3A_183 = tpu.vector_load %arg10[%get3A_182] {strides = array<i32>} : memref<64xi32, #tpu.memory_space<vmem>>, vector<16xi32>,
      %get3A_184 = vector.shape_cast %get3A_183 : vector<16xi32> to vector<16xi32>
      %swap3A_185 = arith.constant 0 : index
      %swap3A_186 = tpu.vector_load %arg12[%swap3A_185] {strides = array<i32>} : memref<64xi32, #tpu.memory_space<vmem>>, vector<16xi32>,
      %swap3A_187 = vector.shape_cast %swap3A_186 : vector<16xi32> to vector<16xi32>
      %swap3A_188 = vector.shape_cast %get3A_184 : vector<16xi32> to vector<16xi32>
      tpu.vector_store %arg12[%swap3A_185], %swap3A_188 {strides = array<i32>} : memref<64xi32, #tpu.memory_space<vmem>>, vector<16xi32>,
      %get3A_189 = arith.constant 16 : index
      %get3A_190 = tpu.vector_load %arg10[%get3A_189] {strides = array<i32>} : memref<64xi32, #tpu.memory_space<vmem>>, vector<16xi32>,
      %get3A_191 = vector.shape_cast %get3A_190 : vector<16xi32> to vector<16xi32>
      %swap3A_192 = arith.constant 16 : index
      %swap3A_193 = tpu.vector_load %arg12[%swap3A_192] {strides = array<i32>} : memref<64xi32, #tpu.memory_space<vmem>>, vector<16xi32>,
      %swap3A_194 = vector.shape_cast %swap3A_193 : vector<16xi32> to vector<16xi32>
      %swap3A_195 = vector.shape_cast %get3A_191 : vector<16xi32> to vector<16xi32>
      tpu.vector_store %arg12[%swap3A_192], %swap3A_195 {strides = array<i32>} : memref<64xi32, #tpu.memory_space<vmem>>, vector<16xi32>,
      %get3A_196 = arith.constant 32 : index
      %get3A_197 = tpu.vector_load %arg10[%get3A_196] {strides = array<i32>} : memref<64xi32, #tpu.memory_space<vmem>>, vector<16xi32>,
      %get3A_198 = vector.shape_cast %get3A_197 : vector<16xi32> to vector<16xi32>
      %swap3A_199 = arith.constant 32 : index
      %swap3A_200 = tpu.vector_load %arg12[%swap3A_199] {strides = array<i32>} : memref<64xi32, #tpu.memory_space<vmem>>, vector<16xi32>,
      %swap3A_201 = vector.shape_cast %swap3A_200 : vector<16xi32> to vector<16xi32>
      %swap3A_202 = vector.shape_cast %get3A_198 : vector<16xi32> to vector<16xi32>
      tpu.vector_store %arg12[%swap3A_199], %swap3A_202 {strides = array<i32>} : memref<64xi32, #tpu.memory_space<vmem>>, vector<16xi32>,
      %get3A_203 = arith.constant 48 : index
      %get3A_204 = tpu.vector_load %arg10[%get3A_203] {strides = array<i32>} : memref<64xi32, #tpu.memory_space<vmem>>, vector<16xi32>,
      %get3A_205 = vector.shape_cast %get3A_204 : vector<16xi32> to vector<16xi32>
      %swap3A_206 = arith.constant 48 : index
      %swap3A_207 = tpu.vector_load %arg12[%swap3A_206] {strides = array<i32>} : memref<64xi32, #tpu.memory_space<vmem>>, vector<16xi32>,
      %swap3A_208 = vector.shape_cast %swap3A_207 : vector<16xi32> to vector<16xi32>
      %swap3A_209 = vector.shape_cast %get3A_205 : vector<16xi32> to vector<16xi32>
      tpu.vector_store %arg12[%swap3A_206], %swap3A_209 {strides = array<i32>} : memref<64xi32, #tpu.memory_space<vmem>>, vector<16xi32>,
      %add3A_210 = arith.constant 2 : i32
      %add3A_211 = arith.addi %add3A_166, %add3A_210 : i32
      %lt3A_212 = arith.constant 316 : i32
      %lt3A_213 = arith.cmpi slt, %add3A_211, %lt3A_212 : i32
      %convert_element_type3A_214 = arith.extui %lt3A_213 : i1 to i32
      %cond3A_215 = arith.constant 0 : i32
      %cond3A_216 = arith.cmpi ne, %convert_element_type3A_214, %cond3A_215 : i32
      scf.if %cond3A_216 {
        %add3A_230 = arith.constant 2 : i32
        %add3A_231 = arith.addi %add3A_166, %add3A_230 : i32
        %mul3A_232 = arith.constant 64 : i32
        %mul3A_233 = arith.muli %add3A_231, %mul3A_232 : i32
        %add3A_234 = arith.addi %mul3A_0, %mul3A_233 : i32
        %dma_start3A_235 = tpu.memref_slice %arg2[%add3A_234] : memref<323584xi32, #tpu.memory_space<hbm>> -> memref<64xi32, #tpu.memory_space<hbm>>
        %dma_start3A_236 = tpu.memref_slice %arg2[%add3A_234] : memref<323584xi32, #tpu.memory_space<hbm>> -> memref<64xi32, #tpu.memory_space<hbm>>
        tpu.enqueue_dma source(%dma_start3A_236 : memref<64xi32, #tpu.memory_space<hbm>>) target(%arg8 : memref<64xi32, #tpu.memory_space<vmem>>) target_semaphore(%arg21 : memref<!tpu.dma_semaphore, #tpu.memory_space<semaphore_mem>>)
        %dma_start3A_237 = tpu.memref_slice %arg3[%add3A_234] : memref<323584xi32, #tpu.memory_space<hbm>> -> memref<64xi32, #tpu.memory_space<hbm>>
        %dma_start3A_238 = tpu.memref_slice %arg3[%add3A_234] : memref<323584xi32, #tpu.memory_space<hbm>> -> memref<64xi32, #tpu.memory_space<hbm>>
        tpu.enqueue_dma source(%dma_start3A_238 : memref<64xi32, #tpu.memory_space<hbm>>) target(%arg10 : memref<64xi32, #tpu.memory_space<vmem>>) target_semaphore(%arg23 : memref<!tpu.dma_semaphore, #tpu.memory_space<semaphore_mem>>)
      } else {
      }
      %add3A_217 = arith.constant 1 : i32
      %add3A_218 = arith.addi %add3A_166, %add3A_217 : i32
      %lt3A_219 = arith.constant 316 : i32
      %lt3A_220 = arith.cmpi slt, %add3A_218, %lt3A_219 : i32
      %convert_element_type3A_221 = arith.extui %lt3A_220 : i1 to i32
      %cond3A_222 = arith.constant 0 : i32
      %cond3A_223 = arith.cmpi ne, %convert_element_type3A_221, %cond3A_222 : i32
      scf.if %cond3A_223 {
        %add3A_230 = arith.constant 1 : i32
        %add3A_231 = arith.addi %add3A_166, %add3A_230 : i32
        %mul3A_232 = arith.constant 64 : i32
        %mul3A_233 = arith.muli %add3A_231, %mul3A_232 : i32
        %add3A_234 = arith.addi %mul3A_0, %mul3A_233 : i32
        %dma_wait3A_235 = tpu.memref_slice %arg2[%add3A_234] : memref<323584xi32, #tpu.memory_space<hbm>> -> memref<64xi32, #tpu.memory_space<hbm>>
        %dma_wait3A_236 = tpu.memref_slice %arg2[%add3A_234] : memref<323584xi32, #tpu.memory_space<hbm>> -> memref<64xi32, #tpu.memory_space<hbm>>
        tpu.wait_dma2 semaphore(%arg20 : memref<!tpu.dma_semaphore, #tpu.memory_space<semaphore_mem>>) src(%dma_wait3A_236 : memref<64xi32, #tpu.memory_space<hbm>>) dst(%arg7 : memref<64xi32, #tpu.memory_space<vmem>>)
        %dma_wait3A_237 = tpu.memref_slice %arg3[%add3A_234] : memref<323584xi32, #tpu.memory_space<hbm>> -> memref<64xi32, #tpu.memory_space<hbm>>
        %dma_wait3A_238 = tpu.memref_slice %arg3[%add3A_234] : memref<323584xi32, #tpu.memory_space<hbm>> -> memref<64xi32, #tpu.memory_space<hbm>>
        tpu.wait_dma2 semaphore(%arg22 : memref<!tpu.dma_semaphore, #tpu.memory_space<semaphore_mem>>) src(%dma_wait3A_238 : memref<64xi32, #tpu.memory_space<hbm>>) dst(%arg9 : memref<64xi32, #tpu.memory_space<vmem>>)
        %add3A_239 = arith.constant 1 : i32
        %add3A_240 = arith.addi %add3A_166, %add3A_239 : i32
        %dma_start3A_241 = arith.constant 0 : i32
        %dma_start3A_242 = arith.constant 0 : i32
        %dma_start3A_243 = tpu.memref_slice %arg4[%dma_start3A_241, %dma_start3A_242] : memref<10000x128xf32, #tpu.memory_space<hbm>> -> memref<10000x128xf32, #tpu.memory_space<hbm>>
        tpu.enqueue_indirect_dma source(%dma_start3A_243 : memref<10000x128xf32, #tpu.memory_space<hbm>>) target(%arg13 : memref<64x128xf32, #tpu.memory_space<vmem>>) offsets(%arg7 : memref<64xi32, #tpu.memory_space<vmem>>) semaphore(%arg24 : memref<!tpu.dma_semaphore, #tpu.memory_space<semaphore_mem>>)
        %mul3A_244 = arith.constant 32 : i32
        %mul3A_245 = arith.muli %add3A_240, %mul3A_244 : i32
        %add3A_246 = arith.addi %add3A, %mul3A_245 : i32
        %dma_start3A_247 = arith.constant 0 : i32
        %dma_start3A_248 = tpu.memref_slice %arg5[%add3A_246, %dma_start3A_247] : memref<323584x128xi32, #tpu.memory_space<hbm>> -> memref<32x128xi32, #tpu.memory_space<hbm>>
        %dma_start3A_249 = arith.constant 0 : i32
        %dma_start3A_250 = tpu.memref_slice %arg5[%add3A_246, %dma_start3A_249] : memref<323584x128xi32, #tpu.memory_space<hbm>> -> memref<32x128xi32, #tpu.memory_space<hbm>>
        tpu.enqueue_dma source(%dma_start3A_250 : memref<32x128xi32, #tpu.memory_space<hbm>>) target(%arg15 : memref<32x128xi32, #tpu.memory_space<vmem>>) target_semaphore(%arg26 : memref<!tpu.dma_semaphore, #tpu.memory_space<semaphore_mem>>)
      } else {
      }
      %parallel_loop3A_224 = arith.constant 0 : i32
      %parallel_loop3A_225 = arith.constant 32 : i32
      %parallel_loop3A_226 = arith.constant 1 : i32
      scf.for %parallel_loop3A_230 = %parallel_loop3A_224 to %parallel_loop3A_225 step %parallel_loop3A_226  : i32 {
        %parallel_loop3A_231 = arith.constant 2 : i32
        %parallel_loop3A_232 = arith.muli %parallel_loop3A_231, %parallel_loop3A_230 : i32
        %parallel_loop3A_233 = arith.index_cast %parallel_loop3A_230 : i32 to index
        %parallel_loop3A_234 = arith.constant 0 : index
        %parallel_loop3A_235 = tpu.vector_load %arg16[%parallel_loop3A_233, %parallel_loop3A_234] {strides = array<i32>} : memref<32x128xi32, #tpu.memory_space<vmem>>, vector<1x16xi32>,
        %parallel_loop3A_236 = vector.shape_cast %parallel_loop3A_235 : vector<1x16xi32> to vector<16xi32>
        %parallel_loop3A_237 = arith.constant 16 : i32
        %parallel_loop3A_238 = vector.broadcast %parallel_loop3A_237 : i32 to vector<16xi32>
        %parallel_loop3A_239 = arith.shli %parallel_loop3A_236, %parallel_loop3A_238 : vector<16xi32>
        %parallel_loop3A_240 = tpu.bitcast %parallel_loop3A_239 : vector<16xi32> -> vector<16xf32>
        %parallel_loop3A_241 = arith.constant -65536 : i32
        %parallel_loop3A_242 = vector.broadcast %parallel_loop3A_241 : i32 to vector<16xi32>
        %parallel_loop3A_243 = arith.andi %parallel_loop3A_236, %parallel_loop3A_242 : vector<16xi32>
        %parallel_loop3A_244 = tpu.bitcast %parallel_loop3A_243 : vector<16xi32> -> vector<16xf32>
        %parallel_loop3A_245 = arith.index_cast %parallel_loop3A_232 : i32 to index
        %parallel_loop3A_246 = arith.constant 0 : index
        %parallel_loop3A_247 = tpu.vector_load %arg14[%parallel_loop3A_245, %parallel_loop3A_246] {strides = array<i32>} : memref<64x128xf32, #tpu.memory_space<vmem>>, vector<1x16xf32>,
        %parallel_loop3A_248 = vector.shape_cast %parallel_loop3A_247 : vector<1x16xf32> to vector<16xf32>
        %parallel_loop3A_249 = arith.mulf %parallel_loop3A_248, %parallel_loop3A_240 : vector<16xf32>
        %parallel_loop3A_250 = arith.index_cast %parallel_loop3A_232 : i32 to index
        %parallel_loop3A_251 = arith.constant 0 : index
        %parallel_loop3A_252 = tpu.vector_load %arg18[%parallel_loop3A_250, %parallel_loop3A_251] {strides = array<i32>} : memref<64x128xf32, #tpu.memory_space<vmem>>, vector<1x16xf32>,
        %parallel_loop3A_253 = vector.shape_cast %parallel_loop3A_252 : vector<1x16xf32> to vector<16xf32>
        %parallel_loop3A_254 = vector.shape_cast %parallel_loop3A_249 : vector<16xf32> to vector<1x16xf32>
        tpu.vector_store %arg18[%parallel_loop3A_250, %parallel_loop3A_251], %parallel_loop3A_254 {strides = array<i32>} : memref<64x128xf32, #tpu.memory_space<vmem>>, vector<1x16xf32>,
        %parallel_loop3A_255 = arith.constant 1 : i32
        %parallel_loop3A_256 = arith.addi %parallel_loop3A_232, %parallel_loop3A_255 : i32
        %parallel_loop3A_257 = arith.index_cast %parallel_loop3A_256 : i32 to index
        %parallel_loop3A_258 = arith.constant 0 : index
        %parallel_loop3A_259 = tpu.vector_load %arg14[%parallel_loop3A_257, %parallel_loop3A_258] {strides = array<i32>} : memref<64x128xf32, #tpu.memory_space<vmem>>, vector<1x16xf32>,
        %parallel_loop3A_260 = vector.shape_cast %parallel_loop3A_259 : vector<1x16xf32> to vector<16xf32>
        %parallel_loop3A_261 = arith.mulf %parallel_loop3A_260, %parallel_loop3A_244 : vector<16xf32>
        %parallel_loop3A_262 = arith.constant 1 : i32
        %parallel_loop3A_263 = arith.addi %parallel_loop3A_232, %parallel_loop3A_262 : i32
        %parallel_loop3A_264 = arith.index_cast %parallel_loop3A_263 : i32 to index
        %parallel_loop3A_265 = arith.constant 0 : index
        %parallel_loop3A_266 = tpu.vector_load %arg18[%parallel_loop3A_264, %parallel_loop3A_265] {strides = array<i32>} : memref<64x128xf32, #tpu.memory_space<vmem>>, vector<1x16xf32>,
        %parallel_loop3A_267 = vector.shape_cast %parallel_loop3A_266 : vector<1x16xf32> to vector<16xf32>
        %parallel_loop3A_268 = vector.shape_cast %parallel_loop3A_261 : vector<16xf32> to vector<1x16xf32>
        tpu.vector_store %arg18[%parallel_loop3A_264, %parallel_loop3A_265], %parallel_loop3A_268 {strides = array<i32>} : memref<64x128xf32, #tpu.memory_space<vmem>>, vector<1x16xf32>,
        %parallel_loop3A_269 = arith.index_cast %parallel_loop3A_230 : i32 to index
        %parallel_loop3A_270 = arith.constant 16 : index
        %parallel_loop3A_271 = tpu.vector_load %arg16[%parallel_loop3A_269, %parallel_loop3A_270] {strides = array<i32>} : memref<32x128xi32, #tpu.memory_space<vmem>>, vector<1x16xi32>,
        %parallel_loop3A_272 = vector.shape_cast %parallel_loop3A_271 : vector<1x16xi32> to vector<16xi32>
        %parallel_loop3A_273 = arith.constant 16 : i32
        %parallel_loop3A_274 = vector.broadcast %parallel_loop3A_273 : i32 to vector<16xi32>
        %parallel_loop3A_275 = arith.shli %parallel_loop3A_272, %parallel_loop3A_274 : vector<16xi32>
        %parallel_loop3A_276 = tpu.bitcast %parallel_loop3A_275 : vector<16xi32> -> vector<16xf32>
        %parallel_loop3A_277 = arith.constant -65536 : i32
        %parallel_loop3A_278 = vector.broadcast %parallel_loop3A_277 : i32 to vector<16xi32>
        %parallel_loop3A_279 = arith.andi %parallel_loop3A_272, %parallel_loop3A_278 : vector<16xi32>
        %parallel_loop3A_280 = tpu.bitcast %parallel_loop3A_279 : vector<16xi32> -> vector<16xf32>
        %parallel_loop3A_281 = arith.index_cast %parallel_loop3A_232 : i32 to index
        %parallel_loop3A_282 = arith.constant 16 : index
        %parallel_loop3A_283 = tpu.vector_load %arg14[%parallel_loop3A_281, %parallel_loop3A_282] {strides = array<i32>} : memref<64x128xf32, #tpu.memory_space<vmem>>, vector<1x16xf32>,
        %parallel_loop3A_284 = vector.shape_cast %parallel_loop3A_283 : vector<1x16xf32> to vector<16xf32>
        %parallel_loop3A_285 = arith.mulf %parallel_loop3A_284, %parallel_loop3A_276 : vector<16xf32>
        %parallel_loop3A_286 = arith.index_cast %parallel_loop3A_232 : i32 to index
        %parallel_loop3A_287 = arith.constant 16 : index
        %parallel_loop3A_288 = tpu.vector_load %arg18[%parallel_loop3A_286, %parallel_loop3A_287] {strides = array<i32>} : memref<64x128xf32, #tpu.memory_space<vmem>>, vector<1x16xf32>,
        %parallel_loop3A_289 = vector.shape_cast %parallel_loop3A_288 : vector<1x16xf32> to vector<16xf32>
        %parallel_loop3A_290 = vector.shape_cast %parallel_loop3A_285 : vector<16xf32> to vector<1x16xf32>
        tpu.vector_store %arg18[%parallel_loop3A_286, %parallel_loop3A_287], %parallel_loop3A_290 {strides = array<i32>} : memref<64x128xf32, #tpu.memory_space<vmem>>, vector<1x16xf32>,
        %parallel_loop3A_291 = arith.constant 1 : i32
        %parallel_loop3A_292 = arith.addi %parallel_loop3A_232, %parallel_loop3A_291 : i32
        %parallel_loop3A_293 = arith.index_cast %parallel_loop3A_292 : i32 to index
        %parallel_loop3A_294 = arith.constant 16 : index
        %parallel_loop3A_295 = tpu.vector_load %arg14[%parallel_loop3A_293, %parallel_loop3A_294] {strides = array<i32>} : memref<64x128xf32, #tpu.memory_space<vmem>>, vector<1x16xf32>,
        %parallel_loop3A_296 = vector.shape_cast %parallel_loop3A_295 : vector<1x16xf32> to vector<16xf32>
        %parallel_loop3A_297 = arith.mulf %parallel_loop3A_296, %parallel_loop3A_280 : vector<16xf32>
        %parallel_loop3A_298 = arith.constant 1 : i32
        %parallel_loop3A_299 = arith.addi %parallel_loop3A_232, %parallel_loop3A_298 : i32
        %parallel_loop3A_300 = arith.index_cast %parallel_loop3A_299 : i32 to index
        %parallel_loop3A_301 = arith.constant 16 : index
        %parallel_loop3A_302 = tpu.vector_load %arg18[%parallel_loop3A_300, %parallel_loop3A_301] {strides = array<i32>} : memref<64x128xf32, #tpu.memory_space<vmem>>, vector<1x16xf32>,
        %parallel_loop3A_303 = vector.shape_cast %parallel_loop3A_302 : vector<1x16xf32> to vector<16xf32>
        %parallel_loop3A_304 = vector.shape_cast %parallel_loop3A_297 : vector<16xf32> to vector<1x16xf32>
        tpu.vector_store %arg18[%parallel_loop3A_300, %parallel_loop3A_301], %parallel_loop3A_304 {strides = array<i32>} : memref<64x128xf32, #tpu.memory_space<vmem>>, vector<1x16xf32>,
        %parallel_loop3A_305 = arith.index_cast %parallel_loop3A_230 : i32 to index
        %parallel_loop3A_306 = arith.constant 32 : index
        %parallel_loop3A_307 = tpu.vector_load %arg16[%parallel_loop3A_305, %parallel_loop3A_306] {strides = array<i32>} : memref<32x128xi32, #tpu.memory_space<vmem>>, vector<1x16xi32>,
        %parallel_loop3A_308 = vector.shape_cast %parallel_loop3A_307 : vector<1x16xi32> to vector<16xi32>
        %parallel_loop3A_309 = arith.constant 16 : i32
        %parallel_loop3A_310 = vector.broadcast %parallel_loop3A_309 : i32 to vector<16xi32>
        %parallel_loop3A_311 = arith.shli %parallel_loop3A_308, %parallel_loop3A_310 : vector<16xi32>
        %parallel_loop3A_312 = tpu.bitcast %parallel_loop3A_311 : vector<16xi32> -> vector<16xf32>
        %parallel_loop3A_313 = arith.constant -65536 : i32
        %parallel_loop3A_314 = vector.broadcast %parallel_loop3A_313 : i32 to vector<16xi32>
        %parallel_loop3A_315 = arith.andi %parallel_loop3A_308, %parallel_loop3A_314 : vector<16xi32>
        %parallel_loop3A_316 = tpu.bitcast %parallel_loop3A_315 : vector<16xi32> -> vector<16xf32>
        %parallel_loop3A_317 = arith.index_cast %parallel_loop3A_232 : i32 to index
        %parallel_loop3A_318 = arith.constant 32 : index
        %parallel_loop3A_319 = tpu.vector_load %arg14[%parallel_loop3A_317, %parallel_loop3A_318] {strides = array<i32>} : memref<64x128xf32, #tpu.memory_space<vmem>>, vector<1x16xf32>,
        %parallel_loop3A_320 = vector.shape_cast %parallel_loop3A_319 : vector<1x16xf32> to vector<16xf32>
        %parallel_loop3A_321 = arith.mulf %parallel_loop3A_320, %parallel_loop3A_312 : vector<16xf32>
        %parallel_loop3A_322 = arith.index_cast %parallel_loop3A_232 : i32 to index
        %parallel_loop3A_323 = arith.constant 32 : index
        %parallel_loop3A_324 = tpu.vector_load %arg18[%parallel_loop3A_322, %parallel_loop3A_323] {strides = array<i32>} : memref<64x128xf32, #tpu.memory_space<vmem>>, vector<1x16xf32>,
        %parallel_loop3A_325 = vector.shape_cast %parallel_loop3A_324 : vector<1x16xf32> to vector<16xf32>
        %parallel_loop3A_326 = vector.shape_cast %parallel_loop3A_321 : vector<16xf32> to vector<1x16xf32>
        tpu.vector_store %arg18[%parallel_loop3A_322, %parallel_loop3A_323], %parallel_loop3A_326 {strides = array<i32>} : memref<64x128xf32, #tpu.memory_space<vmem>>, vector<1x16xf32>,
        %parallel_loop3A_327 = arith.constant 1 : i32
        %parallel_loop3A_328 = arith.addi %parallel_loop3A_232, %parallel_loop3A_327 : i32
        %parallel_loop3A_329 = arith.index_cast %parallel_loop3A_328 : i32 to index
        %parallel_loop3A_330 = arith.constant 32 : index
        %parallel_loop3A_331 = tpu.vector_load %arg14[%parallel_loop3A_329, %parallel_loop3A_330] {strides = array<i32>} : memref<64x128xf32, #tpu.memory_space<vmem>>, vector<1x16xf32>,
        %parallel_loop3A_332 = vector.shape_cast %parallel_loop3A_331 : vector<1x16xf32> to vector<16xf32>
        %parallel_loop3A_333 = arith.mulf %parallel_loop3A_332, %parallel_loop3A_316 : vector<16xf32>
        %parallel_loop3A_334 = arith.constant 1 : i32
        %parallel_loop3A_335 = arith.addi %parallel_loop3A_232, %parallel_loop3A_334 : i32
        %parallel_loop3A_336 = arith.index_cast %parallel_loop3A_335 : i32 to index
        %parallel_loop3A_337 = arith.constant 32 : index
        %parallel_loop3A_338 = tpu.vector_load %arg18[%parallel_loop3A_336, %parallel_loop3A_337] {strides = array<i32>} : memref<64x128xf32, #tpu.memory_space<vmem>>, vector<1x16xf32>,
        %parallel_loop3A_339 = vector.shape_cast %parallel_loop3A_338 : vector<1x16xf32> to vector<16xf32>
        %parallel_loop3A_340 = vector.shape_cast %parallel_loop3A_333 : vector<16xf32> to vector<1x16xf32>
        tpu.vector_store %arg18[%parallel_loop3A_336, %parallel_loop3A_337], %parallel_loop3A_340 {strides = array<i32>} : memref<64x128xf32, #tpu.memory_space<vmem>>, vector<1x16xf32>,
        %parallel_loop3A_341 = arith.index_cast %parallel_loop3A_230 : i32 to index
        %parallel_loop3A_342 = arith.constant 48 : index
        %parallel_loop3A_343 = tpu.vector_load %arg16[%parallel_loop3A_341, %parallel_loop3A_342] {strides = array<i32>} : memref<32x128xi32, #tpu.memory_space<vmem>>, vector<1x16xi32>,
        %parallel_loop3A_344 = vector.shape_cast %parallel_loop3A_343 : vector<1x16xi32> to vector<16xi32>
        %parallel_loop3A_345 = arith.constant 16 : i32
        %parallel_loop3A_346 = vector.broadcast %parallel_loop3A_345 : i32 to vector<16xi32>
        %parallel_loop3A_347 = arith.shli %parallel_loop3A_344, %parallel_loop3A_346 : vector<16xi32>
        %parallel_loop3A_348 = tpu.bitcast %parallel_loop3A_347 : vector<16xi32> -> vector<16xf32>
        %parallel_loop3A_349 = arith.constant -65536 : i32
        %parallel_loop3A_350 = vector.broadcast %parallel_loop3A_349 : i32 to vector<16xi32>
        %parallel_loop3A_351 = arith.andi %parallel_loop3A_344, %parallel_loop3A_350 : vector<16xi32>
        %parallel_loop3A_352 = tpu.bitcast %parallel_loop3A_351 : vector<16xi32> -> vector<16xf32>
        %parallel_loop3A_353 = arith.index_cast %parallel_loop3A_232 : i32 to index
        %parallel_loop3A_354 = arith.constant 48 : index
        %parallel_loop3A_355 = tpu.vector_load %arg14[%parallel_loop3A_353, %parallel_loop3A_354] {strides = array<i32>} : memref<64x128xf32, #tpu.memory_space<vmem>>, vector<1x16xf32>,
        %parallel_loop3A_356 = vector.shape_cast %parallel_loop3A_355 : vector<1x16xf32> to vector<16xf32>
        %parallel_loop3A_357 = arith.mulf %parallel_loop3A_356, %parallel_loop3A_348 : vector<16xf32>
        %parallel_loop3A_358 = arith.index_cast %parallel_loop3A_232 : i32 to index
        %parallel_loop3A_359 = arith.constant 48 : index
        %parallel_loop3A_360 = tpu.vector_load %arg18[%parallel_loop3A_358, %parallel_loop3A_359] {strides = array<i32>} : memref<64x128xf32, #tpu.memory_space<vmem>>, vector<1x16xf32>,
        %parallel_loop3A_361 = vector.shape_cast %parallel_loop3A_360 : vector<1x16xf32> to vector<16xf32>
        %parallel_loop3A_362 = vector.shape_cast %parallel_loop3A_357 : vector<16xf32> to vector<1x16xf32>
        tpu.vector_store %arg18[%parallel_loop3A_358, %parallel_loop3A_359], %parallel_loop3A_362 {strides = array<i32>} : memref<64x128xf32, #tpu.memory_space<vmem>>, vector<1x16xf32>,
        %parallel_loop3A_363 = arith.constant 1 : i32
        %parallel_loop3A_364 = arith.addi %parallel_loop3A_232, %parallel_loop3A_363 : i32
        %parallel_loop3A_365 = arith.index_cast %parallel_loop3A_364 : i32 to index
        %parallel_loop3A_366 = arith.constant 48 : index
        %parallel_loop3A_367 = tpu.vector_load %arg14[%parallel_loop3A_365, %parallel_loop3A_366] {strides = array<i32>} : memref<64x128xf32, #tpu.memory_space<vmem>>, vector<1x16xf32>,
        %parallel_loop3A_368 = vector.shape_cast %parallel_loop3A_367 : vector<1x16xf32> to vector<16xf32>
        %parallel_loop3A_369 = arith.mulf %parallel_loop3A_368, %parallel_loop3A_352 : vector<16xf32>
        %parallel_loop3A_370 = arith.constant 1 : i32
        %parallel_loop3A_371 = arith.addi %parallel_loop3A_232, %parallel_loop3A_370 : i32
        %parallel_loop3A_372 = arith.index_cast %parallel_loop3A_371 : i32 to index
        %parallel_loop3A_373 = arith.constant 48 : index
        %parallel_loop3A_374 = tpu.vector_load %arg18[%parallel_loop3A_372, %parallel_loop3A_373] {strides = array<i32>} : memref<64x128xf32, #tpu.memory_space<vmem>>, vector<1x16xf32>,
        %parallel_loop3A_375 = vector.shape_cast %parallel_loop3A_374 : vector<1x16xf32> to vector<16xf32>
        %parallel_loop3A_376 = vector.shape_cast %parallel_loop3A_369 : vector<16xf32> to vector<1x16xf32>
        tpu.vector_store %arg18[%parallel_loop3A_372, %parallel_loop3A_373], %parallel_loop3A_376 {strides = array<i32>} : memref<64x128xf32, #tpu.memory_space<vmem>>, vector<1x16xf32>,
        %parallel_loop3A_377 = arith.index_cast %parallel_loop3A_230 : i32 to index
        %parallel_loop3A_378 = arith.constant 64 : index
        %parallel_loop3A_379 = tpu.vector_load %arg16[%parallel_loop3A_377, %parallel_loop3A_378] {strides = array<i32>} : memref<32x128xi32, #tpu.memory_space<vmem>>, vector<1x16xi32>,
        %parallel_loop3A_380 = vector.shape_cast %parallel_loop3A_379 : vector<1x16xi32> to vector<16xi32>
        %parallel_loop3A_381 = arith.constant 16 : i32
        %parallel_loop3A_382 = vector.broadcast %parallel_loop3A_381 : i32 to vector<16xi32>
        %parallel_loop3A_383 = arith.shli %parallel_loop3A_380, %parallel_loop3A_382 : vector<16xi32>
        %parallel_loop3A_384 = tpu.bitcast %parallel_loop3A_383 : vector<16xi32> -> vector<16xf32>
        %parallel_loop3A_385 = arith.constant -65536 : i32
        %parallel_loop3A_386 = vector.broadcast %parallel_loop3A_385 : i32 to vector<16xi32>
        %parallel_loop3A_387 = arith.andi %parallel_loop3A_380, %parallel_loop3A_386 : vector<16xi32>
        %parallel_loop3A_388 = tpu.bitcast %parallel_loop3A_387 : vector<16xi32> -> vector<16xf32>
        %parallel_loop3A_389 = arith.index_cast %parallel_loop3A_232 : i32 to index
        %parallel_loop3A_390 = arith.constant 64 : index
        %parallel_loop3A_391 = tpu.vector_load %arg14[%parallel_loop3A_389, %parallel_loop3A_390] {strides = array<i32>} : memref<64x128xf32, #tpu.memory_space<vmem>>, vector<1x16xf32>,
        %parallel_loop3A_392 = vector.shape_cast %parallel_loop3A_391 : vector<1x16xf32> to vector<16xf32>
        %parallel_loop3A_393 = arith.mulf %parallel_loop3A_392, %parallel_loop3A_384 : vector<16xf32>
        %parallel_loop3A_394 = arith.index_cast %parallel_loop3A_232 : i32 to index
        %parallel_loop3A_395 = arith.constant 64 : index
        %parallel_loop3A_396 = tpu.vector_load %arg18[%parallel_loop3A_394, %parallel_loop3A_395] {strides = array<i32>} : memref<64x128xf32, #tpu.memory_space<vmem>>, vector<1x16xf32>,
        %parallel_loop3A_397 = vector.shape_cast %parallel_loop3A_396 : vector<1x16xf32> to vector<16xf32>
        %parallel_loop3A_398 = vector.shape_cast %parallel_loop3A_393 : vector<16xf32> to vector<1x16xf32>
        tpu.vector_store %arg18[%parallel_loop3A_394, %parallel_loop3A_395], %parallel_loop3A_398 {strides = array<i32>} : memref<64x128xf32, #tpu.memory_space<vmem>>, vector<1x16xf32>,
        %parallel_loop3A_399 = arith.constant 1 : i32
        %parallel_loop3A_400 = arith.addi %parallel_loop3A_232, %parallel_loop3A_399 : i32
        %parallel_loop3A_401 = arith.index_cast %parallel_loop3A_400 : i32 to index
        %parallel_loop3A_402 = arith.constant 64 : index
        %parallel_loop3A_403 = tpu.vector_load %arg14[%parallel_loop3A_401, %parallel_loop3A_402] {strides = array<i32>} : memref<64x128xf32, #tpu.memory_space<vmem>>, vector<1x16xf32>,
        %parallel_loop3A_404 = vector.shape_cast %parallel_loop3A_403 : vector<1x16xf32> to vector<16xf32>
        %parallel_loop3A_405 = arith.mulf %parallel_loop3A_404, %parallel_loop3A_388 : vector<16xf32>
        %parallel_loop3A_406 = arith.constant 1 : i32
        %parallel_loop3A_407 = arith.addi %parallel_loop3A_232, %parallel_loop3A_406 : i32
        %parallel_loop3A_408 = arith.index_cast %parallel_loop3A_407 : i32 to index
        %parallel_loop3A_409 = arith.constant 64 : index
        %parallel_loop3A_410 = tpu.vector_load %arg18[%parallel_loop3A_408, %parallel_loop3A_409] {strides = array<i32>} : memref<64x128xf32, #tpu.memory_space<vmem>>, vector<1x16xf32>,
        %parallel_loop3A_411 = vector.shape_cast %parallel_loop3A_410 : vector<1x16xf32> to vector<16xf32>
        %parallel_loop3A_412 = vector.shape_cast %parallel_loop3A_405 : vector<16xf32> to vector<1x16xf32>
        tpu.vector_store %arg18[%parallel_loop3A_408, %parallel_loop3A_409], %parallel_loop3A_412 {strides = array<i32>} : memref<64x128xf32, #tpu.memory_space<vmem>>, vector<1x16xf32>,
        %parallel_loop3A_413 = arith.index_cast %parallel_loop3A_230 : i32 to index
        %parallel_loop3A_414 = arith.constant 80 : index
        %parallel_loop3A_415 = tpu.vector_load %arg16[%parallel_loop3A_413, %parallel_loop3A_414] {strides = array<i32>} : memref<32x128xi32, #tpu.memory_space<vmem>>, vector<1x16xi32>,
        %parallel_loop3A_416 = vector.shape_cast %parallel_loop3A_415 : vector<1x16xi32> to vector<16xi32>
        %parallel_loop3A_417 = arith.constant 16 : i32
        %parallel_loop3A_418 = vector.broadcast %parallel_loop3A_417 : i32 to vector<16xi32>
        %parallel_loop3A_419 = arith.shli %parallel_loop3A_416, %parallel_loop3A_418 : vector<16xi32>
        %parallel_loop3A_420 = tpu.bitcast %parallel_loop3A_419 : vector<16xi32> -> vector<16xf32>
        %parallel_loop3A_421 = arith.constant -65536 : i32
        %parallel_loop3A_422 = vector.broadcast %parallel_loop3A_421 : i32 to vector<16xi32>
        %parallel_loop3A_423 = arith.andi %parallel_loop3A_416, %parallel_loop3A_422 : vector<16xi32>
        %parallel_loop3A_424 = tpu.bitcast %parallel_loop3A_423 : vector<16xi32> -> vector<16xf32>
        %parallel_loop3A_425 = arith.index_cast %parallel_loop3A_232 : i32 to index
        %parallel_loop3A_426 = arith.constant 80 : index
        %parallel_loop3A_427 = tpu.vector_load %arg14[%parallel_loop3A_425, %parallel_loop3A_426] {strides = array<i32>} : memref<64x128xf32, #tpu.memory_space<vmem>>, vector<1x16xf32>,
        %parallel_loop3A_428 = vector.shape_cast %parallel_loop3A_427 : vector<1x16xf32> to vector<16xf32>
        %parallel_loop3A_429 = arith.mulf %parallel_loop3A_428, %parallel_loop3A_420 : vector<16xf32>
        %parallel_loop3A_430 = arith.index_cast %parallel_loop3A_232 : i32 to index
        %parallel_loop3A_431 = arith.constant 80 : index
        %parallel_loop3A_432 = tpu.vector_load %arg18[%parallel_loop3A_430, %parallel_loop3A_431] {strides = array<i32>} : memref<64x128xf32, #tpu.memory_space<vmem>>, vector<1x16xf32>,
        %parallel_loop3A_433 = vector.shape_cast %parallel_loop3A_432 : vector<1x16xf32> to vector<16xf32>
        %parallel_loop3A_434 = vector.shape_cast %parallel_loop3A_429 : vector<16xf32> to vector<1x16xf32>
        tpu.vector_store %arg18[%parallel_loop3A_430, %parallel_loop3A_431], %parallel_loop3A_434 {strides = array<i32>} : memref<64x128xf32, #tpu.memory_space<vmem>>, vector<1x16xf32>,
        %parallel_loop3A_435 = arith.constant 1 : i32
        %parallel_loop3A_436 = arith.addi %parallel_loop3A_232, %parallel_loop3A_435 : i32
        %parallel_loop3A_437 = arith.index_cast %parallel_loop3A_436 : i32 to index
        %parallel_loop3A_438 = arith.constant 80 : index
        %parallel_loop3A_439 = tpu.vector_load %arg14[%parallel_loop3A_437, %parallel_loop3A_438] {strides = array<i32>} : memref<64x128xf32, #tpu.memory_space<vmem>>, vector<1x16xf32>,
        %parallel_loop3A_440 = vector.shape_cast %parallel_loop3A_439 : vector<1x16xf32> to vector<16xf32>
        %parallel_loop3A_441 = arith.mulf %parallel_loop3A_440, %parallel_loop3A_424 : vector<16xf32>
        %parallel_loop3A_442 = arith.constant 1 : i32
        %parallel_loop3A_443 = arith.addi %parallel_loop3A_232, %parallel_loop3A_442 : i32
        %parallel_loop3A_444 = arith.index_cast %parallel_loop3A_443 : i32 to index
        %parallel_loop3A_445 = arith.constant 80 : index
        %parallel_loop3A_446 = tpu.vector_load %arg18[%parallel_loop3A_444, %parallel_loop3A_445] {strides = array<i32>} : memref<64x128xf32, #tpu.memory_space<vmem>>, vector<1x16xf32>,
        %parallel_loop3A_447 = vector.shape_cast %parallel_loop3A_446 : vector<1x16xf32> to vector<16xf32>
        %parallel_loop3A_448 = vector.shape_cast %parallel_loop3A_441 : vector<16xf32> to vector<1x16xf32>
        tpu.vector_store %arg18[%parallel_loop3A_444, %parallel_loop3A_445], %parallel_loop3A_448 {strides = array<i32>} : memref<64x128xf32, #tpu.memory_space<vmem>>, vector<1x16xf32>,
        %parallel_loop3A_449 = arith.index_cast %parallel_loop3A_230 : i32 to index
        %parallel_loop3A_450 = arith.constant 96 : index
        %parallel_loop3A_451 = tpu.vector_load %arg16[%parallel_loop3A_449, %parallel_loop3A_450] {strides = array<i32>} : memref<32x128xi32, #tpu.memory_space<vmem>>, vector<1x16xi32>,
        %parallel_loop3A_452 = vector.shape_cast %parallel_loop3A_451 : vector<1x16xi32> to vector<16xi32>
        %parallel_loop3A_453 = arith.constant 16 : i32
        %parallel_loop3A_454 = vector.broadcast %parallel_loop3A_453 : i32 to vector<16xi32>
        %parallel_loop3A_455 = arith.shli %parallel_loop3A_452, %parallel_loop3A_454 : vector<16xi32>
        %parallel_loop3A_456 = tpu.bitcast %parallel_loop3A_455 : vector<16xi32> -> vector<16xf32>
        %parallel_loop3A_457 = arith.constant -65536 : i32
        %parallel_loop3A_458 = vector.broadcast %parallel_loop3A_457 : i32 to vector<16xi32>
        %parallel_loop3A_459 = arith.andi %parallel_loop3A_452, %parallel_loop3A_458 : vector<16xi32>
        %parallel_loop3A_460 = tpu.bitcast %parallel_loop3A_459 : vector<16xi32> -> vector<16xf32>
        %parallel_loop3A_461 = arith.index_cast %parallel_loop3A_232 : i32 to index
        %parallel_loop3A_462 = arith.constant 96 : index
        %parallel_loop3A_463 = tpu.vector_load %arg14[%parallel_loop3A_461, %parallel_loop3A_462] {strides = array<i32>} : memref<64x128xf32, #tpu.memory_space<vmem>>, vector<1x16xf32>,
        %parallel_loop3A_464 = vector.shape_cast %parallel_loop3A_463 : vector<1x16xf32> to vector<16xf32>
        %parallel_loop3A_465 = arith.mulf %parallel_loop3A_464, %parallel_loop3A_456 : vector<16xf32>
        %parallel_loop3A_466 = arith.index_cast %parallel_loop3A_232 : i32 to index
        %parallel_loop3A_467 = arith.constant 96 : index
        %parallel_loop3A_468 = tpu.vector_load %arg18[%parallel_loop3A_466, %parallel_loop3A_467] {strides = array<i32>} : memref<64x128xf32, #tpu.memory_space<vmem>>, vector<1x16xf32>,
        %parallel_loop3A_469 = vector.shape_cast %parallel_loop3A_468 : vector<1x16xf32> to vector<16xf32>
        %parallel_loop3A_470 = vector.shape_cast %parallel_loop3A_465 : vector<16xf32> to vector<1x16xf32>
        tpu.vector_store %arg18[%parallel_loop3A_466, %parallel_loop3A_467], %parallel_loop3A_470 {strides = array<i32>} : memref<64x128xf32, #tpu.memory_space<vmem>>, vector<1x16xf32>,
        %parallel_loop3A_471 = arith.constant 1 : i32
        %parallel_loop3A_472 = arith.addi %parallel_loop3A_232, %parallel_loop3A_471 : i32
        %parallel_loop3A_473 = arith.index_cast %parallel_loop3A_472 : i32 to index
        %parallel_loop3A_474 = arith.constant 96 : index
        %parallel_loop3A_475 = tpu.vector_load %arg14[%parallel_loop3A_473, %parallel_loop3A_474] {strides = array<i32>} : memref<64x128xf32, #tpu.memory_space<vmem>>, vector<1x16xf32>,
        %parallel_loop3A_476 = vector.shape_cast %parallel_loop3A_475 : vector<1x16xf32> to vector<16xf32>
        %parallel_loop3A_477 = arith.mulf %parallel_loop3A_476, %parallel_loop3A_460 : vector<16xf32>
        %parallel_loop3A_478 = arith.constant 1 : i32
        %parallel_loop3A_479 = arith.addi %parallel_loop3A_232, %parallel_loop3A_478 : i32
        %parallel_loop3A_480 = arith.index_cast %parallel_loop3A_479 : i32 to index
        %parallel_loop3A_481 = arith.constant 96 : index
        %parallel_loop3A_482 = tpu.vector_load %arg18[%parallel_loop3A_480, %parallel_loop3A_481] {strides = array<i32>} : memref<64x128xf32, #tpu.memory_space<vmem>>, vector<1x16xf32>,
        %parallel_loop3A_483 = vector.shape_cast %parallel_loop3A_482 : vector<1x16xf32> to vector<16xf32>
        %parallel_loop3A_484 = vector.shape_cast %parallel_loop3A_477 : vector<16xf32> to vector<1x16xf32>
        tpu.vector_store %arg18[%parallel_loop3A_480, %parallel_loop3A_481], %parallel_loop3A_484 {strides = array<i32>} : memref<64x128xf32, #tpu.memory_space<vmem>>, vector<1x16xf32>,
        %parallel_loop3A_485 = arith.index_cast %parallel_loop3A_230 : i32 to index
        %parallel_loop3A_486 = arith.constant 112 : index
        %parallel_loop3A_487 = tpu.vector_load %arg16[%parallel_loop3A_485, %parallel_loop3A_486] {strides = array<i32>} : memref<32x128xi32, #tpu.memory_space<vmem>>, vector<1x16xi32>,
        %parallel_loop3A_488 = vector.shape_cast %parallel_loop3A_487 : vector<1x16xi32> to vector<16xi32>
        %parallel_loop3A_489 = arith.constant 16 : i32
        %parallel_loop3A_490 = vector.broadcast %parallel_loop3A_489 : i32 to vector<16xi32>
        %parallel_loop3A_491 = arith.shli %parallel_loop3A_488, %parallel_loop3A_490 : vector<16xi32>
        %parallel_loop3A_492 = tpu.bitcast %parallel_loop3A_491 : vector<16xi32> -> vector<16xf32>
        %parallel_loop3A_493 = arith.constant -65536 : i32
        %parallel_loop3A_494 = vector.broadcast %parallel_loop3A_493 : i32 to vector<16xi32>
        %parallel_loop3A_495 = arith.andi %parallel_loop3A_488, %parallel_loop3A_494 : vector<16xi32>
        %parallel_loop3A_496 = tpu.bitcast %parallel_loop3A_495 : vector<16xi32> -> vector<16xf32>
        %parallel_loop3A_497 = arith.index_cast %parallel_loop3A_232 : i32 to index
        %parallel_loop3A_498 = arith.constant 112 : index
        %parallel_loop3A_499 = tpu.vector_load %arg14[%parallel_loop3A_497, %parallel_loop3A_498] {strides = array<i32>} : memref<64x128xf32, #tpu.memory_space<vmem>>, vector<1x16xf32>,
        %parallel_loop3A_500 = vector.shape_cast %parallel_loop3A_499 : vector<1x16xf32> to vector<16xf32>
        %parallel_loop3A_501 = arith.mulf %parallel_loop3A_500, %parallel_loop3A_492 : vector<16xf32>
        %parallel_loop3A_502 = arith.index_cast %parallel_loop3A_232 : i32 to index
        %parallel_loop3A_503 = arith.constant 112 : index
        %parallel_loop3A_504 = tpu.vector_load %arg18[%parallel_loop3A_502, %parallel_loop3A_503] {strides = array<i32>} : memref<64x128xf32, #tpu.memory_space<vmem>>, vector<1x16xf32>,
        %parallel_loop3A_505 = vector.shape_cast %parallel_loop3A_504 : vector<1x16xf32> to vector<16xf32>
        %parallel_loop3A_506 = vector.shape_cast %parallel_loop3A_501 : vector<16xf32> to vector<1x16xf32>
        tpu.vector_store %arg18[%parallel_loop3A_502, %parallel_loop3A_503], %parallel_loop3A_506 {strides = array<i32>} : memref<64x128xf32, #tpu.memory_space<vmem>>, vector<1x16xf32>,
        %parallel_loop3A_507 = arith.constant 1 : i32
        %parallel_loop3A_508 = arith.addi %parallel_loop3A_232, %parallel_loop3A_507 : i32
        %parallel_loop3A_509 = arith.index_cast %parallel_loop3A_508 : i32 to index
        %parallel_loop3A_510 = arith.constant 112 : index
        %parallel_loop3A_511 = tpu.vector_load %arg14[%parallel_loop3A_509, %parallel_loop3A_510] {strides = array<i32>} : memref<64x128xf32, #tpu.memory_space<vmem>>, vector<1x16xf32>,
        %parallel_loop3A_512 = vector.shape_cast %parallel_loop3A_511 : vector<1x16xf32> to vector<16xf32>
        %parallel_loop3A_513 = arith.mulf %parallel_loop3A_512, %parallel_loop3A_496 : vector<16xf32>
        %parallel_loop3A_514 = arith.constant 1 : i32
        %parallel_loop3A_515 = arith.addi %parallel_loop3A_232, %parallel_loop3A_514 : i32
        %parallel_loop3A_516 = arith.index_cast %parallel_loop3A_515 : i32 to index
        %parallel_loop3A_517 = arith.constant 112 : index
        %parallel_loop3A_518 = tpu.vector_load %arg18[%parallel_loop3A_516, %parallel_loop3A_517] {strides = array<i32>} : memref<64x128xf32, #tpu.memory_space<vmem>>, vector<1x16xf32>,
        %parallel_loop3A_519 = vector.shape_cast %parallel_loop3A_518 : vector<1x16xf32> to vector<16xf32>
        %parallel_loop3A_520 = vector.shape_cast %parallel_loop3A_513 : vector<16xf32> to vector<1x16xf32>
        tpu.vector_store %arg18[%parallel_loop3A_516, %parallel_loop3A_517], %parallel_loop3A_520 {strides = array<i32>} : memref<64x128xf32, #tpu.memory_space<vmem>>, vector<1x16xf32>,
      } {sc.loop_unroll_factor = 4 : i64, sc.parallel_access}
      %dma_start3A_227 = arith.constant 0 : i32
      %dma_start3A_228 = arith.constant 0 : i32
      %dma_start3A_229 = tpu.memref_slice %arg19[%dma_start3A_227, %dma_start3A_228] : memref<10000x128xf32, #tpu.memory_space<vmem_shared>> -> memref<10000x128xf32, #tpu.memory_space<vmem_shared>>
      tpu.enqueue_indirect_dma source(%arg18 : memref<64x128xf32, #tpu.memory_space<vmem>>) target(%dma_start3A_229 : memref<10000x128xf32, #tpu.memory_space<vmem_shared>>) offsets(%arg12 : memref<64xi32, #tpu.memory_space<vmem>>) semaphore(%arg29 : memref<!tpu.dma_semaphore, #tpu.memory_space<semaphore_mem>>) {add = true}
    }
    %scan3A_82 = arith.constant 158 : i32
    %dma_wait3A_83 = arith.constant 0 : i32
    %dma_wait3A_84 = arith.constant 0 : i32
    %dma_wait3A_85 = tpu.memref_slice %arg19[%dma_wait3A_83, %dma_wait3A_84] : memref<10000x128xf32, #tpu.memory_space<vmem_shared>> -> memref<10000x128xf32, #tpu.memory_space<vmem_shared>>
    tpu.wait_indirect_dma semaphore(%arg28 : memref<!tpu.dma_semaphore, #tpu.memory_space<semaphore_mem>>) src(%arg17 : memref<64x128xf32, #tpu.memory_space<vmem>>) dst(%dma_wait3A_85 : memref<10000x128xf32, #tpu.memory_space<vmem_shared>>)
    %dma_wait3A_86 = arith.constant 0 : i32
    %dma_wait3A_87 = arith.constant 0 : i32
    %dma_wait3A_88 = tpu.memref_slice %arg19[%dma_wait3A_86, %dma_wait3A_87] : memref<10000x128xf32, #tpu.memory_space<vmem_shared>> -> memref<10000x128xf32, #tpu.memory_space<vmem_shared>>
    tpu.wait_indirect_dma semaphore(%arg29 : memref<!tpu.dma_semaphore, #tpu.memory_space<semaphore_mem>>) src(%arg18 : memref<64x128xf32, #tpu.memory_space<vmem>>) dst(%dma_wait3A_88 : memref<10000x128xf32, #tpu.memory_space<vmem_shared>>)
    %barrier3A_89 = arith.constant 0 : index
    tpu.barrier barrier_id(%barrier3A_89)
    %mul3A_90 = arith.constant 624 : i32
    %mul3A_91 = arith.muli %arg1, %mul3A_90 : i32
    %mul3A_92 = arith.constant 10000 : i32
    %mul3A_93 = arith.muli %arg0, %mul3A_92 : i32
    %mul3A_94 = arith.constant 624 : i32
    %mul3A_95 = arith.muli %arg1, %mul3A_94 : i32
    %add3A_96 = arith.addi %mul3A_93, %mul3A_95 : i32
    "tpu.region"() ({
      %run_scoped3A = tpu.sem_alloc : memref<!tpu.dma_semaphore, #tpu.memory_space<semaphore_mem>>
      %dma_start3A_102 = arith.constant 0 : i32
      %dma_start3A_103 = tpu.memref_slice %arg6[%add3A_96, %dma_start3A_102] : memref<20000x128xf32, #tpu.memory_space<hbm>> -> memref<624x128xf32, #tpu.memory_space<hbm>>
      %dma_start3A_104 = arith.constant 0 : i32
      %dma_start3A_105 = tpu.memref_slice %arg19[%mul3A_91, %dma_start3A_104] : memref<10000x128xf32, #tpu.memory_space<vmem_shared>> -> memref<624x128xf32, #tpu.memory_space<vmem_shared>>
      tpu.enqueue_dma source(%dma_start3A_105 : memref<624x128xf32, #tpu.memory_space<vmem_shared>>) target(%dma_start3A_103 : memref<624x128xf32, #tpu.memory_space<hbm>>) target_semaphore(%run_scoped3A : memref<!tpu.dma_semaphore, #tpu.memory_space<semaphore_mem>>)
      %dma_wait3A_106 = arith.constant 0 : i32
      %dma_wait3A_107 = tpu.memref_slice %arg6[%add3A_96, %dma_wait3A_106] : memref<20000x128xf32, #tpu.memory_space<hbm>> -> memref<624x128xf32, #tpu.memory_space<hbm>>
      %dma_wait3A_108 = arith.constant 0 : i32
      %dma_wait3A_109 = tpu.memref_slice %arg19[%mul3A_91, %dma_wait3A_108] : memref<10000x128xf32, #tpu.memory_space<vmem_shared>> -> memref<624x128xf32, #tpu.memory_space<vmem_shared>>
      tpu.wait_dma2 semaphore(%run_scoped3A : memref<!tpu.dma_semaphore, #tpu.memory_space<semaphore_mem>>) src(%dma_wait3A_109 : memref<624x128xf32, #tpu.memory_space<vmem_shared>>) dst(%dma_wait3A_107 : memref<624x128xf32, #tpu.memory_space<hbm>>)
      tpu.yield
    }) : () -> ()
    %eq3A_97 = arith.constant 0 : i32
    %eq3A_98 = arith.cmpi eq, %arg1, %eq3A_97 : i32
    %convert_element_type3A_99 = arith.extui %eq3A_98 : i1 to i32
    %cond3A_100 = arith.constant 0 : i32
    %cond3A_101 = arith.cmpi ne, %convert_element_type3A_99, %cond3A_100 : i32
    scf.if %cond3A_101 {
      %mul3A_102 = arith.constant 10000 : i32
      %mul3A_103 = arith.muli %arg0, %mul3A_102 : i32
      %add3A_104 = arith.constant 9984 : i32
      %add3A_105 = arith.addi %mul3A_103, %add3A_104 : i32
      "tpu.region"() ({
        %run_scoped3A = tpu.sem_alloc : memref<!tpu.dma_semaphore, #tpu.memory_space<semaphore_mem>>
        %dma_start3A_106 = arith.constant 0 : i32
        %dma_start3A_107 = tpu.memref_slice %arg6[%add3A_105, %dma_start3A_106] : memref<20000x128xf32, #tpu.memory_space<hbm>> -> memref<16x128xf32, #tpu.memory_space<hbm>>
        %dma_start3A_108 = arith.constant 9984 : i32
        %dma_start3A_109 = arith.constant 0 : i32
        %dma_start3A_110 = tpu.memref_slice %arg19[%dma_start3A_108, %dma_start3A_109] : memref<10000x128xf32, #tpu.memory_space<vmem_shared>> -> memref<16x128xf32, #tpu.memory_space<vmem_shared>>
        tpu.enqueue_dma source(%dma_start3A_110 : memref<16x128xf32, #tpu.memory_space<vmem_shared>>) target(%dma_start3A_107 : memref<16x128xf32, #tpu.memory_space<hbm>>) target_semaphore(%run_scoped3A : memref<!tpu.dma_semaphore, #tpu.memory_space<semaphore_mem>>)
        %dma_wait3A_111 = arith.constant 0 : i32
        %dma_wait3A_112 = tpu.memref_slice %arg6[%add3A_105, %dma_wait3A_111] : memref<20000x128xf32, #tpu.memory_space<hbm>> -> memref<16x128xf32, #tpu.memory_space<hbm>>
        %dma_wait3A_113 = arith.constant 9984 : i32
        %dma_wait3A_114 = arith.constant 0 : i32
        %dma_wait3A_115 = tpu.memref_slice %arg19[%dma_wait3A_113, %dma_wait3A_114] : memref<10000x128xf32, #tpu.memory_space<vmem_shared>> -> memref<16x128xf32, #tpu.memory_space<vmem_shared>>
        tpu.wait_dma2 semaphore(%run_scoped3A : memref<!tpu.dma_semaphore, #tpu.memory_space<semaphore_mem>>) src(%dma_wait3A_115 : memref<16x128xf32, #tpu.memory_space<vmem_shared>>) dst(%dma_wait3A_112 : memref<16x128xf32, #tpu.memory_space<hbm>>)
        tpu.yield
      }) : () -> ()
    } else {
    }
    return
  }
}

module attributes {stable_mosaic.version = 14 : i64} {
  func.func @_linup_body(%arg0: i32, %arg1: memref<2000x128xf32, #tpu.memory_space<vmem>>, %arg2: memref<128x128xf32, #tpu.memory_space<vmem>>, %arg3: memref<2000x128xf32, #tpu.memory_space<vmem>>) attributes {dimension_semantics = [#tpu.dimension_semantics<arbitrary>], iteration_bounds = array<i64: 5>, scalar_prefetch = 0 : i64, scratch_operands = 0 : i64, tpu.core_type = #tpu.core_type<tc>, window_params = [{transform_indices = @transform_0, window_bounds = array<i64: 2000, 128>}, {pipeline_mode = #tpu.pipeline_mode<synchronous>, transform_indices = @transform_1, window_bounds = array<i64: 128, 128>}, {transform_indices = @transform_2, window_bounds = array<i64: 2000, 128>}]} {
    %get3A = arith.constant 0 : index
    %get3A_0 = arith.constant 0 : index
    %get3A_1 = vector.load %arg1[%get3A, %get3A_0] : memref<2000x128xf32, #tpu.memory_space<vmem>>, vector<2000x128xf32>
    %get3A_2 = arith.constant 0 : index
    %get3A_3 = arith.constant 0 : index
    %get3A_4 = vector.load %arg2[%get3A_2, %get3A_3] : memref<128x128xf32, #tpu.memory_space<vmem>>, vector<128x128xf32>
    %dot_general3A = arith.constant dense<0.000000e+00> : vector<2000x128xf32>
    %dot_general3A_5 = tpu.matmul %get3A_1, %get3A_4, %dot_general3A {dimension_numbers = #tpu.dot_dimension_numbers<[1], [0], [0], [1], [0, 0, 1, 1], [], []>, transpose_lhs_hint = false} : vector<2000x128xf32>, vector<128x128xf32>, vector<2000x128xf32> -> vector<2000x128xf32>
    %swap3A = arith.constant 0 : index
    %swap3A_6 = arith.constant 0 : index
    %swap3A_7 = vector.load %arg3[%swap3A, %swap3A_6] : memref<2000x128xf32, #tpu.memory_space<vmem>>, vector<2000x128xf32>
    tpu.vector_store %arg3[%swap3A, %swap3A_6], %dot_general3A_5 {strides = array<i32>} : memref<2000x128xf32, #tpu.memory_space<vmem>>, vector<2000x128xf32>,
    return
  }
  func.func @transform_0(%arg0: i32) -> (i32, i32) {
    %c0_i32 = arith.constant 0 : i32
    %c0_i32_0 = arith.constant 0 : i32
    return %arg0, %c0_i32 : i32, i32
  }
  func.func @transform_1(%arg0: i32) -> (i32, i32) {
    %c0_i32 = arith.constant 0 : i32
    %c0_i32_0 = arith.constant 0 : i32
    %c0_i32_1 = arith.constant 0 : i32
    return %c0_i32, %c0_i32_0 : i32, i32
  }
  func.func @transform_2(%arg0: i32) -> (i32, i32) {
    %c0_i32 = arith.constant 0 : i32
    %c0_i32_0 = arith.constant 0 : i32
    return %arg0, %c0_i32 : i32, i32
  }
}

module attributes {stable_mosaic.version = 14 : i64} {
  func.func @_edgew_body(%arg0: i32, %arg1: memref<2048x16xf32, #tpu.memory_space<vmem>>, %arg2: memref<2048x8xf32, #tpu.memory_space<vmem>>, %arg3: memref<8x64xbf16, #tpu.memory_space<vmem>>, %arg4: memref<64x64xbf16, #tpu.memory_space<vmem>>, %arg5: memref<64x64xbf16, #tpu.memory_space<vmem>>, %arg6: memref<64x256xbf16, #tpu.memory_space<vmem>>, %arg7: memref<2x2048x128xi32, #tpu.memory_space<vmem>>) attributes {dimension_semantics = [#tpu.dimension_semantics<arbitrary>], iteration_bounds = array<i64: 79>, scalar_prefetch = 0 : i64, scratch_operands = 0 : i64, tpu.core_type = #tpu.core_type<tc>, window_params = [{transform_indices = @transform_0, window_bounds = array<i64: 2048, 16>}, {transform_indices = @transform_1, window_bounds = array<i64: 2048, 8>}, {pipeline_mode = #tpu.pipeline_mode<synchronous>, transform_indices = @transform_2, window_bounds = array<i64: 8, 64>}, {pipeline_mode = #tpu.pipeline_mode<synchronous>, transform_indices = @transform_3, window_bounds = array<i64: 64, 64>}, {pipeline_mode = #tpu.pipeline_mode<synchronous>, transform_indices = @transform_4, window_bounds = array<i64: 64, 64>}, {pipeline_mode = #tpu.pipeline_mode<synchronous>, transform_indices = @transform_5, window_bounds = array<i64: 64, 256>}, {transform_indices = @transform_6, window_bounds = array<i64: 2, 2048, 128>}]} {
    %get3A = arith.constant 0 : index
    %get3A_0 = arith.constant 0 : index
    %get3A_1 = vector.load %arg1[%get3A, %get3A_0] : memref<2048x16xf32, #tpu.memory_space<vmem>>, vector<2048x16xf32>
    %get3A_2 = arith.constant 0 : index
    %get3A_3 = arith.constant 0 : index
    %get3A_4 = vector.load %arg2[%get3A_2, %get3A_3] : memref<2048x8xf32, #tpu.memory_space<vmem>>, vector<2048x8xf32>
    %slice3A = vector.extract_strided_slice %get3A_1 {offsets = [0, 0], sizes = [2048, 8], strides = [1, 1]} : vector<2048x16xf32> to vector<2048x8xf32>
    %convert_element_type3A = arith.truncf %slice3A : vector<2048x8xf32> to vector<2048x8xbf16>
    %get3A_5 = arith.constant 0 : index
    %get3A_6 = arith.constant 0 : index
    %get3A_7 = vector.load %arg3[%get3A_5, %get3A_6] : memref<8x64xbf16, #tpu.memory_space<vmem>>, vector<8x64xbf16>
    %dot_general3A = arith.constant dense<0.000000e+00> : vector<2048x64xf32>
    %dot_general3A_8 = tpu.matmul %convert_element_type3A, %get3A_7, %dot_general3A {dimension_numbers = #tpu.dot_dimension_numbers<[1], [0], [0], [1], [0, 0, 1, 1], [], []>, transpose_lhs_hint = false} : vector<2048x8xbf16>, vector<8x64xbf16>, vector<2048x64xf32> -> vector<2048x64xf32>
    %logistic3A = arith.negf %dot_general3A_8 : vector<2048x64xf32>
    %logistic3A_9 = math.exp %logistic3A : vector<2048x64xf32>
    %logistic3A_10 = arith.constant 1.000000e+00 : f32
    %logistic3A_11 = vector.broadcast %logistic3A_10 : f32 to vector<2048x64xf32>
    %logistic3A_12 = arith.addf %logistic3A_11, %logistic3A_9 : vector<2048x64xf32>
    %logistic3A_13 = arith.divf %logistic3A_11, %logistic3A_12 : vector<2048x64xf32>
    %mul3A = arith.mulf %dot_general3A_8, %logistic3A_13 : vector<2048x64xf32>
    %convert_element_type3A_14 = arith.truncf %mul3A : vector<2048x64xf32> to vector<2048x64xbf16>
    %get3A_15 = arith.constant 0 : index
    %get3A_16 = arith.constant 0 : index
    %get3A_17 = vector.load %arg4[%get3A_15, %get3A_16] : memref<64x64xbf16, #tpu.memory_space<vmem>>, vector<64x64xbf16>
    %dot_general3A_18 = arith.constant dense<0.000000e+00> : vector<2048x64xf32>
    %dot_general3A_19 = tpu.matmul %convert_element_type3A_14, %get3A_17, %dot_general3A_18 {dimension_numbers = #tpu.dot_dimension_numbers<[1], [0], [0], [1], [0, 0, 1, 1], [], []>, transpose_lhs_hint = false} : vector<2048x64xbf16>, vector<64x64xbf16>, vector<2048x64xf32> -> vector<2048x64xf32>
    %logistic3A_20 = arith.negf %dot_general3A_19 : vector<2048x64xf32>
    %logistic3A_21 = math.exp %logistic3A_20 : vector<2048x64xf32>
    %logistic3A_22 = arith.constant 1.000000e+00 : f32
    %logistic3A_23 = vector.broadcast %logistic3A_22 : f32 to vector<2048x64xf32>
    %logistic3A_24 = arith.addf %logistic3A_23, %logistic3A_21 : vector<2048x64xf32>
    %logistic3A_25 = arith.divf %logistic3A_23, %logistic3A_24 : vector<2048x64xf32>
    %mul3A_26 = arith.mulf %dot_general3A_19, %logistic3A_25 : vector<2048x64xf32>
    %convert_element_type3A_27 = arith.truncf %mul3A_26 : vector<2048x64xf32> to vector<2048x64xbf16>
    %get3A_28 = arith.constant 0 : index
    %get3A_29 = arith.constant 0 : index
    %get3A_30 = vector.load %arg5[%get3A_28, %get3A_29] : memref<64x64xbf16, #tpu.memory_space<vmem>>, vector<64x64xbf16>
    %dot_general3A_31 = arith.constant dense<0.000000e+00> : vector<2048x64xf32>
    %dot_general3A_32 = tpu.matmul %convert_element_type3A_27, %get3A_30, %dot_general3A_31 {dimension_numbers = #tpu.dot_dimension_numbers<[1], [0], [0], [1], [0, 0, 1, 1], [], []>, transpose_lhs_hint = false} : vector<2048x64xbf16>, vector<64x64xbf16>, vector<2048x64xf32> -> vector<2048x64xf32>
    %logistic3A_33 = arith.negf %dot_general3A_32 : vector<2048x64xf32>
    %logistic3A_34 = math.exp %logistic3A_33 : vector<2048x64xf32>
    %logistic3A_35 = arith.constant 1.000000e+00 : f32
    %logistic3A_36 = vector.broadcast %logistic3A_35 : f32 to vector<2048x64xf32>
    %logistic3A_37 = arith.addf %logistic3A_36, %logistic3A_34 : vector<2048x64xf32>
    %logistic3A_38 = arith.divf %logistic3A_36, %logistic3A_37 : vector<2048x64xf32>
    %mul3A_39 = arith.mulf %dot_general3A_32, %logistic3A_38 : vector<2048x64xf32>
    %convert_element_type3A_40 = arith.truncf %mul3A_39 : vector<2048x64xf32> to vector<2048x64xbf16>
    %get3A_41 = arith.constant 0 : index
    %get3A_42 = arith.constant 0 : index
    %get3A_43 = vector.load %arg6[%get3A_41, %get3A_42] : memref<64x256xbf16, #tpu.memory_space<vmem>>, vector<64x256xbf16>
    %dot_general3A_44 = arith.constant dense<0.000000e+00> : vector<2048x256xf32>
    %dot_general3A_45 = tpu.matmul %convert_element_type3A_40, %get3A_43, %dot_general3A_44 {dimension_numbers = #tpu.dot_dimension_numbers<[1], [0], [0], [1], [0, 0, 1, 1], [], []>, transpose_lhs_hint = false} : vector<2048x64xbf16>, vector<64x256xbf16>, vector<2048x256xf32> -> vector<2048x256xf32>
    %slice3A_46 = vector.extract_strided_slice %get3A_1 {offsets = [0, 8], sizes = [2048, 8], strides = [1, 1]} : vector<2048x16xf32> to vector<2048x8xf32>
    %convert_element_type3A_47 = arith.truncf %slice3A_46 : vector<2048x8xf32> to vector<2048x8xbf16>
    %get3A_48 = arith.constant 0 : index
    %get3A_49 = arith.constant 0 : index
    %get3A_50 = vector.load %arg3[%get3A_48, %get3A_49] : memref<8x64xbf16, #tpu.memory_space<vmem>>, vector<8x64xbf16>
    %dot_general3A_51 = arith.constant dense<0.000000e+00> : vector<2048x64xf32>
    %dot_general3A_52 = tpu.matmul %convert_element_type3A_47, %get3A_50, %dot_general3A_51 {dimension_numbers = #tpu.dot_dimension_numbers<[1], [0], [0], [1], [0, 0, 1, 1], [], []>, transpose_lhs_hint = false} : vector<2048x8xbf16>, vector<8x64xbf16>, vector<2048x64xf32> -> vector<2048x64xf32>
    %logistic3A_53 = arith.negf %dot_general3A_52 : vector<2048x64xf32>
    %logistic3A_54 = math.exp %logistic3A_53 : vector<2048x64xf32>
    %logistic3A_55 = arith.constant 1.000000e+00 : f32
    %logistic3A_56 = vector.broadcast %logistic3A_55 : f32 to vector<2048x64xf32>
    %logistic3A_57 = arith.addf %logistic3A_56, %logistic3A_54 : vector<2048x64xf32>
    %logistic3A_58 = arith.divf %logistic3A_56, %logistic3A_57 : vector<2048x64xf32>
    %mul3A_59 = arith.mulf %dot_general3A_52, %logistic3A_58 : vector<2048x64xf32>
    %convert_element_type3A_60 = arith.truncf %mul3A_59 : vector<2048x64xf32> to vector<2048x64xbf16>
    %get3A_61 = arith.constant 0 : index
    %get3A_62 = arith.constant 0 : index
    %get3A_63 = vector.load %arg4[%get3A_61, %get3A_62] : memref<64x64xbf16, #tpu.memory_space<vmem>>, vector<64x64xbf16>
    %dot_general3A_64 = arith.constant dense<0.000000e+00> : vector<2048x64xf32>
    %dot_general3A_65 = tpu.matmul %convert_element_type3A_60, %get3A_63, %dot_general3A_64 {dimension_numbers = #tpu.dot_dimension_numbers<[1], [0], [0], [1], [0, 0, 1, 1], [], []>, transpose_lhs_hint = false} : vector<2048x64xbf16>, vector<64x64xbf16>, vector<2048x64xf32> -> vector<2048x64xf32>
    %logistic3A_66 = arith.negf %dot_general3A_65 : vector<2048x64xf32>
    %logistic3A_67 = math.exp %logistic3A_66 : vector<2048x64xf32>
    %logistic3A_68 = arith.constant 1.000000e+00 : f32
    %logistic3A_69 = vector.broadcast %logistic3A_68 : f32 to vector<2048x64xf32>
    %logistic3A_70 = arith.addf %logistic3A_69, %logistic3A_67 : vector<2048x64xf32>
    %logistic3A_71 = arith.divf %logistic3A_69, %logistic3A_70 : vector<2048x64xf32>
    %mul3A_72 = arith.mulf %dot_general3A_65, %logistic3A_71 : vector<2048x64xf32>
    %convert_element_type3A_73 = arith.truncf %mul3A_72 : vector<2048x64xf32> to vector<2048x64xbf16>
    %get3A_74 = arith.constant 0 : index
    %get3A_75 = arith.constant 0 : index
    %get3A_76 = vector.load %arg5[%get3A_74, %get3A_75] : memref<64x64xbf16, #tpu.memory_space<vmem>>, vector<64x64xbf16>
    %dot_general3A_77 = arith.constant dense<0.000000e+00> : vector<2048x64xf32>
    %dot_general3A_78 = tpu.matmul %convert_element_type3A_73, %get3A_76, %dot_general3A_77 {dimension_numbers = #tpu.dot_dimension_numbers<[1], [0], [0], [1], [0, 0, 1, 1], [], []>, transpose_lhs_hint = false} : vector<2048x64xbf16>, vector<64x64xbf16>, vector<2048x64xf32> -> vector<2048x64xf32>
    %logistic3A_79 = arith.negf %dot_general3A_78 : vector<2048x64xf32>
    %logistic3A_80 = math.exp %logistic3A_79 : vector<2048x64xf32>
    %logistic3A_81 = arith.constant 1.000000e+00 : f32
    %logistic3A_82 = vector.broadcast %logistic3A_81 : f32 to vector<2048x64xf32>
    %logistic3A_83 = arith.addf %logistic3A_82, %logistic3A_80 : vector<2048x64xf32>
    %logistic3A_84 = arith.divf %logistic3A_82, %logistic3A_83 : vector<2048x64xf32>
    %mul3A_85 = arith.mulf %dot_general3A_78, %logistic3A_84 : vector<2048x64xf32>
    %convert_element_type3A_86 = arith.truncf %mul3A_85 : vector<2048x64xf32> to vector<2048x64xbf16>
    %get3A_87 = arith.constant 0 : index
    %get3A_88 = arith.constant 0 : index
    %get3A_89 = vector.load %arg6[%get3A_87, %get3A_88] : memref<64x256xbf16, #tpu.memory_space<vmem>>, vector<64x256xbf16>
    %dot_general3A_90 = arith.constant dense<0.000000e+00> : vector<2048x256xf32>
    %dot_general3A_91 = tpu.matmul %convert_element_type3A_86, %get3A_89, %dot_general3A_90 {dimension_numbers = #tpu.dot_dimension_numbers<[1], [0], [0], [1], [0, 0, 1, 1], [], []>, transpose_lhs_hint = false} : vector<2048x64xbf16>, vector<64x256xbf16>, vector<2048x256xf32> -> vector<2048x256xf32>
    %slice3A_92 = vector.extract_strided_slice %dot_general3A_45 {offsets = [0, 0], sizes = [2048, 128], strides = [1, 1]} : vector<2048x256xf32> to vector<2048x128xf32>
    %slice3A_93 = vector.extract_strided_slice %dot_general3A_45 {offsets = [0, 128], sizes = [2048, 128], strides = [1, 1]} : vector<2048x256xf32> to vector<2048x128xf32>
    %slice3A_94 = vector.extract_strided_slice %dot_general3A_91 {offsets = [0, 0], sizes = [2048, 128], strides = [1, 1]} : vector<2048x256xf32> to vector<2048x128xf32>
    %slice3A_95 = vector.extract_strided_slice %dot_general3A_91 {offsets = [0, 128], sizes = [2048, 128], strides = [1, 1]} : vector<2048x256xf32> to vector<2048x128xf32>
    %slice3A_96 = vector.extract_strided_slice %get3A_4 {offsets = [0, 0], sizes = [2048, 1], strides = [1, 1]} : vector<2048x8xf32> to vector<2048x1xf32>
    %mul3A_97 = vector.broadcast %slice3A_96 : vector<2048x1xf32> to vector<2048x128xf32>
    %mul3A_98 = arith.mulf %slice3A_92, %mul3A_97 : vector<2048x128xf32>
    %slice3A_99 = vector.extract_strided_slice %get3A_4 {offsets = [0, 4], sizes = [2048, 1], strides = [1, 1]} : vector<2048x8xf32> to vector<2048x1xf32>
    %mul3A_100 = vector.broadcast %slice3A_99 : vector<2048x1xf32> to vector<2048x128xf32>
    %mul3A_101 = arith.mulf %slice3A_94, %mul3A_100 : vector<2048x128xf32>
    %bitcast_convert_type3A = tpu.bitcast %mul3A_98 : vector<2048x128xf32> -> vector<2048x128xi32>
    %add3A = arith.constant 32767 : i32
    %add3A_102 = vector.broadcast %add3A : i32 to vector<2048x128xi32>
    %add3A_103 = arith.addi %bitcast_convert_type3A, %add3A_102 : vector<2048x128xi32>
    %shift_right_logical3A = arith.constant 16 : i32
    %shift_right_logical3A_104 = vector.broadcast %shift_right_logical3A : i32 to vector<2048x128xi32>
    %shift_right_logical3A_105 = arith.shrui %bitcast_convert_type3A, %shift_right_logical3A_104 : vector<2048x128xi32>
    %and3A = arith.constant 1 : i32
    %and3A_106 = vector.broadcast %and3A : i32 to vector<2048x128xi32>
    %and3A_107 = arith.andi %shift_right_logical3A_105, %and3A_106 : vector<2048x128xi32>
    %add3A_108 = arith.addi %add3A_103, %and3A_107 : vector<2048x128xi32>
    %shift_right_logical3A_109 = arith.constant 16 : i32
    %shift_right_logical3A_110 = vector.broadcast %shift_right_logical3A_109 : i32 to vector<2048x128xi32>
    %shift_right_logical3A_111 = arith.shrui %add3A_108, %shift_right_logical3A_110 : vector<2048x128xi32>
    %bitcast_convert_type3A_112 = tpu.bitcast %mul3A_101 : vector<2048x128xf32> -> vector<2048x128xi32>
    %add3A_113 = arith.constant 32767 : i32
    %add3A_114 = vector.broadcast %add3A_113 : i32 to vector<2048x128xi32>
    %add3A_115 = arith.addi %bitcast_convert_type3A_112, %add3A_114 : vector<2048x128xi32>
    %shift_right_logical3A_116 = arith.constant 16 : i32
    %shift_right_logical3A_117 = vector.broadcast %shift_right_logical3A_116 : i32 to vector<2048x128xi32>
    %shift_right_logical3A_118 = arith.shrui %bitcast_convert_type3A_112, %shift_right_logical3A_117 : vector<2048x128xi32>
    %and3A_119 = arith.constant 1 : i32
    %and3A_120 = vector.broadcast %and3A_119 : i32 to vector<2048x128xi32>
    %and3A_121 = arith.andi %shift_right_logical3A_118, %and3A_120 : vector<2048x128xi32>
    %add3A_122 = arith.addi %add3A_115, %and3A_121 : vector<2048x128xi32>
    %shift_right_logical3A_123 = arith.constant 16 : i32
    %shift_right_logical3A_124 = vector.broadcast %shift_right_logical3A_123 : i32 to vector<2048x128xi32>
    %shift_right_logical3A_125 = arith.shrui %add3A_122, %shift_right_logical3A_124 : vector<2048x128xi32>
    %shift_left3A = arith.constant 16 : i32
    %shift_left3A_126 = vector.broadcast %shift_left3A : i32 to vector<2048x128xi32>
    %shift_left3A_127 = arith.shli %shift_right_logical3A_125, %shift_left3A_126 : vector<2048x128xi32>
    %or3A = arith.ori %shift_right_logical3A_111, %shift_left3A_127 : vector<2048x128xi32>
    %swap3A = arith.constant 0 : index
    %swap3A_128 = arith.constant 0 : index
    %swap3A_129 = arith.constant 0 : index
    %swap3A_130 = vector.load %arg7[%swap3A, %swap3A_128, %swap3A_129] : memref<2x2048x128xi32, #tpu.memory_space<vmem>>, vector<1x2048x128xi32>
    %swap3A_131 = vector.shape_cast %swap3A_130 : vector<1x2048x128xi32> to vector<2048x128xi32>
    %swap3A_132 = vector.shape_cast %or3A : vector<2048x128xi32> to vector<1x2048x128xi32>
    tpu.vector_store %arg7[%swap3A, %swap3A_128, %swap3A_129], %swap3A_132 {strides = array<i32>} : memref<2x2048x128xi32, #tpu.memory_space<vmem>>, vector<1x2048x128xi32>,
    %slice3A_133 = vector.extract_strided_slice %get3A_4 {offsets = [0, 1], sizes = [2048, 1], strides = [1, 1]} : vector<2048x8xf32> to vector<2048x1xf32>
    %mul3A_134 = vector.broadcast %slice3A_133 : vector<2048x1xf32> to vector<2048x128xf32>
    %mul3A_135 = arith.mulf %slice3A_93, %mul3A_134 : vector<2048x128xf32>
    %slice3A_136 = vector.extract_strided_slice %get3A_4 {offsets = [0, 5], sizes = [2048, 1], strides = [1, 1]} : vector<2048x8xf32> to vector<2048x1xf32>
    %mul3A_137 = vector.broadcast %slice3A_136 : vector<2048x1xf32> to vector<2048x128xf32>
    %mul3A_138 = arith.mulf %slice3A_95, %mul3A_137 : vector<2048x128xf32>
    %bitcast_convert_type3A_139 = tpu.bitcast %mul3A_135 : vector<2048x128xf32> -> vector<2048x128xi32>
    %add3A_140 = arith.constant 32767 : i32
    %add3A_141 = vector.broadcast %add3A_140 : i32 to vector<2048x128xi32>
    %add3A_142 = arith.addi %bitcast_convert_type3A_139, %add3A_141 : vector<2048x128xi32>
    %shift_right_logical3A_143 = arith.constant 16 : i32
    %shift_right_logical3A_144 = vector.broadcast %shift_right_logical3A_143 : i32 to vector<2048x128xi32>
    %shift_right_logical3A_145 = arith.shrui %bitcast_convert_type3A_139, %shift_right_logical3A_144 : vector<2048x128xi32>
    %and3A_146 = arith.constant 1 : i32
    %and3A_147 = vector.broadcast %and3A_146 : i32 to vector<2048x128xi32>
    %and3A_148 = arith.andi %shift_right_logical3A_145, %and3A_147 : vector<2048x128xi32>
    %add3A_149 = arith.addi %add3A_142, %and3A_148 : vector<2048x128xi32>
    %shift_right_logical3A_150 = arith.constant 16 : i32
    %shift_right_logical3A_151 = vector.broadcast %shift_right_logical3A_150 : i32 to vector<2048x128xi32>
    %shift_right_logical3A_152 = arith.shrui %add3A_149, %shift_right_logical3A_151 : vector<2048x128xi32>
    %bitcast_convert_type3A_153 = tpu.bitcast %mul3A_138 : vector<2048x128xf32> -> vector<2048x128xi32>
    %add3A_154 = arith.constant 32767 : i32
    %add3A_155 = vector.broadcast %add3A_154 : i32 to vector<2048x128xi32>
    %add3A_156 = arith.addi %bitcast_convert_type3A_153, %add3A_155 : vector<2048x128xi32>
    %shift_right_logical3A_157 = arith.constant 16 : i32
    %shift_right_logical3A_158 = vector.broadcast %shift_right_logical3A_157 : i32 to vector<2048x128xi32>
    %shift_right_logical3A_159 = arith.shrui %bitcast_convert_type3A_153, %shift_right_logical3A_158 : vector<2048x128xi32>
    %and3A_160 = arith.constant 1 : i32
    %and3A_161 = vector.broadcast %and3A_160 : i32 to vector<2048x128xi32>
    %and3A_162 = arith.andi %shift_right_logical3A_159, %and3A_161 : vector<2048x128xi32>
    %add3A_163 = arith.addi %add3A_156, %and3A_162 : vector<2048x128xi32>
    %shift_right_logical3A_164 = arith.constant 16 : i32
    %shift_right_logical3A_165 = vector.broadcast %shift_right_logical3A_164 : i32 to vector<2048x128xi32>
    %shift_right_logical3A_166 = arith.shrui %add3A_163, %shift_right_logical3A_165 : vector<2048x128xi32>
    %shift_left3A_167 = arith.constant 16 : i32
    %shift_left3A_168 = vector.broadcast %shift_left3A_167 : i32 to vector<2048x128xi32>
    %shift_left3A_169 = arith.shli %shift_right_logical3A_166, %shift_left3A_168 : vector<2048x128xi32>
    %or3A_170 = arith.ori %shift_right_logical3A_152, %shift_left3A_169 : vector<2048x128xi32>
    %swap3A_171 = arith.constant 1 : index
    %swap3A_172 = arith.constant 0 : index
    %swap3A_173 = arith.constant 0 : index
    %swap3A_174 = vector.load %arg7[%swap3A_171, %swap3A_172, %swap3A_173] : memref<2x2048x128xi32, #tpu.memory_space<vmem>>, vector<1x2048x128xi32>
    %swap3A_175 = vector.shape_cast %swap3A_174 : vector<1x2048x128xi32> to vector<2048x128xi32>
    %swap3A_176 = vector.shape_cast %or3A_170 : vector<2048x128xi32> to vector<1x2048x128xi32>
    tpu.vector_store %arg7[%swap3A_171, %swap3A_172, %swap3A_173], %swap3A_176 {strides = array<i32>} : memref<2x2048x128xi32, #tpu.memory_space<vmem>>, vector<1x2048x128xi32>,
    return
  }
  func.func @transform_0(%arg0: i32) -> (i32, i32) {
    %c0_i32 = arith.constant 0 : i32
    %c0_i32_0 = arith.constant 0 : i32
    return %arg0, %c0_i32 : i32, i32
  }
  func.func @transform_1(%arg0: i32) -> (i32, i32) {
    %c0_i32 = arith.constant 0 : i32
    %c0_i32_0 = arith.constant 0 : i32
    return %arg0, %c0_i32 : i32, i32
  }
  func.func @transform_2(%arg0: i32) -> (i32, i32) {
    %c0_i32 = arith.constant 0 : i32
    %c0_i32_0 = arith.constant 0 : i32
    %c0_i32_1 = arith.constant 0 : i32
    return %c0_i32, %c0_i32_0 : i32, i32
  }
  func.func @transform_3(%arg0: i32) -> (i32, i32) {
    %c0_i32 = arith.constant 0 : i32
    %c0_i32_0 = arith.constant 0 : i32
    %c0_i32_1 = arith.constant 0 : i32
    return %c0_i32, %c0_i32_0 : i32, i32
  }
  func.func @transform_4(%arg0: i32) -> (i32, i32) {
    %c0_i32 = arith.constant 0 : i32
    %c0_i32_0 = arith.constant 0 : i32
    %c0_i32_1 = arith.constant 0 : i32
    return %c0_i32, %c0_i32_0 : i32, i32
  }
  func.func @transform_5(%arg0: i32) -> (i32, i32) {
    %c0_i32 = arith.constant 0 : i32
    %c0_i32_0 = arith.constant 0 : i32
    %c0_i32_1 = arith.constant 0 : i32
    return %c0_i32, %c0_i32_0 : i32, i32
  }
  func.func @transform_6(%arg0: i32) -> (i32, i32, i32) {
    %c0_i32 = arith.constant 0 : i32
    %c0_i32_0 = arith.constant 0 : i32
    %c0_i32_1 = arith.constant 0 : i32
    return %c0_i32, %arg0, %c0_i32_0 : i32, i32, i32
  }
}

module attributes {stable_mosaic.version = 14 : i64} {
  func.func @_edgew_body(%arg0: i32, %arg1: memref<2048x16xf32, #tpu.memory_space<vmem>>, %arg2: memref<2048x8xf32, #tpu.memory_space<vmem>>, %arg3: memref<8x64xbf16, #tpu.memory_space<vmem>>, %arg4: memref<64x64xbf16, #tpu.memory_space<vmem>>, %arg5: memref<64x64xbf16, #tpu.memory_space<vmem>>, %arg6: memref<64x256xbf16, #tpu.memory_space<vmem>>, %arg7: memref<2x2048x128xi32, #tpu.memory_space<vmem>>) attributes {dimension_semantics = [#tpu.dimension_semantics<arbitrary>], iteration_bounds = array<i64: 79>, scalar_prefetch = 0 : i64, scratch_operands = 0 : i64, tpu.core_type = #tpu.core_type<tc>, window_params = [{transform_indices = @transform_0, window_bounds = array<i64: 2048, 16>}, {transform_indices = @transform_1, window_bounds = array<i64: 2048, 8>}, {pipeline_mode = #tpu.pipeline_mode<synchronous>, transform_indices = @transform_2, window_bounds = array<i64: 8, 64>}, {pipeline_mode = #tpu.pipeline_mode<synchronous>, transform_indices = @transform_3, window_bounds = array<i64: 64, 64>}, {pipeline_mode = #tpu.pipeline_mode<synchronous>, transform_indices = @transform_4, window_bounds = array<i64: 64, 64>}, {pipeline_mode = #tpu.pipeline_mode<synchronous>, transform_indices = @transform_5, window_bounds = array<i64: 64, 256>}, {transform_indices = @transform_6, window_bounds = array<i64: 2, 2048, 128>}]} {
    %get3A = arith.constant 0 : index
    %get3A_0 = arith.constant 0 : index
    %get3A_1 = vector.load %arg1[%get3A, %get3A_0] : memref<2048x16xf32, #tpu.memory_space<vmem>>, vector<2048x16xf32>
    %get3A_2 = arith.constant 0 : index
    %get3A_3 = arith.constant 0 : index
    %get3A_4 = vector.load %arg2[%get3A_2, %get3A_3] : memref<2048x8xf32, #tpu.memory_space<vmem>>, vector<2048x8xf32>
    %slice3A = vector.extract_strided_slice %get3A_1 {offsets = [0, 0], sizes = [2048, 8], strides = [1, 1]} : vector<2048x16xf32> to vector<2048x8xf32>
    %convert_element_type3A = arith.truncf %slice3A : vector<2048x8xf32> to vector<2048x8xbf16>
    %get3A_5 = arith.constant 0 : index
    %get3A_6 = arith.constant 0 : index
    %get3A_7 = vector.load %arg3[%get3A_5, %get3A_6] : memref<8x64xbf16, #tpu.memory_space<vmem>>, vector<8x64xbf16>
    %dot_general3A = arith.constant dense<0.000000e+00> : vector<2048x64xf32>
    %dot_general3A_8 = tpu.matmul %convert_element_type3A, %get3A_7, %dot_general3A {dimension_numbers = #tpu.dot_dimension_numbers<[1], [0], [0], [1], [0, 0, 1, 1], [], []>, transpose_lhs_hint = false} : vector<2048x8xbf16>, vector<8x64xbf16>, vector<2048x64xf32> -> vector<2048x64xf32>
    %logistic3A = arith.negf %dot_general3A_8 : vector<2048x64xf32>
    %logistic3A_9 = math.exp %logistic3A : vector<2048x64xf32>
    %logistic3A_10 = arith.constant 1.000000e+00 : f32
    %logistic3A_11 = vector.broadcast %logistic3A_10 : f32 to vector<2048x64xf32>
    %logistic3A_12 = arith.addf %logistic3A_11, %logistic3A_9 : vector<2048x64xf32>
    %logistic3A_13 = arith.divf %logistic3A_11, %logistic3A_12 : vector<2048x64xf32>
    %mul3A = arith.mulf %dot_general3A_8, %logistic3A_13 : vector<2048x64xf32>
    %convert_element_type3A_14 = arith.truncf %mul3A : vector<2048x64xf32> to vector<2048x64xbf16>
    %get3A_15 = arith.constant 0 : index
    %get3A_16 = arith.constant 0 : index
    %get3A_17 = vector.load %arg4[%get3A_15, %get3A_16] : memref<64x64xbf16, #tpu.memory_space<vmem>>, vector<64x64xbf16>
    %dot_general3A_18 = arith.constant dense<0.000000e+00> : vector<2048x64xf32>
    %dot_general3A_19 = tpu.matmul %convert_element_type3A_14, %get3A_17, %dot_general3A_18 {dimension_numbers = #tpu.dot_dimension_numbers<[1], [0], [0], [1], [0, 0, 1, 1], [], []>, transpose_lhs_hint = false} : vector<2048x64xbf16>, vector<64x64xbf16>, vector<2048x64xf32> -> vector<2048x64xf32>
    %logistic3A_20 = arith.negf %dot_general3A_19 : vector<2048x64xf32>
    %logistic3A_21 = math.exp %logistic3A_20 : vector<2048x64xf32>
    %logistic3A_22 = arith.constant 1.000000e+00 : f32
    %logistic3A_23 = vector.broadcast %logistic3A_22 : f32 to vector<2048x64xf32>
    %logistic3A_24 = arith.addf %logistic3A_23, %logistic3A_21 : vector<2048x64xf32>
    %logistic3A_25 = arith.divf %logistic3A_23, %logistic3A_24 : vector<2048x64xf32>
    %mul3A_26 = arith.mulf %dot_general3A_19, %logistic3A_25 : vector<2048x64xf32>
    %convert_element_type3A_27 = arith.truncf %mul3A_26 : vector<2048x64xf32> to vector<2048x64xbf16>
    %get3A_28 = arith.constant 0 : index
    %get3A_29 = arith.constant 0 : index
    %get3A_30 = vector.load %arg5[%get3A_28, %get3A_29] : memref<64x64xbf16, #tpu.memory_space<vmem>>, vector<64x64xbf16>
    %dot_general3A_31 = arith.constant dense<0.000000e+00> : vector<2048x64xf32>
    %dot_general3A_32 = tpu.matmul %convert_element_type3A_27, %get3A_30, %dot_general3A_31 {dimension_numbers = #tpu.dot_dimension_numbers<[1], [0], [0], [1], [0, 0, 1, 1], [], []>, transpose_lhs_hint = false} : vector<2048x64xbf16>, vector<64x64xbf16>, vector<2048x64xf32> -> vector<2048x64xf32>
    %logistic3A_33 = arith.negf %dot_general3A_32 : vector<2048x64xf32>
    %logistic3A_34 = math.exp %logistic3A_33 : vector<2048x64xf32>
    %logistic3A_35 = arith.constant 1.000000e+00 : f32
    %logistic3A_36 = vector.broadcast %logistic3A_35 : f32 to vector<2048x64xf32>
    %logistic3A_37 = arith.addf %logistic3A_36, %logistic3A_34 : vector<2048x64xf32>
    %logistic3A_38 = arith.divf %logistic3A_36, %logistic3A_37 : vector<2048x64xf32>
    %mul3A_39 = arith.mulf %dot_general3A_32, %logistic3A_38 : vector<2048x64xf32>
    %convert_element_type3A_40 = arith.truncf %mul3A_39 : vector<2048x64xf32> to vector<2048x64xbf16>
    %get3A_41 = arith.constant 0 : index
    %get3A_42 = arith.constant 0 : index
    %get3A_43 = vector.load %arg6[%get3A_41, %get3A_42] : memref<64x256xbf16, #tpu.memory_space<vmem>>, vector<64x256xbf16>
    %dot_general3A_44 = arith.constant dense<0.000000e+00> : vector<2048x256xf32>
    %dot_general3A_45 = tpu.matmul %convert_element_type3A_40, %get3A_43, %dot_general3A_44 {dimension_numbers = #tpu.dot_dimension_numbers<[1], [0], [0], [1], [0, 0, 1, 1], [], []>, transpose_lhs_hint = false} : vector<2048x64xbf16>, vector<64x256xbf16>, vector<2048x256xf32> -> vector<2048x256xf32>
    %slice3A_46 = vector.extract_strided_slice %get3A_1 {offsets = [0, 8], sizes = [2048, 8], strides = [1, 1]} : vector<2048x16xf32> to vector<2048x8xf32>
    %convert_element_type3A_47 = arith.truncf %slice3A_46 : vector<2048x8xf32> to vector<2048x8xbf16>
    %get3A_48 = arith.constant 0 : index
    %get3A_49 = arith.constant 0 : index
    %get3A_50 = vector.load %arg3[%get3A_48, %get3A_49] : memref<8x64xbf16, #tpu.memory_space<vmem>>, vector<8x64xbf16>
    %dot_general3A_51 = arith.constant dense<0.000000e+00> : vector<2048x64xf32>
    %dot_general3A_52 = tpu.matmul %convert_element_type3A_47, %get3A_50, %dot_general3A_51 {dimension_numbers = #tpu.dot_dimension_numbers<[1], [0], [0], [1], [0, 0, 1, 1], [], []>, transpose_lhs_hint = false} : vector<2048x8xbf16>, vector<8x64xbf16>, vector<2048x64xf32> -> vector<2048x64xf32>
    %logistic3A_53 = arith.negf %dot_general3A_52 : vector<2048x64xf32>
    %logistic3A_54 = math.exp %logistic3A_53 : vector<2048x64xf32>
    %logistic3A_55 = arith.constant 1.000000e+00 : f32
    %logistic3A_56 = vector.broadcast %logistic3A_55 : f32 to vector<2048x64xf32>
    %logistic3A_57 = arith.addf %logistic3A_56, %logistic3A_54 : vector<2048x64xf32>
    %logistic3A_58 = arith.divf %logistic3A_56, %logistic3A_57 : vector<2048x64xf32>
    %mul3A_59 = arith.mulf %dot_general3A_52, %logistic3A_58 : vector<2048x64xf32>
    %convert_element_type3A_60 = arith.truncf %mul3A_59 : vector<2048x64xf32> to vector<2048x64xbf16>
    %get3A_61 = arith.constant 0 : index
    %get3A_62 = arith.constant 0 : index
    %get3A_63 = vector.load %arg4[%get3A_61, %get3A_62] : memref<64x64xbf16, #tpu.memory_space<vmem>>, vector<64x64xbf16>
    %dot_general3A_64 = arith.constant dense<0.000000e+00> : vector<2048x64xf32>
    %dot_general3A_65 = tpu.matmul %convert_element_type3A_60, %get3A_63, %dot_general3A_64 {dimension_numbers = #tpu.dot_dimension_numbers<[1], [0], [0], [1], [0, 0, 1, 1], [], []>, transpose_lhs_hint = false} : vector<2048x64xbf16>, vector<64x64xbf16>, vector<2048x64xf32> -> vector<2048x64xf32>
    %logistic3A_66 = arith.negf %dot_general3A_65 : vector<2048x64xf32>
    %logistic3A_67 = math.exp %logistic3A_66 : vector<2048x64xf32>
    %logistic3A_68 = arith.constant 1.000000e+00 : f32
    %logistic3A_69 = vector.broadcast %logistic3A_68 : f32 to vector<2048x64xf32>
    %logistic3A_70 = arith.addf %logistic3A_69, %logistic3A_67 : vector<2048x64xf32>
    %logistic3A_71 = arith.divf %logistic3A_69, %logistic3A_70 : vector<2048x64xf32>
    %mul3A_72 = arith.mulf %dot_general3A_65, %logistic3A_71 : vector<2048x64xf32>
    %convert_element_type3A_73 = arith.truncf %mul3A_72 : vector<2048x64xf32> to vector<2048x64xbf16>
    %get3A_74 = arith.constant 0 : index
    %get3A_75 = arith.constant 0 : index
    %get3A_76 = vector.load %arg5[%get3A_74, %get3A_75] : memref<64x64xbf16, #tpu.memory_space<vmem>>, vector<64x64xbf16>
    %dot_general3A_77 = arith.constant dense<0.000000e+00> : vector<2048x64xf32>
    %dot_general3A_78 = tpu.matmul %convert_element_type3A_73, %get3A_76, %dot_general3A_77 {dimension_numbers = #tpu.dot_dimension_numbers<[1], [0], [0], [1], [0, 0, 1, 1], [], []>, transpose_lhs_hint = false} : vector<2048x64xbf16>, vector<64x64xbf16>, vector<2048x64xf32> -> vector<2048x64xf32>
    %logistic3A_79 = arith.negf %dot_general3A_78 : vector<2048x64xf32>
    %logistic3A_80 = math.exp %logistic3A_79 : vector<2048x64xf32>
    %logistic3A_81 = arith.constant 1.000000e+00 : f32
    %logistic3A_82 = vector.broadcast %logistic3A_81 : f32 to vector<2048x64xf32>
    %logistic3A_83 = arith.addf %logistic3A_82, %logistic3A_80 : vector<2048x64xf32>
    %logistic3A_84 = arith.divf %logistic3A_82, %logistic3A_83 : vector<2048x64xf32>
    %mul3A_85 = arith.mulf %dot_general3A_78, %logistic3A_84 : vector<2048x64xf32>
    %convert_element_type3A_86 = arith.truncf %mul3A_85 : vector<2048x64xf32> to vector<2048x64xbf16>
    %get3A_87 = arith.constant 0 : index
    %get3A_88 = arith.constant 0 : index
    %get3A_89 = vector.load %arg6[%get3A_87, %get3A_88] : memref<64x256xbf16, #tpu.memory_space<vmem>>, vector<64x256xbf16>
    %dot_general3A_90 = arith.constant dense<0.000000e+00> : vector<2048x256xf32>
    %dot_general3A_91 = tpu.matmul %convert_element_type3A_86, %get3A_89, %dot_general3A_90 {dimension_numbers = #tpu.dot_dimension_numbers<[1], [0], [0], [1], [0, 0, 1, 1], [], []>, transpose_lhs_hint = false} : vector<2048x64xbf16>, vector<64x256xbf16>, vector<2048x256xf32> -> vector<2048x256xf32>
    %slice3A_92 = vector.extract_strided_slice %dot_general3A_45 {offsets = [0, 128], sizes = [2048, 128], strides = [1, 1]} : vector<2048x256xf32> to vector<2048x128xf32>
    %slice3A_93 = vector.extract_strided_slice %dot_general3A_91 {offsets = [0, 128], sizes = [2048, 128], strides = [1, 1]} : vector<2048x256xf32> to vector<2048x128xf32>
    %slice3A_94 = vector.extract_strided_slice %get3A_4 {offsets = [0, 2], sizes = [2048, 1], strides = [1, 1]} : vector<2048x8xf32> to vector<2048x1xf32>
    %mul3A_95 = vector.broadcast %slice3A_94 : vector<2048x1xf32> to vector<2048x128xf32>
    %mul3A_96 = arith.mulf %slice3A_92, %mul3A_95 : vector<2048x128xf32>
    %slice3A_97 = vector.extract_strided_slice %get3A_4 {offsets = [0, 6], sizes = [2048, 1], strides = [1, 1]} : vector<2048x8xf32> to vector<2048x1xf32>
    %mul3A_98 = vector.broadcast %slice3A_97 : vector<2048x1xf32> to vector<2048x128xf32>
    %mul3A_99 = arith.mulf %slice3A_93, %mul3A_98 : vector<2048x128xf32>
    %bitcast_convert_type3A = tpu.bitcast %mul3A_96 : vector<2048x128xf32> -> vector<2048x128xi32>
    %add3A = arith.constant 32767 : i32
    %add3A_100 = vector.broadcast %add3A : i32 to vector<2048x128xi32>
    %add3A_101 = arith.addi %bitcast_convert_type3A, %add3A_100 : vector<2048x128xi32>
    %shift_right_logical3A = arith.constant 16 : i32
    %shift_right_logical3A_102 = vector.broadcast %shift_right_logical3A : i32 to vector<2048x128xi32>
    %shift_right_logical3A_103 = arith.shrui %bitcast_convert_type3A, %shift_right_logical3A_102 : vector<2048x128xi32>
    %and3A = arith.constant 1 : i32
    %and3A_104 = vector.broadcast %and3A : i32 to vector<2048x128xi32>
    %and3A_105 = arith.andi %shift_right_logical3A_103, %and3A_104 : vector<2048x128xi32>
    %add3A_106 = arith.addi %add3A_101, %and3A_105 : vector<2048x128xi32>
    %shift_right_logical3A_107 = arith.constant 16 : i32
    %shift_right_logical3A_108 = vector.broadcast %shift_right_logical3A_107 : i32 to vector<2048x128xi32>
    %shift_right_logical3A_109 = arith.shrui %add3A_106, %shift_right_logical3A_108 : vector<2048x128xi32>
    %bitcast_convert_type3A_110 = tpu.bitcast %mul3A_99 : vector<2048x128xf32> -> vector<2048x128xi32>
    %add3A_111 = arith.constant 32767 : i32
    %add3A_112 = vector.broadcast %add3A_111 : i32 to vector<2048x128xi32>
    %add3A_113 = arith.addi %bitcast_convert_type3A_110, %add3A_112 : vector<2048x128xi32>
    %shift_right_logical3A_114 = arith.constant 16 : i32
    %shift_right_logical3A_115 = vector.broadcast %shift_right_logical3A_114 : i32 to vector<2048x128xi32>
    %shift_right_logical3A_116 = arith.shrui %bitcast_convert_type3A_110, %shift_right_logical3A_115 : vector<2048x128xi32>
    %and3A_117 = arith.constant 1 : i32
    %and3A_118 = vector.broadcast %and3A_117 : i32 to vector<2048x128xi32>
    %and3A_119 = arith.andi %shift_right_logical3A_116, %and3A_118 : vector<2048x128xi32>
    %add3A_120 = arith.addi %add3A_113, %and3A_119 : vector<2048x128xi32>
    %shift_right_logical3A_121 = arith.constant 16 : i32
    %shift_right_logical3A_122 = vector.broadcast %shift_right_logical3A_121 : i32 to vector<2048x128xi32>
    %shift_right_logical3A_123 = arith.shrui %add3A_120, %shift_right_logical3A_122 : vector<2048x128xi32>
    %shift_left3A = arith.constant 16 : i32
    %shift_left3A_124 = vector.broadcast %shift_left3A : i32 to vector<2048x128xi32>
    %shift_left3A_125 = arith.shli %shift_right_logical3A_123, %shift_left3A_124 : vector<2048x128xi32>
    %or3A = arith.ori %shift_right_logical3A_109, %shift_left3A_125 : vector<2048x128xi32>
    %swap3A = arith.constant 0 : index
    %swap3A_126 = arith.constant 0 : index
    %swap3A_127 = arith.constant 0 : index
    %swap3A_128 = vector.load %arg7[%swap3A, %swap3A_126, %swap3A_127] : memref<2x2048x128xi32, #tpu.memory_space<vmem>>, vector<1x2048x128xi32>
    %swap3A_129 = vector.shape_cast %swap3A_128 : vector<1x2048x128xi32> to vector<2048x128xi32>
    %swap3A_130 = vector.shape_cast %or3A : vector<2048x128xi32> to vector<1x2048x128xi32>
    tpu.vector_store %arg7[%swap3A, %swap3A_126, %swap3A_127], %swap3A_130 {strides = array<i32>} : memref<2x2048x128xi32, #tpu.memory_space<vmem>>, vector<1x2048x128xi32>,
    %slice3A_131 = vector.extract_strided_slice %get3A_4 {offsets = [0, 3], sizes = [2048, 1], strides = [1, 1]} : vector<2048x8xf32> to vector<2048x1xf32>
    %mul3A_132 = vector.broadcast %slice3A_131 : vector<2048x1xf32> to vector<2048x128xf32>
    %mul3A_133 = arith.mulf %slice3A_92, %mul3A_132 : vector<2048x128xf32>
    %slice3A_134 = vector.extract_strided_slice %get3A_4 {offsets = [0, 7], sizes = [2048, 1], strides = [1, 1]} : vector<2048x8xf32> to vector<2048x1xf32>
    %mul3A_135 = vector.broadcast %slice3A_134 : vector<2048x1xf32> to vector<2048x128xf32>
    %mul3A_136 = arith.mulf %slice3A_93, %mul3A_135 : vector<2048x128xf32>
    %bitcast_convert_type3A_137 = tpu.bitcast %mul3A_133 : vector<2048x128xf32> -> vector<2048x128xi32>
    %add3A_138 = arith.constant 32767 : i32
    %add3A_139 = vector.broadcast %add3A_138 : i32 to vector<2048x128xi32>
    %add3A_140 = arith.addi %bitcast_convert_type3A_137, %add3A_139 : vector<2048x128xi32>
    %shift_right_logical3A_141 = arith.constant 16 : i32
    %shift_right_logical3A_142 = vector.broadcast %shift_right_logical3A_141 : i32 to vector<2048x128xi32>
    %shift_right_logical3A_143 = arith.shrui %bitcast_convert_type3A_137, %shift_right_logical3A_142 : vector<2048x128xi32>
    %and3A_144 = arith.constant 1 : i32
    %and3A_145 = vector.broadcast %and3A_144 : i32 to vector<2048x128xi32>
    %and3A_146 = arith.andi %shift_right_logical3A_143, %and3A_145 : vector<2048x128xi32>
    %add3A_147 = arith.addi %add3A_140, %and3A_146 : vector<2048x128xi32>
    %shift_right_logical3A_148 = arith.constant 16 : i32
    %shift_right_logical3A_149 = vector.broadcast %shift_right_logical3A_148 : i32 to vector<2048x128xi32>
    %shift_right_logical3A_150 = arith.shrui %add3A_147, %shift_right_logical3A_149 : vector<2048x128xi32>
    %bitcast_convert_type3A_151 = tpu.bitcast %mul3A_136 : vector<2048x128xf32> -> vector<2048x128xi32>
    %add3A_152 = arith.constant 32767 : i32
    %add3A_153 = vector.broadcast %add3A_152 : i32 to vector<2048x128xi32>
    %add3A_154 = arith.addi %bitcast_convert_type3A_151, %add3A_153 : vector<2048x128xi32>
    %shift_right_logical3A_155 = arith.constant 16 : i32
    %shift_right_logical3A_156 = vector.broadcast %shift_right_logical3A_155 : i32 to vector<2048x128xi32>
    %shift_right_logical3A_157 = arith.shrui %bitcast_convert_type3A_151, %shift_right_logical3A_156 : vector<2048x128xi32>
    %and3A_158 = arith.constant 1 : i32
    %and3A_159 = vector.broadcast %and3A_158 : i32 to vector<2048x128xi32>
    %and3A_160 = arith.andi %shift_right_logical3A_157, %and3A_159 : vector<2048x128xi32>
    %add3A_161 = arith.addi %add3A_154, %and3A_160 : vector<2048x128xi32>
    %shift_right_logical3A_162 = arith.constant 16 : i32
    %shift_right_logical3A_163 = vector.broadcast %shift_right_logical3A_162 : i32 to vector<2048x128xi32>
    %shift_right_logical3A_164 = arith.shrui %add3A_161, %shift_right_logical3A_163 : vector<2048x128xi32>
    %shift_left3A_165 = arith.constant 16 : i32
    %shift_left3A_166 = vector.broadcast %shift_left3A_165 : i32 to vector<2048x128xi32>
    %shift_left3A_167 = arith.shli %shift_right_logical3A_164, %shift_left3A_166 : vector<2048x128xi32>
    %or3A_168 = arith.ori %shift_right_logical3A_150, %shift_left3A_167 : vector<2048x128xi32>
    %swap3A_169 = arith.constant 1 : index
    %swap3A_170 = arith.constant 0 : index
    %swap3A_171 = arith.constant 0 : index
    %swap3A_172 = vector.load %arg7[%swap3A_169, %swap3A_170, %swap3A_171] : memref<2x2048x128xi32, #tpu.memory_space<vmem>>, vector<1x2048x128xi32>
    %swap3A_173 = vector.shape_cast %swap3A_172 : vector<1x2048x128xi32> to vector<2048x128xi32>
    %swap3A_174 = vector.shape_cast %or3A_168 : vector<2048x128xi32> to vector<1x2048x128xi32>
    tpu.vector_store %arg7[%swap3A_169, %swap3A_170, %swap3A_171], %swap3A_174 {strides = array<i32>} : memref<2x2048x128xi32, #tpu.memory_space<vmem>>, vector<1x2048x128xi32>,
    return
  }
  func.func @transform_0(%arg0: i32) -> (i32, i32) {
    %c0_i32 = arith.constant 0 : i32
    %c0_i32_0 = arith.constant 0 : i32
    return %arg0, %c0_i32 : i32, i32
  }
  func.func @transform_1(%arg0: i32) -> (i32, i32) {
    %c0_i32 = arith.constant 0 : i32
    %c0_i32_0 = arith.constant 0 : i32
    return %arg0, %c0_i32 : i32, i32
  }
  func.func @transform_2(%arg0: i32) -> (i32, i32) {
    %c0_i32 = arith.constant 0 : i32
    %c0_i32_0 = arith.constant 0 : i32
    %c0_i32_1 = arith.constant 0 : i32
    return %c0_i32, %c0_i32_0 : i32, i32
  }
  func.func @transform_3(%arg0: i32) -> (i32, i32) {
    %c0_i32 = arith.constant 0 : i32
    %c0_i32_0 = arith.constant 0 : i32
    %c0_i32_1 = arith.constant 0 : i32
    return %c0_i32, %c0_i32_0 : i32, i32
  }
  func.func @transform_4(%arg0: i32) -> (i32, i32) {
    %c0_i32 = arith.constant 0 : i32
    %c0_i32_0 = arith.constant 0 : i32
    %c0_i32_1 = arith.constant 0 : i32
    return %c0_i32, %c0_i32_0 : i32, i32
  }
  func.func @transform_5(%arg0: i32) -> (i32, i32) {
    %c0_i32 = arith.constant 0 : i32
    %c0_i32_0 = arith.constant 0 : i32
    %c0_i32_1 = arith.constant 0 : i32
    return %c0_i32, %c0_i32_0 : i32, i32
  }
  func.func @transform_6(%arg0: i32) -> (i32, i32, i32) {
    %c0_i32 = arith.constant 0 : i32
    %c0_i32_0 = arith.constant 0 : i32
    %c0_i32_1 = arith.constant 0 : i32
    return %c0_i32, %arg0, %c0_i32_0 : i32, i32, i32
  }
}

module attributes {stable_mosaic.version = 14 : i64} {
  func.func @_outlin_body(%arg0: i32, %arg1: i32, %arg2: memref<1x2000x128xf32, #tpu.memory_space<vmem>>, %arg3: memref<1x128x128xf32, #tpu.memory_space<vmem>>, %arg4: memref<1x2000x128xf32, #tpu.memory_space<vmem>>) attributes {dimension_semantics = [#tpu.dimension_semantics<arbitrary>, #tpu.dimension_semantics<arbitrary>], iteration_bounds = array<i64: 4, 5>, scalar_prefetch = 0 : i64, scratch_operands = 0 : i64, tpu.core_type = #tpu.core_type<tc>, window_params = [{transform_indices = @transform_0, window_bounds = array<i64: 1, 2000, 128>}, {transform_indices = @transform_1, window_bounds = array<i64: 1, 128, 128>}, {transform_indices = @transform_2, window_bounds = array<i64: 1, 2000, 128>}]} {
    %get3A = arith.constant 0 : index
    %get3A_0 = arith.constant 0 : index
    %get3A_1 = arith.constant 0 : index
    %get3A_2 = vector.load %arg2[%get3A, %get3A_0, %get3A_1] : memref<1x2000x128xf32, #tpu.memory_space<vmem>>, vector<1x2000x128xf32>
    %get3A_3 = vector.shape_cast %get3A_2 : vector<1x2000x128xf32> to vector<2000x128xf32>
    %get3A_4 = arith.constant 0 : index
    %get3A_5 = arith.constant 0 : index
    %get3A_6 = arith.constant 0 : index
    %get3A_7 = vector.load %arg3[%get3A_4, %get3A_5, %get3A_6] : memref<1x128x128xf32, #tpu.memory_space<vmem>>, vector<1x128x128xf32>
    %get3A_8 = vector.shape_cast %get3A_7 : vector<1x128x128xf32> to vector<128x128xf32>
    %dot_general3A = arith.constant dense<0.000000e+00> : vector<2000x128xf32>
    %dot_general3A_9 = tpu.matmul %get3A_3, %get3A_8, %dot_general3A {dimension_numbers = #tpu.dot_dimension_numbers<[1], [0], [0], [1], [0, 0, 1, 1], [], []>, transpose_lhs_hint = false} : vector<2000x128xf32>, vector<128x128xf32>, vector<2000x128xf32> -> vector<2000x128xf32>
    %swap3A = arith.constant 0 : index
    %swap3A_10 = arith.constant 0 : index
    %swap3A_11 = arith.constant 0 : index
    %swap3A_12 = vector.load %arg4[%swap3A, %swap3A_10, %swap3A_11] : memref<1x2000x128xf32, #tpu.memory_space<vmem>>, vector<1x2000x128xf32>
    %swap3A_13 = vector.shape_cast %swap3A_12 : vector<1x2000x128xf32> to vector<2000x128xf32>
    %swap3A_14 = vector.shape_cast %dot_general3A_9 : vector<2000x128xf32> to vector<1x2000x128xf32>
    tpu.vector_store %arg4[%swap3A, %swap3A_10, %swap3A_11], %swap3A_14 {strides = array<i32>} : memref<1x2000x128xf32, #tpu.memory_space<vmem>>, vector<1x2000x128xf32>,
    return
  }
  func.func @transform_0(%arg0: i32, %arg1: i32) -> (i32, i32, i32) {
    %c0_i32 = arith.constant 0 : i32
    %c0_i32_0 = arith.constant 0 : i32
    return %arg0, %arg1, %c0_i32 : i32, i32, i32
  }
  func.func @transform_1(%arg0: i32, %arg1: i32) -> (i32, i32, i32) {
    %c0_i32 = arith.constant 0 : i32
    %c0_i32_0 = arith.constant 0 : i32
    %c0_i32_1 = arith.constant 0 : i32
    return %arg0, %c0_i32, %c0_i32_0 : i32, i32, i32
  }
  func.func @transform_2(%arg0: i32, %arg1: i32) -> (i32, i32, i32) {
    %c0_i32 = arith.constant 0 : i32
    %c0_i32_0 = arith.constant 0 : i32
    return %arg0, %arg1, %c0_i32 : i32, i32, i32
  }
}

</mosaic_0001>

<sc_bundles>
// kernel: kernel.11.cloned.1.call-start
scs
__scs_entry_jumppad:
0x0: {  	(pc) =	sbr.rel $0x88, $3  }
0x1: {  	(tag) =	ssettag $0x0;
	lr =	simm.s32 $0x1  }
0x2: {  	[smem:$0x3F96] =	sst lr;
	_ =	strace $0xD0000000  }
0x3: {  	_ = 	snop  }
0x4: {  	_ = 	snop  }
0x5: {  	_ = 	snop  }
0x6: {  	_ = 	snop  }
0x7: {  	_ = 	snop  }
__scs_overlays_trampoline_lowered:
0x8: {  	[smem:$0x3FA5] =	sst s0  }
0x9: {  	[smem:$0x3FA6] =	sst s1  }
0xa: {  	[smem:$0x3FA7] =	sst s2  }
0xb: {  	[smem:$0x3FA8] =	sst s3  }
0xc: {  	[smem:$0x3FA9] =	sst s4  }
0xd: {  	[smem:$0x3FAA] =	sst s5  }
0xe: {  	[smem:$0x3FAB] =	sst s6  }
0xf: {  	[smem:$0x3FAC] =	sst s7  }
0x10: {  	[smem:$0x3FAD] =	sst s8  }
0x11: {  	[smem:$0x3FAE] =	sst s9;
	s0 =	simm.s32 @!p0 $0x0  }
0x12: {  	s1 =	sld [smem:$0x3F94];
	s0 =	simm.s32 @p0 $0x1  }
0x13: {  	[smem:$0x3FAF] =	sst s0;
	s0 =	simm.s32 @!p1 $0x0  }
0x14: {  	s2 =	sld [smem:$0x3F93];
	s0 =	simm.s32 @p1 $0x1  }
0x15: {  	[smem:$0x3FB0] =	sst s0;
	s0 =	simm.s32 @!p2 $0x0  }
0x16: {  	s3 =	sld [smem:$0x3FDB];
	s0 =	simm.s32 @p2 $0x1  }
0x17: {  	s4 =	simm.s32 $0x1BF5;
	[smem:$0x3FB2] =	sst s0  }
0x18: {  	s0 =	sld [smem:$0x3F95];
	_ =	swait.ge [sflag:s4], $0x0  }
0x19: {  	s7 =	sld [smem:$0x3F96]  }
0x1a: {  	s8 =	sadd.s32 $0xFFFFE003, lr  }
0x1b: {  	s9 =	sadd.s32 $0xFFFFFEF7, lr;
	s5 =	simm.s32 $0xFFFFFFFF;
	p2 =	slt.u32 s8, $0xFFFFF086  }
0x1c: {  	p1 =	slt.u32 s9, $0xF7A;
	s5 =	simm.s32 @!p2 $0x0  }
0x1d: {  	s5 =	simm.s32 @p1 $0x1;
	p0 =	seq.s32 s7, s2  }
0x1e: {  	s7 =	smul.u32 @!p0 $0xF7A, s2;
	p2 =	seq.s32 @!p0 s5, $0x0  }
0x1f: {  	s9 =	smul.u32 $0xF7A, s1;
	s8 =	simm.s32 @!p0 $0x1BF5;
	p2 =	por !p2, p0  }
0x20: {  	[sflag:s8] =	ssyncset.s32 @!p0 $0xFFFFF086;
	s6 =	sadd.s32 @!p0 s3, s7;
	s7 =	simm.s32 @!p0 $0x108  }
0x21: {  	s3 =	sadd.s32 s3, s9;
	s6 =	sadd.s32 @!p0 $0x88, s6;
	s7 =	simm.s32 @p2 $0x1082  }
0x22: {  	[simem:s7], [sflag:s8] =	dma.local @!p0 [hbm:s6], $0xF7A  }
0x23: {  	s9 =	sor.u32 $0xD0000000, s2;
	s6 =	simm.s32 $0x108;
	_ =	swait.ge @!p0 [sflag:s8], $0x0  }
0x24: {  	s3 =	sadd.s32 $0x88, s3;
	s6 =	simm.s32 @!p1 $0x1082;
	[sflag:s4] =	ssyncset.s32 $0xFFFFF086  }
0x25: {  	[simem:s6], [sflag:s4] =	dma.local [hbm:s3], $0xF7A  }
0x26: {  	[smem:$0x3F96] =	sst s1;
	(tag) =	ssettag s2;
	_ =	strace s9  }
0x27: {  	s1 =	sld [smem:$0x3FA6]  }
0x28: {  	s2 =	sld [smem:$0x3FA7]  }
0x29: {  	s4 =	sld [smem:$0x3FA9]  }
0x2a: {  	p0 =	seq.s32 s5, $0x0;
	s5 =	sld [smem:$0x3FAA]  }
0x2b: {  	s6 =	sld [smem:$0x3FAB]  }
0x2c: {  	s7 =	sld [smem:$0x3FAC]  }
0x2d: {  	s3 =	simm.s32 $0x108;
	s8 =	sld [smem:$0x3FAD]  }
0x2e: {  	s3 =	simm.s32 @!p0 $0x1082;
	s9 =	sld [smem:$0x3FAE]  }
0x2f: {  	lr =	sadd.s32 s0, s3;
	s0 =	sld [smem:$0x3FA5]  }
0x30: {  	s3 =	sld [smem:$0x3FA8]  }
0x31: {  	[smem:$0x3FB1] =	sst s10  }
0x32: {  	s10 =	sld [smem:$0x3FAF];
	_ =	sdelay $0x3  }
0x33: {  	p0 =	seq.s32 s10, $0x1;
	s10 =	sld [smem:$0x3FB1];
	_ =	sdelay $0x3  }
0x34: {  	[smem:$0x3FB1] =	sst s10  }
0x35: {  	s10 =	sld [smem:$0x3FB0];
	_ =	sdelay $0x3  }
0x36: {  	p1 =	seq.s32 s10, $0x1;
	s10 =	sld [smem:$0x3FB1];
	_ =	sdelay $0x3  }
0x37: {  	[smem:$0x3FB1] =	sst s10  }
0x38: {  	s10 =	sld [smem:$0x3FB2]  }
0x39: {  	_ = 	snop;
	(pc) =	sbr.ind lr, $3  }
0x3a: {  	_ = 	snop  }
0x3b: {  	_ = 	snop  }
0x3c: {  	p2 =	seq.s32 s10, $0x1;
	s10 =	sld [smem:$0x3FB1]  }
0x3d: {  	_ =	shalt  }
0x3e: {  	_ =	shalt  }
0x3f: {  	_ =	shalt  }
0x40: {  	_ =	shalt  }
0x41: {  	_ =	shalt  }
0x42: {  	_ =	shalt  }
0x43: {  	_ =	shalt  }
0x44: {  	_ =	shalt  }
0x45: {  	_ =	shalt  }
0x46: {  	_ =	shalt  }
0x47: {  	_ =	shalt  }
0x48: {  	_ =	shalt  }
0x49: {  	_ =	shalt  }
0x4a: {  	_ =	shalt  }
0x4b: {  	_ =	shalt  }
0x4c: {  	_ =	shalt  }
0x4d: {  	_ =	shalt  }
0x4e: {  	_ =	shalt  }
0x4f: {  	_ =	shalt  }
0x50: {  	_ =	shalt  }
0x51: {  	_ =	shalt  }
0x52: {  	_ =	shalt  }
0x53: {  	_ =	shalt  }
0x54: {  	_ =	shalt  }
0x55: {  	_ =	shalt  }
0x56: {  	_ =	shalt  }
0x57: {  	_ =	shalt  }
0x58: {  	_ =	shalt  }
0x59: {  	_ =	shalt  }
0x5a: {  	_ =	shalt  }
0x5b: {  	_ =	shalt  }
0x5c: {  	_ =	shalt  }
0x5d: {  	_ =	shalt  }
0x5e: {  	_ =	shalt  }
0x5f: {  	_ =	shalt  }
0x60: {  	_ =	shalt  }
0x61: {  	_ =	shalt  }
0x62: {  	_ =	shalt  }
0x63: {  	_ =	shalt  }
0x64: {  	_ =	shalt  }
0x65: {  	_ =	shalt  }
0x66: {  	_ =	shalt  }
0x67: {  	_ =	shalt  }
0x68: {  	_ =	shalt  }
0x69: {  	_ =	shalt  }
0x6a: {  	_ =	shalt  }
0x6b: {  	_ =	shalt  }
0x6c: {  	_ =	shalt  }
0x6d: {  	_ =	shalt  }
0x6e: {  	_ =	shalt  }
0x6f: {  	_ =	shalt  }
0x70: {  	_ =	shalt  }
0x71: {  	_ =	shalt  }
0x72: {  	_ =	shalt  }
0x73: {  	_ =	shalt  }
0x74: {  	_ =	shalt  }
0x75: {  	_ =	shalt  }
0x76: {  	_ =	shalt  }
0x77: {  	_ =	shalt  }
0x78: {  	_ =	shalt  }
0x79: {  	_ =	shalt  }
0x7a: {  	_ =	shalt  }
0x7b: {  	_ =	shalt  }
0x7c: {  	_ =	shalt  }
0x7d: {  	_ =	shalt  }
0x7e: {  	_ =	shalt  }
0x7f: {  	_ =	shalt  }
0x80: {  	_ =	shalt  }
0x81: {  	_ =	shalt  }
0x82: {  	_ =	shalt  }
0x83: {  	_ =	shalt  }
0x84: {  	_ =	shalt  }
0x85: {  	_ =	shalt  }
0x86: {  	_ =	shalt  }
0x87: {  	_ =	shalt  }
.Lfunc_end0:
.L_simem_size_0:
called_computation.1_lowered:
.L_overlay_start_0:
0x88: {  	s2 =	sld [smem:$0x3FD9]  }
0x89: {  	s3 =	sld [smem:$0x3FFE];
	_ =	sdelay $0x1  }
0x8a: {  	s1 =	srdreg.scid  }
0x8b: {  	s0 =	sand.u32 $0x1, s1  }
0x8c: {  	s17 =	sshll.u32 s0, $0xA;
	s2 =	sadd.s32 s3, s2  }
0x8d: {  	s2 =	sadd.s32 s2, s17  }
0x8e: {  	[smem:$0x3FBD] =	sst s2  }
0x8f: {  	_ = 	snop  }
0x90: {  	s18 =	sld [smem:$0x3FD0];
	(tm) =	ssettm $0x1  }
0x91: {  	s19 =	sld [smem:$0x3FFB];
	_ =	sdelay $0x3  }
0x92: {  	_ =	strace s19  }
0x93: {  	s2 =	sld [smem:$0x3FFC];
	_ =	sdelay $0x3  }
0x94: {  	_ =	strace s2  }
0x95: {  	s2 =	sld [smem:$0x3FFD];
	_ =	sdelay $0x3  }
0x96: {  	_ =	strace s2  }
0x97: {  	_ =	strace $0x8FFFFFFF  }
0x98: {  	s20 =	sld [smem:$0x3FDB];
	_ =	sdelay $0x1  }
0x99: {  	s4 =	simm.s32 $_scs_section_size  }
0x9a: {  	s5 =	simm.s32 $_size__tile_overlayer_lowered;
	s6 =	simm.s32 $_tile_overlayer_lowered  }
0x9b: {  	s7 =	simm.s32 $0x1BFF;
	s21 =	sshll.u32 s6, $0x1;
	s4 =	sadd.s32 s4, s20  }
0x9c: {  	s22 =	simm.s32 $0x0;
	s5 =	sshll.u32 s5, $0x1;
	s6 =	sadd.s32 s21, s4  }
0x9d: {  	[timem:s22], [sflag:s7] =	dma.local [hbm:s6], s5  }
0x9e: {  	_ =	swait.ge [sflag:s7], s5  }
0x9f: {  	s5 =	ssub.s32 $0x0, s5;
	[sflag:s7] =	ssyncset.done $0x0  }
0xa0: {  	[sflag:s7] =	ssyncadd.s32 s5;
	_ =	sdelay $0x1  }
0xa1: {  	s23 =	simm.s32 $0x1B8B  }
0xa2: {  	_ =	swait.ge [sflag:s23], $0x1  }
0xa3: {  	[sflag:s23] =	ssyncset.done $0x0  }
0xa4: {  	[sflag:s23] =	ssyncadd.s32 $0xFFFFFFFF  }
0xa5: {  	s5 =	sld [smem:$0x0]  }
0xa6: {  	s6 =	sand.u32 $0xFFFFFFFE, s1  }
0xa7: {  	p0 =	sne.s32 s1, s6  }
0xa8: {  	s6 =	sshll.u32 @p0 s6, $0xE  }
0xa9: {  	s6 =	sadd.s32 @p0 $0x11B8D, s6;
	s7 =	sshll.u32 @p0 s5, $0x11  }
0xaa: {  	s6 =	sor.u32 @p0 s7, s6  }
0xab: {  	[sflag:s6] =	ssyncadd.remote.s32 @p0 $0x1;
	_ =	sdelay $0x1  }
0xac: {  	s6 =	simm.s32 @p0 $0x1B8D  }
0xad: {  	_ =	swait.eq @p0 [sflag:s6], $0x1  }
0xae: {  	[sflag:s6] =	ssyncadd.s32 @p0 $0xFFFFFFFF  }
0xaf: {  	s7 =	sshll.u32 @!p0 s1, $0xE  }
0xb0: {  	s7 =	sor.u32 @!p0 $0x4000, s7;
	s6 =	simm.s32 @!p0 $0x1B8D  }
0xb1: {  	s5 =	sshll.u32 @!p0 s5, $0x11;
	s7 =	sadd.s32 @!p0 $0x11B8D, s7;
	_ =	swait.eq @!p0 [sflag:s6], $0x1  }
0xb2: {  	s5 =	sor.u32 @!p0 s5, s7;
	[sflag:s6] =	ssyncadd.s32 @!p0 $0xFFFFFFFF  }
0xb3: {  	s25 =	simm.s32 $0x1B8E;
	s24 =	sld [smem:$0x3FFE];
	[sflag:s5] =	ssyncadd.remote.s32 @!p0 $0x1  }
0xb4: {  	s26 =	simm.s32 $execute0_lowered;
	[smem:$0x3FD2] =	sst s25  }
0xb5: {  	s6 =	sshll.u32 s26, $0x1;
	_ =	strace $0x80000049;
	[dreg:$0x1] =	wrdreg $0xFFFFFFFF  }
0xb6: {  	s28 =	simm.s32 $_size_execute0_lowered;
	s4 =	sadd.s32 s4, s6;
	[dreg:$0x0] =	wrdreg $0x0  }
0xb7: {  	s6 =	sshll.u32 s28, $0x1;
	[dreg:$0x2] =	wrdreg s4  }
0xb8: {  	[dreg:$0x3] =	wrdreg s6  }
0xb9: {  	[dreg:$0x4] =	wrdreg $0xC0  }
0xba: {  	_ =	task [dreg:s22], $0x5FFFF  }
0xbb: {  	[dreg:$0x1] =	wrdreg $0xFFFFFFFF  }
0xbc: {  	[dreg:$0x0] =	wrdreg $0x60  }
0xbd: {  	[dreg:$0x2] =	wrdreg s24  }
0xbe: {  	[dreg:$0x3] =	wrdreg s18  }
0xbf: {  	[dreg:$0x4] =	wrdreg $0xA3000  }
0xc0: {  	[dreg:$0x5] =	wrdreg $0xA  }
0xc1: {  	_ =	task.clear_ibuf [dreg:s22], $0x6FFFF;
	_ =	strace $0x90000049  }
0xc2: {  	s29 =	simm.s32 $0xA;
	_ =	strace $0x8000004B  }
0xc3: {  	_ =	swait.ge [sflag:s29], $0x1  }
0xc4: {  	[sflag:s29] =	ssyncadd.s32 $0xFFFFFFFF  }
0xc5: {  	_ =	strace $0x9000004B  }
0xc6: {  	_ =	sfence  }
0xc7: {  	s30 =	sld [smem:$0x0];
	_ =	sdelay $0x2  }
0xc8: {  	s31 =	sshll.u32 s1, $0xD;
	s1 =	sshrl.u32 s1, $0x2  }
0xc9: {  	s4 =	sand.u32 $0x4000, s31;
	s1 =	sadd.s32 s1, s30  }
0xca: {  	s0 =	sor.u32 s4, s0;
	s1 =	sshll.u32 s1, $0x11  }
0xcb: {  	s0 =	sor.u32 s1, s0  }
0xcc: {  	s0 =	sadd.s32 $0x8F2B, s0  }
0xcd: {  	[sflag:s0] =	ssyncadd.remote.s32 $0x1  }
0xce: {  	_ =	sfence.sel $0xFFFF  }
0xcf: {  	[dreg:$0x0] =	wrdreg $0xFFFFFFFF;
	(pc) =	sbr.abs _section_cstart, $3  }
0xd0: {  	[dreg:$0x1] =	wrdreg $0xFFFFFFFF  }
0xd1: {  	_ =	task.clear_ibuf [dreg:s22], $0x2FFFF;
	_ =	strace $0x9FFFFFFF  }
0xd2: {  	(tm) =	ssettm $0x7FFFFFFF  }
0xd3: {  	_ =	shalt  }
tec
execute0_lowered:
.L_overlay_start_1:
0x0: {  	(tag) =	ssettag $0x1  }
0x1: {  	s1 =	rddreg [dreg:$0x0]  }
0x2: {  	s2 =	srdreg.scid;
	s13 =	stileid.u32  }
0x3: {  	s0 =	rddreg [dreg:$0x1];
	s5 =	smul.u32 $0x2780, s13  }
0x4: {  	s3 =	rddreg [dreg:$0x2];
	s6 =	simm.s32 $0x0;
	s7 =	smul.u32 $0x4E000, s13  }
0x5: {  	s30 =	simm.s32 $0x6300;
	s2 =	sand.u32 $0x1, s2;
	s28 =	smul.u32 $0x2700, s13  }
0x6: {  	s31 =	simm.s32 $0xB;
	[smem:$0x7FF] =	sst s6;
	s4 =	smul.u32 $0x27800, s2  }
0x7: {  	s6 =	sadd.s32 $0x4FCE00, s1;
	p0 =	sne.s32 s13, $0x0;
	s11 =	smul.u32 $0x27100, s2  }
0x8: {  	_ =	strace $0x8000004A;
	s8 =	ssub.s32 $0x2, s2;
	s2 =	smul.u32 $0x138800, s2  }
0x9: {  	s9 =	sshrl.u32 s7, $0x2;
	s10 =	sshrl.u32 s8, $0x1;
	s7 =	smul.u32 $0x4F00, s13  }
0xa: {  	s13 =	simm.s32 $0x2;
	s4 =	sadd.s32 s5, s4;
	s5 =	sadd.s32 $0x4F3000, s1  }
0xb: {  	s15 =	sadd.s32 s9, s3;
	s8 =	ssub.s32 s8, s10;
	s9 =	sadd.s32 s28, s11  }
0xc: {  	s2 =	sshrl.u32 s2, $0x3;
	s12 =	sadd.s32 $0x2000, s15;
	[dreg:$0x4] =	wrdreg s15  }
0xd: {  	s11 =	simm.s32 $0x5;
	s14 =	sadd.s32 $0x4000, s15;
	[dreg:$0x5] =	wrdreg s12  }
0xe: {  	s4 =	sshll.u32 s4, $0x4;
	s16 =	sadd.s32 $0x6000, s15;
	[dreg:$0x6] =	wrdreg s14  }
0xf: {  	s17 =	sadd.s32 $0x8000, s15;
	s18 =	sadd.s32 $0xA000, s15;
	[dreg:$0x7] =	wrdreg s16  }
0x10: {  	s19 =	sadd.s32 $0xC000, s15;
	s20 =	sadd.s32 $0xE000, s15;
	[dreg:$0x8] =	wrdreg s17  }
0x11: {  	s21 =	sadd.s32 $0x10000, s15;
	s22 =	sshrl.u32 s7, $0x3;
	[dreg:$0x9] =	wrdreg s18  }
0x12: {  	s26 =	smax.u32 s8, $0x1;
	s28 =	sadd.s32 $0x12000, s15;
	[dreg:$0xa] =	wrdreg s19  }
0x13: {  	s29 =	sor.u32 $0xC0, s7;
	s8 =	simm.s32 $0x0;
	[dreg:$0xb] =	wrdreg s20  }
0x14: {  	s4 =	sadd.s32 s4, s1;
	s1 =	sadd.s32 $0x2A00, s1;
	[dreg:$0xc] =	wrdreg s21  }
0x15: {  	s12 =	sadd.s32 s5, s22;
	s23 =	sor.u32 $0x8, s22;
	[dreg:$0x13] =	wrdreg s26  }
0x16: {  	s10 =	sadd.s32 s6, s22;
	[dreg:$0x14] =	wrdreg s28;
	s14 =	simm.s32 $0x4  }
0x17: {  	s16 =	simm.s32 $0x5300;
	s17 =	simm.s32 $0x200;
	s18 =	simm.s32 $0x6  }
0x18: {  	s19 =	simm.s32 $0x8;
	s20 =	simm.s32 $0x280;
	[dreg:$0xd] =	wrdreg s12  }
0x19: {  	s21 =	simm.s32 $0x8300;
	[dreg:$0xe] =	wrdreg s10;
	s24 =	sadd.s32 s5, s23  }
0x1a: {  	s25 =	sadd.s32 s6, s23;
	s9 =	sadd.s32 s1, s9;
	[dreg:$0xf] =	wrdreg s24  }
0x1b: {  	s1 =	sadd.s32 s1, s2;
	s22 =	sadd.s32 $0xA45200, s4;
	[dreg:$0x10] =	wrdreg s25  }
0x1c: {  	s23 =	sadd.s32 $0xA45400, s4;
	[dreg:$0x11] =	wrdreg s9;
	s1 =	sadd.s32 $0x27000, s1  }
0x1d: {  	s10 =	simm.s32 $0x40;
	s9 =	sadd.s32 $0x138000, s3;
	[dreg:$0x12] =	wrdreg s1  }
0x1e: {  	v0 =	vimm.f32 $0.0e+00;
	s12 =	simm.s32 $0x7;
	s1 =	simm.s32 $0x80;
	[dreg:$0x15] =	wrdreg s9  }
.LBB2_1:
0x1f: {  	[dreg:$0x16] =	wrdreg s8;
	s2 =	simm.s32 $0x0;
	s4 =	simm.s32 $0x200  }
.LBB2_2:
0x20: {  	p1 =	sne.s32 s4, $0x7E00;
	[tilespmem:s2+$0x6370] =	vst v0  }
0x21: {  	[tilespmem:s2+$0x6300] =	vst v0  }
0x22: {  	[tilespmem:s2+$0x6310] =	vst v0  }
.Ltmp0:
0x23: {  	[tilespmem:s2+$0x6320] =	vst v0;
	(pc) =	sbr.rel @p1 .LBB2_2-.Ltmp0, $4  }
0x24: {  	[tilespmem:s2+$0x6330] =	vst v0  }
0x25: {  	[tilespmem:s2+$0x6340] =	vst v0  }
0x26: {  	[tilespmem:s2+$0x6350] =	vst v0  }
0x27: {  	[tilespmem:s2+$0x6360] =	vst v0;
	s2 =	sshra.s32 s4, $0x2;
	s4 =	sadd.s32 $0x200, s4  }
0x28: {  	[tilespmem:s2+$0x6370] =	vst v0  }
0x29: {  	[tilespmem:s2+$0x6300] =	vst v0  }
0x2a: {  	[tilespmem:s2+$0x6310] =	vst v0  }
0x2b: {  	[tilespmem:s2+$0x6320] =	vst v0  }
0x2c: {  	[tilespmem:s2+$0x6330] =	vst v0  }
0x2d: {  	[tilespmem:s2+$0x6340] =	vst v0  }
0x2e: {  	[tilespmem:s2+$0x6350] =	vst v0  }
0x2f: {  	[tilespmem:s2+$0x6360] =	vst v0  }
0x30: {  	[spmem:s15] =	stream.linear.scatter [tilespmem:s30], [sflag:$0xB], $0x2000, $0x38;
	[tilespmem:$0x1DB80] =	vst v63  }
0x31: {  	_ =	swait.ge [sflag:s31], $0x2000  }
0x32: {  	[sflag:s31] =	ssyncset.done $0x0  }
0x33: {  	s25 =	rddreg [dreg:$0x5];
	[sflag:s31] =	ssyncadd.s32 $0xFFFFE000  }
0x34: {  	[spmem:s25] =	stream.linear.scatter [tilespmem:s30], [sflag:$0xB], $0x2000, $0x38;
	[tilespmem:$0x1DB80] =	vst v63  }
0x35: {  	_ =	swait.ge [sflag:s31], $0x2000  }
0x36: {  	[sflag:s31] =	ssyncset.done $0x0  }
0x37: {  	s26 =	rddreg [dreg:$0x6];
	[sflag:s31] =	ssyncadd.s32 $0xFFFFE000  }
0x38: {  	[spmem:s26] =	stream.linear.scatter [tilespmem:s30], [sflag:$0xB], $0x2000, $0x38;
	[tilespmem:$0x1DB80] =	vst v63  }
0x39: {  	_ =	swait.ge [sflag:s31], $0x2000  }
0x3a: {  	[sflag:s31] =	ssyncset.done $0x0  }
0x3b: {  	s28 =	rddreg [dreg:$0x7];
	[sflag:s31] =	ssyncadd.s32 $0xFFFFE000  }
0x3c: {  	[spmem:s28] =	stream.linear.scatter [tilespmem:s30], [sflag:$0xB], $0x2000, $0x38;
	[tilespmem:$0x1DB80] =	vst v63  }
0x3d: {  	_ =	swait.ge [sflag:s31], $0x2000  }
0x3e: {  	[sflag:s31] =	ssyncset.done $0x0  }
0x3f: {  	s4 =	rddreg [dreg:$0x8];
	[sflag:s31] =	ssyncadd.s32 $0xFFFFE000  }
0x40: {  	[spmem:s4] =	stream.linear.scatter [tilespmem:s30], [sflag:$0xB], $0x2000, $0x38;
	[tilespmem:$0x1DB80] =	vst v63  }
0x41: {  	_ =	swait.ge [sflag:s31], $0x2000  }
0x42: {  	[sflag:s31] =	ssyncset.done $0x0  }
0x43: {  	s8 =	rddreg [dreg:$0x9];
	[sflag:s31] =	ssyncadd.s32 $0xFFFFE000  }
0x44: {  	[spmem:s8] =	stream.linear.scatter [tilespmem:s30], [sflag:$0xB], $0x2000, $0x38;
	[tilespmem:$0x1DB80] =	vst v63  }
0x45: {  	_ =	swait.ge [sflag:s31], $0x2000  }
0x46: {  	[sflag:s31] =	ssyncset.done $0x0  }
0x47: {  	s15 =	rddreg [dreg:$0xa];
	[sflag:s31] =	ssyncadd.s32 $0xFFFFE000  }
0x48: {  	[spmem:s15] =	stream.linear.scatter [tilespmem:s30], [sflag:$0xB], $0x2000, $0x38;
	[tilespmem:$0x1DB80] =	vst v63  }
0x49: {  	_ =	swait.ge [sflag:s31], $0x2000  }
0x4a: {  	[sflag:s31] =	ssyncset.done $0x0  }
0x4b: {  	s24 =	rddreg [dreg:$0xb];
	[sflag:s31] =	ssyncadd.s32 $0xFFFFE000  }
0x4c: {  	[spmem:s24] =	stream.linear.scatter [tilespmem:s30], [sflag:$0xB], $0x2000, $0x38;
	[tilespmem:$0x1DB80] =	vst v63  }
0x4d: {  	_ =	swait.ge [sflag:s31], $0x2000  }
0x4e: {  	[sflag:s31] =	ssyncset.done $0x0  }
0x4f: {  	s25 =	rddreg [dreg:$0xc];
	[sflag:s31] =	ssyncadd.s32 $0xFFFFE000  }
0x50: {  	[spmem:s25] =	stream.linear.scatter [tilespmem:s30], [sflag:$0xB], $0x2000, $0x38;
	[tilespmem:$0x1DB80] =	vst v63  }
0x51: {  	_ =	swait.ge [sflag:s31], $0x2000  }
0x52: {  	[sflag:s31] =	ssyncset.done $0x0  }
0x53: {  	s26 =	rddreg [dreg:$0x14];
	[sflag:s31] =	ssyncadd.s32 $0xFFFFE000  }
0x54: {  	[spmem:s26] =	stream.linear.scatter [tilespmem:s30], [sflag:$0xB], $0x1800, $0x38;
	[tilespmem:$0x1DB80] =	vst v63  }
0x55: {  	_ =	swait.ge [sflag:s31], $0x1800  }
0x56: {  	[sflag:s31] =	ssyncset.done $0x0  }
0x57: {  	s2 =	simm.s32 @!p0 $0x6300;
	[sflag:s31] =	ssyncadd.s32 $0xFFFFE800  }
0x58: {  	[spmem:s9] =	stream.linear.scatter @!p0 [tilespmem:s2], [sflag:$0xB], $0x800, $0x38;
	[tilespmem:$0x1DB80] =	vst v63  }
0x59: {  	s2 =	simm.s32 @!p0 $0xB  }
0x5a: {  	_ =	swait.ge @!p0 [sflag:s2], $0x800  }
0x5b: {  	[sflag:s2] =	ssyncset.done @!p0 $0x0  }
0x5c: {  	[sflag:s2] =	ssyncadd.s32 @!p0 $0xFFFFF800  }
0x5d: {  	[bflag:$0x0] =	sbarrier.arrive $0xFFFF  }
0x5e: {  	s2 =	simm.s32 $0x0;
	s4 =	rddreg [dreg:$0xd]  }
0x5f: {  	[tilespmem:s2], [sflag:$0x1] =	stream.linear.gather [hbm4b:s4+s2], $0x40, $0x38;
	[tilespmem:$0x1DB80] =	vst v63  }
0x60: {  	s8 =	simm.s32 $0x100;
	s28 =	rddreg [dreg:$0xe]  }
0x61: {  	[tilespmem:s8], [sflag:$0x3] =	stream.linear.gather [hbm4b:s28+s2], $0x40, $0x38;
	[tilespmem:$0x1DB80] =	vst v63  }
0x62: {  	s8 =	rddreg [dreg:$0xf]  }
0x63: {  	[tilespmem:s1], [sflag:$0x2] =	stream.linear.gather [hbm4b:s8+s2], $0x40, $0x38;
	[tilespmem:$0x1DB80] =	vst v63  }
0x64: {  	s15 =	simm.s32 $0x180;
	s24 =	simm.s32 $0x1;
	s9 =	rddreg [dreg:$0x10]  }
0x65: {  	[tilespmem:s15], [sflag:$0x4] =	stream.linear.gather [hbm4b:s9+s2], $0x40, $0x38;
	[tilespmem:$0x1DB80] =	vst v63  }
0x66: {  	_ =	swait.ge [sflag:s24], $0x40  }
0x67: {  	[sflag:s24] =	ssyncset.done $0x0  }
0x68: {  	s25 =	simm.s32 $0x3;
	[sflag:s24] =	ssyncadd.s32 $0xFFFFFFC0  }
0x69: {  	_ =	swait.ge [sflag:s25], $0x40  }
0x6a: {  	[sflag:s25] =	ssyncset.done $0x0  }
0x6b: {  	s26 =	simm.s32 $0x300;
	[sflag:s25] =	ssyncadd.s32 $0xFFFFFFC0  }
0x6c: {  	[tilespmem:s26], [sflag:$0x5] =	stream.indirect.gather [hbm4b:s0+s10], $0x80, s2, s10, $0xb8;
	[tilespmem:$0x1DB80] =	vst v63  }
0x6d: {  	s28 =	simm.s32 $0x4300  }
0x6e: {  	[tilespmem:s28], [sflag:$0x7] =	stream.linear.gather [hbm4b:s22+s2], $0x1000, $0x38;
	[tilespmem:$0x1DB80] =	vst v63  }
.LBB2_4:
0x6f: {  	p2 =	seq.s32 s2, $0x0  }
0x70: {  	s4 =	simm.s32 @!p2 $0x9  }
0x71: {  	_ =	swait.ge @!p2 [sflag:s4], $0x2000  }
0x72: {  	[sflag:s4] =	ssyncset.done @!p2 $0x0  }
0x73: {  	[sflag:s4] =	ssyncadd.s32 @!p2 $0xFFFFE000  }
0x74: {  	_ =	swait.ge [sflag:s11], $0x2000  }
0x75: {  	[sflag:s11] =	ssyncset.done $0x0  }
0x76: {  	[sflag:s11] =	ssyncadd.s32 $0xFFFFE000  }
0x77: {  	_ =	swait.ge [sflag:s12], $0x1000  }
0x78: {  	[sflag:s12] =	ssyncset.done $0x0  }
0x79: {  	[sflag:s12] =	ssyncadd.s32 $0xFFFFF000  }
0x7a: {  	v1 =	vld [tilespmem:$0x100]  }
0x7b: {  	v2 =	vld [tilespmem:$0x110]  }
0x7c: {  	v3 =	vld [tilespmem:$0x120]  }
0x7d: {  	s15 =	sshll.u32 s2, $0x1;
	v4 =	vld [tilespmem:$0x130]  }
0x7e: {  	p1 =	seq.s32 s2, $0x9D;
	s9 =	sadd.s32 $0x2, s15  }
0x7f: {  	s4 =	sshll.u32 @!p1 s9, $0x6;
	[tilespmem:$0x200] =	vst v1  }
0x80: {  	s4 =	sadd.s32 @!p1 s7, s4;
	[tilespmem:$0x210] =	vst v2  }
0x81: {  	s4 =	sshrl.u32 @!p1 s4, $0x3;
	[tilespmem:$0x220] =	vst v3  }
0x82: {  	s15 =	simm.s32 @!p1 $0x0;
	s8 =	sadd.s32 @!p1 s5, s4;
	[tilespmem:$0x230] =	vst v4  }
0x83: {  	[tilespmem:s15], [sflag:$0x1] =	stream.linear.gather @!p1 [hbm4b:s8+s15], $0x40, $0x38;
	[tilespmem:$0x1DB80] =	vst v63  }
0x84: {  	s4 =	sadd.s32 @!p1 s6, s4;
	s8 =	simm.s32 @!p1 $0x100  }
0x85: {  	[tilespmem:s8], [sflag:$0x3] =	stream.linear.gather @!p1 [hbm4b:s4+s15], $0x40, $0x38;
	[tilespmem:$0x1DB80] =	vst v63  }
0x86: {  	_ =	swait.ge [sflag:s13], $0x40  }
0x87: {  	[sflag:s13] =	ssyncset.done $0x0  }
0x88: {  	[sflag:s13] =	ssyncadd.s32 $0xFFFFFFC0  }
0x89: {  	_ =	swait.ge [sflag:s14], $0x40  }
0x8a: {  	[sflag:s14] =	ssyncset.done $0x0  }
0x8b: {  	s24 =	simm.s32 $0x2300;
	s25 =	sshll.u32 s2, $0xA;
	[sflag:s14] =	ssyncadd.s32 $0xFFFFFFC0  }
0x8c: {  	[tilespmem:s24], [sflag:$0x6] =	stream.indirect.gather [hbm4b:s0+s10], $0x80, s1, s10, $0xb8;
	[tilespmem:$0x1DB80] =	vst v63  }
0x8d: {  	s26 =	simm.s32 $0x0;
	s4 =	sadd.s32 s25, s23;
	s15 =	simm.s32 $0x4400  }
0x8e: {  	[tilespmem:s16], [sflag:$0x8] =	stream.linear.gather [hbm4b:s4+s26], $0x1000, $0x38;
	[tilespmem:$0x1DB80] =	vst v63  }
0x8f: {  	s26 =	simm.s32 $0x500;
	v1 =	vld [tilespmem:s15+$0x80]  }
0x90: {  	v2 =	vld [tilespmem:s26+$0x100];
	_ =	sdelay $0x3  }
0x91: {  	v3 =	vld [tilespmem:s15+$0xFFFFFF80];
	v4 =	vshll.u32 v1, $0x10  }
0x92: {  	v5 =	vld [tilespmem:s15+$0xFFFFFF00];
	v2 =	vmul.f32 v4, v2  }
0x93: {  	s24 =	simm.s32 $0x6500;
	v4 =	vld [tilespmem:s26+$0xFFFFFE00]  }
0x94: {  	v6 =	vld [tilespmem:s26+$0xFFFFFF00];
	[tilespmem:s24+$0x100] =	vst v2  }
0x95: {  	v2 =	vld [tilespmem:s26+$0x180]  }
0x96: {  	v7 =	vld [tilespmem:s15+$0x0]  }
0x97: {  	v9 =	vld [tilespmem:s26+$0x0];
	v8 =	vshll.u32 v5, $0x10  }
0x98: {  	v4 =	vmul.f32 v8, v4  }
0x99: {  	v1 =	vand.u32 $0xFFFF0000, v1  }
0x9a: {  	v10 =	vshll.u32 v3, $0x10;
	[tilespmem:s24+$0xFFFFFE00] =	vst v4;
	v1 =	vmul.f32 v1, v2  }
0x9b: {  	v6 =	vmul.f32 v10, v6;
	v2 =	vshll.u32 v7, $0x10;
	v4 =	vld [tilespmem:s26+$0xFFFFFE80]  }
0x9c: {  	v2 =	vmul.f32 v2, v9;
	[tilespmem:s24+$0x180] =	vst v1  }
0x9d: {  	[tilespmem:s24+$0xFFFFFF00] =	vst v6;
	v1 =	vld [tilespmem:s15+$0x90]  }
0x9e: {  	[tilespmem:s24+$0x0] =	vst v2;
	v2 =	vld [tilespmem:s26+$0x110]  }
0x9f: {  	v5 =	vand.u32 $0xFFFF0000, v5;
	v6 =	vld [tilespmem:s26+$0xFFFFFF80]  }
0xa0: {  	v4 =	vmul.f32 v5, v4  }
0xa1: {  	v8 =	vld [tilespmem:s26+$0x80]  }
0xa2: {  	[tilespmem:s24+$0xFFFFFE80] =	vst v4;
	v4 =	vshll.u32 v1, $0x10  }
0xa3: {  	v3 =	vand.u32 $0xFFFF0000, v3;
	v2 =	vmul.f32 v4, v2  }
0xa4: {  	v3 =	vmul.f32 v3, v6;
	v6 =	vld [tilespmem:s15+$0xFFFFFF10]  }
0xa5: {  	v5 =	vand.u32 $0xFFFF0000, v7;
	v4 =	vld [tilespmem:s26+$0xFFFFFE10];
	[tilespmem:s24+$0x110] =	vst v2  }
0xa6: {  	[tilespmem:s24+$0xFFFFFF80] =	vst v3;
	v3 =	vmul.f32 v5, v8;
	v2 =	vld [tilespmem:s26+$0x190]  }
0xa7: {  	v5 =	vld [tilespmem:s15+$0xFFFFFF90]  }
0xa8: {  	v7 =	vld [tilespmem:s26+$0xFFFFFF10];
	[tilespmem:s24+$0x80] =	vst v3  }
0xa9: {  	v3 =	vld [tilespmem:s15+$0x10];
	v8 =	vshll.u32 v6, $0x10  }
0xaa: {  	v1 =	vand.u32 $0xFFFF0000, v1;
	v9 =	vld [tilespmem:s26+$0x10];
	v4 =	vmul.f32 v8, v4  }
0xab: {  	v1 =	vmul.f32 v1, v2  }
0xac: {  	[tilespmem:s24+$0xFFFFFE10] =	vst v4;
	v2 =	vshll.u32 v5, $0x10  }
0xad: {  	v4 =	vld [tilespmem:s26+$0xFFFFFE90];
	v2 =	vmul.f32 v2, v7;
	[tilespmem:s24+$0x190] =	vst v1  }
0xae: {  	v8 =	vshll.u32 v3, $0x10;
	v7 =	vld [tilespmem:s15+$0xA0]  }
0xaf: {  	v1 =	vmul.f32 v8, v9;
	[tilespmem:s24+$0xFFFFFF10] =	vst v2;
	v2 =	vld [tilespmem:s26+$0x120]  }
0xb0: {  	v8 =	vld [tilespmem:s26+$0xFFFFFF90]  }
0xb1: {  	[tilespmem:s24+$0x10] =	vst v1;
	v1 =	vand.u32 $0xFFFF0000, v6  }
0xb2: {  	v6 =	vld [tilespmem:s26+$0x90];
	v1 =	vmul.f32 v1, v4  }
0xb3: {  	v4 =	vshll.u32 v7, $0x10  }
0xb4: {  	v5 =	vand.u32 $0xFFFF0000, v5;
	[tilespmem:s24+$0xFFFFFE90] =	vst v1;
	v1 =	vmul.f32 v4, v2  }
0xb5: {  	v2 =	vand.u32 $0xFFFF0000, v3;
	v3 =	vld [tilespmem:s15+$0xFFFFFF20];
	v4 =	vmul.f32 v5, v8  }
0xb6: {  	v5 =	vld [tilespmem:s26+$0xFFFFFE20];
	[tilespmem:s24+$0x120] =	vst v1  }
0xb7: {  	v2 =	vmul.f32 v2, v6;
	[tilespmem:s24+$0xFFFFFF90] =	vst v4;
	v1 =	vld [tilespmem:s26+$0x1A0]  }
0xb8: {  	v4 =	vld [tilespmem:s15+$0xFFFFFFA0]  }
0xb9: {  	[tilespmem:s24+$0x90] =	vst v2;
	v8 =	vld [tilespmem:s26+$0xFFFFFF20]  }
0xba: {  	v2 =	vld [tilespmem:s15+$0x20];
	v6 =	vshll.u32 v3, $0x10  }
0xbb: {  	v7 =	vand.u32 $0xFFFF0000, v7;
	v5 =	vmul.f32 v6, v5;
	v6 =	vld [tilespmem:s26+$0x20]  }
0xbc: {  	v1 =	vmul.f32 v7, v1  }
0xbd: {  	[tilespmem:s24+$0xFFFFFE20] =	vst v5  }
0xbe: {  	v7 =	vshll.u32 v4, $0x10;
	v5 =	vld [tilespmem:s26+$0xFFFFFEA0];
	[tilespmem:s24+$0x1A0] =	vst v1  }
0xbf: {  	v7 =	vmul.f32 v7, v8;
	v1 =	vshll.u32 v2, $0x10;
	v8 =	vld [tilespmem:s15+$0xB0]  }
0xc0: {  	v1 =	vmul.f32 v1, v6;
	v6 =	vld [tilespmem:s26+$0x130]  }
0xc1: {  	[tilespmem:s24+$0xFFFFFF20] =	vst v7  }
0xc2: {  	v3 =	vand.u32 $0xFFFF0000, v3;
	v7 =	vld [tilespmem:s26+$0xFFFFFFA0];
	[tilespmem:s24+$0x20] =	vst v1  }
0xc3: {  	v1 =	vmul.f32 v3, v5;
	v3 =	vld [tilespmem:s26+$0xA0]  }
0xc4: {  	v5 =	vshll.u32 v8, $0x10  }
0xc5: {  	[tilespmem:s24+$0xFFFFFEA0] =	vst v1;
	v1 =	vmul.f32 v5, v6  }
0xc6: {  	v5 =	vld [tilespmem:s15+$0xFFFFFF30]  }
0xc7: {  	v4 =	vand.u32 $0xFFFF0000, v4;
	v2 =	vand.u32 $0xFFFF0000, v2;
	v6 =	vld [tilespmem:s26+$0xFFFFFE30];
	[tilespmem:s24+$0x130] =	vst v1  }
0xc8: {  	v4 =	vmul.f32 v4, v7;
	v1 =	vmul.f32 v2, v3;
	v2 =	vld [tilespmem:s26+$0x1B0];
	_ =	sdelay $0x1  }
0xc9: {  	[tilespmem:s24+$0xFFFFFFA0] =	vst v4  }
0xca: {  	v3 =	vld [tilespmem:s15+$0xFFFFFFB0];
	[tilespmem:s24+$0xA0] =	vst v1;
	v1 =	vshll.u32 v5, $0x10  }
0xcb: {  	v7 =	vand.u32 $0xFFFF0000, v8;
	v1 =	vmul.f32 v1, v6;
	v6 =	vld [tilespmem:s26+$0xFFFFFF30]  }
0xcc: {  	v4 =	vld [tilespmem:s15+$0x30];
	v2 =	vmul.f32 v7, v2  }
0xcd: {  	v8 =	vld [tilespmem:s26+$0x30];
	[tilespmem:s24+$0xFFFFFE30] =	vst v1  }
0xce: {  	v1 =	vld [tilespmem:s26+$0xFFFFFEB0];
	[tilespmem:s24+$0x1B0] =	vst v2  }
0xcf: {  	v2 =	vshll.u32 v3, $0x10;
	v7 =	vld [tilespmem:s15+$0xC0]  }
0xd0: {  	v2 =	vmul.f32 v2, v6;
	v6 =	vld [tilespmem:s26+$0x140]  }
0xd1: {  	v9 =	vshll.u32 v4, $0x10  }
0xd2: {  	v5 =	vand.u32 $0xFFFF0000, v5;
	v8 =	vmul.f32 v9, v8;
	[tilespmem:s24+$0xFFFFFF30] =	vst v2  }
0xd3: {  	v1 =	vmul.f32 v5, v1;
	v2 =	vld [tilespmem:s26+$0xFFFFFFB0]  }
0xd4: {  	[tilespmem:s24+$0x30] =	vst v8;
	v8 =	vshll.u32 v7, $0x10  }
0xd5: {  	v5 =	vld [tilespmem:s26+$0xB0];
	[tilespmem:s24+$0xFFFFFEB0] =	vst v1;
	v1 =	vmul.f32 v8, v6  }
0xd6: {  	v6 =	vld [tilespmem:s15+$0xFFFFFF40]  }
0xd7: {  	v3 =	vand.u32 $0xFFFF0000, v3;
	v8 =	vld [tilespmem:s26+$0xFFFFFE40];
	[tilespmem:s24+$0x140] =	vst v1  }
0xd8: {  	v2 =	vmul.f32 v3, v2;
	v3 =	vld [tilespmem:s26+$0x1C0]  }
0xd9: {  	v1 =	vand.u32 $0xFFFF0000, v4  }
0xda: {  	v1 =	vmul.f32 v1, v5  }
0xdb: {  	[tilespmem:s24+$0xFFFFFFB0] =	vst v2;
	v2 =	vshll.u32 v6, $0x10  }
0xdc: {  	v5 =	vand.u32 $0xFFFF0000, v7;
	[tilespmem:s24+$0xB0] =	vst v1;
	v1 =	vmul.f32 v2, v8  }
0xdd: {  	v2 =	vld [tilespmem:s15+$0x40];
	v3 =	vmul.f32 v5, v3  }
0xde: {  	[tilespmem:s24+$0xFFFFFE40] =	vst v1;
	v1 =	vld [tilespmem:s26+$0x40]  }
0xdf: {  	v5 =	vld [tilespmem:s26+$0xFFFFFEC0];
	[tilespmem:s24+$0x1C0] =	vst v3  }
0xe0: {  	v3 =	vld [tilespmem:s15+$0xD0]  }
0xe1: {  	v8 =	vld [tilespmem:s26+$0x150];
	_ =	sdelay $0x1  }
0xe2: {  	v4 =	vld [tilespmem:s15+$0xFFFFFFC0];
	v10 =	vshll.u32 v2, $0x10  }
0xe3: {  	v7 =	vld [tilespmem:s26+$0xFFFFFF40];
	v6 =	vand.u32 $0xFFFF0000, v6;
	v1 =	vmul.f32 v10, v1  }
0xe4: {  	s28 =	simm.s32 $0x4600;
	v5 =	vmul.f32 v6, v5;
	v6 =	vshll.u32 v3, $0x10  }
0xe5: {  	v11 =	vld [tilespmem:s28+$0xFFFFFF80];
	[tilespmem:s24+$0x40] =	vst v1;
	v1 =	vmul.f32 v6, v8  }
0xe6: {  	s8 =	simm.s32 $0x900;
	v12 =	vld [tilespmem:s28+$0x0]  }
0xe7: {  	v13 =	vld [tilespmem:s8+$0xFFFFFE00];
	v9 =	vshll.u32 v4, $0x10;
	[tilespmem:s24+$0x150] =	vst v1  }
0xe8: {  	v7 =	vmul.f32 v9, v7;
	v1 =	vld [tilespmem:s26+$0x1D0]  }
0xe9: {  	v9 =	vld [tilespmem:s28+$0x80]  }
0xea: {  	[tilespmem:s24+$0xFFFFFF40] =	vst v7;
	v10 =	vld [tilespmem:s8+$0x100]  }
0xeb: {  	v7 =	vld [tilespmem:s26+$0xFFFFFFC0]  }
0xec: {  	[tilespmem:s24+$0xFFFFFEC0] =	vst v5;
	v5 =	vld [tilespmem:s26+$0xC0];
	v3 =	vand.u32 $0xFFFF0000, v3  }
0xed: {  	v6 =	vld [tilespmem:s15+$0xFFFFFF50];
	v1 =	vmul.f32 v3, v1  }
0xee: {  	v3 =	vld [tilespmem:s28+$0xFFFFFF00]  }
0xef: {  	v14 =	vshll.u32 v9, $0x10;
	v8 =	vld [tilespmem:s26+$0xFFFFFE50];
	[tilespmem:s24+$0x1D0] =	vst v1  }
0xf0: {  	v1 =	vmul.f32 v14, v10;
	v10 =	vld [tilespmem:s15+$0xE0]  }
0xf1: {  	s25 =	simm.s32 $0x6900;
	v4 =	vand.u32 $0xFFFF0000, v4;
	v35 =	vld [tilespmem:s26+$0x160]  }
0xf2: {  	v2 =	vand.u32 $0xFFFF0000, v2;
	v4 =	vmul.f32 v4, v7;
	v7 =	vld [tilespmem:s8+$0xFFFFFF00];
	[tilespmem:s25+$0x100] =	vst v1  }
0xf3: {  	v1 =	vmul.f32 v2, v5;
	v2 =	vshll.u32 v3, $0x10;
	v5 =	vld [tilespmem:s8+$0x180]  }
0xf4: {  	[tilespmem:s24+$0xFFFFFFC0] =	vst v4;
	v4 =	vld [tilespmem:s8+$0x0];
	v2 =	vmul.f32 v2, v13  }
0xf5: {  	v36 =	vld [tilespmem:s15+$0xFFFFFFD0];
	[tilespmem:s24+$0xC0] =	vst v1;
	v1 =	vshll.u32 v10, $0x10  }
0xf6: {  	v15 =	vshll.u32 v11, $0x10;
	v16 =	vld [tilespmem:s15+$0x50];
	[tilespmem:s25+$0xFFFFFE00] =	vst v2;
	v1 =	vmul.f32 v1, v35  }
0xf7: {  	v9 =	vand.u32 $0xFFFF0000, v9;
	v7 =	vmul.f32 v15, v7;
	v2 =	vld [tilespmem:s8+$0xFFFFFE80]  }
0xf8: {  	v37 =	vld [tilespmem:s26+$0x50];
	v5 =	vmul.f32 v9, v5;
	[tilespmem:s24+$0x160] =	vst v1  }
0xf9: {  	[tilespmem:s25+$0xFFFFFF00] =	vst v7;
	v1 =	vshll.u32 v12, $0x10;
	v7 =	vld [tilespmem:s26+$0x1E0]  }
0xfa: {  	v1 =	vmul.f32 v1, v4;
	v4 =	vld [tilespmem:s8+$0xFFFFFF80];
	[tilespmem:s25+$0x180] =	vst v5  }
0xfb: {  	v3 =	vand.u32 $0xFFFF0000, v3;
	v5 =	vld [tilespmem:s28+$0x90]  }
0xfc: {  	[tilespmem:s25+$0x0] =	vst v1;
	v1 =	vmul.f32 v3, v2;
	v2 =	vld [tilespmem:s8+$0x110]  }
0xfd: {  	v10 =	vand.u32 $0xFFFF0000, v10;
	v3 =	vld [tilespmem:s8+$0x80]  }
0xfe: {  	v9 =	vld [tilespmem:s26+$0xFFFFFF50];
	[tilespmem:s25+$0xFFFFFE80] =	vst v1;
	v1 =	vmul.f32 v10, v7  }
0xff: {  	v7 =	vand.u32 $0xFFFF0000, v11;
	v10 =	vld [tilespmem:s28+$0xFFFFFF10]  }
0x100: {  	v4 =	vmul.f32 v7, v4;
	v7 =	vld [tilespmem:s8+$0xFFFFFE10];
	v11 =	vshll.u32 v5, $0x10;
	[tilespmem:s24+$0x1E0] =	vst v1  }
0x101: {  	v12 =	vand.u32 $0xFFFF0000, v12;
	v2 =	vmul.f32 v11, v2;
	v1 =	vld [tilespmem:s15+$0xF0]  }
0x102: {  	[tilespmem:s25+$0xFFFFFF80] =	vst v4;
	v3 =	vmul.f32 v12, v3;
	v4 =	vld [tilespmem:s26+$0x170]  }
0x103: {  	v11 =	vld [tilespmem:s28+$0xFFFFFF90];
	[tilespmem:s25+$0x110] =	vst v2  }
0x104: {  	v2 =	vshll.u32 v10, $0x10;
	[tilespmem:s25+$0x80] =	vst v3;
	v3 =	vld [tilespmem:s8+$0x190]  }
0x105: {  	v38 =	vshll.u32 v6, $0x10;
	v39 =	vld [tilespmem:s8+$0xFFFFFF10];
	v2 =	vmul.f32 v2, v7  }
0x106: {  	v8 =	vmul.f32 v38, v8;
	v7 =	vld [tilespmem:s28+$0x10];
	v40 =	vshll.u32 v1, $0x10  }
0x107: {  	v41 =	vld [tilespmem:s8+$0x10];
	[tilespmem:s25+$0xFFFFFE10] =	vst v2;
	v2 =	vshll.u32 v36, $0x10;
	v4 =	vmul.f32 v40, v4  }
0x108: {  	[tilespmem:s24+$0xFFFFFE50] =	vst v8;
	v5 =	vand.u32 $0xFFFF0000, v5;
	v2 =	vmul.f32 v2, v9;
	v8 =	vld [tilespmem:s8+$0xFFFFFE90]  }
0x109: {  	v3 =	vmul.f32 v5, v3;
	v5 =	vld [tilespmem:s26+$0xFFFFFED0];
	[tilespmem:s24+$0x170] =	vst v4  }
0x10a: {  	[tilespmem:s24+$0xFFFFFF50] =	vst v2;
	v4 =	vshll.u32 v11, $0x10;
	v2 =	vld [tilespmem:s26+$0x1F0]  }
0x10b: {  	v9 =	vshll.u32 v7, $0x10;
	v4 =	vmul.f32 v4, v39;
	[tilespmem:s25+$0x190] =	vst v3;
	v3 =	vld [tilespmem:s26+$0xFFFFFFD0]  }
0x10c: {  	v10 =	vand.u32 $0xFFFF0000, v10;
	v9 =	vmul.f32 v9, v41;
	v42 =	vld [tilespmem:s28+$0xA0]  }
0x10d: {  	v8 =	vmul.f32 v10, v8;
	[tilespmem:s25+$0xFFFFFF10] =	vst v4;
	v4 =	vld [tilespmem:s8+$0x120]  }
0x10e: {  	v10 =	vshll.u32 v16, $0x10;
	[tilespmem:s25+$0x10] =	vst v9;
	v43 =	vld [tilespmem:s8+$0xFFFFFF90]  }
0x10f: {  	v6 =	vand.u32 $0xFFFF0000, v6;
	v9 =	vmul.f32 v10, v37;
	[tilespmem:s25+$0xFFFFFE90] =	vst v8;
	v8 =	vld [tilespmem:s8+$0x90]  }
0x110: {  	v10 =	vand.u32 $0xFFFF0000, v36;
	v5 =	vmul.f32 v6, v5;
	v6 =	vld [tilespmem:s28+$0xFFFFFF20]  }
0x111: {  	[tilespmem:s24+$0x50] =	vst v9;
	v3 =	vmul.f32 v10, v3;
	v9 =	vld [tilespmem:s8+$0xFFFFFE20];
	v10 =	vshll.u32 v42, $0x10  }
0x112: {  	v11 =	vand.u32 $0xFFFF0000, v11;
	[tilespmem:s24+$0xFFFFFED0] =	vst v5;
	v5 =	vld [tilespmem:s26+$0xD0];
	v4 =	vmul.f32 v10, v4  }
0x113: {  	v7 =	vand.u32 $0xFFFF0000, v7;
	[tilespmem:s24+$0xFFFFFFD0] =	vst v3;
	v10 =	vld [tilespmem:s15+$0xFFFFFF60];
	v3 =	vmul.f32 v11, v43  }
0x114: {  	v7 =	vmul.f32 v7, v8;
	[tilespmem:s25+$0x120] =	vst v4;
	v4 =	vld [tilespmem:s15+$0xFFFFFFE0]  }
0x115: {  	[tilespmem:s25+$0xFFFFFF90] =	vst v3;
	v3 =	vld [tilespmem:s8+$0x1A0]  }
0x116: {  	v8 =	vshll.u32 v6, $0x10;
	v11 =	vld [tilespmem:s28+$0xFFFFFFA0];
	[tilespmem:s25+$0x90] =	vst v7  }
0x117: {  	v7 =	vand.u32 $0xFFFF0000, v16;
	v8 =	vmul.f32 v8, v9;
	v9 =	vld [tilespmem:s28+$0x20]  }
0x118: {  	v5 =	vmul.f32 v7, v5;
	v7 =	vld [tilespmem:s8+$0xFFFFFF20]  }
0x119: {  	v12 =	vand.u32 $0xFFFF0000, v42;
	[tilespmem:s25+$0xFFFFFE20] =	vst v8;
	v8 =	vld [tilespmem:s8+$0x20]  }
0x11a: {  	[tilespmem:s24+$0xD0] =	vst v5;
	v5 =	vld [tilespmem:s8+$0xFFFFFEA0];
	v3 =	vmul.f32 v12, v3  }
0x11b: {  	v44 =	vld [tilespmem:s15+$0x60]  }
0x11c: {  	v45 =	vshll.u32 v11, $0x10;
	[tilespmem:s25+$0x1A0] =	vst v3;
	v3 =	vld [tilespmem:s26+$0xFFFFFE60]  }
0x11d: {  	v46 =	vshll.u32 v9, $0x10;
	v7 =	vmul.f32 v45, v7;
	v47 =	vld [tilespmem:s28+$0xB0]  }
0x11e: {  	v6 =	vand.u32 $0xFFFF0000, v6;
	v8 =	vmul.f32 v46, v8;
	v48 =	vld [tilespmem:s8+$0x130]  }
0x11f: {  	v5 =	vmul.f32 v6, v5;
	[tilespmem:s25+$0xFFFFFF20] =	vst v7;
	v6 =	vld [tilespmem:s26+$0xFFFFFF60]  }
0x120: {  	v7 =	vld [tilespmem:s8+$0xFFFFFFA0];
	[tilespmem:s25+$0x20] =	vst v8  }
0x121: {  	v8 =	vshll.u32 v10, $0x10;
	[tilespmem:s25+$0xFFFFFEA0] =	vst v5;
	v5 =	vld [tilespmem:s8+$0xA0]  }
0x122: {  	v3 =	vmul.f32 v8, v3;
	v8 =	vld [tilespmem:s28+$0xFFFFFF30];
	v49 =	vshll.u32 v47, $0x10  }
0x123: {  	v50 =	vshll.u32 v4, $0x10;
	v51 =	vld [tilespmem:s8+$0xFFFFFE30];
	v14 =	vmul.f32 v49, v48  }
0x124: {  	v11 =	vand.u32 $0xFFFF0000, v11;
	[tilespmem:s24+$0xFFFFFE60] =	vst v3;
	v3 =	vmul.f32 v50, v6;
	v6 =	vld [tilespmem:s26+$0x60]  }
0x125: {  	v9 =	vand.u32 $0xFFFF0000, v9;
	v7 =	vmul.f32 v11, v7;
	v11 =	vld [tilespmem:s26+$0xFFFFFEE0];
	[tilespmem:s25+$0x130] =	vst v14  }
0x126: {  	v5 =	vmul.f32 v9, v5;
	[tilespmem:s24+$0xFFFFFF60] =	vst v3;
	v9 =	vld [tilespmem:s8+$0x1B0]  }
0x127: {  	[tilespmem:s25+$0xFFFFFFA0] =	vst v7;
	v3 =	vld [tilespmem:s26+$0xFFFFFFE0]  }
0x128: {  	v7 =	vshll.u32 v8, $0x10;
	v52 =	vld [tilespmem:s28+$0xFFFFFFB0];
	[tilespmem:s25+$0xA0] =	vst v5  }
0x129: {  	v5 =	vshll.u32 v44, $0x10;
	v7 =	vmul.f32 v7, v51;
	v53 =	vld [tilespmem:s28+$0x30]  }
0x12a: {  	v13 =	vand.u32 $0xFFFF0000, v47;
	v5 =	vmul.f32 v5, v6;
	v6 =	vld [tilespmem:s8+$0xFFFFFF30]  }
0x12b: {  	[tilespmem:s25+$0xFFFFFE30] =	vst v7;
	v7 =	vld [tilespmem:s8+$0x30];
	v9 =	vmul.f32 v13, v9  }
0x12c: {  	v10 =	vand.u32 $0xFFFF0000, v10;
	[tilespmem:s24+$0x60] =	vst v5;
	v5 =	vld [tilespmem:s8+$0xFFFFFEB0]  }
0x12d: {  	v4 =	vand.u32 $0xFFFF0000, v4;
	v10 =	vmul.f32 v10, v11;
	[tilespmem:s25+$0x1B0] =	vst v9;
	v9 =	vld [tilespmem:s26+$0xE0]  }
0x12e: {  	v3 =	vmul.f32 v4, v3;
	v4 =	vshll.u32 v52, $0x10;
	v11 =	vld [tilespmem:s28+$0xC0]  }
0x12f: {  	[tilespmem:s24+$0xFFFFFEE0] =	vst v10;
	v4 =	vmul.f32 v4, v6;
	v6 =	vld [tilespmem:s8+$0x140]  }
0x130: {  	v55 =	vld [tilespmem:s26+$0xFFFFFE70];
	v10 =	vshll.u32 v53, $0x10;
	[tilespmem:s24+$0xFFFFFFE0] =	vst v3  }
0x131: {  	v8 =	vand.u32 $0xFFFF0000, v8;
	v3 =	vmul.f32 v10, v7;
	v7 =	vld [tilespmem:s15+$0xFFFFFF70];
	[tilespmem:s25+$0xFFFFFF30] =	vst v4  }
0x132: {  	v5 =	vmul.f32 v8, v5;
	v8 =	vand.u32 $0xFFFF0000, v44;
	v10 =	vld [tilespmem:s8+$0xFFFFFFB0]  }
0x133: {  	v4 =	vld [tilespmem:s15+$0xFFFFFFF0];
	[tilespmem:s25+$0x30] =	vst v3;
	v3 =	vmul.f32 v8, v9;
	v8 =	vshll.u32 v11, $0x10  }
0x134: {  	[tilespmem:s25+$0xFFFFFEB0] =	vst v5;
	v5 =	vld [tilespmem:s8+$0xB0];
	v6 =	vmul.f32 v8, v6  }
0x135: {  	v9 =	vld [tilespmem:s28+$0xFFFFFF40];
	[tilespmem:s24+$0xE0] =	vst v3  }
0x136: {  	v3 =	vld [tilespmem:s8+$0xFFFFFE40];
	v8 =	vand.u32 $0xFFFF0000, v52;
	[tilespmem:s25+$0x140] =	vst v6  }
0x137: {  	v8 =	vmul.f32 v8, v10;
	v10 =	vld [tilespmem:s8+$0x1C0]  }
0x138: {  	v54 =	vand.u32 $0xFFFF0000, v53;
	v6 =	vld [tilespmem:s15+$0x70]  }
0x139: {  	v5 =	vmul.f32 v54, v5;
	[tilespmem:s25+$0xFFFFFFB0] =	vst v8;
	v8 =	vld [tilespmem:s26+$0xFFFFFF70]  }
0x13a: {  	v56 =	vshll.u32 v9, $0x10;
	v57 =	vld [tilespmem:s28+$0xFFFFFFC0]  }
0x13b: {  	[tilespmem:s25+$0xB0] =	vst v5;
	v5 =	vand.u32 $0xFFFF0000, v11;
	v11 =	vld [tilespmem:s8+$0xFFFFFF40];
	v3 =	vmul.f32 v56, v3  }
0x13c: {  	v58 =	vld [tilespmem:s28+$0x40];
	v5 =	vmul.f32 v5, v10  }
0x13d: {  	[tilespmem:s25+$0xFFFFFE40] =	vst v3;
	v10 =	vld [tilespmem:s8+$0x40]  }
0x13e: {  	v3 =	vshll.u32 v7, $0x10;
	v59 =	vld [tilespmem:s8+$0xFFFFFEC0];
	[tilespmem:s25+$0x1C0] =	vst v5  }
0x13f: {  	v12 =	vmul.f32 v3, v55;
	v5 =	vshll.u32 v4, $0x10;
	v3 =	vld [tilespmem:s28+$0xD0]  }
0x140: {  	v5 =	vmul.f32 v5, v8;
	v8 =	vshll.u32 v57, $0x10;
	v60 =	vld [tilespmem:s8+$0x150]  }
0x141: {  	[tilespmem:s24+$0xFFFFFE70] =	vst v12;
	v61 =	vshll.u32 v58, $0x10;
	v8 =	vmul.f32 v8, v11;
	v11 =	vld [tilespmem:s26+$0x70]  }
0x142: {  	v9 =	vand.u32 $0xFFFF0000, v9;
	[tilespmem:s24+$0xFFFFFF70] =	vst v5;
	v5 =	vmul.f32 v61, v10;
	v10 =	vld [tilespmem:s26+$0xFFFFFEF0]  }
0x143: {  	v1 =	vand.u32 $0xFFFF0000, v1;
	v9 =	vmul.f32 v9, v59;
	[tilespmem:s25+$0xFFFFFF40] =	vst v8;
	v62 =	vld [tilespmem:s26+$0xFFFFFFF0]  }
0x144: {  	v1 =	vmul.f32 v1, v2;
	v63 =	vld [tilespmem:s8+$0xFFFFFFC0];
	[tilespmem:s25+$0x40] =	vst v5;
	v2 =	vshll.u32 v3, $0x10  }
0x145: {  	v8 =	vshll.u32 v6, $0x10;
	[tilespmem:s25+$0xFFFFFEC0] =	vst v9;
	v9 =	vld [tilespmem:s8+$0xC0];
	v2 =	vmul.f32 v2, v60  }
0x146: {  	[tilespmem:s24+$0x1F0] =	vst v1;
	v1 =	vand.u32 $0xFFFF0000, v7;
	v5 =	vld [tilespmem:s28+$0xFFFFFF50];
	v8 =	vmul.f32 v8, v11  }
0x147: {  	v7 =	vld [tilespmem:s8+$0xFFFFFE50];
	v11 =	vmul.f32 v1, v10;
	[tilespmem:s25+$0x150] =	vst v2;
	v2 =	vand.u32 $0xFFFF0000, v4  }
0x148: {  	v1 =	vand.u32 $0xFFFF0000, v6;
	v4 =	vand.u32 $0xFFFF0000, v57;
	[tilespmem:s24+$0x70] =	vst v8;
	v6 =	vld [tilespmem:s8+$0x1D0];
	v2 =	vmul.f32 v2, v62  }
0x149: {  	s4 =	simm.s32 $0x4;
	s15 =	simm.s32 $0x4800;
	v8 =	vand.u32 $0xFFFF0000, v58;
	v10 =	vmul.f32 v4, v63;
	[tilespmem:s24+$0xFFFFFEF0] =	vst v11;
	v4 =	vld [tilespmem:s26+$0xF0];
	s26 =	simm.s32 $0x900  }
.LBB2_5:
0x14a: {  	v11 =	vld [tilespmem:s15+$0x80];
	s4 =	sadd.s32 $0x4, s4;
	v8 =	vmul.f32 v8, v9;
	s8 =	sadd.s32 $0x400, s8;
	[tilespmem:s24+$0xFFFFFFF0] =	vst v2  }
0x14b: {  	v9 =	vld [tilespmem:s8+$0x100];
	p3 =	slt.u32 s4, $0x1C;
	v12 =	vshll.u32 v5, $0x10;
	v2 =	vand.u32 $0xFFFF0000, v5;
	[tilespmem:s25+$0xFFFFFFC0] =	vst v10  }
0x14c: {  	v3 =	vand.u32 $0xFFFF0000, v3;
	v5 =	vld [tilespmem:s15+$0xFFFFFF80];
	v7 =	vmul.f32 v12, v7;
	[tilespmem:s25+$0xC0] =	vst v8  }
0x14d: {  	v8 =	vld [tilespmem:s15+$0x0];
	v3 =	vmul.f32 v3, v6  }
0x14e: {  	v6 =	vld [tilespmem:s15+$0xFFFFFF00];
	[tilespmem:s25+$0xFFFFFE50] =	vst v7;
	v1 =	vmul.f32 v1, v4  }
0x14f: {  	v4 =	vld [tilespmem:s8+$0xFFFFFE00];
	v7 =	vshll.u32 v11, $0x10;
	[tilespmem:s25+$0x1D0] =	vst v3  }
0x150: {  	v3 =	vmul.f32 v7, v9;
	v7 =	vld [tilespmem:s28+$0xE0];
	[tilespmem:s24+$0xF0] =	vst v1;
	s24 =	smov.u32 s25  }
0x151: {  	s25 =	sadd.s32 $0x400, s25;
	v1 =	vshll.u32 v5, $0x10;
	v5 =	vand.u32 $0xFFFF0000, v5;
	v9 =	vld [tilespmem:s26+$0x160]  }
0x152: {  	v10 =	vld [tilespmem:s8+$0xFFFFFF00];
	v12 =	vshll.u32 v8, $0x10;
	v8 =	vand.u32 $0xFFFF0000, v8;
	[tilespmem:s25+$0x100] =	vst v3  }
0x153: {  	v3 =	vshll.u32 v6, $0x10;
	v6 =	vand.u32 $0xFFFF0000, v6;
	v13 =	vld [tilespmem:s8+$0x180]  }
0x154: {  	v3 =	vmul.f32 v3, v4;
	v4 =	vld [tilespmem:s8+$0x0]  }
0x155: {  	v14 =	vld [tilespmem:s28+$0xFFFFFFD0];
	v15 =	vshll.u32 v7, $0x10  }
0x156: {  	[tilespmem:s25+$0xFFFFFE00] =	vst v3;
	v3 =	vld [tilespmem:s28+$0x50];
	v9 =	vmul.f32 v15, v9  }
0x157: {  	v15 =	vld [tilespmem:s8+$0xFFFFFE80];
	v1 =	vmul.f32 v1, v10;
	v10 =	vand.u32 $0xFFFF0000, v11  }
0x158: {  	v10 =	vmul.f32 v10, v13;
	v11 =	vld [tilespmem:s26+$0xFFFFFF50];
	[tilespmem:s24+$0x160] =	vst v9  }
0x159: {  	[tilespmem:s25+$0xFFFFFF00] =	vst v1;
	v1 =	vmul.f32 v12, v4;
	v4 =	vld [tilespmem:s26+$0x1E0]  }
0x15a: {  	v9 =	vld [tilespmem:s8+$0xFFFFFF80];
	[tilespmem:s25+$0x180] =	vst v10;
	v10 =	vshll.u32 v14, $0x10;
	v12 =	vand.u32 $0xFFFF0000, v14  }
0x15b: {  	[tilespmem:s25+$0x0] =	vst v1;
	v1 =	vld [tilespmem:s15+$0x90];
	v13 =	vshll.u32 v3, $0x10;
	v3 =	vand.u32 $0xFFFF0000, v3  }
0x15c: {  	v6 =	vmul.f32 v6, v15;
	v14 =	vld [tilespmem:s8+$0x110]  }
0x15d: {  	v7 =	vand.u32 $0xFFFF0000, v7;
	v15 =	vld [tilespmem:s8+$0x80];
	v10 =	vmul.f32 v10, v11  }
0x15e: {  	[tilespmem:s25+$0xFFFFFE80] =	vst v6;
	v6 =	vld [tilespmem:s26+$0x50];
	v4 =	vmul.f32 v7, v4  }
0x15f: {  	v7 =	vld [tilespmem:s15+$0xFFFFFF10];
	v5 =	vmul.f32 v5, v9;
	[tilespmem:s24+$0xFFFFFF50] =	vst v10  }
0x160: {  	v9 =	vld [tilespmem:s8+$0xFFFFFE10];
	v10 =	vshll.u32 v1, $0x10;
	[tilespmem:s24+$0x1E0] =	vst v4  }
0x161: {  	[tilespmem:s25+$0xFFFFFF80] =	vst v5;
	v4 =	vmul.f32 v10, v14;
	v5 =	vld [tilespmem:s28+$0xF0]  }
0x162: {  	v8 =	vmul.f32 v8, v15;
	v10 =	vld [tilespmem:s26+$0x170]  }
0x163: {  	v11 =	vld [tilespmem:s15+$0xFFFFFF90];
	[tilespmem:s25+$0x110] =	vst v4;
	v4 =	vmul.f32 v13, v6  }
0x164: {  	v6 =	vshll.u32 v7, $0x10;
	v7 =	vand.u32 $0xFFFF0000, v7;
	[tilespmem:s25+$0x80] =	vst v8;
	v8 =	vld [tilespmem:s8+$0x190]  }
0x165: {  	v6 =	vmul.f32 v6, v9;
	v9 =	vld [tilespmem:s15+$0x10];
	[tilespmem:s24+$0x50] =	vst v4  }
0x166: {  	v4 =	vld [tilespmem:s8+$0xFFFFFF10];
	v13 =	vshll.u32 v5, $0x10  }
0x167: {  	[tilespmem:s25+$0xFFFFFE10] =	vst v6;
	v6 =	vld [tilespmem:s8+$0x10];
	v10 =	vmul.f32 v13, v10  }
0x168: {  	v1 =	vand.u32 $0xFFFF0000, v1;
	v13 =	vld [tilespmem:s8+$0xFFFFFE90];
	v14 =	vshll.u32 v11, $0x10;
	v11 =	vand.u32 $0xFFFF0000, v11  }
0x169: {  	v1 =	vmul.f32 v1, v8;
	v8 =	vld [tilespmem:s26+$0xFFFFFED0];
	[tilespmem:s24+$0x170] =	vst v10  }
0x16a: {  	v10 =	vshll.u32 v9, $0x10;
	v9 =	vand.u32 $0xFFFF0000, v9;
	v15 =	vld [tilespmem:s26+$0x1F0]  }
0x16b: {  	v4 =	vmul.f32 v14, v4;
	[tilespmem:s25+$0x190] =	vst v1;
	v1 =	vld [tilespmem:s26+$0xFFFFFFD0]  }
0x16c: {  	v6 =	vmul.f32 v10, v6;
	v10 =	vld [tilespmem:s15+$0xA0]  }
0x16d: {  	v7 =	vmul.f32 v7, v13;
	[tilespmem:s25+$0xFFFFFF10] =	vst v4;
	v4 =	vld [tilespmem:s8+$0x120]  }
0x16e: {  	v5 =	vand.u32 $0xFFFF0000, v5;
	v13 =	vld [tilespmem:s8+$0xFFFFFF90];
	[tilespmem:s25+$0x10] =	vst v6;
	v2 =	vmul.f32 v2, v8  }
0x16f: {  	[tilespmem:s25+$0xFFFFFE90] =	vst v7;
	v6 =	vld [tilespmem:s8+$0x90];
	v5 =	vmul.f32 v5, v15  }
0x170: {  	v7 =	vld [tilespmem:s15+$0xFFFFFF20];
	[tilespmem:s24+$0xFFFFFED0] =	vst v2;
	v1 =	vmul.f32 v12, v1  }
0x171: {  	v2 =	vld [tilespmem:s8+$0xFFFFFE20];
	v8 =	vshll.u32 v10, $0x10;
	[tilespmem:s24+$0x1F0] =	vst v5  }
0x172: {  	v4 =	vmul.f32 v8, v4;
	[tilespmem:s24+$0xFFFFFFD0] =	vst v1;
	v1 =	vld [tilespmem:s26+$0xD0]  }
0x173: {  	v5 =	vmul.f32 v11, v13;
	v8 =	vld [tilespmem:s28+$0xFFFFFF60]  }
0x174: {  	v6 =	vmul.f32 v9, v6;
	[tilespmem:s25+$0x120] =	vst v4;
	v4 =	vld [tilespmem:s28+$0xFFFFFFE0]  }
0x175: {  	v9 =	vshll.u32 v7, $0x10;
	v7 =	vand.u32 $0xFFFF0000, v7;
	[tilespmem:s25+$0xFFFFFF90] =	vst v5;
	v5 =	vld [tilespmem:s8+$0x1A0]  }
0x176: {  	v2 =	vmul.f32 v9, v2;
	v9 =	vld [tilespmem:s15+$0xFFFFFFA0];
	[tilespmem:s25+$0x90] =	vst v6  }
0x177: {  	v6 =	vld [tilespmem:s15+$0x20];
	v1 =	vmul.f32 v3, v1  }
0x178: {  	[tilespmem:s25+$0xFFFFFE20] =	vst v2;
	v2 =	vld [tilespmem:s8+$0xFFFFFF20];
	v3 =	vshll.u32 v8, $0x10;
	v8 =	vand.u32 $0xFFFF0000, v8  }
0x179: {  	v10 =	vand.u32 $0xFFFF0000, v10;
	v11 =	vld [tilespmem:s8+$0x20];
	v12 =	vshll.u32 v4, $0x10;
	v4 =	vand.u32 $0xFFFF0000, v4;
	[tilespmem:s24+$0xD0] =	vst v1  }
0x17a: {  	v1 =	vld [tilespmem:s8+$0xFFFFFEA0];
	v5 =	vmul.f32 v10, v5  }
0x17b: {  	v10 =	vshll.u32 v9, $0x10;
	v9 =	vand.u32 $0xFFFF0000, v9;
	v13 =	vld [tilespmem:s28+$0x60]  }
0x17c: {  	v14 =	vshll.u32 v6, $0x10;
	v6 =	vand.u32 $0xFFFF0000, v6;
	[tilespmem:s25+$0x1A0] =	vst v5;
	v5 =	vld [tilespmem:s26+$0xFFFFFE60]  }
0x17d: {  	v2 =	vmul.f32 v10, v2;
	v10 =	vld [tilespmem:s15+$0xB0]  }
0x17e: {  	v11 =	vmul.f32 v14, v11;
	v14 =	vld [tilespmem:s8+$0x130]  }
0x17f: {  	v1 =	vmul.f32 v7, v1;
	[tilespmem:s25+$0xFFFFFF20] =	vst v2;
	v2 =	vld [tilespmem:s26+$0xFFFFFF60]  }
0x180: {  	v7 =	vld [tilespmem:s8+$0xFFFFFFA0];
	[tilespmem:s25+$0x20] =	vst v11;
	v11 =	vshll.u32 v13, $0x10;
	v13 =	vand.u32 $0xFFFF0000, v13  }
0x181: {  	[tilespmem:s25+$0xFFFFFEA0] =	vst v1;
	v1 =	vld [tilespmem:s8+$0xA0];
	v3 =	vmul.f32 v3, v5  }
0x182: {  	v5 =	vld [tilespmem:s15+$0xFFFFFF30];
	v15 =	vshll.u32 v10, $0x10  }
0x183: {  	v16 =	vld [tilespmem:s8+$0xFFFFFE30];
	v14 =	vmul.f32 v15, v14;
	[tilespmem:s24+$0xFFFFFE60] =	vst v3  }
0x184: {  	v2 =	vmul.f32 v12, v2;
	v3 =	vld [tilespmem:s26+$0x60]  }
0x185: {  	v7 =	vmul.f32 v9, v7;
	[tilespmem:s25+$0x130] =	vst v14;
	v9 =	vld [tilespmem:s26+$0xFFFFFEE0]  }
0x186: {  	v1 =	vmul.f32 v6, v1;
	v6 =	vld [tilespmem:s8+$0x1B0];
	[tilespmem:s24+$0xFFFFFF60] =	vst v2  }
0x187: {  	v2 =	vshll.u32 v5, $0x10;
	v5 =	vand.u32 $0xFFFF0000, v5;
	[tilespmem:s25+$0xFFFFFFA0] =	vst v7;
	v7 =	vld [tilespmem:s26+$0xFFFFFFE0]  }
0x188: {  	v2 =	vmul.f32 v2, v16;
	v12 =	vld [tilespmem:s15+$0xFFFFFFB0];
	[tilespmem:s25+$0xA0] =	vst v1  }
0x189: {  	v1 =	vld [tilespmem:s15+$0x30];
	v3 =	vmul.f32 v11, v3  }
0x18a: {  	v10 =	vand.u32 $0xFFFF0000, v10;
	[tilespmem:s25+$0xFFFFFE30] =	vst v2;
	v2 =	vld [tilespmem:s8+$0xFFFFFF30];
	v8 =	vmul.f32 v8, v9  }
0x18b: {  	v9 =	vld [tilespmem:s8+$0x30];
	v6 =	vmul.f32 v10, v6;
	[tilespmem:s24+$0x60] =	vst v3  }
0x18c: {  	v3 =	vld [tilespmem:s8+$0xFFFFFEB0];
	[tilespmem:s24+$0xFFFFFEE0] =	vst v8;
	v4 =	vmul.f32 v4, v7  }
0x18d: {  	v7 =	vshll.u32 v12, $0x10;
	v8 =	vand.u32 $0xFFFF0000, v12;
	[tilespmem:s25+$0x1B0] =	vst v6;
	v6 =	vld [tilespmem:s26+$0xE0]  }
0x18e: {  	v10 =	vshll.u32 v1, $0x10;
	v1 =	vand.u32 $0xFFFF0000, v1;
	v11 =	vld [tilespmem:s15+$0xC0];
	[tilespmem:s24+$0xFFFFFFE0] =	vst v4  }
0x18f: {  	v2 =	vmul.f32 v7, v2;
	v4 =	vld [tilespmem:s8+$0x140]  }
0x190: {  	v7 =	vmul.f32 v10, v9;
	v9 =	vld [tilespmem:s28+$0xFFFFFF70]  }
0x191: {  	v3 =	vmul.f32 v5, v3;
	[tilespmem:s25+$0xFFFFFF30] =	vst v2;
	v2 =	vld [tilespmem:s28+$0xFFFFFFF0]  }
0x192: {  	v5 =	vld [tilespmem:s8+$0xFFFFFFB0];
	[tilespmem:s25+$0x30] =	vst v7;
	v6 =	vmul.f32 v13, v6  }
0x193: {  	[tilespmem:s25+$0xFFFFFEB0] =	vst v3;
	v3 =	vld [tilespmem:s8+$0xB0];
	v7 =	vshll.u32 v11, $0x10  }
0x194: {  	v10 =	vld [tilespmem:s15+$0xFFFFFF40];
	v4 =	vmul.f32 v7, v4;
	[tilespmem:s24+$0xE0] =	vst v6  }
0x195: {  	v6 =	vld [tilespmem:s8+$0xFFFFFE40];
	v7 =	vshll.u32 v9, $0x10;
	v12 =	vand.u32 $0xFFFF0000, v9  }
0x196: {  	[tilespmem:s25+$0x140] =	vst v4;
	v4 =	vshll.u32 v2, $0x10;
	v2 =	vand.u32 $0xFFFF0000, v2;
	v9 =	vld [tilespmem:s28+$0x70];
	s28 =	smov.u32 s15  }
0x197: {  	v5 =	vmul.f32 v8, v5;
	v8 =	vld [tilespmem:s8+$0x1C0]  }
0x198: {  	v1 =	vmul.f32 v1, v3;
	v3 =	vld [tilespmem:s26+$0xFFFFFE70]  }
0x199: {  	v13 =	vshll.u32 v10, $0x10;
	v10 =	vand.u32 $0xFFFF0000, v10;
	[tilespmem:s25+$0xFFFFFFB0] =	vst v5;
	v5 =	vld [tilespmem:s26+$0xFFFFFF70]  }
0x19a: {  	v6 =	vmul.f32 v13, v6;
	v13 =	vld [tilespmem:s15+$0xFFFFFFC0];
	[tilespmem:s25+$0xB0] =	vst v1  }
0x19b: {  	v11 =	vand.u32 $0xFFFF0000, v11;
	v14 =	vld [tilespmem:s15+$0x40];
	v15 =	vshll.u32 v9, $0x10;
	v1 =	vand.u32 $0xFFFF0000, v9  }
0x19c: {  	[tilespmem:s25+$0xFFFFFE40] =	vst v6;
	v6 =	vld [tilespmem:s8+$0xFFFFFF40];
	v8 =	vmul.f32 v11, v8  }
0x19d: {  	v9 =	vld [tilespmem:s8+$0x40];
	v7 =	vmul.f32 v7, v3  }
0x19e: {  	v11 =	vld [tilespmem:s8+$0xFFFFFEC0];
	[tilespmem:s25+$0x1C0] =	vst v8;
	v4 =	vmul.f32 v4, v5  }
0x19f: {  	v5 =	vshll.u32 v13, $0x10;
	v13 =	vand.u32 $0xFFFF0000, v13;
	v3 =	vld [tilespmem:s15+$0xD0];
	[tilespmem:s24+$0xFFFFFE70] =	vst v7  }
0x1a0: {  	v7 =	vshll.u32 v14, $0x10;
	v8 =	vand.u32 $0xFFFF0000, v14;
	v14 =	vld [tilespmem:s8+$0x150];
	[tilespmem:s24+$0xFFFFFF70] =	vst v4  }
0x1a1: {  	v4 =	vmul.f32 v5, v6;
	v6 =	vld [tilespmem:s26+$0x70]  }
0x1a2: {  	v5 =	vmul.f32 v7, v9;
	v16 =	vld [tilespmem:s26+$0xFFFFFEF0]  }
0x1a3: {  	v7 =	vmul.f32 v10, v11;
	[tilespmem:s25+$0xFFFFFF40] =	vst v4;
	v4 =	vld [tilespmem:s26+$0xFFFFFFF0]  }
0x1a4: {  	v10 =	vld [tilespmem:s8+$0xFFFFFFC0];
	[tilespmem:s25+$0x40] =	vst v5;
	v5 =	vshll.u32 v3, $0x10  }
.Ltmp1:
0x1a5: {  	[tilespmem:s25+$0xFFFFFEC0] =	vst v7;
	v9 =	vld [tilespmem:s8+$0xC0];
	v11 =	vmul.f32 v5, v14;
	(pc) =	sbr.rel @p3 .LBB2_5-.Ltmp1, $4  }
0x1a6: {  	v5 =	vld [tilespmem:s15+$0xFFFFFF50];
	v14 =	vmul.f32 v15, v6  }
0x1a7: {  	v7 =	vld [tilespmem:s8+$0xFFFFFE50];
	[tilespmem:s25+$0x150] =	vst v11;
	v11 =	vmul.f32 v12, v16  }
0x1a8: {  	v6 =	vld [tilespmem:s8+$0x1D0];
	v2 =	vmul.f32 v2, v4;
	[tilespmem:s24+$0x70] =	vst v14  }
0x1a9: {  	s15 =	sadd.s32 $0x200, s15;
	v10 =	vmul.f32 v13, v10;
	[tilespmem:s24+$0xFFFFFEF0] =	vst v11;
	v4 =	vld [tilespmem:s26+$0xF0];
	s26 =	smov.u32 s8  }
0x1aa: {  	v8 =	vmul.f32 v8, v9  }
0x1ab: {  	[tilespmem:s25+$0xFFFFFFC0] =	vst v10  }
0x1ac: {  	[tilespmem:s25+$0xC0] =	vst v8;
	v8 =	vld [tilespmem:s28+$0xFFFFFFD0]  }
0x1ad: {  	v10 =	vld [tilespmem:s26+$0xFFFFFF50]  }
0x1ae: {  	v9 =	vld [tilespmem:s28+$0x50]  }
0x1af: {  	v11 =	vld [tilespmem:s26+$0x50];
	_ =	sdelay $0x1  }
0x1b0: {  	v12 =	vshll.u32 v5, $0x10  }
0x1b1: {  	v7 =	vmul.f32 v12, v7;
	v26 =	vshll.u32 v8, $0x10  }
0x1b2: {  	v13 =	vshll.u32 v9, $0x10;
	v10 =	vmul.f32 v26, v10  }
0x1b3: {  	[tilespmem:s25+$0xFFFFFE50] =	vst v7;
	v7 =	vmul.f32 v13, v11  }
0x1b4: {  	[tilespmem:s25+$0xFFFFFF50] =	vst v10;
	v10 =	vld [tilespmem:s26+$0xFFFFFED0]  }
0x1b5: {  	[tilespmem:s25+$0x50] =	vst v7;
	v7 =	vld [tilespmem:s26+$0xFFFFFFD0]  }
0x1b6: {  	v3 =	vand.u32 $0xFFFF0000, v3  }
0x1b7: {  	v3 =	vmul.f32 v3, v6  }
0x1b8: {  	v5 =	vand.u32 $0xFFFF0000, v5;
	v11 =	vld [tilespmem:s26+$0xD0]  }
0x1b9: {  	[tilespmem:s25+$0x1D0] =	vst v3;
	v3 =	vand.u32 $0xFFFF0000, v8;
	v5 =	vmul.f32 v5, v10  }
0x1ba: {  	v6 =	vld [tilespmem:s28+$0xE0];
	v3 =	vmul.f32 v3, v7  }
0x1bb: {  	v7 =	vld [tilespmem:s26+$0x160];
	[tilespmem:s25+$0xFFFFFED0] =	vst v5  }
0x1bc: {  	v8 =	vand.u32 $0xFFFF0000, v9;
	[tilespmem:s25+$0xFFFFFFD0] =	vst v3;
	v3 =	vld [tilespmem:s28+$0xFFFFFF60]  }
0x1bd: {  	v5 =	vmul.f32 v8, v11;
	v9 =	vld [tilespmem:s26+$0xFFFFFE60]  }
0x1be: {  	v8 =	vld [tilespmem:s28+$0xFFFFFFE0]  }
0x1bf: {  	[tilespmem:s25+$0xD0] =	vst v5;
	v10 =	vld [tilespmem:s26+$0xFFFFFF60]  }
0x1c0: {  	v11 =	vshll.u32 v6, $0x10;
	v5 =	vld [tilespmem:s28+$0x60]  }
0x1c1: {  	v27 =	vld [tilespmem:s26+$0x60];
	v7 =	vmul.f32 v11, v7  }
0x1c2: {  	v11 =	vshll.u32 v3, $0x10  }
0x1c3: {  	[tilespmem:s25+$0x160] =	vst v7;
	v9 =	vmul.f32 v11, v9  }
0x1c4: {  	v7 =	vshll.u32 v8, $0x10;
	v11 =	vld [tilespmem:s26+$0x1E0]  }
0x1c5: {  	v28 =	vshll.u32 v5, $0x10;
	v7 =	vmul.f32 v7, v10;
	[tilespmem:s25+$0xFFFFFE60] =	vst v9  }
0x1c6: {  	v9 =	vmul.f32 v28, v27;
	v10 =	vld [tilespmem:s26+$0xFFFFFEE0]  }
0x1c7: {  	[tilespmem:s25+$0xFFFFFF60] =	vst v7  }
0x1c8: {  	v6 =	vand.u32 $0xFFFF0000, v6;
	v7 =	vld [tilespmem:s26+$0xFFFFFFE0];
	[tilespmem:s25+$0x60] =	vst v9  }
0x1c9: {  	v9 =	vld [tilespmem:s26+$0xE0];
	v6 =	vmul.f32 v6, v11  }
0x1ca: {  	v3 =	vand.u32 $0xFFFF0000, v3  }
0x1cb: {  	[tilespmem:s25+$0x1E0] =	vst v6;
	v3 =	vmul.f32 v3, v10  }
0x1cc: {  	v6 =	vand.u32 $0xFFFF0000, v8;
	v8 =	vld [tilespmem:s28+$0xF0]  }
0x1cd: {  	v5 =	vand.u32 $0xFFFF0000, v5;
	v6 =	vmul.f32 v6, v7;
	v7 =	vld [tilespmem:s26+$0x170];
	[tilespmem:s25+$0xFFFFFEE0] =	vst v3  }
0x1ce: {  	v3 =	vmul.f32 v5, v9;
	v5 =	vld [tilespmem:s28+$0xFFFFFF70]  }
0x1cf: {  	[tilespmem:s25+$0xFFFFFFE0] =	vst v6;
	v9 =	vld [tilespmem:s26+$0xFFFFFE70]  }
0x1d0: {  	v6 =	vld [tilespmem:s28+$0xFFFFFFF0]  }
0x1d1: {  	[tilespmem:s25+$0xE0] =	vst v3;
	v10 =	vld [tilespmem:s26+$0xFFFFFF70]  }
0x1d2: {  	v3 =	vld [tilespmem:s28+$0x70]  }
0x1d3: {  	v11 =	vld [tilespmem:s26+$0x70]  }
0x1d4: {  	v29 =	vshll.u32 v8, $0x10  }
0x1d5: {  	v7 =	vmul.f32 v29, v7;
	v30 =	vshll.u32 v5, $0x10  }
0x1d6: {  	v31 =	vshll.u32 v6, $0x10;
	v9 =	vmul.f32 v30, v9  }
0x1d7: {  	[tilespmem:s25+$0x170] =	vst v7;
	v7 =	vshll.u32 v3, $0x10;
	v10 =	vmul.f32 v31, v10  }
0x1d8: {  	v32 =	vld [tilespmem:s26+$0x1F0];
	[tilespmem:s25+$0xFFFFFE70] =	vst v9;
	v7 =	vmul.f32 v7, v11  }
0x1d9: {  	[tilespmem:s25+$0xFFFFFF70] =	vst v10;
	v9 =	vld [tilespmem:s26+$0xFFFFFEF0]  }
0x1da: {  	v10 =	vld [tilespmem:s26+$0xFFFFFFF0];
	[tilespmem:s25+$0x70] =	vst v7  }
0x1db: {  	v7 =	vld [tilespmem:s26+$0xF0]  }
0x1dc: {  	v1 =	vmul.f32 v1, v4;
	v4 =	vand.u32 $0xFFFF0000, v8  }
0x1dd: {  	[tilespmem:s24+$0xFFFFFFF0] =	vst v2;
	v2 =	vmul.f32 v4, v32;
	v4 =	vand.u32 $0xFFFF0000, v5  }
0x1de: {  	[tilespmem:s24+$0xF0] =	vst v1;
	v1 =	vand.u32 $0xFFFF0000, v6;
	v4 =	vmul.f32 v4, v9  }
0x1df: {  	[tilespmem:s25+$0x1F0] =	vst v2;
	v2 =	vand.u32 $0xFFFF0000, v3;
	v1 =	vmul.f32 v1, v10  }
0x1e0: {  	[tilespmem:s25+$0xFFFFFEF0] =	vst v4;
	v2 =	vmul.f32 v2, v7  }
0x1e1: {  	[tilespmem:s25+$0xFFFFFFF0] =	vst v1  }
0x1e2: {  	s4 =	simm.s32 @!p2 $0xA;
	[tilespmem:s25+$0xF0] =	vst v2  }
0x1e3: {  	[spmem:s3] =	stream.indirect.scatter.add.f32 [tilespmem:s30], [sflag:$0x9], $0x80, s17, s10, $0xb8;
	[tilespmem:$0x1DB80] =	vst v63  }
0x1e4: {  	_ =	swait.ge @!p2 [sflag:s4], $0x2000  }
0x1e5: {  	[sflag:s4] =	ssyncset.done @!p2 $0x0  }
0x1e6: {  	[sflag:s4] =	ssyncadd.s32 @!p2 $0xFFFFE000  }
0x1e7: {  	_ =	swait.ge [sflag:s18], $0x2000  }
0x1e8: {  	[sflag:s18] =	ssyncset.done $0x0  }
0x1e9: {  	[sflag:s18] =	ssyncadd.s32 $0xFFFFE000  }
0x1ea: {  	_ =	swait.ge [sflag:s19], $0x1000  }
0x1eb: {  	[sflag:s19] =	ssyncset.done $0x0  }
0x1ec: {  	[sflag:s19] =	ssyncadd.s32 $0xFFFFF000  }
0x1ed: {  	v1 =	vld [tilespmem:$0x180]  }
0x1ee: {  	v2 =	vld [tilespmem:$0x190]  }
0x1ef: {  	v3 =	vld [tilespmem:$0x1A0]  }
0x1f0: {  	v4 =	vld [tilespmem:$0x1B0];
	_ =	sdelay $0x1  }
0x1f1: {  	s4 =	sshll.u32 @!p1 s2, $0x7;
	[tilespmem:$0x280] =	vst v1  }
0x1f2: {  	s4 =	sadd.s32 @!p1 s4, s29;
	[tilespmem:$0x290] =	vst v2  }
0x1f3: {  	s4 =	sshrl.u32 @!p1 s4, $0x3;
	[tilespmem:$0x2A0] =	vst v3  }
0x1f4: {  	s15 =	simm.s32 @!p1 $0x0;
	s24 =	simm.s32 @!p1 $0x80;
	s8 =	sadd.s32 @!p1 s5, s4;
	[tilespmem:$0x2B0] =	vst v4  }
0x1f5: {  	[tilespmem:s24], [sflag:$0x2] =	stream.linear.gather @!p1 [hbm4b:s8+s15], $0x40, $0x38;
	[tilespmem:$0x1DB80] =	vst v63  }
0x1f6: {  	s4 =	sadd.s32 @!p1 s6, s4;
	s8 =	simm.s32 @!p1 $0x180  }
0x1f7: {  	[tilespmem:s8], [sflag:$0x4] =	stream.linear.gather @!p1 [hbm4b:s4+s15], $0x40, $0x38;
	[tilespmem:$0x1DB80] =	vst v63  }
0x1f8: {  	s4 =	simm.s32 @!p1 $0x1  }
0x1f9: {  	_ =	swait.ge @!p1 [sflag:s4], $0x40  }
0x1fa: {  	[sflag:s4] =	ssyncset.done @!p1 $0x0  }
0x1fb: {  	[sflag:s4] =	ssyncadd.s32 @!p1 $0xFFFFFFC0;
	s4 =	simm.s32 @!p1 $0x3  }
0x1fc: {  	_ =	swait.ge @!p1 [sflag:s4], $0x40  }
0x1fd: {  	[sflag:s4] =	ssyncset.done @!p1 $0x0  }
0x1fe: {  	s8 =	simm.s32 @!p1 $0x300;
	[sflag:s4] =	ssyncadd.s32 @!p1 $0xFFFFFFC0;
	s4 =	simm.s32 @!p1 $0x40  }
0x1ff: {  	[tilespmem:s8], [sflag:$0x5] =	stream.indirect.gather @!p1 [hbm4b:s0+s4], $0x80, s15, s4, $0xb8;
	[tilespmem:$0x1DB80] =	vst v63  }
0x200: {  	s4 =	sshll.u32 @!p1 s9, $0x9  }
0x201: {  	s26 =	simm.s32 $0x5400;
	s8 =	simm.s32 @!p1 $0x4300;
	s4 =	sadd.s32 @!p1 s4, s22  }
0x202: {  	[tilespmem:s8], [sflag:$0x7] =	stream.linear.gather @!p1 [hbm4b:s4+s15], $0x1000, $0x38;
	[tilespmem:$0x1DB80] =	vst v63  }
0x203: {  	s28 =	simm.s32 $0x2500;
	v1 =	vld [tilespmem:s26+$0x80]  }
0x204: {  	v2 =	vld [tilespmem:s28+$0x100];
	_ =	sdelay $0x3  }
0x205: {  	v3 =	vld [tilespmem:s26+$0xFFFFFF80];
	v4 =	vshll.u32 v1, $0x10  }
0x206: {  	v5 =	vld [tilespmem:s26+$0xFFFFFF00];
	v2 =	vmul.f32 v4, v2  }
0x207: {  	s9 =	simm.s32 $0x8500;
	v4 =	vld [tilespmem:s28+$0xFFFFFE00]  }
0x208: {  	v6 =	vld [tilespmem:s28+$0xFFFFFF00];
	[tilespmem:s9+$0x100] =	vst v2  }
0x209: {  	v2 =	vld [tilespmem:s28+$0x180]  }
0x20a: {  	v7 =	vld [tilespmem:s26+$0x0]  }
0x20b: {  	v9 =	vld [tilespmem:s28+$0x0];
	v8 =	vshll.u32 v5, $0x10  }
0x20c: {  	v4 =	vmul.f32 v8, v4  }
0x20d: {  	v1 =	vand.u32 $0xFFFF0000, v1  }
0x20e: {  	v10 =	vshll.u32 v3, $0x10;
	[tilespmem:s9+$0xFFFFFE00] =	vst v4;
	v1 =	vmul.f32 v1, v2  }
0x20f: {  	v6 =	vmul.f32 v10, v6;
	v2 =	vshll.u32 v7, $0x10;
	v4 =	vld [tilespmem:s28+$0xFFFFFE80]  }
0x210: {  	v2 =	vmul.f32 v2, v9;
	[tilespmem:s9+$0x180] =	vst v1  }
0x211: {  	[tilespmem:s9+$0xFFFFFF00] =	vst v6;
	v1 =	vld [tilespmem:s26+$0x90]  }
0x212: {  	[tilespmem:s9+$0x0] =	vst v2;
	v2 =	vld [tilespmem:s28+$0x110]  }
0x213: {  	v5 =	vand.u32 $0xFFFF0000, v5;
	v6 =	vld [tilespmem:s28+$0xFFFFFF80]  }
0x214: {  	v4 =	vmul.f32 v5, v4  }
0x215: {  	v8 =	vld [tilespmem:s28+$0x80]  }
0x216: {  	[tilespmem:s9+$0xFFFFFE80] =	vst v4;
	v4 =	vshll.u32 v1, $0x10  }
0x217: {  	v3 =	vand.u32 $0xFFFF0000, v3;
	v2 =	vmul.f32 v4, v2  }
0x218: {  	v3 =	vmul.f32 v3, v6;
	v6 =	vld [tilespmem:s26+$0xFFFFFF10]  }
0x219: {  	v5 =	vand.u32 $0xFFFF0000, v7;
	v4 =	vld [tilespmem:s28+$0xFFFFFE10];
	[tilespmem:s9+$0x110] =	vst v2  }
0x21a: {  	[tilespmem:s9+$0xFFFFFF80] =	vst v3;
	v3 =	vmul.f32 v5, v8;
	v2 =	vld [tilespmem:s28+$0x190]  }
0x21b: {  	v5 =	vld [tilespmem:s26+$0xFFFFFF90]  }
0x21c: {  	v7 =	vld [tilespmem:s28+$0xFFFFFF10];
	[tilespmem:s9+$0x80] =	vst v3  }
0x21d: {  	v3 =	vld [tilespmem:s26+$0x10];
	v8 =	vshll.u32 v6, $0x10  }
0x21e: {  	v1 =	vand.u32 $0xFFFF0000, v1;
	v9 =	vld [tilespmem:s28+$0x10];
	v4 =	vmul.f32 v8, v4  }
0x21f: {  	v1 =	vmul.f32 v1, v2  }
0x220: {  	[tilespmem:s9+$0xFFFFFE10] =	vst v4;
	v2 =	vshll.u32 v5, $0x10  }
0x221: {  	v4 =	vld [tilespmem:s28+$0xFFFFFE90];
	v2 =	vmul.f32 v2, v7;
	[tilespmem:s9+$0x190] =	vst v1  }
0x222: {  	v8 =	vshll.u32 v3, $0x10;
	v7 =	vld [tilespmem:s26+$0xA0]  }
0x223: {  	v1 =	vmul.f32 v8, v9;
	[tilespmem:s9+$0xFFFFFF10] =	vst v2;
	v2 =	vld [tilespmem:s28+$0x120]  }
0x224: {  	v8 =	vld [tilespmem:s28+$0xFFFFFF90]  }
0x225: {  	[tilespmem:s9+$0x10] =	vst v1;
	v1 =	vand.u32 $0xFFFF0000, v6  }
0x226: {  	v6 =	vld [tilespmem:s28+$0x90];
	v1 =	vmul.f32 v1, v4  }
0x227: {  	v4 =	vshll.u32 v7, $0x10  }
0x228: {  	v5 =	vand.u32 $0xFFFF0000, v5;
	[tilespmem:s9+$0xFFFFFE90] =	vst v1;
	v1 =	vmul.f32 v4, v2  }
0x229: {  	v2 =	vand.u32 $0xFFFF0000, v3;
	v3 =	vld [tilespmem:s26+$0xFFFFFF20];
	v4 =	vmul.f32 v5, v8  }
0x22a: {  	v5 =	vld [tilespmem:s28+$0xFFFFFE20];
	[tilespmem:s9+$0x120] =	vst v1  }
0x22b: {  	v2 =	vmul.f32 v2, v6;
	[tilespmem:s9+$0xFFFFFF90] =	vst v4;
	v1 =	vld [tilespmem:s28+$0x1A0]  }
0x22c: {  	v4 =	vld [tilespmem:s26+$0xFFFFFFA0]  }
0x22d: {  	[tilespmem:s9+$0x90] =	vst v2;
	v8 =	vld [tilespmem:s28+$0xFFFFFF20]  }
0x22e: {  	v2 =	vld [tilespmem:s26+$0x20];
	v6 =	vshll.u32 v3, $0x10  }
0x22f: {  	v7 =	vand.u32 $0xFFFF0000, v7;
	v5 =	vmul.f32 v6, v5;
	v6 =	vld [tilespmem:s28+$0x20]  }
0x230: {  	v1 =	vmul.f32 v7, v1  }
0x231: {  	[tilespmem:s9+$0xFFFFFE20] =	vst v5  }
0x232: {  	v7 =	vshll.u32 v4, $0x10;
	v5 =	vld [tilespmem:s28+$0xFFFFFEA0];
	[tilespmem:s9+$0x1A0] =	vst v1  }
0x233: {  	v7 =	vmul.f32 v7, v8;
	v1 =	vshll.u32 v2, $0x10;
	v8 =	vld [tilespmem:s26+$0xB0]  }
0x234: {  	v1 =	vmul.f32 v1, v6;
	v6 =	vld [tilespmem:s28+$0x130]  }
0x235: {  	[tilespmem:s9+$0xFFFFFF20] =	vst v7  }
0x236: {  	v3 =	vand.u32 $0xFFFF0000, v3;
	v7 =	vld [tilespmem:s28+$0xFFFFFFA0];
	[tilespmem:s9+$0x20] =	vst v1  }
0x237: {  	v1 =	vmul.f32 v3, v5;
	v3 =	vld [tilespmem:s28+$0xA0]  }
0x238: {  	v5 =	vshll.u32 v8, $0x10  }
0x239: {  	[tilespmem:s9+$0xFFFFFEA0] =	vst v1;
	v1 =	vmul.f32 v5, v6  }
0x23a: {  	v5 =	vld [tilespmem:s26+$0xFFFFFF30]  }
0x23b: {  	v4 =	vand.u32 $0xFFFF0000, v4;
	v2 =	vand.u32 $0xFFFF0000, v2;
	v6 =	vld [tilespmem:s28+$0xFFFFFE30];
	[tilespmem:s9+$0x130] =	vst v1  }
0x23c: {  	v4 =	vmul.f32 v4, v7;
	v1 =	vmul.f32 v2, v3;
	v2 =	vld [tilespmem:s28+$0x1B0];
	_ =	sdelay $0x1  }
0x23d: {  	[tilespmem:s9+$0xFFFFFFA0] =	vst v4  }
0x23e: {  	v3 =	vld [tilespmem:s26+$0xFFFFFFB0];
	[tilespmem:s9+$0xA0] =	vst v1;
	v1 =	vshll.u32 v5, $0x10  }
0x23f: {  	v7 =	vand.u32 $0xFFFF0000, v8;
	v1 =	vmul.f32 v1, v6;
	v6 =	vld [tilespmem:s28+$0xFFFFFF30]  }
0x240: {  	v4 =	vld [tilespmem:s26+$0x30];
	v2 =	vmul.f32 v7, v2  }
0x241: {  	v8 =	vld [tilespmem:s28+$0x30];
	[tilespmem:s9+$0xFFFFFE30] =	vst v1  }
0x242: {  	v1 =	vld [tilespmem:s28+$0xFFFFFEB0];
	[tilespmem:s9+$0x1B0] =	vst v2  }
0x243: {  	v2 =	vshll.u32 v3, $0x10;
	v7 =	vld [tilespmem:s26+$0xC0]  }
0x244: {  	v2 =	vmul.f32 v2, v6;
	v6 =	vld [tilespmem:s28+$0x140]  }
0x245: {  	v9 =	vshll.u32 v4, $0x10  }
0x246: {  	v5 =	vand.u32 $0xFFFF0000, v5;
	v8 =	vmul.f32 v9, v8;
	[tilespmem:s9+$0xFFFFFF30] =	vst v2  }
0x247: {  	v1 =	vmul.f32 v5, v1;
	v2 =	vld [tilespmem:s28+$0xFFFFFFB0]  }
0x248: {  	[tilespmem:s9+$0x30] =	vst v8;
	v8 =	vshll.u32 v7, $0x10  }
0x249: {  	v5 =	vld [tilespmem:s28+$0xB0];
	[tilespmem:s9+$0xFFFFFEB0] =	vst v1;
	v1 =	vmul.f32 v8, v6  }
0x24a: {  	v6 =	vld [tilespmem:s26+$0xFFFFFF40]  }
0x24b: {  	v3 =	vand.u32 $0xFFFF0000, v3;
	v8 =	vld [tilespmem:s28+$0xFFFFFE40];
	[tilespmem:s9+$0x140] =	vst v1  }
0x24c: {  	v2 =	vmul.f32 v3, v2;
	v3 =	vld [tilespmem:s28+$0x1C0]  }
0x24d: {  	v1 =	vand.u32 $0xFFFF0000, v4  }
0x24e: {  	v1 =	vmul.f32 v1, v5  }
0x24f: {  	[tilespmem:s9+$0xFFFFFFB0] =	vst v2;
	v2 =	vshll.u32 v6, $0x10  }
0x250: {  	v5 =	vand.u32 $0xFFFF0000, v7;
	[tilespmem:s9+$0xB0] =	vst v1;
	v1 =	vmul.f32 v2, v8  }
0x251: {  	v2 =	vld [tilespmem:s26+$0x40];
	v3 =	vmul.f32 v5, v3  }
0x252: {  	[tilespmem:s9+$0xFFFFFE40] =	vst v1;
	v1 =	vld [tilespmem:s28+$0x40]  }
0x253: {  	v5 =	vld [tilespmem:s28+$0xFFFFFEC0];
	[tilespmem:s9+$0x1C0] =	vst v3  }
0x254: {  	v3 =	vld [tilespmem:s26+$0xD0]  }
0x255: {  	v8 =	vld [tilespmem:s28+$0x150];
	_ =	sdelay $0x1  }
0x256: {  	v4 =	vld [tilespmem:s26+$0xFFFFFFC0];
	v10 =	vshll.u32 v2, $0x10  }
0x257: {  	v7 =	vld [tilespmem:s28+$0xFFFFFF40];
	v6 =	vand.u32 $0xFFFF0000, v6;
	v1 =	vmul.f32 v10, v1  }
0x258: {  	s25 =	simm.s32 $0x5600;
	v5 =	vmul.f32 v6, v5;
	v6 =	vshll.u32 v3, $0x10  }
0x259: {  	v11 =	vld [tilespmem:s25+$0xFFFFFF80];
	[tilespmem:s9+$0x40] =	vst v1;
	v1 =	vmul.f32 v6, v8  }
0x25a: {  	s8 =	simm.s32 $0x2900;
	v33 =	vld [tilespmem:s25+$0x0]  }
0x25b: {  	v34 =	vld [tilespmem:s8+$0xFFFFFE00];
	v9 =	vshll.u32 v4, $0x10;
	[tilespmem:s9+$0x150] =	vst v1  }
0x25c: {  	v7 =	vmul.f32 v9, v7;
	v1 =	vld [tilespmem:s28+$0x1D0]  }
0x25d: {  	v9 =	vld [tilespmem:s25+$0x80]  }
0x25e: {  	[tilespmem:s9+$0xFFFFFF40] =	vst v7;
	v10 =	vld [tilespmem:s8+$0x100]  }
0x25f: {  	v7 =	vld [tilespmem:s28+$0xFFFFFFC0]  }
0x260: {  	[tilespmem:s9+$0xFFFFFEC0] =	vst v5;
	v5 =	vld [tilespmem:s28+$0xC0];
	v3 =	vand.u32 $0xFFFF0000, v3  }
0x261: {  	v6 =	vld [tilespmem:s26+$0xFFFFFF50];
	v1 =	vmul.f32 v3, v1  }
0x262: {  	v3 =	vld [tilespmem:s25+$0xFFFFFF00]  }
0x263: {  	v14 =	vshll.u32 v9, $0x10;
	v8 =	vld [tilespmem:s28+$0xFFFFFE50];
	[tilespmem:s9+$0x1D0] =	vst v1  }
0x264: {  	v1 =	vmul.f32 v14, v10;
	v10 =	vld [tilespmem:s26+$0xE0]  }
0x265: {  	s24 =	simm.s32 $0x8900;
	v4 =	vand.u32 $0xFFFF0000, v4;
	v35 =	vld [tilespmem:s28+$0x160]  }
0x266: {  	v2 =	vand.u32 $0xFFFF0000, v2;
	v4 =	vmul.f32 v4, v7;
	v7 =	vld [tilespmem:s8+$0xFFFFFF00];
	[tilespmem:s24+$0x100] =	vst v1  }
0x267: {  	v1 =	vmul.f32 v2, v5;
	v2 =	vshll.u32 v3, $0x10;
	v5 =	vld [tilespmem:s8+$0x180]  }
0x268: {  	[tilespmem:s9+$0xFFFFFFC0] =	vst v4;
	v4 =	vld [tilespmem:s8+$0x0];
	v2 =	vmul.f32 v2, v34  }
0x269: {  	v36 =	vld [tilespmem:s26+$0xFFFFFFD0];
	[tilespmem:s9+$0xC0] =	vst v1;
	v1 =	vshll.u32 v10, $0x10  }
0x26a: {  	v15 =	vshll.u32 v11, $0x10;
	v16 =	vld [tilespmem:s26+$0x50];
	[tilespmem:s24+$0xFFFFFE00] =	vst v2;
	v1 =	vmul.f32 v1, v35  }
0x26b: {  	v9 =	vand.u32 $0xFFFF0000, v9;
	v7 =	vmul.f32 v15, v7;
	v2 =	vld [tilespmem:s8+$0xFFFFFE80]  }
0x26c: {  	v37 =	vld [tilespmem:s28+$0x50];
	v5 =	vmul.f32 v9, v5;
	[tilespmem:s9+$0x160] =	vst v1  }
0x26d: {  	[tilespmem:s24+$0xFFFFFF00] =	vst v7;
	v1 =	vshll.u32 v33, $0x10;
	v7 =	vld [tilespmem:s28+$0x1E0]  }
0x26e: {  	v1 =	vmul.f32 v1, v4;
	v4 =	vld [tilespmem:s8+$0xFFFFFF80];
	[tilespmem:s24+$0x180] =	vst v5  }
0x26f: {  	v3 =	vand.u32 $0xFFFF0000, v3;
	v5 =	vld [tilespmem:s25+$0x90]  }
0x270: {  	[tilespmem:s24+$0x0] =	vst v1;
	v1 =	vmul.f32 v3, v2;
	v2 =	vld [tilespmem:s8+$0x110]  }
0x271: {  	v10 =	vand.u32 $0xFFFF0000, v10;
	v3 =	vld [tilespmem:s8+$0x80]  }
0x272: {  	v9 =	vld [tilespmem:s28+$0xFFFFFF50];
	[tilespmem:s24+$0xFFFFFE80] =	vst v1;
	v1 =	vmul.f32 v10, v7  }
0x273: {  	v7 =	vand.u32 $0xFFFF0000, v11;
	v10 =	vld [tilespmem:s25+$0xFFFFFF10]  }
0x274: {  	v4 =	vmul.f32 v7, v4;
	v7 =	vld [tilespmem:s8+$0xFFFFFE10];
	v11 =	vshll.u32 v5, $0x10;
	[tilespmem:s9+$0x1E0] =	vst v1  }
0x275: {  	v12 =	vand.u32 $0xFFFF0000, v33;
	v2 =	vmul.f32 v11, v2;
	v1 =	vld [tilespmem:s26+$0xF0]  }
0x276: {  	[tilespmem:s24+$0xFFFFFF80] =	vst v4;
	v3 =	vmul.f32 v12, v3;
	v4 =	vld [tilespmem:s28+$0x170]  }
0x277: {  	v11 =	vld [tilespmem:s25+$0xFFFFFF90];
	[tilespmem:s24+$0x110] =	vst v2  }
0x278: {  	v2 =	vshll.u32 v10, $0x10;
	[tilespmem:s24+$0x80] =	vst v3;
	v3 =	vld [tilespmem:s8+$0x190]  }
0x279: {  	v38 =	vshll.u32 v6, $0x10;
	v39 =	vld [tilespmem:s8+$0xFFFFFF10];
	v2 =	vmul.f32 v2, v7  }
0x27a: {  	v8 =	vmul.f32 v38, v8;
	v7 =	vld [tilespmem:s25+$0x10];
	v40 =	vshll.u32 v1, $0x10  }
0x27b: {  	v41 =	vld [tilespmem:s8+$0x10];
	[tilespmem:s24+$0xFFFFFE10] =	vst v2;
	v2 =	vshll.u32 v36, $0x10;
	v4 =	vmul.f32 v40, v4  }
0x27c: {  	[tilespmem:s9+$0xFFFFFE50] =	vst v8;
	v5 =	vand.u32 $0xFFFF0000, v5;
	v2 =	vmul.f32 v2, v9;
	v8 =	vld [tilespmem:s8+$0xFFFFFE90]  }
0x27d: {  	v3 =	vmul.f32 v5, v3;
	v5 =	vld [tilespmem:s28+$0xFFFFFED0];
	[tilespmem:s9+$0x170] =	vst v4  }
0x27e: {  	[tilespmem:s9+$0xFFFFFF50] =	vst v2;
	v4 =	vshll.u32 v11, $0x10;
	v2 =	vld [tilespmem:s28+$0x1F0]  }
0x27f: {  	v9 =	vshll.u32 v7, $0x10;
	v4 =	vmul.f32 v4, v39;
	[tilespmem:s24+$0x190] =	vst v3;
	v3 =	vld [tilespmem:s28+$0xFFFFFFD0]  }
0x280: {  	v10 =	vand.u32 $0xFFFF0000, v10;
	v9 =	vmul.f32 v9, v41;
	v42 =	vld [tilespmem:s25+$0xA0]  }
0x281: {  	v8 =	vmul.f32 v10, v8;
	[tilespmem:s24+$0xFFFFFF10] =	vst v4;
	v4 =	vld [tilespmem:s8+$0x120]  }
0x282: {  	v10 =	vshll.u32 v16, $0x10;
	[tilespmem:s24+$0x10] =	vst v9;
	v43 =	vld [tilespmem:s8+$0xFFFFFF90]  }
0x283: {  	v6 =	vand.u32 $0xFFFF0000, v6;
	v9 =	vmul.f32 v10, v37;
	[tilespmem:s24+$0xFFFFFE90] =	vst v8;
	v8 =	vld [tilespmem:s8+$0x90]  }
0x284: {  	v10 =	vand.u32 $0xFFFF0000, v36;
	v5 =	vmul.f32 v6, v5;
	v6 =	vld [tilespmem:s25+$0xFFFFFF20]  }
0x285: {  	[tilespmem:s9+$0x50] =	vst v9;
	v3 =	vmul.f32 v10, v3;
	v9 =	vld [tilespmem:s8+$0xFFFFFE20];
	v10 =	vshll.u32 v42, $0x10  }
0x286: {  	v11 =	vand.u32 $0xFFFF0000, v11;
	[tilespmem:s9+$0xFFFFFED0] =	vst v5;
	v5 =	vld [tilespmem:s28+$0xD0];
	v4 =	vmul.f32 v10, v4  }
0x287: {  	v7 =	vand.u32 $0xFFFF0000, v7;
	[tilespmem:s9+$0xFFFFFFD0] =	vst v3;
	v10 =	vld [tilespmem:s26+$0xFFFFFF60];
	v3 =	vmul.f32 v11, v43  }
0x288: {  	v7 =	vmul.f32 v7, v8;
	[tilespmem:s24+$0x120] =	vst v4;
	v4 =	vld [tilespmem:s26+$0xFFFFFFE0]  }
0x289: {  	[tilespmem:s24+$0xFFFFFF90] =	vst v3;
	v3 =	vld [tilespmem:s8+$0x1A0]  }
0x28a: {  	v8 =	vshll.u32 v6, $0x10;
	v11 =	vld [tilespmem:s25+$0xFFFFFFA0];
	[tilespmem:s24+$0x90] =	vst v7  }
0x28b: {  	v7 =	vand.u32 $0xFFFF0000, v16;
	v8 =	vmul.f32 v8, v9;
	v9 =	vld [tilespmem:s25+$0x20]  }
0x28c: {  	v5 =	vmul.f32 v7, v5;
	v7 =	vld [tilespmem:s8+$0xFFFFFF20]  }
0x28d: {  	v12 =	vand.u32 $0xFFFF0000, v42;
	[tilespmem:s24+$0xFFFFFE20] =	vst v8;
	v8 =	vld [tilespmem:s8+$0x20]  }
0x28e: {  	[tilespmem:s9+$0xD0] =	vst v5;
	v5 =	vld [tilespmem:s8+$0xFFFFFEA0];
	v3 =	vmul.f32 v12, v3  }
0x28f: {  	v44 =	vld [tilespmem:s26+$0x60]  }
0x290: {  	v45 =	vshll.u32 v11, $0x10;
	[tilespmem:s24+$0x1A0] =	vst v3;
	v3 =	vld [tilespmem:s28+$0xFFFFFE60]  }
0x291: {  	v46 =	vshll.u32 v9, $0x10;
	v7 =	vmul.f32 v45, v7;
	v47 =	vld [tilespmem:s25+$0xB0]  }
0x292: {  	v6 =	vand.u32 $0xFFFF0000, v6;
	v8 =	vmul.f32 v46, v8;
	v48 =	vld [tilespmem:s8+$0x130]  }
0x293: {  	v5 =	vmul.f32 v6, v5;
	[tilespmem:s24+$0xFFFFFF20] =	vst v7;
	v6 =	vld [tilespmem:s28+$0xFFFFFF60]  }
0x294: {  	v7 =	vld [tilespmem:s8+$0xFFFFFFA0];
	[tilespmem:s24+$0x20] =	vst v8  }
0x295: {  	v8 =	vshll.u32 v10, $0x10;
	[tilespmem:s24+$0xFFFFFEA0] =	vst v5;
	v5 =	vld [tilespmem:s8+$0xA0]  }
0x296: {  	v3 =	vmul.f32 v8, v3;
	v8 =	vld [tilespmem:s25+$0xFFFFFF30];
	v49 =	vshll.u32 v47, $0x10  }
0x297: {  	v50 =	vshll.u32 v4, $0x10;
	v51 =	vld [tilespmem:s8+$0xFFFFFE30];
	v14 =	vmul.f32 v49, v48  }
0x298: {  	v11 =	vand.u32 $0xFFFF0000, v11;
	[tilespmem:s9+$0xFFFFFE60] =	vst v3;
	v3 =	vmul.f32 v50, v6;
	v6 =	vld [tilespmem:s28+$0x60]  }
0x299: {  	v9 =	vand.u32 $0xFFFF0000, v9;
	v7 =	vmul.f32 v11, v7;
	v11 =	vld [tilespmem:s28+$0xFFFFFEE0];
	[tilespmem:s24+$0x130] =	vst v14  }
0x29a: {  	v5 =	vmul.f32 v9, v5;
	[tilespmem:s9+$0xFFFFFF60] =	vst v3;
	v9 =	vld [tilespmem:s8+$0x1B0]  }
0x29b: {  	[tilespmem:s24+$0xFFFFFFA0] =	vst v7;
	v3 =	vld [tilespmem:s28+$0xFFFFFFE0]  }
0x29c: {  	v7 =	vshll.u32 v8, $0x10;
	v52 =	vld [tilespmem:s25+$0xFFFFFFB0];
	[tilespmem:s24+$0xA0] =	vst v5  }
0x29d: {  	v5 =	vshll.u32 v44, $0x10;
	v7 =	vmul.f32 v7, v51;
	v53 =	vld [tilespmem:s25+$0x30]  }
0x29e: {  	v13 =	vand.u32 $0xFFFF0000, v47;
	v5 =	vmul.f32 v5, v6;
	v6 =	vld [tilespmem:s8+$0xFFFFFF30]  }
0x29f: {  	[tilespmem:s24+$0xFFFFFE30] =	vst v7;
	v7 =	vld [tilespmem:s8+$0x30];
	v9 =	vmul.f32 v13, v9  }
0x2a0: {  	v10 =	vand.u32 $0xFFFF0000, v10;
	[tilespmem:s9+$0x60] =	vst v5;
	v5 =	vld [tilespmem:s8+$0xFFFFFEB0]  }
0x2a1: {  	v4 =	vand.u32 $0xFFFF0000, v4;
	v10 =	vmul.f32 v10, v11;
	[tilespmem:s24+$0x1B0] =	vst v9;
	v9 =	vld [tilespmem:s28+$0xE0]  }
0x2a2: {  	v3 =	vmul.f32 v4, v3;
	v4 =	vshll.u32 v52, $0x10;
	v11 =	vld [tilespmem:s25+$0xC0]  }
0x2a3: {  	[tilespmem:s9+$0xFFFFFEE0] =	vst v10;
	v4 =	vmul.f32 v4, v6;
	v6 =	vld [tilespmem:s8+$0x140]  }
0x2a4: {  	v55 =	vld [tilespmem:s28+$0xFFFFFE70];
	v10 =	vshll.u32 v53, $0x10;
	[tilespmem:s9+$0xFFFFFFE0] =	vst v3  }
0x2a5: {  	v8 =	vand.u32 $0xFFFF0000, v8;
	v3 =	vmul.f32 v10, v7;
	v7 =	vld [tilespmem:s26+$0xFFFFFF70];
	[tilespmem:s24+$0xFFFFFF30] =	vst v4  }
0x2a6: {  	v5 =	vmul.f32 v8, v5;
	v8 =	vand.u32 $0xFFFF0000, v44;
	v10 =	vld [tilespmem:s8+$0xFFFFFFB0]  }
0x2a7: {  	v4 =	vld [tilespmem:s26+$0xFFFFFFF0];
	[tilespmem:s24+$0x30] =	vst v3;
	v3 =	vmul.f32 v8, v9;
	v8 =	vshll.u32 v11, $0x10  }
0x2a8: {  	[tilespmem:s24+$0xFFFFFEB0] =	vst v5;
	v5 =	vld [tilespmem:s8+$0xB0];
	v6 =	vmul.f32 v8, v6  }
0x2a9: {  	v9 =	vld [tilespmem:s25+$0xFFFFFF40];
	[tilespmem:s9+$0xE0] =	vst v3  }
0x2aa: {  	v3 =	vld [tilespmem:s8+$0xFFFFFE40];
	v8 =	vand.u32 $0xFFFF0000, v52;
	[tilespmem:s24+$0x140] =	vst v6  }
0x2ab: {  	v8 =	vmul.f32 v8, v10;
	v10 =	vld [tilespmem:s8+$0x1C0]  }
0x2ac: {  	v54 =	vand.u32 $0xFFFF0000, v53;
	v6 =	vld [tilespmem:s26+$0x70]  }
0x2ad: {  	v5 =	vmul.f32 v54, v5;
	[tilespmem:s24+$0xFFFFFFB0] =	vst v8;
	v8 =	vld [tilespmem:s28+$0xFFFFFF70]  }
0x2ae: {  	v56 =	vshll.u32 v9, $0x10;
	v57 =	vld [tilespmem:s25+$0xFFFFFFC0]  }
0x2af: {  	[tilespmem:s24+$0xB0] =	vst v5;
	v5 =	vand.u32 $0xFFFF0000, v11;
	v11 =	vld [tilespmem:s8+$0xFFFFFF40];
	v3 =	vmul.f32 v56, v3  }
0x2b0: {  	v58 =	vld [tilespmem:s25+$0x40];
	v5 =	vmul.f32 v5, v10  }
0x2b1: {  	[tilespmem:s24+$0xFFFFFE40] =	vst v3;
	v10 =	vld [tilespmem:s8+$0x40]  }
0x2b2: {  	v3 =	vshll.u32 v7, $0x10;
	v59 =	vld [tilespmem:s8+$0xFFFFFEC0];
	[tilespmem:s24+$0x1C0] =	vst v5  }
0x2b3: {  	v12 =	vmul.f32 v3, v55;
	v5 =	vshll.u32 v4, $0x10;
	v3 =	vld [tilespmem:s25+$0xD0]  }
0x2b4: {  	v5 =	vmul.f32 v5, v8;
	v8 =	vshll.u32 v57, $0x10;
	v60 =	vld [tilespmem:s8+$0x150]  }
0x2b5: {  	[tilespmem:s9+$0xFFFFFE70] =	vst v12;
	v61 =	vshll.u32 v58, $0x10;
	v8 =	vmul.f32 v8, v11;
	v11 =	vld [tilespmem:s28+$0x70]  }
0x2b6: {  	v9 =	vand.u32 $0xFFFF0000, v9;
	[tilespmem:s9+$0xFFFFFF70] =	vst v5;
	v5 =	vmul.f32 v61, v10;
	v10 =	vld [tilespmem:s28+$0xFFFFFEF0]  }
0x2b7: {  	v1 =	vand.u32 $0xFFFF0000, v1;
	v9 =	vmul.f32 v9, v59;
	[tilespmem:s24+$0xFFFFFF40] =	vst v8;
	v62 =	vld [tilespmem:s28+$0xFFFFFFF0]  }
0x2b8: {  	v1 =	vmul.f32 v1, v2;
	v63 =	vld [tilespmem:s8+$0xFFFFFFC0];
	[tilespmem:s24+$0x40] =	vst v5;
	v2 =	vshll.u32 v3, $0x10  }
0x2b9: {  	v8 =	vshll.u32 v6, $0x10;
	[tilespmem:s24+$0xFFFFFEC0] =	vst v9;
	v9 =	vld [tilespmem:s8+$0xC0];
	v2 =	vmul.f32 v2, v60  }
0x2ba: {  	[tilespmem:s9+$0x1F0] =	vst v1;
	v1 =	vand.u32 $0xFFFF0000, v7;
	v5 =	vld [tilespmem:s25+$0xFFFFFF50];
	v8 =	vmul.f32 v8, v11  }
0x2bb: {  	v7 =	vld [tilespmem:s8+$0xFFFFFE50];
	v11 =	vmul.f32 v1, v10;
	[tilespmem:s24+$0x150] =	vst v2;
	v2 =	vand.u32 $0xFFFF0000, v4  }
0x2bc: {  	v1 =	vand.u32 $0xFFFF0000, v6;
	v4 =	vand.u32 $0xFFFF0000, v57;
	[tilespmem:s9+$0x70] =	vst v8;
	v6 =	vld [tilespmem:s8+$0x1D0];
	v2 =	vmul.f32 v2, v62  }
0x2bd: {  	s4 =	simm.s32 $0x4;
	s15 =	simm.s32 $0x5800;
	s26 =	simm.s32 $0x2900;
	v8 =	vand.u32 $0xFFFF0000, v58;
	v10 =	vmul.f32 v4, v63;
	[tilespmem:s9+$0xFFFFFEF0] =	vst v11;
	v4 =	vld [tilespmem:s28+$0xF0]  }
.LBB2_7:
0x2be: {  	v11 =	vld [tilespmem:s15+$0x80];
	s4 =	sadd.s32 $0x4, s4;
	v8 =	vmul.f32 v8, v9;
	s8 =	sadd.s32 $0x400, s8;
	[tilespmem:s9+$0xFFFFFFF0] =	vst v2  }
0x2bf: {  	v9 =	vld [tilespmem:s8+$0x100];
	p1 =	slt.u32 s4, $0x1C;
	v12 =	vshll.u32 v5, $0x10;
	v2 =	vand.u32 $0xFFFF0000, v5;
	[tilespmem:s24+$0xFFFFFFC0] =	vst v10  }
0x2c0: {  	v3 =	vand.u32 $0xFFFF0000, v3;
	v5 =	vld [tilespmem:s15+$0xFFFFFF80];
	v7 =	vmul.f32 v12, v7;
	[tilespmem:s24+$0xC0] =	vst v8  }
0x2c1: {  	v8 =	vld [tilespmem:s15+$0x0];
	v3 =	vmul.f32 v3, v6  }
0x2c2: {  	v6 =	vld [tilespmem:s15+$0xFFFFFF00];
	[tilespmem:s24+$0xFFFFFE50] =	vst v7;
	v1 =	vmul.f32 v1, v4  }
0x2c3: {  	v4 =	vld [tilespmem:s8+$0xFFFFFE00];
	v7 =	vshll.u32 v11, $0x10;
	[tilespmem:s24+$0x1D0] =	vst v3  }
0x2c4: {  	v3 =	vmul.f32 v7, v9;
	v7 =	vld [tilespmem:s25+$0xE0];
	[tilespmem:s9+$0xF0] =	vst v1;
	s9 =	smov.u32 s24  }
0x2c5: {  	s24 =	sadd.s32 $0x400, s24;
	v1 =	vshll.u32 v5, $0x10;
	v5 =	vand.u32 $0xFFFF0000, v5;
	v9 =	vld [tilespmem:s26+$0x160]  }
0x2c6: {  	v10 =	vld [tilespmem:s8+$0xFFFFFF00];
	v12 =	vshll.u32 v8, $0x10;
	v8 =	vand.u32 $0xFFFF0000, v8;
	[tilespmem:s24+$0x100] =	vst v3  }
0x2c7: {  	v3 =	vshll.u32 v6, $0x10;
	v6 =	vand.u32 $0xFFFF0000, v6;
	v13 =	vld [tilespmem:s8+$0x180]  }
0x2c8: {  	v3 =	vmul.f32 v3, v4;
	v4 =	vld [tilespmem:s8+$0x0]  }
0x2c9: {  	v14 =	vld [tilespmem:s25+$0xFFFFFFD0];
	v15 =	vshll.u32 v7, $0x10  }
0x2ca: {  	[tilespmem:s24+$0xFFFFFE00] =	vst v3;
	v3 =	vld [tilespmem:s25+$0x50];
	v9 =	vmul.f32 v15, v9  }
0x2cb: {  	v15 =	vld [tilespmem:s8+$0xFFFFFE80];
	v1 =	vmul.f32 v1, v10;
	v10 =	vand.u32 $0xFFFF0000, v11  }
0x2cc: {  	v10 =	vmul.f32 v10, v13;
	v11 =	vld [tilespmem:s26+$0xFFFFFF50];
	[tilespmem:s9+$0x160] =	vst v9  }
0x2cd: {  	[tilespmem:s24+$0xFFFFFF00] =	vst v1;
	v1 =	vmul.f32 v12, v4;
	v4 =	vld [tilespmem:s26+$0x1E0]  }
0x2ce: {  	v9 =	vld [tilespmem:s8+$0xFFFFFF80];
	[tilespmem:s24+$0x180] =	vst v10;
	v10 =	vshll.u32 v14, $0x10;
	v12 =	vand.u32 $0xFFFF0000, v14  }
0x2cf: {  	[tilespmem:s24+$0x0] =	vst v1;
	v1 =	vld [tilespmem:s15+$0x90];
	v13 =	vshll.u32 v3, $0x10;
	v3 =	vand.u32 $0xFFFF0000, v3  }
0x2d0: {  	v6 =	vmul.f32 v6, v15;
	v14 =	vld [tilespmem:s8+$0x110]  }
0x2d1: {  	v7 =	vand.u32 $0xFFFF0000, v7;
	v15 =	vld [tilespmem:s8+$0x80];
	v10 =	vmul.f32 v10, v11  }
0x2d2: {  	[tilespmem:s24+$0xFFFFFE80] =	vst v6;
	v6 =	vld [tilespmem:s26+$0x50];
	v4 =	vmul.f32 v7, v4  }
0x2d3: {  	v7 =	vld [tilespmem:s15+$0xFFFFFF10];
	v5 =	vmul.f32 v5, v9;
	[tilespmem:s9+$0xFFFFFF50] =	vst v10  }
0x2d4: {  	v9 =	vld [tilespmem:s8+$0xFFFFFE10];
	v10 =	vshll.u32 v1, $0x10;
	[tilespmem:s9+$0x1E0] =	vst v4  }
0x2d5: {  	[tilespmem:s24+$0xFFFFFF80] =	vst v5;
	v4 =	vmul.f32 v10, v14;
	v5 =	vld [tilespmem:s25+$0xF0]  }
0x2d6: {  	v8 =	vmul.f32 v8, v15;
	v10 =	vld [tilespmem:s26+$0x170]  }
0x2d7: {  	v11 =	vld [tilespmem:s15+$0xFFFFFF90];
	[tilespmem:s24+$0x110] =	vst v4;
	v4 =	vmul.f32 v13, v6  }
0x2d8: {  	v6 =	vshll.u32 v7, $0x10;
	v7 =	vand.u32 $0xFFFF0000, v7;
	[tilespmem:s24+$0x80] =	vst v8;
	v8 =	vld [tilespmem:s8+$0x190]  }
0x2d9: {  	v6 =	vmul.f32 v6, v9;
	v9 =	vld [tilespmem:s15+$0x10];
	[tilespmem:s9+$0x50] =	vst v4  }
0x2da: {  	v4 =	vld [tilespmem:s8+$0xFFFFFF10];
	v13 =	vshll.u32 v5, $0x10  }
0x2db: {  	[tilespmem:s24+$0xFFFFFE10] =	vst v6;
	v6 =	vld [tilespmem:s8+$0x10];
	v10 =	vmul.f32 v13, v10  }
0x2dc: {  	v1 =	vand.u32 $0xFFFF0000, v1;
	v13 =	vld [tilespmem:s8+$0xFFFFFE90];
	v14 =	vshll.u32 v11, $0x10;
	v11 =	vand.u32 $0xFFFF0000, v11  }
0x2dd: {  	v1 =	vmul.f32 v1, v8;
	v8 =	vld [tilespmem:s26+$0xFFFFFED0];
	[tilespmem:s9+$0x170] =	vst v10  }
0x2de: {  	v10 =	vshll.u32 v9, $0x10;
	v9 =	vand.u32 $0xFFFF0000, v9;
	v15 =	vld [tilespmem:s26+$0x1F0]  }
0x2df: {  	v4 =	vmul.f32 v14, v4;
	[tilespmem:s24+$0x190] =	vst v1;
	v1 =	vld [tilespmem:s26+$0xFFFFFFD0]  }
0x2e0: {  	v6 =	vmul.f32 v10, v6;
	v10 =	vld [tilespmem:s15+$0xA0]  }
0x2e1: {  	v7 =	vmul.f32 v7, v13;
	[tilespmem:s24+$0xFFFFFF10] =	vst v4;
	v4 =	vld [tilespmem:s8+$0x120]  }
0x2e2: {  	v5 =	vand.u32 $0xFFFF0000, v5;
	v13 =	vld [tilespmem:s8+$0xFFFFFF90];
	[tilespmem:s24+$0x10] =	vst v6;
	v2 =	vmul.f32 v2, v8  }
0x2e3: {  	[tilespmem:s24+$0xFFFFFE90] =	vst v7;
	v6 =	vld [tilespmem:s8+$0x90];
	v5 =	vmul.f32 v5, v15  }
0x2e4: {  	v7 =	vld [tilespmem:s15+$0xFFFFFF20];
	[tilespmem:s9+$0xFFFFFED0] =	vst v2;
	v1 =	vmul.f32 v12, v1  }
0x2e5: {  	v2 =	vld [tilespmem:s8+$0xFFFFFE20];
	v8 =	vshll.u32 v10, $0x10;
	[tilespmem:s9+$0x1F0] =	vst v5  }
0x2e6: {  	v4 =	vmul.f32 v8, v4;
	[tilespmem:s9+$0xFFFFFFD0] =	vst v1;
	v1 =	vld [tilespmem:s26+$0xD0]  }
0x2e7: {  	v5 =	vmul.f32 v11, v13;
	v8 =	vld [tilespmem:s25+$0xFFFFFF60]  }
0x2e8: {  	v6 =	vmul.f32 v9, v6;
	[tilespmem:s24+$0x120] =	vst v4;
	v4 =	vld [tilespmem:s25+$0xFFFFFFE0]  }
0x2e9: {  	v9 =	vshll.u32 v7, $0x10;
	v7 =	vand.u32 $0xFFFF0000, v7;
	[tilespmem:s24+$0xFFFFFF90] =	vst v5;
	v5 =	vld [tilespmem:s8+$0x1A0]  }
0x2ea: {  	v2 =	vmul.f32 v9, v2;
	v9 =	vld [tilespmem:s15+$0xFFFFFFA0];
	[tilespmem:s24+$0x90] =	vst v6  }
0x2eb: {  	v6 =	vld [tilespmem:s15+$0x20];
	v1 =	vmul.f32 v3, v1  }
0x2ec: {  	[tilespmem:s24+$0xFFFFFE20] =	vst v2;
	v2 =	vld [tilespmem:s8+$0xFFFFFF20];
	v3 =	vshll.u32 v8, $0x10;
	v8 =	vand.u32 $0xFFFF0000, v8  }
0x2ed: {  	v10 =	vand.u32 $0xFFFF0000, v10;
	v11 =	vld [tilespmem:s8+$0x20];
	v12 =	vshll.u32 v4, $0x10;
	v4 =	vand.u32 $0xFFFF0000, v4;
	[tilespmem:s9+$0xD0] =	vst v1  }
0x2ee: {  	v1 =	vld [tilespmem:s8+$0xFFFFFEA0];
	v5 =	vmul.f32 v10, v5  }
0x2ef: {  	v10 =	vshll.u32 v9, $0x10;
	v9 =	vand.u32 $0xFFFF0000, v9;
	v13 =	vld [tilespmem:s25+$0x60]  }
0x2f0: {  	v14 =	vshll.u32 v6, $0x10;
	v6 =	vand.u32 $0xFFFF0000, v6;
	[tilespmem:s24+$0x1A0] =	vst v5;
	v5 =	vld [tilespmem:s26+$0xFFFFFE60]  }
0x2f1: {  	v2 =	vmul.f32 v10, v2;
	v10 =	vld [tilespmem:s15+$0xB0]  }
0x2f2: {  	v11 =	vmul.f32 v14, v11;
	v14 =	vld [tilespmem:s8+$0x130]  }
0x2f3: {  	v1 =	vmul.f32 v7, v1;
	[tilespmem:s24+$0xFFFFFF20] =	vst v2;
	v2 =	vld [tilespmem:s26+$0xFFFFFF60]  }
0x2f4: {  	v7 =	vld [tilespmem:s8+$0xFFFFFFA0];
	[tilespmem:s24+$0x20] =	vst v11;
	v11 =	vshll.u32 v13, $0x10;
	v13 =	vand.u32 $0xFFFF0000, v13  }
0x2f5: {  	[tilespmem:s24+$0xFFFFFEA0] =	vst v1;
	v1 =	vld [tilespmem:s8+$0xA0];
	v3 =	vmul.f32 v3, v5  }
0x2f6: {  	v5 =	vld [tilespmem:s15+$0xFFFFFF30];
	v15 =	vshll.u32 v10, $0x10  }
0x2f7: {  	v16 =	vld [tilespmem:s8+$0xFFFFFE30];
	v14 =	vmul.f32 v15, v14;
	[tilespmem:s9+$0xFFFFFE60] =	vst v3  }
0x2f8: {  	v2 =	vmul.f32 v12, v2;
	v3 =	vld [tilespmem:s26+$0x60]  }
0x2f9: {  	v7 =	vmul.f32 v9, v7;
	[tilespmem:s24+$0x130] =	vst v14;
	v9 =	vld [tilespmem:s26+$0xFFFFFEE0]  }
0x2fa: {  	v1 =	vmul.f32 v6, v1;
	v6 =	vld [tilespmem:s8+$0x1B0];
	[tilespmem:s9+$0xFFFFFF60] =	vst v2  }
0x2fb: {  	v2 =	vshll.u32 v5, $0x10;
	v5 =	vand.u32 $0xFFFF0000, v5;
	[tilespmem:s24+$0xFFFFFFA0] =	vst v7;
	v7 =	vld [tilespmem:s26+$0xFFFFFFE0]  }
0x2fc: {  	v2 =	vmul.f32 v2, v16;
	v12 =	vld [tilespmem:s15+$0xFFFFFFB0];
	[tilespmem:s24+$0xA0] =	vst v1  }
0x2fd: {  	v1 =	vld [tilespmem:s15+$0x30];
	v3 =	vmul.f32 v11, v3  }
0x2fe: {  	v10 =	vand.u32 $0xFFFF0000, v10;
	[tilespmem:s24+$0xFFFFFE30] =	vst v2;
	v2 =	vld [tilespmem:s8+$0xFFFFFF30];
	v8 =	vmul.f32 v8, v9  }
0x2ff: {  	v9 =	vld [tilespmem:s8+$0x30];
	v6 =	vmul.f32 v10, v6;
	[tilespmem:s9+$0x60] =	vst v3  }
0x300: {  	v3 =	vld [tilespmem:s8+$0xFFFFFEB0];
	[tilespmem:s9+$0xFFFFFEE0] =	vst v8;
	v4 =	vmul.f32 v4, v7  }
0x301: {  	v7 =	vshll.u32 v12, $0x10;
	v8 =	vand.u32 $0xFFFF0000, v12;
	[tilespmem:s24+$0x1B0] =	vst v6;
	v6 =	vld [tilespmem:s26+$0xE0]  }
0x302: {  	v10 =	vshll.u32 v1, $0x10;
	v1 =	vand.u32 $0xFFFF0000, v1;
	v11 =	vld [tilespmem:s15+$0xC0];
	[tilespmem:s9+$0xFFFFFFE0] =	vst v4  }
0x303: {  	v2 =	vmul.f32 v7, v2;
	v4 =	vld [tilespmem:s8+$0x140]  }
0x304: {  	v7 =	vmul.f32 v10, v9;
	v9 =	vld [tilespmem:s25+$0xFFFFFF70]  }
0x305: {  	v3 =	vmul.f32 v5, v3;
	[tilespmem:s24+$0xFFFFFF30] =	vst v2;
	v2 =	vld [tilespmem:s25+$0xFFFFFFF0]  }
0x306: {  	v5 =	vld [tilespmem:s8+$0xFFFFFFB0];
	[tilespmem:s24+$0x30] =	vst v7;
	v6 =	vmul.f32 v13, v6  }
0x307: {  	[tilespmem:s24+$0xFFFFFEB0] =	vst v3;
	v3 =	vld [tilespmem:s8+$0xB0];
	v7 =	vshll.u32 v11, $0x10  }
0x308: {  	v10 =	vld [tilespmem:s15+$0xFFFFFF40];
	v4 =	vmul.f32 v7, v4;
	[tilespmem:s9+$0xE0] =	vst v6  }
0x309: {  	v6 =	vld [tilespmem:s8+$0xFFFFFE40];
	v7 =	vshll.u32 v9, $0x10;
	v12 =	vand.u32 $0xFFFF0000, v9  }
0x30a: {  	[tilespmem:s24+$0x140] =	vst v4;
	v4 =	vshll.u32 v2, $0x10;
	v2 =	vand.u32 $0xFFFF0000, v2;
	v9 =	vld [tilespmem:s25+$0x70];
	s25 =	smov.u32 s15  }
0x30b: {  	v5 =	vmul.f32 v8, v5;
	v8 =	vld [tilespmem:s8+$0x1C0]  }
0x30c: {  	v1 =	vmul.f32 v1, v3;
	v3 =	vld [tilespmem:s26+$0xFFFFFE70]  }
0x30d: {  	v13 =	vshll.u32 v10, $0x10;
	v10 =	vand.u32 $0xFFFF0000, v10;
	[tilespmem:s24+$0xFFFFFFB0] =	vst v5;
	v5 =	vld [tilespmem:s26+$0xFFFFFF70]  }
0x30e: {  	v6 =	vmul.f32 v13, v6;
	v13 =	vld [tilespmem:s15+$0xFFFFFFC0];
	[tilespmem:s24+$0xB0] =	vst v1  }
0x30f: {  	v11 =	vand.u32 $0xFFFF0000, v11;
	v14 =	vld [tilespmem:s15+$0x40];
	v15 =	vshll.u32 v9, $0x10;
	v1 =	vand.u32 $0xFFFF0000, v9  }
0x310: {  	[tilespmem:s24+$0xFFFFFE40] =	vst v6;
	v6 =	vld [tilespmem:s8+$0xFFFFFF40];
	v8 =	vmul.f32 v11, v8  }
0x311: {  	v9 =	vld [tilespmem:s8+$0x40];
	v7 =	vmul.f32 v7, v3  }
0x312: {  	v11 =	vld [tilespmem:s8+$0xFFFFFEC0];
	[tilespmem:s24+$0x1C0] =	vst v8;
	v4 =	vmul.f32 v4, v5  }
0x313: {  	v5 =	vshll.u32 v13, $0x10;
	v13 =	vand.u32 $0xFFFF0000, v13;
	v3 =	vld [tilespmem:s15+$0xD0];
	[tilespmem:s9+$0xFFFFFE70] =	vst v7  }
0x314: {  	v7 =	vshll.u32 v14, $0x10;
	v8 =	vand.u32 $0xFFFF0000, v14;
	v14 =	vld [tilespmem:s8+$0x150];
	[tilespmem:s9+$0xFFFFFF70] =	vst v4  }
0x315: {  	v4 =	vmul.f32 v5, v6;
	v6 =	vld [tilespmem:s26+$0x70]  }
0x316: {  	v5 =	vmul.f32 v7, v9;
	v16 =	vld [tilespmem:s26+$0xFFFFFEF0]  }
0x317: {  	v7 =	vmul.f32 v10, v11;
	[tilespmem:s24+$0xFFFFFF40] =	vst v4;
	v4 =	vld [tilespmem:s26+$0xFFFFFFF0]  }
0x318: {  	v10 =	vld [tilespmem:s8+$0xFFFFFFC0];
	[tilespmem:s24+$0x40] =	vst v5;
	v5 =	vshll.u32 v3, $0x10  }
.Ltmp2:
0x319: {  	[tilespmem:s24+$0xFFFFFEC0] =	vst v7;
	v9 =	vld [tilespmem:s8+$0xC0];
	v11 =	vmul.f32 v5, v14;
	(pc) =	sbr.rel @p1 .LBB2_7-.Ltmp2, $4  }
0x31a: {  	v5 =	vld [tilespmem:s15+$0xFFFFFF50];
	v14 =	vmul.f32 v15, v6  }
0x31b: {  	v7 =	vld [tilespmem:s8+$0xFFFFFE50];
	[tilespmem:s24+$0x150] =	vst v11;
	v11 =	vmul.f32 v12, v16  }
0x31c: {  	v6 =	vld [tilespmem:s8+$0x1D0];
	v2 =	vmul.f32 v2, v4;
	[tilespmem:s9+$0x70] =	vst v14  }
0x31d: {  	s15 =	sadd.s32 $0x200, s15;
	v10 =	vmul.f32 v13, v10;
	[tilespmem:s9+$0xFFFFFEF0] =	vst v11;
	v4 =	vld [tilespmem:s26+$0xF0];
	s26 =	smov.u32 s8  }
0x31e: {  	_ = 	snop  }
0x31f: {  	[tilespmem:s24+$0xFFFFFFC0] =	vst v10  }
0x320: {  	v8 =	vmul.f32 v8, v9;
	v23 =	vld [tilespmem:s25+$0xFFFFFFD0]  }
0x321: {  	v10 =	vld [tilespmem:s26+$0xFFFFFF50]  }
0x322: {  	[tilespmem:s24+$0xC0] =	vst v8  }
0x323: {  	v24 =	vld [tilespmem:s25+$0x50]  }
0x324: {  	v12 =	vshll.u32 v5, $0x10;
	v11 =	vld [tilespmem:s26+$0x50]  }
0x325: {  	v7 =	vmul.f32 v12, v7;
	v25 =	vshll.u32 v23, $0x10  }
0x326: {  	v10 =	vmul.f32 v25, v10  }
0x327: {  	[tilespmem:s24+$0xFFFFFE50] =	vst v7  }
0x328: {  	v28 =	vld [tilespmem:s26+$0xFFFFFED0];
	v26 =	vshll.u32 v24, $0x10;
	[tilespmem:s24+$0xFFFFFF50] =	vst v10  }
0x329: {  	v27 =	vmul.f32 v26, v11;
	v29 =	vld [tilespmem:s26+$0xFFFFFFD0]  }
0x32a: {  	v3 =	vand.u32 $0xFFFF0000, v3  }
0x32b: {  	v3 =	vmul.f32 v3, v6;
	[tilespmem:s24+$0x50] =	vst v27  }
0x32c: {  	v31 =	vand.u32 $0xFFFF0000, v5;
	v30 =	vld [tilespmem:s26+$0xD0]  }
0x32d: {  	[tilespmem:s24+$0x1D0] =	vst v3;
	v3 =	vand.u32 $0xFFFF0000, v23;
	v5 =	vmul.f32 v31, v28  }
0x32e: {  	v32 =	vld [tilespmem:s25+$0xE0];
	v3 =	vmul.f32 v3, v29  }
0x32f: {  	v34 =	vld [tilespmem:s26+$0x160];
	[tilespmem:s24+$0xFFFFFED0] =	vst v5  }
0x330: {  	v33 =	vand.u32 $0xFFFF0000, v24;
	[tilespmem:s24+$0xFFFFFFD0] =	vst v3;
	v3 =	vld [tilespmem:s25+$0xFFFFFF60]  }
0x331: {  	v37 =	vld [tilespmem:s26+$0xFFFFFE60];
	v35 =	vmul.f32 v33, v30  }
0x332: {  	v36 =	vld [tilespmem:s25+$0xFFFFFFE0]  }
0x333: {  	v39 =	vshll.u32 v32, $0x10;
	[tilespmem:s24+$0xD0] =	vst v35;
	v38 =	vld [tilespmem:s26+$0xFFFFFF60]  }
0x334: {  	v7 =	vmul.f32 v39, v34;
	v5 =	vld [tilespmem:s25+$0x60]  }
0x335: {  	v40 =	vld [tilespmem:s26+$0x60];
	v41 =	vshll.u32 v3, $0x10  }
0x336: {  	[tilespmem:s24+$0x160] =	vst v7;
	v9 =	vmul.f32 v41, v37  }
0x337: {  	v43 =	vld [tilespmem:s26+$0x1E0];
	v42 =	vshll.u32 v36, $0x10  }
0x338: {  	v7 =	vmul.f32 v42, v38;
	[tilespmem:s24+$0xFFFFFE60] =	vst v9  }
0x339: {  	v44 =	vshll.u32 v5, $0x10;
	v46 =	vld [tilespmem:s26+$0xFFFFFEE0]  }
0x33a: {  	v45 =	vmul.f32 v44, v40;
	[tilespmem:s24+$0xFFFFFF60] =	vst v7  }
0x33b: {  	v6 =	vand.u32 $0xFFFF0000, v32;
	v7 =	vld [tilespmem:s26+$0xFFFFFFE0]  }
0x33c: {  	v6 =	vmul.f32 v6, v43;
	[tilespmem:s24+$0x60] =	vst v45  }
0x33d: {  	v3 =	vand.u32 $0xFFFF0000, v3;
	v9 =	vld [tilespmem:s26+$0xE0]  }
0x33e: {  	[tilespmem:s24+$0x1E0] =	vst v6;
	v3 =	vmul.f32 v3, v46  }
0x33f: {  	v48 =	vld [tilespmem:s25+$0xF0];
	v47 =	vand.u32 $0xFFFF0000, v36  }
0x340: {  	v49 =	vld [tilespmem:s26+$0x170];
	v6 =	vmul.f32 v47, v7;
	[tilespmem:s24+$0xFFFFFEE0] =	vst v3  }
0x341: {  	v5 =	vand.u32 $0xFFFF0000, v5;
	v50 =	vld [tilespmem:s25+$0xFFFFFF70]  }
0x342: {  	v3 =	vmul.f32 v5, v9;
	[tilespmem:s24+$0xFFFFFFE0] =	vst v6;
	v51 =	vld [tilespmem:s26+$0xFFFFFE70]  }
0x343: {  	v6 =	vld [tilespmem:s25+$0xFFFFFFF0]  }
0x344: {  	[tilespmem:s24+$0xE0] =	vst v3;
	v52 =	vld [tilespmem:s26+$0xFFFFFF70]  }
0x345: {  	v3 =	vld [tilespmem:s25+$0x70]  }
0x346: {  	v53 =	vld [tilespmem:s26+$0x70]  }
0x347: {  	v54 =	vshll.u32 v48, $0x10  }
0x348: {  	v7 =	vmul.f32 v54, v49;
	v55 =	vshll.u32 v50, $0x10  }
0x349: {  	v9 =	vmul.f32 v55, v51;
	v56 =	vshll.u32 v6, $0x10  }
0x34a: {  	[tilespmem:s24+$0x170] =	vst v7;
	v57 =	vmul.f32 v56, v52;
	v58 =	vshll.u32 v3, $0x10  }
0x34b: {  	v59 =	vld [tilespmem:s26+$0x1F0];
	[tilespmem:s24+$0xFFFFFE70] =	vst v9;
	v10 =	vmul.f32 v58, v53  }
0x34c: {  	[tilespmem:s24+$0xFFFFFF70] =	vst v57;
	v60 =	vld [tilespmem:s26+$0xFFFFFEF0]  }
0x34d: {  	v61 =	vld [tilespmem:s26+$0xFFFFFFF0];
	[tilespmem:s24+$0x70] =	vst v10  }
0x34e: {  	v10 =	vld [tilespmem:s26+$0xF0]  }
0x34f: {  	v1 =	vmul.f32 v1, v4;
	v62 =	vand.u32 $0xFFFF0000, v48  }
0x350: {  	[tilespmem:s9+$0xFFFFFFF0] =	vst v2;
	s2 =	sadd.s32 $0x1, s2;
	v63 =	vand.u32 $0xFFFF0000, v50;
	v2 =	vmul.f32 v62, v59  }
0x351: {  	p1 =	sne.s32 s2, $0x9E;
	[tilespmem:s9+$0xF0] =	vst v1;
	v1 =	vand.u32 $0xFFFF0000, v6;
	v4 =	vmul.f32 v63, v60  }
.Ltmp3:
0x352: {  	[tilespmem:s24+$0x1F0] =	vst v2;
	v2 =	vand.u32 $0xFFFF0000, v3;
	v1 =	vmul.f32 v1, v61;
	(pc) =	sbr.rel @p1 .LBB2_4-.Ltmp3, $4  }
0x353: {  	[tilespmem:s24+$0xFFFFFEF0] =	vst v4;
	v2 =	vmul.f32 v2, v10  }
0x354: {  	[tilespmem:s24+$0xFFFFFFF0] =	vst v1  }
0x355: {  	[tilespmem:s24+$0xF0] =	vst v2  }
0x356: {  	[spmem:s3] =	stream.indirect.scatter.add.f32 [tilespmem:s21], [sflag:$0xA], $0x80, s20, s10, $0xb8;
	[tilespmem:$0x1DB80] =	vst v63  }
0x357: {  	s2 =	simm.s32 $0x9  }
0x358: {  	_ =	swait.ge [sflag:s2], $0x2000  }
0x359: {  	[sflag:s2] =	ssyncset.done $0x0  }
0x35a: {  	s24 =	simm.s32 $0xA;
	[sflag:s2] =	ssyncadd.s32 $0xFFFFE000  }
0x35b: {  	_ =	swait.ge [sflag:s24], $0x2000  }
0x35c: {  	[sflag:s24] =	ssyncset.done $0x0  }
0x35d: {  	[sflag:s24] =	ssyncadd.s32 $0xFFFFE000  }
0x35e: {  	s25 =	stileid.u32;
	[bflag:$0x0] =	sbarrier.arrive $0xFFFF  }
0x35f: {  	s2 =	sshll.u32 s25, $0x6;
	s15 =	rddreg [dreg:$0x4]  }
0x360: {  	s2 =	sor.u32 $0x1C0B, s2;
	s8 =	rddreg [dreg:$0x11];
	s4 =	sshrl.u32 s15, $0x3  }
0x361: {  	[hbm:s8], [sflag:s2] =	dma.local [spmem:s4], $0x2700  }
0x362: {  	_ =	swait.ge [sflag:s31], $0x2700  }
0x363: {  	[sflag:s31] =	ssyncset.done $0x0;
	s9 =	rddreg [dreg:$0x15]  }
0x364: {  	s8 =	rddreg [dreg:$0x12];
	[sflag:s31] =	ssyncadd.s32 $0xFFFFD900;
	s4 =	sshrl.u32 @!p0 s9, $0x3  }
0x365: {  	[hbm:s8], [sflag:s2] =	dma.local @!p0 [spmem:s4], $0x100  }
0x366: {  	s2 =	simm.s32 @!p0 $0xB  }
0x367: {  	_ =	swait.ge @!p0 [sflag:s2], $0x100  }
0x368: {  	s26 =	rddreg [dreg:$0x16]  }
0x369: {  	s28 =	rddreg [dreg:$0x13];
	s8 =	sadd.s32 $0x1, s26  }
0x36a: {  	p1 =	sne.s32 s8, s28  }
.Ltmp4:
0x36b: {  	_ = 	snop;
	(pc) =	sbr.rel @p1 .LBB2_1-.Ltmp4, $3  }
0x36c: {  	_ =	sdelay $0x1  }
0x36d: {  	[sflag:s2] =	ssyncset.done @!p0 $0x0  }
0x36e: {  	[sflag:s2] =	ssyncadd.s32 @!p0 $0xFFFFFF00  }
0x36f: {  	_ =	sfence.sel $0x180000  }
0x370: {  	[bflag:$0x0] =	sbarrier.arrive $0xFFFF  }
0x371: {  	_ =	strace $0x9000004A  }
0x372: {  	[bflag:$0x2] =	sbarrier.arrive $0xFFFF  }
0x373: {  	s0 =	rddreg [dreg:$0x3]  }
0x374: {  	s0 =	sadd.s32 @!p0 $0x100000, s0  }
0x375: {  	[sflag:s0] =	ssyncadd.tile.s32 @!p0 $0x1;
	_ =	shalt  }
.Lfunc_end2:
_tile_overlayer_lowered:
.L_overlay_start_2:
0x376: {  	(tag) =	ssettag $0x2  }
0x377: {  	s0 =	rddreg [dreg:$0x0];
	s2 =	stileid.u32  }
0x378: {  	s1 =	rddreg [dreg:$0x1];
	p0 =	sne.s32 s2, $0x0  }
0x379: {  	s3 =	rddreg [dreg:$0x2];
	[bflag:$0x3] =	sbarrier.arrive $0xFFFF;
	s2 =	simm.s32 @!p0 $0x1C0B  }
0x37a: {  	[timem:s3], [sflag:s2] =	dma.local @!p0 [hbm:s0], s1  }
0x37b: {  	s0 =	simm.s32 @!p0 $0xB  }
0x37c: {  	_ =	swait.ge @!p0 [sflag:s0], s1  }
0x37d: {  	s1 =	ssub.s32 @!p0 $0x0, s1;
	[sflag:s0] =	ssyncset.done @!p0 $0x0  }
0x37e: {  	[sflag:s0] =	ssyncadd.s32 @!p0 s1  }
0x37f: {  	[bflag:$0x3] =	sbarrier.arrive $0xFFFF  }
0x380: {  	_ =	shalt  }

// kernel: kernel.8.cloned.1.call-start
scs
__scs_entry_jumppad:
0x0: {  	(pc) =	sbr.rel $0x88, $3  }
0x1: {  	(tag) =	ssettag $0x0;
	lr =	simm.s32 $0x1  }
0x2: {  	[smem:$0x3F96] =	sst lr;
	_ =	strace $0xD0000000  }
0x3: {  	_ = 	snop  }
0x4: {  	_ = 	snop  }
0x5: {  	_ = 	snop  }
0x6: {  	_ = 	snop  }
0x7: {  	_ = 	snop  }
__scs_overlays_trampoline_lowered:
0x8: {  	[smem:$0x3FA5] =	sst s0  }
0x9: {  	[smem:$0x3FA6] =	sst s1  }
0xa: {  	[smem:$0x3FA7] =	sst s2  }
0xb: {  	[smem:$0x3FA8] =	sst s3  }
0xc: {  	[smem:$0x3FA9] =	sst s4  }
0xd: {  	[smem:$0x3FAA] =	sst s5  }
0xe: {  	[smem:$0x3FAB] =	sst s6  }
0xf: {  	[smem:$0x3FAC] =	sst s7  }
0x10: {  	[smem:$0x3FAD] =	sst s8  }
0x11: {  	[smem:$0x3FAE] =	sst s9;
	s0 =	simm.s32 @!p0 $0x0  }
0x12: {  	s1 =	sld [smem:$0x3F94];
	s0 =	simm.s32 @p0 $0x1  }
0x13: {  	[smem:$0x3FAF] =	sst s0;
	s0 =	simm.s32 @!p1 $0x0  }
0x14: {  	s2 =	sld [smem:$0x3F93];
	s0 =	simm.s32 @p1 $0x1  }
0x15: {  	[smem:$0x3FB0] =	sst s0;
	s0 =	simm.s32 @!p2 $0x0  }
0x16: {  	s3 =	sld [smem:$0x3FDB];
	s0 =	simm.s32 @p2 $0x1  }
0x17: {  	s4 =	simm.s32 $0x1BF5;
	[smem:$0x3FB2] =	sst s0  }
0x18: {  	s0 =	sld [smem:$0x3F95];
	_ =	swait.ge [sflag:s4], $0x0  }
0x19: {  	s7 =	sld [smem:$0x3F96]  }
0x1a: {  	s8 =	sadd.s32 $0xFFFFE003, lr  }
0x1b: {  	s9 =	sadd.s32 $0xFFFFFEF7, lr;
	s5 =	simm.s32 $0xFFFFFFFF;
	p2 =	slt.u32 s8, $0xFFFFF086  }
0x1c: {  	p1 =	slt.u32 s9, $0xF7A;
	s5 =	simm.s32 @!p2 $0x0  }
0x1d: {  	s5 =	simm.s32 @p1 $0x1;
	p0 =	seq.s32 s7, s2  }
0x1e: {  	s7 =	smul.u32 @!p0 $0xF7A, s2;
	p2 =	seq.s32 @!p0 s5, $0x0  }
0x1f: {  	s9 =	smul.u32 $0xF7A, s1;
	s8 =	simm.s32 @!p0 $0x1BF5;
	p2 =	por !p2, p0  }
0x20: {  	[sflag:s8] =	ssyncset.s32 @!p0 $0xFFFFF086;
	s6 =	sadd.s32 @!p0 s3, s7;
	s7 =	simm.s32 @!p0 $0x108  }
0x21: {  	s3 =	sadd.s32 s3, s9;
	s6 =	sadd.s32 @!p0 $0x88, s6;
	s7 =	simm.s32 @p2 $0x1082  }
0x22: {  	[simem:s7], [sflag:s8] =	dma.local @!p0 [hbm:s6], $0xF7A  }
0x23: {  	s9 =	sor.u32 $0xD0000000, s2;
	s6 =	simm.s32 $0x108;
	_ =	swait.ge @!p0 [sflag:s8], $0x0  }
0x24: {  	s3 =	sadd.s32 $0x88, s3;
	s6 =	simm.s32 @!p1 $0x1082;
	[sflag:s4] =	ssyncset.s32 $0xFFFFF086  }
0x25: {  	[simem:s6], [sflag:s4] =	dma.local [hbm:s3], $0xF7A  }
0x26: {  	[smem:$0x3F96] =	sst s1;
	(tag) =	ssettag s2;
	_ =	strace s9  }
0x27: {  	s1 =	sld [smem:$0x3FA6]  }
0x28: {  	s2 =	sld [smem:$0x3FA7]  }
0x29: {  	s4 =	sld [smem:$0x3FA9]  }
0x2a: {  	p0 =	seq.s32 s5, $0x0;
	s5 =	sld [smem:$0x3FAA]  }
0x2b: {  	s6 =	sld [smem:$0x3FAB]  }
0x2c: {  	s7 =	sld [smem:$0x3FAC]  }
0x2d: {  	s3 =	simm.s32 $0x108;
	s8 =	sld [smem:$0x3FAD]  }
0x2e: {  	s3 =	simm.s32 @!p0 $0x1082;
	s9 =	sld [smem:$0x3FAE]  }
0x2f: {  	lr =	sadd.s32 s0, s3;
	s0 =	sld [smem:$0x3FA5]  }
0x30: {  	s3 =	sld [smem:$0x3FA8]  }
0x31: {  	[smem:$0x3FB1] =	sst s10  }
0x32: {  	s10 =	sld [smem:$0x3FAF];
	_ =	sdelay $0x3  }
0x33: {  	p0 =	seq.s32 s10, $0x1;
	s10 =	sld [smem:$0x3FB1];
	_ =	sdelay $0x3  }
0x34: {  	[smem:$0x3FB1] =	sst s10  }
0x35: {  	s10 =	sld [smem:$0x3FB0];
	_ =	sdelay $0x3  }
0x36: {  	p1 =	seq.s32 s10, $0x1;
	s10 =	sld [smem:$0x3FB1];
	_ =	sdelay $0x3  }
0x37: {  	[smem:$0x3FB1] =	sst s10  }
0x38: {  	s10 =	sld [smem:$0x3FB2]  }
0x39: {  	_ = 	snop;
	(pc) =	sbr.ind lr, $3  }
0x3a: {  	_ = 	snop  }
0x3b: {  	_ = 	snop  }
0x3c: {  	p2 =	seq.s32 s10, $0x1;
	s10 =	sld [smem:$0x3FB1]  }
0x3d: {  	_ =	shalt  }
0x3e: {  	_ =	shalt  }
0x3f: {  	_ =	shalt  }
0x40: {  	_ =	shalt  }
0x41: {  	_ =	shalt  }
0x42: {  	_ =	shalt  }
0x43: {  	_ =	shalt  }
0x44: {  	_ =	shalt  }
0x45: {  	_ =	shalt  }
0x46: {  	_ =	shalt  }
0x47: {  	_ =	shalt  }
0x48: {  	_ =	shalt  }
0x49: {  	_ =	shalt  }
0x4a: {  	_ =	shalt  }
0x4b: {  	_ =	shalt  }
0x4c: {  	_ =	shalt  }
0x4d: {  	_ =	shalt  }
0x4e: {  	_ =	shalt  }
0x4f: {  	_ =	shalt  }
0x50: {  	_ =	shalt  }
0x51: {  	_ =	shalt  }
0x52: {  	_ =	shalt  }
0x53: {  	_ =	shalt  }
0x54: {  	_ =	shalt  }
0x55: {  	_ =	shalt  }
0x56: {  	_ =	shalt  }
0x57: {  	_ =	shalt  }
0x58: {  	_ =	shalt  }
0x59: {  	_ =	shalt  }
0x5a: {  	_ =	shalt  }
0x5b: {  	_ =	shalt  }
0x5c: {  	_ =	shalt  }
0x5d: {  	_ =	shalt  }
0x5e: {  	_ =	shalt  }
0x5f: {  	_ =	shalt  }
0x60: {  	_ =	shalt  }
0x61: {  	_ =	shalt  }
0x62: {  	_ =	shalt  }
0x63: {  	_ =	shalt  }
0x64: {  	_ =	shalt  }
0x65: {  	_ =	shalt  }
0x66: {  	_ =	shalt  }
0x67: {  	_ =	shalt  }
0x68: {  	_ =	shalt  }
0x69: {  	_ =	shalt  }
0x6a: {  	_ =	shalt  }
0x6b: {  	_ =	shalt  }
0x6c: {  	_ =	shalt  }
0x6d: {  	_ =	shalt  }
0x6e: {  	_ =	shalt  }
0x6f: {  	_ =	shalt  }
0x70: {  	_ =	shalt  }
0x71: {  	_ =	shalt  }
0x72: {  	_ =	shalt  }
0x73: {  	_ =	shalt  }
0x74: {  	_ =	shalt  }
0x75: {  	_ =	shalt  }
0x76: {  	_ =	shalt  }
0x77: {  	_ =	shalt  }
0x78: {  	_ =	shalt  }
0x79: {  	_ =	shalt  }
0x7a: {  	_ =	shalt  }
0x7b: {  	_ =	shalt  }
0x7c: {  	_ =	shalt  }
0x7d: {  	_ =	shalt  }
0x7e: {  	_ =	shalt  }
0x7f: {  	_ =	shalt  }
0x80: {  	_ =	shalt  }
0x81: {  	_ =	shalt  }
0x82: {  	_ =	shalt  }
0x83: {  	_ =	shalt  }
0x84: {  	_ =	shalt  }
0x85: {  	_ =	shalt  }
0x86: {  	_ =	shalt  }
0x87: {  	_ =	shalt  }
.Lfunc_end0:
.L_simem_size_0:
called_computation_lowered:
.L_overlay_start_0:
0x88: {  	s2 =	sld [smem:$0x3FD9]  }
0x89: {  	s3 =	sld [smem:$0x3FFE];
	_ =	sdelay $0x1  }
0x8a: {  	s1 =	srdreg.scid  }
0x8b: {  	s0 =	sand.u32 $0x1, s1  }
0x8c: {  	s17 =	sshll.u32 s0, $0xA;
	s2 =	sadd.s32 s3, s2  }
0x8d: {  	s2 =	sadd.s32 s2, s17  }
0x8e: {  	[smem:$0x3FBD] =	sst s2  }
0x8f: {  	_ = 	snop  }
0x90: {  	s2 =	sld [smem:$0x3FD0];
	(tm) =	ssettm $0x1  }
0x91: {  	s18 =	sld [smem:$0x3FFB];
	_ =	sdelay $0x3  }
0x92: {  	_ =	strace s18  }
0x93: {  	s3 =	sld [smem:$0x3FFC];
	_ =	sdelay $0x3  }
0x94: {  	_ =	strace s3  }
0x95: {  	s3 =	sld [smem:$0x3FFD];
	_ =	sdelay $0x3  }
0x96: {  	_ =	strace s3  }
0x97: {  	_ =	strace $0x8FFFFFFF  }
0x98: {  	s19 =	sld [smem:$0x3FDB];
	_ =	sdelay $0x1  }
0x99: {  	s4 =	simm.s32 $_scs_section_size  }
0x9a: {  	s5 =	simm.s32 $_size__tile_overlayer_lowered;
	s6 =	simm.s32 $_tile_overlayer_lowered  }
0x9b: {  	s22 =	simm.s32 $0x1BFF;
	s21 =	sshll.u32 s6, $0x1;
	s3 =	sadd.s32 s4, s19  }
0x9c: {  	s7 =	simm.s32 $0x0;
	s20 =	sshll.u32 s5, $0x1;
	s5 =	sadd.s32 s21, s3  }
0x9d: {  	[timem:s7], [sflag:s22] =	dma.local [hbm:s5], s20  }
0x9e: {  	_ =	swait.ge [sflag:s22], s20  }
0x9f: {  	s4 =	ssub.s32 $0x0, s20;
	[sflag:s22] =	ssyncset.done $0x0  }
0xa0: {  	[sflag:s22] =	ssyncadd.s32 s4;
	_ =	sdelay $0x1  }
0xa1: {  	s23 =	simm.s32 $0x1B8B  }
0xa2: {  	_ =	swait.ge [sflag:s23], $0x1  }
0xa3: {  	[sflag:s23] =	ssyncset.done $0x0  }
0xa4: {  	s25 =	simm.s32 $0x1B8E;
	s24 =	sld [smem:$0x3FFE];
	[sflag:s23] =	ssyncadd.s32 $0xFFFFFFFF  }
0xa5: {  	s26 =	simm.s32 $execute0_lowered;
	[smem:$0x3FD2] =	sst s25  }
0xa6: {  	s5 =	sshll.u32 s26, $0x1;
	_ =	strace $0x80000046;
	[dreg:$0x1] =	wrdreg $0xFFFFFFFF  }
0xa7: {  	s28 =	simm.s32 $_size_execute0_lowered;
	s3 =	sadd.s32 s3, s5;
	[dreg:$0x0] =	wrdreg $0x0  }
0xa8: {  	s5 =	sshll.u32 s28, $0x1;
	[dreg:$0x2] =	wrdreg s3  }
0xa9: {  	[dreg:$0x3] =	wrdreg s5  }
0xaa: {  	[dreg:$0x4] =	wrdreg $0xC0  }
0xab: {  	_ =	task [dreg:s7], $0x5FFFF  }
0xac: {  	[dreg:$0x1] =	wrdreg $0xFFFFFFFF  }
0xad: {  	[dreg:$0x0] =	wrdreg $0x60  }
0xae: {  	[dreg:$0x2] =	wrdreg s24  }
0xaf: {  	[dreg:$0x3] =	wrdreg s2  }
0xb0: {  	[dreg:$0x4] =	wrdreg $0xA3000  }
0xb1: {  	[dreg:$0x5] =	wrdreg $0x9  }
0xb2: {  	_ =	task.clear_ibuf [dreg:s7], $0x6FFFF;
	_ =	strace $0x90000046  }
0xb3: {  	s29 =	simm.s32 $0x9;
	_ =	strace $0x80000048  }
0xb4: {  	_ =	swait.ge [sflag:s29], $0x1  }
0xb5: {  	[sflag:s29] =	ssyncadd.s32 $0xFFFFFFFF  }
0xb6: {  	_ =	strace $0x90000048  }
0xb7: {  	_ =	sfence  }
0xb8: {  	s30 =	sld [smem:$0x0];
	_ =	sdelay $0x2  }
0xb9: {  	s31 =	sshll.u32 s1, $0xD;
	s1 =	sshrl.u32 s1, $0x2  }
0xba: {  	s3 =	sand.u32 $0x4000, s31;
	s1 =	sadd.s32 s1, s30  }
0xbb: {  	s0 =	sor.u32 s3, s0;
	s1 =	sshll.u32 s1, $0x11  }
0xbc: {  	s0 =	sor.u32 s1, s0  }
0xbd: {  	s0 =	sadd.s32 $0x8F2B, s0  }
0xbe: {  	[sflag:s0] =	ssyncadd.remote.s32 $0x1  }
0xbf: {  	_ =	sfence.sel $0xFFFF  }
0xc0: {  	[dreg:$0x0] =	wrdreg $0xFFFFFFFF;
	(pc) =	sbr.abs _section_cstart, $3  }
0xc1: {  	[dreg:$0x1] =	wrdreg $0xFFFFFFFF  }
0xc2: {  	_ =	task.clear_ibuf [dreg:s7], $0x2FFFF;
	_ =	strace $0x9FFFFFFF  }
0xc3: {  	(tm) =	ssettm $0x7FFFFFFF  }
tec
execute0_lowered:
.L_overlay_start_1:
0x0: {  	(tag) =	ssettag $0x1  }
0x1: {  	s1 =	rddreg [dreg:$0x0]  }
0x2: {  	s2 =	srdreg.scid;
	s13 =	stileid.u32  }
0x3: {  	s0 =	rddreg [dreg:$0x1];
	s5 =	smul.u32 $0x2780, s13  }
0x4: {  	s3 =	rddreg [dreg:$0x2];
	s6 =	simm.s32 $0x0;
	s7 =	smul.u32 $0x4E000, s13  }
0x5: {  	s30 =	simm.s32 $0x6300;
	s2 =	sand.u32 $0x1, s2;
	s28 =	smul.u32 $0x2700, s13  }
0x6: {  	s31 =	simm.s32 $0xB;
	[smem:$0x7FF] =	sst s6;
	s4 =	smul.u32 $0x27800, s2  }
0x7: {  	s6 =	sadd.s32 $0x4FCE00, s1;
	p0 =	sne.s32 s13, $0x0;
	s11 =	smul.u32 $0x27100, s2  }
0x8: {  	_ =	strace $0x80000047;
	s8 =	ssub.s32 $0x2, s2;
	s2 =	smul.u32 $0x138800, s2  }
0x9: {  	s9 =	sshrl.u32 s7, $0x2;
	s10 =	sshrl.u32 s8, $0x1;
	s7 =	smul.u32 $0x4F00, s13  }
0xa: {  	s13 =	simm.s32 $0x2;
	s4 =	sadd.s32 s5, s4;
	s5 =	sadd.s32 $0x4F3000, s1  }
0xb: {  	s15 =	sadd.s32 s9, s3;
	s8 =	ssub.s32 s8, s10;
	s9 =	sadd.s32 s28, s11  }
0xc: {  	s2 =	sshrl.u32 s2, $0x3;
	s12 =	sadd.s32 $0x2000, s15;
	[dreg:$0x4] =	wrdreg s15  }
0xd: {  	s11 =	simm.s32 $0x5;
	s14 =	sadd.s32 $0x4000, s15;
	[dreg:$0x5] =	wrdreg s12  }
0xe: {  	s4 =	sshll.u32 s4, $0x4;
	s16 =	sadd.s32 $0x6000, s15;
	[dreg:$0x6] =	wrdreg s14  }
0xf: {  	s17 =	sadd.s32 $0x8000, s15;
	s18 =	sadd.s32 $0xA000, s15;
	[dreg:$0x7] =	wrdreg s16  }
0x10: {  	s19 =	sadd.s32 $0xC000, s15;
	s20 =	sadd.s32 $0xE000, s15;
	[dreg:$0x8] =	wrdreg s17  }
0x11: {  	s21 =	sadd.s32 $0x10000, s15;
	s22 =	sshrl.u32 s7, $0x3;
	[dreg:$0x9] =	wrdreg s18  }
0x12: {  	s26 =	smax.u32 s8, $0x1;
	s28 =	sadd.s32 $0x12000, s15;
	[dreg:$0xa] =	wrdreg s19  }
0x13: {  	s29 =	sor.u32 $0xC0, s7;
	s8 =	simm.s32 $0x0;
	[dreg:$0xb] =	wrdreg s20  }
0x14: {  	s4 =	sadd.s32 s4, s1;
	s1 =	sadd.s32 $0x9F7000, s1;
	[dreg:$0xc] =	wrdreg s21  }
0x15: {  	s12 =	sadd.s32 s5, s22;
	s23 =	sor.u32 $0x8, s22;
	[dreg:$0x13] =	wrdreg s26  }
0x16: {  	s10 =	sadd.s32 s6, s22;
	[dreg:$0x14] =	wrdreg s28;
	s14 =	simm.s32 $0x4  }
0x17: {  	s16 =	simm.s32 $0x5300;
	s17 =	simm.s32 $0x200;
	s18 =	simm.s32 $0x6  }
0x18: {  	s19 =	simm.s32 $0x8;
	s20 =	simm.s32 $0x280;
	[dreg:$0xd] =	wrdreg s12  }
0x19: {  	s21 =	simm.s32 $0x8300;
	[dreg:$0xe] =	wrdreg s10;
	s24 =	sadd.s32 s5, s23  }
0x1a: {  	s25 =	sadd.s32 s6, s23;
	s9 =	sadd.s32 s1, s9;
	[dreg:$0xf] =	wrdreg s24  }
0x1b: {  	s1 =	sadd.s32 s1, s2;
	s22 =	sadd.s32 $0x507000, s4;
	[dreg:$0x10] =	wrdreg s25  }
0x1c: {  	s23 =	sadd.s32 $0x507200, s4;
	[dreg:$0x11] =	wrdreg s9;
	s1 =	sadd.s32 $0x27000, s1  }
0x1d: {  	s10 =	simm.s32 $0x40;
	s9 =	sadd.s32 $0x138000, s3;
	[dreg:$0x12] =	wrdreg s1  }
0x1e: {  	v0 =	vimm.f32 $0.0e+00;
	s12 =	simm.s32 $0x7;
	s1 =	simm.s32 $0x80;
	[dreg:$0x15] =	wrdreg s9  }
.LBB2_1:
0x1f: {  	[dreg:$0x16] =	wrdreg s8;
	s2 =	simm.s32 $0x0;
	s4 =	simm.s32 $0x200  }
.LBB2_2:
0x20: {  	p1 =	sne.s32 s4, $0x7E00;
	[tilespmem:s2+$0x6370] =	vst v0  }
0x21: {  	[tilespmem:s2+$0x6300] =	vst v0  }
0x22: {  	[tilespmem:s2+$0x6310] =	vst v0  }
.Ltmp0:
0x23: {  	[tilespmem:s2+$0x6320] =	vst v0;
	(pc) =	sbr.rel @p1 .LBB2_2-.Ltmp0, $4  }
0x24: {  	[tilespmem:s2+$0x6330] =	vst v0  }
0x25: {  	[tilespmem:s2+$0x6340] =	vst v0  }
0x26: {  	[tilespmem:s2+$0x6350] =	vst v0  }
0x27: {  	[tilespmem:s2+$0x6360] =	vst v0;
	s2 =	sshra.s32 s4, $0x2;
	s4 =	sadd.s32 $0x200, s4  }
0x28: {  	[tilespmem:s2+$0x6370] =	vst v0  }
0x29: {  	[tilespmem:s2+$0x6300] =	vst v0  }
0x2a: {  	[tilespmem:s2+$0x6310] =	vst v0  }
0x2b: {  	[tilespmem:s2+$0x6320] =	vst v0  }
0x2c: {  	[tilespmem:s2+$0x6330] =	vst v0  }
0x2d: {  	[tilespmem:s2+$0x6340] =	vst v0  }
0x2e: {  	[tilespmem:s2+$0x6350] =	vst v0  }
0x2f: {  	[tilespmem:s2+$0x6360] =	vst v0  }
0x30: {  	[spmem:s15] =	stream.linear.scatter [tilespmem:s30], [sflag:$0xB], $0x2000, $0x38;
	[tilespmem:$0x1DB80] =	vst v63  }
0x31: {  	_ =	swait.ge [sflag:s31], $0x2000  }
0x32: {  	[sflag:s31] =	ssyncset.done $0x0  }
0x33: {  	s25 =	rddreg [dreg:$0x5];
	[sflag:s31] =	ssyncadd.s32 $0xFFFFE000  }
0x34: {  	[spmem:s25] =	stream.linear.scatter [tilespmem:s30], [sflag:$0xB], $0x2000, $0x38;
	[tilespmem:$0x1DB80] =	vst v63  }
0x35: {  	_ =	swait.ge [sflag:s31], $0x2000  }
0x36: {  	[sflag:s31] =	ssyncset.done $0x0  }
0x37: {  	s26 =	rddreg [dreg:$0x6];
	[sflag:s31] =	ssyncadd.s32 $0xFFFFE000  }
0x38: {  	[spmem:s26] =	stream.linear.scatter [tilespmem:s30], [sflag:$0xB], $0x2000, $0x38;
	[tilespmem:$0x1DB80] =	vst v63  }
0x39: {  	_ =	swait.ge [sflag:s31], $0x2000  }
0x3a: {  	[sflag:s31] =	ssyncset.done $0x0  }
0x3b: {  	s28 =	rddreg [dreg:$0x7];
	[sflag:s31] =	ssyncadd.s32 $0xFFFFE000  }
0x3c: {  	[spmem:s28] =	stream.linear.scatter [tilespmem:s30], [sflag:$0xB], $0x2000, $0x38;
	[tilespmem:$0x1DB80] =	vst v63  }
0x3d: {  	_ =	swait.ge [sflag:s31], $0x2000  }
0x3e: {  	[sflag:s31] =	ssyncset.done $0x0  }
0x3f: {  	s4 =	rddreg [dreg:$0x8];
	[sflag:s31] =	ssyncadd.s32 $0xFFFFE000  }
0x40: {  	[spmem:s4] =	stream.linear.scatter [tilespmem:s30], [sflag:$0xB], $0x2000, $0x38;
	[tilespmem:$0x1DB80] =	vst v63  }
0x41: {  	_ =	swait.ge [sflag:s31], $0x2000  }
0x42: {  	[sflag:s31] =	ssyncset.done $0x0  }
0x43: {  	s8 =	rddreg [dreg:$0x9];
	[sflag:s31] =	ssyncadd.s32 $0xFFFFE000  }
0x44: {  	[spmem:s8] =	stream.linear.scatter [tilespmem:s30], [sflag:$0xB], $0x2000, $0x38;
	[tilespmem:$0x1DB80] =	vst v63  }
0x45: {  	_ =	swait.ge [sflag:s31], $0x2000  }
0x46: {  	[sflag:s31] =	ssyncset.done $0x0  }
0x47: {  	s15 =	rddreg [dreg:$0xa];
	[sflag:s31] =	ssyncadd.s32 $0xFFFFE000  }
0x48: {  	[spmem:s15] =	stream.linear.scatter [tilespmem:s30], [sflag:$0xB], $0x2000, $0x38;
	[tilespmem:$0x1DB80] =	vst v63  }
0x49: {  	_ =	swait.ge [sflag:s31], $0x2000  }
0x4a: {  	[sflag:s31] =	ssyncset.done $0x0  }
0x4b: {  	s24 =	rddreg [dreg:$0xb];
	[sflag:s31] =	ssyncadd.s32 $0xFFFFE000  }
0x4c: {  	[spmem:s24] =	stream.linear.scatter [tilespmem:s30], [sflag:$0xB], $0x2000, $0x38;
	[tilespmem:$0x1DB80] =	vst v63  }
0x4d: {  	_ =	swait.ge [sflag:s31], $0x2000  }
0x4e: {  	[sflag:s31] =	ssyncset.done $0x0  }
0x4f: {  	s25 =	rddreg [dreg:$0xc];
	[sflag:s31] =	ssyncadd.s32 $0xFFFFE000  }
0x50: {  	[spmem:s25] =	stream.linear.scatter [tilespmem:s30], [sflag:$0xB], $0x2000, $0x38;
	[tilespmem:$0x1DB80] =	vst v63  }
0x51: {  	_ =	swait.ge [sflag:s31], $0x2000  }
0x52: {  	[sflag:s31] =	ssyncset.done $0x0  }
0x53: {  	s26 =	rddreg [dreg:$0x14];
	[sflag:s31] =	ssyncadd.s32 $0xFFFFE000  }
0x54: {  	[spmem:s26] =	stream.linear.scatter [tilespmem:s30], [sflag:$0xB], $0x1800, $0x38;
	[tilespmem:$0x1DB80] =	vst v63  }
0x55: {  	_ =	swait.ge [sflag:s31], $0x1800  }
0x56: {  	[sflag:s31] =	ssyncset.done $0x0  }
0x57: {  	s2 =	simm.s32 @!p0 $0x6300;
	[sflag:s31] =	ssyncadd.s32 $0xFFFFE800  }
0x58: {  	[spmem:s9] =	stream.linear.scatter @!p0 [tilespmem:s2], [sflag:$0xB], $0x800, $0x38;
	[tilespmem:$0x1DB80] =	vst v63  }
0x59: {  	s2 =	simm.s32 @!p0 $0xB  }
0x5a: {  	_ =	swait.ge @!p0 [sflag:s2], $0x800  }
0x5b: {  	[sflag:s2] =	ssyncset.done @!p0 $0x0  }
0x5c: {  	[sflag:s2] =	ssyncadd.s32 @!p0 $0xFFFFF800  }
0x5d: {  	[bflag:$0x0] =	sbarrier.arrive $0xFFFF  }
0x5e: {  	s2 =	simm.s32 $0x0;
	s4 =	rddreg [dreg:$0xd]  }
0x5f: {  	[tilespmem:s2], [sflag:$0x1] =	stream.linear.gather [hbm4b:s4+s2], $0x40, $0x38;
	[tilespmem:$0x1DB80] =	vst v63  }
0x60: {  	s8 =	simm.s32 $0x100;
	s28 =	rddreg [dreg:$0xe]  }
0x61: {  	[tilespmem:s8], [sflag:$0x3] =	stream.linear.gather [hbm4b:s28+s2], $0x40, $0x38;
	[tilespmem:$0x1DB80] =	vst v63  }
0x62: {  	s8 =	rddreg [dreg:$0xf]  }
0x63: {  	[tilespmem:s1], [sflag:$0x2] =	stream.linear.gather [hbm4b:s8+s2], $0x40, $0x38;
	[tilespmem:$0x1DB80] =	vst v63  }
0x64: {  	s15 =	simm.s32 $0x180;
	s24 =	simm.s32 $0x1;
	s9 =	rddreg [dreg:$0x10]  }
0x65: {  	[tilespmem:s15], [sflag:$0x4] =	stream.linear.gather [hbm4b:s9+s2], $0x40, $0x38;
	[tilespmem:$0x1DB80] =	vst v63  }
0x66: {  	_ =	swait.ge [sflag:s24], $0x40  }
0x67: {  	[sflag:s24] =	ssyncset.done $0x0  }
0x68: {  	s25 =	simm.s32 $0x3;
	[sflag:s24] =	ssyncadd.s32 $0xFFFFFFC0  }
0x69: {  	_ =	swait.ge [sflag:s25], $0x40  }
0x6a: {  	[sflag:s25] =	ssyncset.done $0x0  }
0x6b: {  	s26 =	simm.s32 $0x300;
	[sflag:s25] =	ssyncadd.s32 $0xFFFFFFC0  }
0x6c: {  	[tilespmem:s26], [sflag:$0x5] =	stream.indirect.gather [hbm4b:s0+s10], $0x80, s2, s10, $0xb8;
	[tilespmem:$0x1DB80] =	vst v63  }
0x6d: {  	s28 =	simm.s32 $0x4300  }
0x6e: {  	[tilespmem:s28], [sflag:$0x7] =	stream.linear.gather [hbm4b:s22+s2], $0x1000, $0x38;
	[tilespmem:$0x1DB80] =	vst v63  }
.LBB2_4:
0x6f: {  	p2 =	seq.s32 s2, $0x0  }
0x70: {  	s4 =	simm.s32 @!p2 $0x9  }
0x71: {  	_ =	swait.ge @!p2 [sflag:s4], $0x2000  }
0x72: {  	[sflag:s4] =	ssyncset.done @!p2 $0x0  }
0x73: {  	[sflag:s4] =	ssyncadd.s32 @!p2 $0xFFFFE000  }
0x74: {  	_ =	swait.ge [sflag:s11], $0x2000  }
0x75: {  	[sflag:s11] =	ssyncset.done $0x0  }
0x76: {  	[sflag:s11] =	ssyncadd.s32 $0xFFFFE000  }
0x77: {  	_ =	swait.ge [sflag:s12], $0x1000  }
0x78: {  	[sflag:s12] =	ssyncset.done $0x0  }
0x79: {  	[sflag:s12] =	ssyncadd.s32 $0xFFFFF000  }
0x7a: {  	v1 =	vld [tilespmem:$0x100]  }
0x7b: {  	v2 =	vld [tilespmem:$0x110]  }
0x7c: {  	v3 =	vld [tilespmem:$0x120]  }
0x7d: {  	s15 =	sshll.u32 s2, $0x1;
	v4 =	vld [tilespmem:$0x130]  }
0x7e: {  	p1 =	seq.s32 s2, $0x9D;
	s9 =	sadd.s32 $0x2, s15  }
0x7f: {  	s4 =	sshll.u32 @!p1 s9, $0x6;
	[tilespmem:$0x200] =	vst v1  }
0x80: {  	s4 =	sadd.s32 @!p1 s7, s4;
	[tilespmem:$0x210] =	vst v2  }
0x81: {  	s4 =	sshrl.u32 @!p1 s4, $0x3;
	[tilespmem:$0x220] =	vst v3  }
0x82: {  	s15 =	simm.s32 @!p1 $0x0;
	s8 =	sadd.s32 @!p1 s5, s4;
	[tilespmem:$0x230] =	vst v4  }
0x83: {  	[tilespmem:s15], [sflag:$0x1] =	stream.linear.gather @!p1 [hbm4b:s8+s15], $0x40, $0x38;
	[tilespmem:$0x1DB80] =	vst v63  }
0x84: {  	s4 =	sadd.s32 @!p1 s6, s4;
	s8 =	simm.s32 @!p1 $0x100  }
0x85: {  	[tilespmem:s8], [sflag:$0x3] =	stream.linear.gather @!p1 [hbm4b:s4+s15], $0x40, $0x38;
	[tilespmem:$0x1DB80] =	vst v63  }
0x86: {  	_ =	swait.ge [sflag:s13], $0x40  }
0x87: {  	[sflag:s13] =	ssyncset.done $0x0  }
0x88: {  	[sflag:s13] =	ssyncadd.s32 $0xFFFFFFC0  }
0x89: {  	_ =	swait.ge [sflag:s14], $0x40  }
0x8a: {  	[sflag:s14] =	ssyncset.done $0x0  }
0x8b: {  	s24 =	simm.s32 $0x2300;
	s25 =	sshll.u32 s2, $0xA;
	[sflag:s14] =	ssyncadd.s32 $0xFFFFFFC0  }
0x8c: {  	[tilespmem:s24], [sflag:$0x6] =	stream.indirect.gather [hbm4b:s0+s10], $0x80, s1, s10, $0xb8;
	[tilespmem:$0x1DB80] =	vst v63  }
0x8d: {  	s26 =	simm.s32 $0x0;
	s4 =	sadd.s32 s25, s23;
	s15 =	simm.s32 $0x4400  }
0x8e: {  	[tilespmem:s16], [sflag:$0x8] =	stream.linear.gather [hbm4b:s4+s26], $0x1000, $0x38;
	[tilespmem:$0x1DB80] =	vst v63  }
0x8f: {  	s26 =	simm.s32 $0x500;
	v1 =	vld [tilespmem:s15+$0x80]  }
0x90: {  	v2 =	vld [tilespmem:s26+$0x100];
	_ =	sdelay $0x3  }
0x91: {  	v3 =	vld [tilespmem:s15+$0xFFFFFF80];
	v4 =	vshll.u32 v1, $0x10  }
0x92: {  	v5 =	vld [tilespmem:s15+$0xFFFFFF00];
	v2 =	vmul.f32 v4, v2  }
0x93: {  	s24 =	simm.s32 $0x6500;
	v4 =	vld [tilespmem:s26+$0xFFFFFE00]  }
0x94: {  	v6 =	vld [tilespmem:s26+$0xFFFFFF00];
	[tilespmem:s24+$0x100] =	vst v2  }
0x95: {  	v2 =	vld [tilespmem:s26+$0x180]  }
0x96: {  	v7 =	vld [tilespmem:s15+$0x0]  }
0x97: {  	v9 =	vld [tilespmem:s26+$0x0];
	v8 =	vshll.u32 v5, $0x10  }
0x98: {  	v4 =	vmul.f32 v8, v4  }
0x99: {  	v1 =	vand.u32 $0xFFFF0000, v1  }
0x9a: {  	v10 =	vshll.u32 v3, $0x10;
	[tilespmem:s24+$0xFFFFFE00] =	vst v4;
	v1 =	vmul.f32 v1, v2  }
0x9b: {  	v6 =	vmul.f32 v10, v6;
	v2 =	vshll.u32 v7, $0x10;
	v4 =	vld [tilespmem:s26+$0xFFFFFE80]  }
0x9c: {  	v2 =	vmul.f32 v2, v9;
	[tilespmem:s24+$0x180] =	vst v1  }
0x9d: {  	[tilespmem:s24+$0xFFFFFF00] =	vst v6;
	v1 =	vld [tilespmem:s15+$0x90]  }
0x9e: {  	[tilespmem:s24+$0x0] =	vst v2;
	v2 =	vld [tilespmem:s26+$0x110]  }
0x9f: {  	v5 =	vand.u32 $0xFFFF0000, v5;
	v6 =	vld [tilespmem:s26+$0xFFFFFF80]  }
0xa0: {  	v4 =	vmul.f32 v5, v4  }
0xa1: {  	v8 =	vld [tilespmem:s26+$0x80]  }
0xa2: {  	[tilespmem:s24+$0xFFFFFE80] =	vst v4;
	v4 =	vshll.u32 v1, $0x10  }
0xa3: {  	v3 =	vand.u32 $0xFFFF0000, v3;
	v2 =	vmul.f32 v4, v2  }
0xa4: {  	v3 =	vmul.f32 v3, v6;
	v6 =	vld [tilespmem:s15+$0xFFFFFF10]  }
0xa5: {  	v5 =	vand.u32 $0xFFFF0000, v7;
	v4 =	vld [tilespmem:s26+$0xFFFFFE10];
	[tilespmem:s24+$0x110] =	vst v2  }
0xa6: {  	[tilespmem:s24+$0xFFFFFF80] =	vst v3;
	v3 =	vmul.f32 v5, v8;
	v2 =	vld [tilespmem:s26+$0x190]  }
0xa7: {  	v5 =	vld [tilespmem:s15+$0xFFFFFF90]  }
0xa8: {  	v7 =	vld [tilespmem:s26+$0xFFFFFF10];
	[tilespmem:s24+$0x80] =	vst v3  }
0xa9: {  	v3 =	vld [tilespmem:s15+$0x10];
	v8 =	vshll.u32 v6, $0x10  }
0xaa: {  	v1 =	vand.u32 $0xFFFF0000, v1;
	v9 =	vld [tilespmem:s26+$0x10];
	v4 =	vmul.f32 v8, v4  }
0xab: {  	v1 =	vmul.f32 v1, v2  }
0xac: {  	[tilespmem:s24+$0xFFFFFE10] =	vst v4;
	v2 =	vshll.u32 v5, $0x10  }
0xad: {  	v4 =	vld [tilespmem:s26+$0xFFFFFE90];
	v2 =	vmul.f32 v2, v7;
	[tilespmem:s24+$0x190] =	vst v1  }
0xae: {  	v8 =	vshll.u32 v3, $0x10;
	v7 =	vld [tilespmem:s15+$0xA0]  }
0xaf: {  	v1 =	vmul.f32 v8, v9;
	[tilespmem:s24+$0xFFFFFF10] =	vst v2;
	v2 =	vld [tilespmem:s26+$0x120]  }
0xb0: {  	v8 =	vld [tilespmem:s26+$0xFFFFFF90]  }
0xb1: {  	[tilespmem:s24+$0x10] =	vst v1;
	v1 =	vand.u32 $0xFFFF0000, v6  }
0xb2: {  	v6 =	vld [tilespmem:s26+$0x90];
	v1 =	vmul.f32 v1, v4  }
0xb3: {  	v4 =	vshll.u32 v7, $0x10  }
0xb4: {  	v5 =	vand.u32 $0xFFFF0000, v5;
	[tilespmem:s24+$0xFFFFFE90] =	vst v1;
	v1 =	vmul.f32 v4, v2  }
0xb5: {  	v2 =	vand.u32 $0xFFFF0000, v3;
	v3 =	vld [tilespmem:s15+$0xFFFFFF20];
	v4 =	vmul.f32 v5, v8  }
0xb6: {  	v5 =	vld [tilespmem:s26+$0xFFFFFE20];
	[tilespmem:s24+$0x120] =	vst v1  }
0xb7: {  	v2 =	vmul.f32 v2, v6;
	[tilespmem:s24+$0xFFFFFF90] =	vst v4;
	v1 =	vld [tilespmem:s26+$0x1A0]  }
0xb8: {  	v4 =	vld [tilespmem:s15+$0xFFFFFFA0]  }
0xb9: {  	[tilespmem:s24+$0x90] =	vst v2;
	v8 =	vld [tilespmem:s26+$0xFFFFFF20]  }
0xba: {  	v2 =	vld [tilespmem:s15+$0x20];
	v6 =	vshll.u32 v3, $0x10  }
0xbb: {  	v7 =	vand.u32 $0xFFFF0000, v7;
	v5 =	vmul.f32 v6, v5;
	v6 =	vld [tilespmem:s26+$0x20]  }
0xbc: {  	v1 =	vmul.f32 v7, v1  }
0xbd: {  	[tilespmem:s24+$0xFFFFFE20] =	vst v5  }
0xbe: {  	v7 =	vshll.u32 v4, $0x10;
	v5 =	vld [tilespmem:s26+$0xFFFFFEA0];
	[tilespmem:s24+$0x1A0] =	vst v1  }
0xbf: {  	v7 =	vmul.f32 v7, v8;
	v1 =	vshll.u32 v2, $0x10;
	v8 =	vld [tilespmem:s15+$0xB0]  }
0xc0: {  	v1 =	vmul.f32 v1, v6;
	v6 =	vld [tilespmem:s26+$0x130]  }
0xc1: {  	[tilespmem:s24+$0xFFFFFF20] =	vst v7  }
0xc2: {  	v3 =	vand.u32 $0xFFFF0000, v3;
	v7 =	vld [tilespmem:s26+$0xFFFFFFA0];
	[tilespmem:s24+$0x20] =	vst v1  }
0xc3: {  	v1 =	vmul.f32 v3, v5;
	v3 =	vld [tilespmem:s26+$0xA0]  }
0xc4: {  	v5 =	vshll.u32 v8, $0x10  }
0xc5: {  	[tilespmem:s24+$0xFFFFFEA0] =	vst v1;
	v1 =	vmul.f32 v5, v6  }
0xc6: {  	v5 =	vld [tilespmem:s15+$0xFFFFFF30]  }
0xc7: {  	v4 =	vand.u32 $0xFFFF0000, v4;
	v2 =	vand.u32 $0xFFFF0000, v2;
	v6 =	vld [tilespmem:s26+$0xFFFFFE30];
	[tilespmem:s24+$0x130] =	vst v1  }
0xc8: {  	v4 =	vmul.f32 v4, v7;
	v1 =	vmul.f32 v2, v3;
	v2 =	vld [tilespmem:s26+$0x1B0];
	_ =	sdelay $0x1  }
0xc9: {  	[tilespmem:s24+$0xFFFFFFA0] =	vst v4  }
0xca: {  	v3 =	vld [tilespmem:s15+$0xFFFFFFB0];
	[tilespmem:s24+$0xA0] =	vst v1;
	v1 =	vshll.u32 v5, $0x10  }
0xcb: {  	v7 =	vand.u32 $0xFFFF0000, v8;
	v1 =	vmul.f32 v1, v6;
	v6 =	vld [tilespmem:s26+$0xFFFFFF30]  }
0xcc: {  	v4 =	vld [tilespmem:s15+$0x30];
	v2 =	vmul.f32 v7, v2  }
0xcd: {  	v8 =	vld [tilespmem:s26+$0x30];
	[tilespmem:s24+$0xFFFFFE30] =	vst v1  }
0xce: {  	v1 =	vld [tilespmem:s26+$0xFFFFFEB0];
	[tilespmem:s24+$0x1B0] =	vst v2  }
0xcf: {  	v2 =	vshll.u32 v3, $0x10;
	v7 =	vld [tilespmem:s15+$0xC0]  }
0xd0: {  	v2 =	vmul.f32 v2, v6;
	v6 =	vld [tilespmem:s26+$0x140]  }
0xd1: {  	v9 =	vshll.u32 v4, $0x10  }
0xd2: {  	v5 =	vand.u32 $0xFFFF0000, v5;
	v8 =	vmul.f32 v9, v8;
	[tilespmem:s24+$0xFFFFFF30] =	vst v2  }
0xd3: {  	v1 =	vmul.f32 v5, v1;
	v2 =	vld [tilespmem:s26+$0xFFFFFFB0]  }
0xd4: {  	[tilespmem:s24+$0x30] =	vst v8;
	v8 =	vshll.u32 v7, $0x10  }
0xd5: {  	v5 =	vld [tilespmem:s26+$0xB0];
	[tilespmem:s24+$0xFFFFFEB0] =	vst v1;
	v1 =	vmul.f32 v8, v6  }
0xd6: {  	v6 =	vld [tilespmem:s15+$0xFFFFFF40]  }
0xd7: {  	v3 =	vand.u32 $0xFFFF0000, v3;
	v8 =	vld [tilespmem:s26+$0xFFFFFE40];
	[tilespmem:s24+$0x140] =	vst v1  }
0xd8: {  	v2 =	vmul.f32 v3, v2;
	v3 =	vld [tilespmem:s26+$0x1C0]  }
0xd9: {  	v1 =	vand.u32 $0xFFFF0000, v4  }
0xda: {  	v1 =	vmul.f32 v1, v5  }
0xdb: {  	[tilespmem:s24+$0xFFFFFFB0] =	vst v2;
	v2 =	vshll.u32 v6, $0x10  }
0xdc: {  	v5 =	vand.u32 $0xFFFF0000, v7;
	[tilespmem:s24+$0xB0] =	vst v1;
	v1 =	vmul.f32 v2, v8  }
0xdd: {  	v2 =	vld [tilespmem:s15+$0x40];
	v3 =	vmul.f32 v5, v3  }
0xde: {  	[tilespmem:s24+$0xFFFFFE40] =	vst v1;
	v1 =	vld [tilespmem:s26+$0x40]  }
0xdf: {  	v5 =	vld [tilespmem:s26+$0xFFFFFEC0];
	[tilespmem:s24+$0x1C0] =	vst v3  }
0xe0: {  	v3 =	vld [tilespmem:s15+$0xD0]  }
0xe1: {  	v8 =	vld [tilespmem:s26+$0x150];
	_ =	sdelay $0x1  }
0xe2: {  	v4 =	vld [tilespmem:s15+$0xFFFFFFC0];
	v10 =	vshll.u32 v2, $0x10  }
0xe3: {  	v7 =	vld [tilespmem:s26+$0xFFFFFF40];
	v6 =	vand.u32 $0xFFFF0000, v6;
	v1 =	vmul.f32 v10, v1  }
0xe4: {  	s28 =	simm.s32 $0x4600;
	v5 =	vmul.f32 v6, v5;
	v6 =	vshll.u32 v3, $0x10  }
0xe5: {  	v11 =	vld [tilespmem:s28+$0xFFFFFF80];
	[tilespmem:s24+$0x40] =	vst v1;
	v1 =	vmul.f32 v6, v8  }
0xe6: {  	s8 =	simm.s32 $0x900;
	v12 =	vld [tilespmem:s28+$0x0]  }
0xe7: {  	v13 =	vld [tilespmem:s8+$0xFFFFFE00];
	v9 =	vshll.u32 v4, $0x10;
	[tilespmem:s24+$0x150] =	vst v1  }
0xe8: {  	v7 =	vmul.f32 v9, v7;
	v1 =	vld [tilespmem:s26+$0x1D0]  }
0xe9: {  	v9 =	vld [tilespmem:s28+$0x80]  }
0xea: {  	[tilespmem:s24+$0xFFFFFF40] =	vst v7;
	v10 =	vld [tilespmem:s8+$0x100]  }
0xeb: {  	v7 =	vld [tilespmem:s26+$0xFFFFFFC0]  }
0xec: {  	[tilespmem:s24+$0xFFFFFEC0] =	vst v5;
	v5 =	vld [tilespmem:s26+$0xC0];
	v3 =	vand.u32 $0xFFFF0000, v3  }
0xed: {  	v6 =	vld [tilespmem:s15+$0xFFFFFF50];
	v1 =	vmul.f32 v3, v1  }
0xee: {  	v3 =	vld [tilespmem:s28+$0xFFFFFF00]  }
0xef: {  	v14 =	vshll.u32 v9, $0x10;
	v8 =	vld [tilespmem:s26+$0xFFFFFE50];
	[tilespmem:s24+$0x1D0] =	vst v1  }
0xf0: {  	v1 =	vmul.f32 v14, v10;
	v10 =	vld [tilespmem:s15+$0xE0]  }
0xf1: {  	s25 =	simm.s32 $0x6900;
	v4 =	vand.u32 $0xFFFF0000, v4;
	v35 =	vld [tilespmem:s26+$0x160]  }
0xf2: {  	v2 =	vand.u32 $0xFFFF0000, v2;
	v4 =	vmul.f32 v4, v7;
	v7 =	vld [tilespmem:s8+$0xFFFFFF00];
	[tilespmem:s25+$0x100] =	vst v1  }
0xf3: {  	v1 =	vmul.f32 v2, v5;
	v2 =	vshll.u32 v3, $0x10;
	v5 =	vld [tilespmem:s8+$0x180]  }
0xf4: {  	[tilespmem:s24+$0xFFFFFFC0] =	vst v4;
	v4 =	vld [tilespmem:s8+$0x0];
	v2 =	vmul.f32 v2, v13  }
0xf5: {  	v36 =	vld [tilespmem:s15+$0xFFFFFFD0];
	[tilespmem:s24+$0xC0] =	vst v1;
	v1 =	vshll.u32 v10, $0x10  }
0xf6: {  	v15 =	vshll.u32 v11, $0x10;
	v16 =	vld [tilespmem:s15+$0x50];
	[tilespmem:s25+$0xFFFFFE00] =	vst v2;
	v1 =	vmul.f32 v1, v35  }
0xf7: {  	v9 =	vand.u32 $0xFFFF0000, v9;
	v7 =	vmul.f32 v15, v7;
	v2 =	vld [tilespmem:s8+$0xFFFFFE80]  }
0xf8: {  	v37 =	vld [tilespmem:s26+$0x50];
	v5 =	vmul.f32 v9, v5;
	[tilespmem:s24+$0x160] =	vst v1  }
0xf9: {  	[tilespmem:s25+$0xFFFFFF00] =	vst v7;
	v1 =	vshll.u32 v12, $0x10;
	v7 =	vld [tilespmem:s26+$0x1E0]  }
0xfa: {  	v1 =	vmul.f32 v1, v4;
	v4 =	vld [tilespmem:s8+$0xFFFFFF80];
	[tilespmem:s25+$0x180] =	vst v5  }
0xfb: {  	v3 =	vand.u32 $0xFFFF0000, v3;
	v5 =	vld [tilespmem:s28+$0x90]  }
0xfc: {  	[tilespmem:s25+$0x0] =	vst v1;
	v1 =	vmul.f32 v3, v2;
	v2 =	vld [tilespmem:s8+$0x110]  }
0xfd: {  	v10 =	vand.u32 $0xFFFF0000, v10;
	v3 =	vld [tilespmem:s8+$0x80]  }
0xfe: {  	v9 =	vld [tilespmem:s26+$0xFFFFFF50];
	[tilespmem:s25+$0xFFFFFE80] =	vst v1;
	v1 =	vmul.f32 v10, v7  }
0xff: {  	v7 =	vand.u32 $0xFFFF0000, v11;
	v10 =	vld [tilespmem:s28+$0xFFFFFF10]  }
0x100: {  	v4 =	vmul.f32 v7, v4;
	v7 =	vld [tilespmem:s8+$0xFFFFFE10];
	v11 =	vshll.u32 v5, $0x10;
	[tilespmem:s24+$0x1E0] =	vst v1  }
0x101: {  	v12 =	vand.u32 $0xFFFF0000, v12;
	v2 =	vmul.f32 v11, v2;
	v1 =	vld [tilespmem:s15+$0xF0]  }
0x102: {  	[tilespmem:s25+$0xFFFFFF80] =	vst v4;
	v3 =	vmul.f32 v12, v3;
	v4 =	vld [tilespmem:s26+$0x170]  }
0x103: {  	v11 =	vld [tilespmem:s28+$0xFFFFFF90];
	[tilespmem:s25+$0x110] =	vst v2  }
0x104: {  	v2 =	vshll.u32 v10, $0x10;
	[tilespmem:s25+$0x80] =	vst v3;
	v3 =	vld [tilespmem:s8+$0x190]  }
0x105: {  	v38 =	vshll.u32 v6, $0x10;
	v39 =	vld [tilespmem:s8+$0xFFFFFF10];
	v2 =	vmul.f32 v2, v7  }
0x106: {  	v8 =	vmul.f32 v38, v8;
	v7 =	vld [tilespmem:s28+$0x10];
	v40 =	vshll.u32 v1, $0x10  }
0x107: {  	v41 =	vld [tilespmem:s8+$0x10];
	[tilespmem:s25+$0xFFFFFE10] =	vst v2;
	v2 =	vshll.u32 v36, $0x10;
	v4 =	vmul.f32 v40, v4  }
0x108: {  	[tilespmem:s24+$0xFFFFFE50] =	vst v8;
	v5 =	vand.u32 $0xFFFF0000, v5;
	v2 =	vmul.f32 v2, v9;
	v8 =	vld [tilespmem:s8+$0xFFFFFE90]  }
0x109: {  	v3 =	vmul.f32 v5, v3;
	v5 =	vld [tilespmem:s26+$0xFFFFFED0];
	[tilespmem:s24+$0x170] =	vst v4  }
0x10a: {  	[tilespmem:s24+$0xFFFFFF50] =	vst v2;
	v4 =	vshll.u32 v11, $0x10;
	v2 =	vld [tilespmem:s26+$0x1F0]  }
0x10b: {  	v9 =	vshll.u32 v7, $0x10;
	v4 =	vmul.f32 v4, v39;
	[tilespmem:s25+$0x190] =	vst v3;
	v3 =	vld [tilespmem:s26+$0xFFFFFFD0]  }
0x10c: {  	v10 =	vand.u32 $0xFFFF0000, v10;
	v9 =	vmul.f32 v9, v41;
	v42 =	vld [tilespmem:s28+$0xA0]  }
0x10d: {  	v8 =	vmul.f32 v10, v8;
	[tilespmem:s25+$0xFFFFFF10] =	vst v4;
	v4 =	vld [tilespmem:s8+$0x120]  }
0x10e: {  	v10 =	vshll.u32 v16, $0x10;
	[tilespmem:s25+$0x10] =	vst v9;
	v43 =	vld [tilespmem:s8+$0xFFFFFF90]  }
0x10f: {  	v6 =	vand.u32 $0xFFFF0000, v6;
	v9 =	vmul.f32 v10, v37;
	[tilespmem:s25+$0xFFFFFE90] =	vst v8;
	v8 =	vld [tilespmem:s8+$0x90]  }
0x110: {  	v10 =	vand.u32 $0xFFFF0000, v36;
	v5 =	vmul.f32 v6, v5;
	v6 =	vld [tilespmem:s28+$0xFFFFFF20]  }
0x111: {  	[tilespmem:s24+$0x50] =	vst v9;
	v3 =	vmul.f32 v10, v3;
	v9 =	vld [tilespmem:s8+$0xFFFFFE20];
	v10 =	vshll.u32 v42, $0x10  }
0x112: {  	v11 =	vand.u32 $0xFFFF0000, v11;
	[tilespmem:s24+$0xFFFFFED0] =	vst v5;
	v5 =	vld [tilespmem:s26+$0xD0];
	v4 =	vmul.f32 v10, v4  }
0x113: {  	v7 =	vand.u32 $0xFFFF0000, v7;
	[tilespmem:s24+$0xFFFFFFD0] =	vst v3;
	v10 =	vld [tilespmem:s15+$0xFFFFFF60];
	v3 =	vmul.f32 v11, v43  }
0x114: {  	v7 =	vmul.f32 v7, v8;
	[tilespmem:s25+$0x120] =	vst v4;
	v4 =	vld [tilespmem:s15+$0xFFFFFFE0]  }
0x115: {  	[tilespmem:s25+$0xFFFFFF90] =	vst v3;
	v3 =	vld [tilespmem:s8+$0x1A0]  }
0x116: {  	v8 =	vshll.u32 v6, $0x10;
	v11 =	vld [tilespmem:s28+$0xFFFFFFA0];
	[tilespmem:s25+$0x90] =	vst v7  }
0x117: {  	v7 =	vand.u32 $0xFFFF0000, v16;
	v8 =	vmul.f32 v8, v9;
	v9 =	vld [tilespmem:s28+$0x20]  }
0x118: {  	v5 =	vmul.f32 v7, v5;
	v7 =	vld [tilespmem:s8+$0xFFFFFF20]  }
0x119: {  	v12 =	vand.u32 $0xFFFF0000, v42;
	[tilespmem:s25+$0xFFFFFE20] =	vst v8;
	v8 =	vld [tilespmem:s8+$0x20]  }
0x11a: {  	[tilespmem:s24+$0xD0] =	vst v5;
	v5 =	vld [tilespmem:s8+$0xFFFFFEA0];
	v3 =	vmul.f32 v12, v3  }
0x11b: {  	v44 =	vld [tilespmem:s15+$0x60]  }
0x11c: {  	v45 =	vshll.u32 v11, $0x10;
	[tilespmem:s25+$0x1A0] =	vst v3;
	v3 =	vld [tilespmem:s26+$0xFFFFFE60]  }
0x11d: {  	v46 =	vshll.u32 v9, $0x10;
	v7 =	vmul.f32 v45, v7;
	v47 =	vld [tilespmem:s28+$0xB0]  }
0x11e: {  	v6 =	vand.u32 $0xFFFF0000, v6;
	v8 =	vmul.f32 v46, v8;
	v48 =	vld [tilespmem:s8+$0x130]  }
0x11f: {  	v5 =	vmul.f32 v6, v5;
	[tilespmem:s25+$0xFFFFFF20] =	vst v7;
	v6 =	vld [tilespmem:s26+$0xFFFFFF60]  }
0x120: {  	v7 =	vld [tilespmem:s8+$0xFFFFFFA0];
	[tilespmem:s25+$0x20] =	vst v8  }
0x121: {  	v8 =	vshll.u32 v10, $0x10;
	[tilespmem:s25+$0xFFFFFEA0] =	vst v5;
	v5 =	vld [tilespmem:s8+$0xA0]  }
0x122: {  	v3 =	vmul.f32 v8, v3;
	v8 =	vld [tilespmem:s28+$0xFFFFFF30];
	v49 =	vshll.u32 v47, $0x10  }
0x123: {  	v50 =	vshll.u32 v4, $0x10;
	v51 =	vld [tilespmem:s8+$0xFFFFFE30];
	v14 =	vmul.f32 v49, v48  }
0x124: {  	v11 =	vand.u32 $0xFFFF0000, v11;
	[tilespmem:s24+$0xFFFFFE60] =	vst v3;
	v3 =	vmul.f32 v50, v6;
	v6 =	vld [tilespmem:s26+$0x60]  }
0x125: {  	v9 =	vand.u32 $0xFFFF0000, v9;
	v7 =	vmul.f32 v11, v7;
	v11 =	vld [tilespmem:s26+$0xFFFFFEE0];
	[tilespmem:s25+$0x130] =	vst v14  }
0x126: {  	v5 =	vmul.f32 v9, v5;
	[tilespmem:s24+$0xFFFFFF60] =	vst v3;
	v9 =	vld [tilespmem:s8+$0x1B0]  }
0x127: {  	[tilespmem:s25+$0xFFFFFFA0] =	vst v7;
	v3 =	vld [tilespmem:s26+$0xFFFFFFE0]  }
0x128: {  	v7 =	vshll.u32 v8, $0x10;
	v52 =	vld [tilespmem:s28+$0xFFFFFFB0];
	[tilespmem:s25+$0xA0] =	vst v5  }
0x129: {  	v5 =	vshll.u32 v44, $0x10;
	v7 =	vmul.f32 v7, v51;
	v53 =	vld [tilespmem:s28+$0x30]  }
0x12a: {  	v13 =	vand.u32 $0xFFFF0000, v47;
	v5 =	vmul.f32 v5, v6;
	v6 =	vld [tilespmem:s8+$0xFFFFFF30]  }
0x12b: {  	[tilespmem:s25+$0xFFFFFE30] =	vst v7;
	v7 =	vld [tilespmem:s8+$0x30];
	v9 =	vmul.f32 v13, v9  }
0x12c: {  	v10 =	vand.u32 $0xFFFF0000, v10;
	[tilespmem:s24+$0x60] =	vst v5;
	v5 =	vld [tilespmem:s8+$0xFFFFFEB0]  }
0x12d: {  	v4 =	vand.u32 $0xFFFF0000, v4;
	v10 =	vmul.f32 v10, v11;
	[tilespmem:s25+$0x1B0] =	vst v9;
	v9 =	vld [tilespmem:s26+$0xE0]  }
0x12e: {  	v3 =	vmul.f32 v4, v3;
	v4 =	vshll.u32 v52, $0x10;
	v11 =	vld [tilespmem:s28+$0xC0]  }
0x12f: {  	[tilespmem:s24+$0xFFFFFEE0] =	vst v10;
	v4 =	vmul.f32 v4, v6;
	v6 =	vld [tilespmem:s8+$0x140]  }
0x130: {  	v55 =	vld [tilespmem:s26+$0xFFFFFE70];
	v10 =	vshll.u32 v53, $0x10;
	[tilespmem:s24+$0xFFFFFFE0] =	vst v3  }
0x131: {  	v8 =	vand.u32 $0xFFFF0000, v8;
	v3 =	vmul.f32 v10, v7;
	v7 =	vld [tilespmem:s15+$0xFFFFFF70];
	[tilespmem:s25+$0xFFFFFF30] =	vst v4  }
0x132: {  	v5 =	vmul.f32 v8, v5;
	v8 =	vand.u32 $0xFFFF0000, v44;
	v10 =	vld [tilespmem:s8+$0xFFFFFFB0]  }
0x133: {  	v4 =	vld [tilespmem:s15+$0xFFFFFFF0];
	[tilespmem:s25+$0x30] =	vst v3;
	v3 =	vmul.f32 v8, v9;
	v8 =	vshll.u32 v11, $0x10  }
0x134: {  	[tilespmem:s25+$0xFFFFFEB0] =	vst v5;
	v5 =	vld [tilespmem:s8+$0xB0];
	v6 =	vmul.f32 v8, v6  }
0x135: {  	v9 =	vld [tilespmem:s28+$0xFFFFFF40];
	[tilespmem:s24+$0xE0] =	vst v3  }
0x136: {  	v3 =	vld [tilespmem:s8+$0xFFFFFE40];
	v8 =	vand.u32 $0xFFFF0000, v52;
	[tilespmem:s25+$0x140] =	vst v6  }
0x137: {  	v8 =	vmul.f32 v8, v10;
	v10 =	vld [tilespmem:s8+$0x1C0]  }
0x138: {  	v54 =	vand.u32 $0xFFFF0000, v53;
	v6 =	vld [tilespmem:s15+$0x70]  }
0x139: {  	v5 =	vmul.f32 v54, v5;
	[tilespmem:s25+$0xFFFFFFB0] =	vst v8;
	v8 =	vld [tilespmem:s26+$0xFFFFFF70]  }
0x13a: {  	v56 =	vshll.u32 v9, $0x10;
	v57 =	vld [tilespmem:s28+$0xFFFFFFC0]  }
0x13b: {  	[tilespmem:s25+$0xB0] =	vst v5;
	v5 =	vand.u32 $0xFFFF0000, v11;
	v11 =	vld [tilespmem:s8+$0xFFFFFF40];
	v3 =	vmul.f32 v56, v3  }
0x13c: {  	v58 =	vld [tilespmem:s28+$0x40];
	v5 =	vmul.f32 v5, v10  }
0x13d: {  	[tilespmem:s25+$0xFFFFFE40] =	vst v3;
	v10 =	vld [tilespmem:s8+$0x40]  }
0x13e: {  	v3 =	vshll.u32 v7, $0x10;
	v59 =	vld [tilespmem:s8+$0xFFFFFEC0];
	[tilespmem:s25+$0x1C0] =	vst v5  }
0x13f: {  	v12 =	vmul.f32 v3, v55;
	v5 =	vshll.u32 v4, $0x10;
	v3 =	vld [tilespmem:s28+$0xD0]  }
0x140: {  	v5 =	vmul.f32 v5, v8;
	v8 =	vshll.u32 v57, $0x10;
	v60 =	vld [tilespmem:s8+$0x150]  }
0x141: {  	[tilespmem:s24+$0xFFFFFE70] =	vst v12;
	v61 =	vshll.u32 v58, $0x10;
	v8 =	vmul.f32 v8, v11;
	v11 =	vld [tilespmem:s26+$0x70]  }
0x142: {  	v9 =	vand.u32 $0xFFFF0000, v9;
	[tilespmem:s24+$0xFFFFFF70] =	vst v5;
	v5 =	vmul.f32 v61, v10;
	v10 =	vld [tilespmem:s26+$0xFFFFFEF0]  }
0x143: {  	v1 =	vand.u32 $0xFFFF0000, v1;
	v9 =	vmul.f32 v9, v59;
	[tilespmem:s25+$0xFFFFFF40] =	vst v8;
	v62 =	vld [tilespmem:s26+$0xFFFFFFF0]  }
0x144: {  	v1 =	vmul.f32 v1, v2;
	v63 =	vld [tilespmem:s8+$0xFFFFFFC0];
	[tilespmem:s25+$0x40] =	vst v5;
	v2 =	vshll.u32 v3, $0x10  }
0x145: {  	v8 =	vshll.u32 v6, $0x10;
	[tilespmem:s25+$0xFFFFFEC0] =	vst v9;
	v9 =	vld [tilespmem:s8+$0xC0];
	v2 =	vmul.f32 v2, v60  }
0x146: {  	[tilespmem:s24+$0x1F0] =	vst v1;
	v1 =	vand.u32 $0xFFFF0000, v7;
	v5 =	vld [tilespmem:s28+$0xFFFFFF50];
	v8 =	vmul.f32 v8, v11  }
0x147: {  	v7 =	vld [tilespmem:s8+$0xFFFFFE50];
	v11 =	vmul.f32 v1, v10;
	[tilespmem:s25+$0x150] =	vst v2;
	v2 =	vand.u32 $0xFFFF0000, v4  }
0x148: {  	v1 =	vand.u32 $0xFFFF0000, v6;
	v4 =	vand.u32 $0xFFFF0000, v57;
	[tilespmem:s24+$0x70] =	vst v8;
	v6 =	vld [tilespmem:s8+$0x1D0];
	v2 =	vmul.f32 v2, v62  }
0x149: {  	s4 =	simm.s32 $0x4;
	s15 =	simm.s32 $0x4800;
	v8 =	vand.u32 $0xFFFF0000, v58;
	v10 =	vmul.f32 v4, v63;
	[tilespmem:s24+$0xFFFFFEF0] =	vst v11;
	v4 =	vld [tilespmem:s26+$0xF0];
	s26 =	simm.s32 $0x900  }
.LBB2_5:
0x14a: {  	v11 =	vld [tilespmem:s15+$0x80];
	s4 =	sadd.s32 $0x4, s4;
	v8 =	vmul.f32 v8, v9;
	s8 =	sadd.s32 $0x400, s8;
	[tilespmem:s24+$0xFFFFFFF0] =	vst v2  }
0x14b: {  	v9 =	vld [tilespmem:s8+$0x100];
	p3 =	slt.u32 s4, $0x1C;
	v12 =	vshll.u32 v5, $0x10;
	v2 =	vand.u32 $0xFFFF0000, v5;
	[tilespmem:s25+$0xFFFFFFC0] =	vst v10  }
0x14c: {  	v3 =	vand.u32 $0xFFFF0000, v3;
	v5 =	vld [tilespmem:s15+$0xFFFFFF80];
	v7 =	vmul.f32 v12, v7;
	[tilespmem:s25+$0xC0] =	vst v8  }
0x14d: {  	v8 =	vld [tilespmem:s15+$0x0];
	v3 =	vmul.f32 v3, v6  }
0x14e: {  	v6 =	vld [tilespmem:s15+$0xFFFFFF00];
	[tilespmem:s25+$0xFFFFFE50] =	vst v7;
	v1 =	vmul.f32 v1, v4  }
0x14f: {  	v4 =	vld [tilespmem:s8+$0xFFFFFE00];
	v7 =	vshll.u32 v11, $0x10;
	[tilespmem:s25+$0x1D0] =	vst v3  }
0x150: {  	v3 =	vmul.f32 v7, v9;
	v7 =	vld [tilespmem:s28+$0xE0];
	[tilespmem:s24+$0xF0] =	vst v1;
	s24 =	smov.u32 s25  }
0x151: {  	s25 =	sadd.s32 $0x400, s25;
	v1 =	vshll.u32 v5, $0x10;
	v5 =	vand.u32 $0xFFFF0000, v5;
	v9 =	vld [tilespmem:s26+$0x160]  }
0x152: {  	v10 =	vld [tilespmem:s8+$0xFFFFFF00];
	v12 =	vshll.u32 v8, $0x10;
	v8 =	vand.u32 $0xFFFF0000, v8;
	[tilespmem:s25+$0x100] =	vst v3  }
0x153: {  	v3 =	vshll.u32 v6, $0x10;
	v6 =	vand.u32 $0xFFFF0000, v6;
	v13 =	vld [tilespmem:s8+$0x180]  }
0x154: {  	v3 =	vmul.f32 v3, v4;
	v4 =	vld [tilespmem:s8+$0x0]  }
0x155: {  	v14 =	vld [tilespmem:s28+$0xFFFFFFD0];
	v15 =	vshll.u32 v7, $0x10  }
0x156: {  	[tilespmem:s25+$0xFFFFFE00] =	vst v3;
	v3 =	vld [tilespmem:s28+$0x50];
	v9 =	vmul.f32 v15, v9  }
0x157: {  	v15 =	vld [tilespmem:s8+$0xFFFFFE80];
	v1 =	vmul.f32 v1, v10;
	v10 =	vand.u32 $0xFFFF0000, v11  }
0x158: {  	v10 =	vmul.f32 v10, v13;
	v11 =	vld [tilespmem:s26+$0xFFFFFF50];
	[tilespmem:s24+$0x160] =	vst v9  }
0x159: {  	[tilespmem:s25+$0xFFFFFF00] =	vst v1;
	v1 =	vmul.f32 v12, v4;
	v4 =	vld [tilespmem:s26+$0x1E0]  }
0x15a: {  	v9 =	vld [tilespmem:s8+$0xFFFFFF80];
	[tilespmem:s25+$0x180] =	vst v10;
	v10 =	vshll.u32 v14, $0x10;
	v12 =	vand.u32 $0xFFFF0000, v14  }
0x15b: {  	[tilespmem:s25+$0x0] =	vst v1;
	v1 =	vld [tilespmem:s15+$0x90];
	v13 =	vshll.u32 v3, $0x10;
	v3 =	vand.u32 $0xFFFF0000, v3  }
0x15c: {  	v6 =	vmul.f32 v6, v15;
	v14 =	vld [tilespmem:s8+$0x110]  }
0x15d: {  	v7 =	vand.u32 $0xFFFF0000, v7;
	v15 =	vld [tilespmem:s8+$0x80];
	v10 =	vmul.f32 v10, v11  }
0x15e: {  	[tilespmem:s25+$0xFFFFFE80] =	vst v6;
	v6 =	vld [tilespmem:s26+$0x50];
	v4 =	vmul.f32 v7, v4  }
0x15f: {  	v7 =	vld [tilespmem:s15+$0xFFFFFF10];
	v5 =	vmul.f32 v5, v9;
	[tilespmem:s24+$0xFFFFFF50] =	vst v10  }
0x160: {  	v9 =	vld [tilespmem:s8+$0xFFFFFE10];
	v10 =	vshll.u32 v1, $0x10;
	[tilespmem:s24+$0x1E0] =	vst v4  }
0x161: {  	[tilespmem:s25+$0xFFFFFF80] =	vst v5;
	v4 =	vmul.f32 v10, v14;
	v5 =	vld [tilespmem:s28+$0xF0]  }
0x162: {  	v8 =	vmul.f32 v8, v15;
	v10 =	vld [tilespmem:s26+$0x170]  }
0x163: {  	v11 =	vld [tilespmem:s15+$0xFFFFFF90];
	[tilespmem:s25+$0x110] =	vst v4;
	v4 =	vmul.f32 v13, v6  }
0x164: {  	v6 =	vshll.u32 v7, $0x10;
	v7 =	vand.u32 $0xFFFF0000, v7;
	[tilespmem:s25+$0x80] =	vst v8;
	v8 =	vld [tilespmem:s8+$0x190]  }
0x165: {  	v6 =	vmul.f32 v6, v9;
	v9 =	vld [tilespmem:s15+$0x10];
	[tilespmem:s24+$0x50] =	vst v4  }
0x166: {  	v4 =	vld [tilespmem:s8+$0xFFFFFF10];
	v13 =	vshll.u32 v5, $0x10  }
0x167: {  	[tilespmem:s25+$0xFFFFFE10] =	vst v6;
	v6 =	vld [tilespmem:s8+$0x10];
	v10 =	vmul.f32 v13, v10  }
0x168: {  	v1 =	vand.u32 $0xFFFF0000, v1;
	v13 =	vld [tilespmem:s8+$0xFFFFFE90];
	v14 =	vshll.u32 v11, $0x10;
	v11 =	vand.u32 $0xFFFF0000, v11  }
0x169: {  	v1 =	vmul.f32 v1, v8;
	v8 =	vld [tilespmem:s26+$0xFFFFFED0];
	[tilespmem:s24+$0x170] =	vst v10  }
0x16a: {  	v10 =	vshll.u32 v9, $0x10;
	v9 =	vand.u32 $0xFFFF0000, v9;
	v15 =	vld [tilespmem:s26+$0x1F0]  }
0x16b: {  	v4 =	vmul.f32 v14, v4;
	[tilespmem:s25+$0x190] =	vst v1;
	v1 =	vld [tilespmem:s26+$0xFFFFFFD0]  }
0x16c: {  	v6 =	vmul.f32 v10, v6;
	v10 =	vld [tilespmem:s15+$0xA0]  }
0x16d: {  	v7 =	vmul.f32 v7, v13;
	[tilespmem:s25+$0xFFFFFF10] =	vst v4;
	v4 =	vld [tilespmem:s8+$0x120]  }
0x16e: {  	v5 =	vand.u32 $0xFFFF0000, v5;
	v13 =	vld [tilespmem:s8+$0xFFFFFF90];
	[tilespmem:s25+$0x10] =	vst v6;
	v2 =	vmul.f32 v2, v8  }
0x16f: {  	[tilespmem:s25+$0xFFFFFE90] =	vst v7;
	v6 =	vld [tilespmem:s8+$0x90];
	v5 =	vmul.f32 v5, v15  }
0x170: {  	v7 =	vld [tilespmem:s15+$0xFFFFFF20];
	[tilespmem:s24+$0xFFFFFED0] =	vst v2;
	v1 =	vmul.f32 v12, v1  }
0x171: {  	v2 =	vld [tilespmem:s8+$0xFFFFFE20];
	v8 =	vshll.u32 v10, $0x10;
	[tilespmem:s24+$0x1F0] =	vst v5  }
0x172: {  	v4 =	vmul.f32 v8, v4;
	[tilespmem:s24+$0xFFFFFFD0] =	vst v1;
	v1 =	vld [tilespmem:s26+$0xD0]  }
0x173: {  	v5 =	vmul.f32 v11, v13;
	v8 =	vld [tilespmem:s28+$0xFFFFFF60]  }
0x174: {  	v6 =	vmul.f32 v9, v6;
	[tilespmem:s25+$0x120] =	vst v4;
	v4 =	vld [tilespmem:s28+$0xFFFFFFE0]  }
0x175: {  	v9 =	vshll.u32 v7, $0x10;
	v7 =	vand.u32 $0xFFFF0000, v7;
	[tilespmem:s25+$0xFFFFFF90] =	vst v5;
	v5 =	vld [tilespmem:s8+$0x1A0]  }
0x176: {  	v2 =	vmul.f32 v9, v2;
	v9 =	vld [tilespmem:s15+$0xFFFFFFA0];
	[tilespmem:s25+$0x90] =	vst v6  }
0x177: {  	v6 =	vld [tilespmem:s15+$0x20];
	v1 =	vmul.f32 v3, v1  }
0x178: {  	[tilespmem:s25+$0xFFFFFE20] =	vst v2;
	v2 =	vld [tilespmem:s8+$0xFFFFFF20];
	v3 =	vshll.u32 v8, $0x10;
	v8 =	vand.u32 $0xFFFF0000, v8  }
0x179: {  	v10 =	vand.u32 $0xFFFF0000, v10;
	v11 =	vld [tilespmem:s8+$0x20];
	v12 =	vshll.u32 v4, $0x10;
	v4 =	vand.u32 $0xFFFF0000, v4;
	[tilespmem:s24+$0xD0] =	vst v1  }
0x17a: {  	v1 =	vld [tilespmem:s8+$0xFFFFFEA0];
	v5 =	vmul.f32 v10, v5  }
0x17b: {  	v10 =	vshll.u32 v9, $0x10;
	v9 =	vand.u32 $0xFFFF0000, v9;
	v13 =	vld [tilespmem:s28+$0x60]  }
0x17c: {  	v14 =	vshll.u32 v6, $0x10;
	v6 =	vand.u32 $0xFFFF0000, v6;
	[tilespmem:s25+$0x1A0] =	vst v5;
	v5 =	vld [tilespmem:s26+$0xFFFFFE60]  }
0x17d: {  	v2 =	vmul.f32 v10, v2;
	v10 =	vld [tilespmem:s15+$0xB0]  }
0x17e: {  	v11 =	vmul.f32 v14, v11;
	v14 =	vld [tilespmem:s8+$0x130]  }
0x17f: {  	v1 =	vmul.f32 v7, v1;
	[tilespmem:s25+$0xFFFFFF20] =	vst v2;
	v2 =	vld [tilespmem:s26+$0xFFFFFF60]  }
0x180: {  	v7 =	vld [tilespmem:s8+$0xFFFFFFA0];
	[tilespmem:s25+$0x20] =	vst v11;
	v11 =	vshll.u32 v13, $0x10;
	v13 =	vand.u32 $0xFFFF0000, v13  }
0x181: {  	[tilespmem:s25+$0xFFFFFEA0] =	vst v1;
	v1 =	vld [tilespmem:s8+$0xA0];
	v3 =	vmul.f32 v3, v5  }
0x182: {  	v5 =	vld [tilespmem:s15+$0xFFFFFF30];
	v15 =	vshll.u32 v10, $0x10  }
0x183: {  	v16 =	vld [tilespmem:s8+$0xFFFFFE30];
	v14 =	vmul.f32 v15, v14;
	[tilespmem:s24+$0xFFFFFE60] =	vst v3  }
0x184: {  	v2 =	vmul.f32 v12, v2;
	v3 =	vld [tilespmem:s26+$0x60]  }
0x185: {  	v7 =	vmul.f32 v9, v7;
	[tilespmem:s25+$0x130] =	vst v14;
	v9 =	vld [tilespmem:s26+$0xFFFFFEE0]  }
0x186: {  	v1 =	vmul.f32 v6, v1;
	v6 =	vld [tilespmem:s8+$0x1B0];
	[tilespmem:s24+$0xFFFFFF60] =	vst v2  }
0x187: {  	v2 =	vshll.u32 v5, $0x10;
	v5 =	vand.u32 $0xFFFF0000, v5;
	[tilespmem:s25+$0xFFFFFFA0] =	vst v7;
	v7 =	vld [tilespmem:s26+$0xFFFFFFE0]  }
0x188: {  	v2 =	vmul.f32 v2, v16;
	v12 =	vld [tilespmem:s15+$0xFFFFFFB0];
	[tilespmem:s25+$0xA0] =	vst v1  }
0x189: {  	v1 =	vld [tilespmem:s15+$0x30];
	v3 =	vmul.f32 v11, v3  }
0x18a: {  	v10 =	vand.u32 $0xFFFF0000, v10;
	[tilespmem:s25+$0xFFFFFE30] =	vst v2;
	v2 =	vld [tilespmem:s8+$0xFFFFFF30];
	v8 =	vmul.f32 v8, v9  }
0x18b: {  	v9 =	vld [tilespmem:s8+$0x30];
	v6 =	vmul.f32 v10, v6;
	[tilespmem:s24+$0x60] =	vst v3  }
0x18c: {  	v3 =	vld [tilespmem:s8+$0xFFFFFEB0];
	[tilespmem:s24+$0xFFFFFEE0] =	vst v8;
	v4 =	vmul.f32 v4, v7  }
0x18d: {  	v7 =	vshll.u32 v12, $0x10;
	v8 =	vand.u32 $0xFFFF0000, v12;
	[tilespmem:s25+$0x1B0] =	vst v6;
	v6 =	vld [tilespmem:s26+$0xE0]  }
0x18e: {  	v10 =	vshll.u32 v1, $0x10;
	v1 =	vand.u32 $0xFFFF0000, v1;
	v11 =	vld [tilespmem:s15+$0xC0];
	[tilespmem:s24+$0xFFFFFFE0] =	vst v4  }
0x18f: {  	v2 =	vmul.f32 v7, v2;
	v4 =	vld [tilespmem:s8+$0x140]  }
0x190: {  	v7 =	vmul.f32 v10, v9;
	v9 =	vld [tilespmem:s28+$0xFFFFFF70]  }
0x191: {  	v3 =	vmul.f32 v5, v3;
	[tilespmem:s25+$0xFFFFFF30] =	vst v2;
	v2 =	vld [tilespmem:s28+$0xFFFFFFF0]  }
0x192: {  	v5 =	vld [tilespmem:s8+$0xFFFFFFB0];
	[tilespmem:s25+$0x30] =	vst v7;
	v6 =	vmul.f32 v13, v6  }
0x193: {  	[tilespmem:s25+$0xFFFFFEB0] =	vst v3;
	v3 =	vld [tilespmem:s8+$0xB0];
	v7 =	vshll.u32 v11, $0x10  }
0x194: {  	v10 =	vld [tilespmem:s15+$0xFFFFFF40];
	v4 =	vmul.f32 v7, v4;
	[tilespmem:s24+$0xE0] =	vst v6  }
0x195: {  	v6 =	vld [tilespmem:s8+$0xFFFFFE40];
	v7 =	vshll.u32 v9, $0x10;
	v12 =	vand.u32 $0xFFFF0000, v9  }
0x196: {  	[tilespmem:s25+$0x140] =	vst v4;
	v4 =	vshll.u32 v2, $0x10;
	v2 =	vand.u32 $0xFFFF0000, v2;
	v9 =	vld [tilespmem:s28+$0x70];
	s28 =	smov.u32 s15  }
0x197: {  	v5 =	vmul.f32 v8, v5;
	v8 =	vld [tilespmem:s8+$0x1C0]  }
0x198: {  	v1 =	vmul.f32 v1, v3;
	v3 =	vld [tilespmem:s26+$0xFFFFFE70]  }
0x199: {  	v13 =	vshll.u32 v10, $0x10;
	v10 =	vand.u32 $0xFFFF0000, v10;
	[tilespmem:s25+$0xFFFFFFB0] =	vst v5;
	v5 =	vld [tilespmem:s26+$0xFFFFFF70]  }
0x19a: {  	v6 =	vmul.f32 v13, v6;
	v13 =	vld [tilespmem:s15+$0xFFFFFFC0];
	[tilespmem:s25+$0xB0] =	vst v1  }
0x19b: {  	v11 =	vand.u32 $0xFFFF0000, v11;
	v14 =	vld [tilespmem:s15+$0x40];
	v15 =	vshll.u32 v9, $0x10;
	v1 =	vand.u32 $0xFFFF0000, v9  }
0x19c: {  	[tilespmem:s25+$0xFFFFFE40] =	vst v6;
	v6 =	vld [tilespmem:s8+$0xFFFFFF40];
	v8 =	vmul.f32 v11, v8  }
0x19d: {  	v9 =	vld [tilespmem:s8+$0x40];
	v7 =	vmul.f32 v7, v3  }
0x19e: {  	v11 =	vld [tilespmem:s8+$0xFFFFFEC0];
	[tilespmem:s25+$0x1C0] =	vst v8;
	v4 =	vmul.f32 v4, v5  }
0x19f: {  	v5 =	vshll.u32 v13, $0x10;
	v13 =	vand.u32 $0xFFFF0000, v13;
	v3 =	vld [tilespmem:s15+$0xD0];
	[tilespmem:s24+$0xFFFFFE70] =	vst v7  }
0x1a0: {  	v7 =	vshll.u32 v14, $0x10;
	v8 =	vand.u32 $0xFFFF0000, v14;
	v14 =	vld [tilespmem:s8+$0x150];
	[tilespmem:s24+$0xFFFFFF70] =	vst v4  }
0x1a1: {  	v4 =	vmul.f32 v5, v6;
	v6 =	vld [tilespmem:s26+$0x70]  }
0x1a2: {  	v5 =	vmul.f32 v7, v9;
	v16 =	vld [tilespmem:s26+$0xFFFFFEF0]  }
0x1a3: {  	v7 =	vmul.f32 v10, v11;
	[tilespmem:s25+$0xFFFFFF40] =	vst v4;
	v4 =	vld [tilespmem:s26+$0xFFFFFFF0]  }
0x1a4: {  	v10 =	vld [tilespmem:s8+$0xFFFFFFC0];
	[tilespmem:s25+$0x40] =	vst v5;
	v5 =	vshll.u32 v3, $0x10  }
.Ltmp1:
0x1a5: {  	[tilespmem:s25+$0xFFFFFEC0] =	vst v7;
	v9 =	vld [tilespmem:s8+$0xC0];
	v11 =	vmul.f32 v5, v14;
	(pc) =	sbr.rel @p3 .LBB2_5-.Ltmp1, $4  }
0x1a6: {  	v5 =	vld [tilespmem:s15+$0xFFFFFF50];
	v14 =	vmul.f32 v15, v6  }
0x1a7: {  	v7 =	vld [tilespmem:s8+$0xFFFFFE50];
	[tilespmem:s25+$0x150] =	vst v11;
	v11 =	vmul.f32 v12, v16  }
0x1a8: {  	v6 =	vld [tilespmem:s8+$0x1D0];
	v2 =	vmul.f32 v2, v4;
	[tilespmem:s24+$0x70] =	vst v14  }
0x1a9: {  	s15 =	sadd.s32 $0x200, s15;
	v10 =	vmul.f32 v13, v10;
	[tilespmem:s24+$0xFFFFFEF0] =	vst v11;
	v4 =	vld [tilespmem:s26+$0xF0];
	s26 =	smov.u32 s8  }
0x1aa: {  	v8 =	vmul.f32 v8, v9  }
0x1ab: {  	[tilespmem:s25+$0xFFFFFFC0] =	vst v10  }
0x1ac: {  	[tilespmem:s25+$0xC0] =	vst v8;
	v8 =	vld [tilespmem:s28+$0xFFFFFFD0]  }
0x1ad: {  	v10 =	vld [tilespmem:s26+$0xFFFFFF50]  }
0x1ae: {  	v9 =	vld [tilespmem:s28+$0x50]  }
0x1af: {  	v11 =	vld [tilespmem:s26+$0x50];
	_ =	sdelay $0x1  }
0x1b0: {  	v12 =	vshll.u32 v5, $0x10  }
0x1b1: {  	v7 =	vmul.f32 v12, v7;
	v26 =	vshll.u32 v8, $0x10  }
0x1b2: {  	v13 =	vshll.u32 v9, $0x10;
	v10 =	vmul.f32 v26, v10  }
0x1b3: {  	[tilespmem:s25+$0xFFFFFE50] =	vst v7;
	v7 =	vmul.f32 v13, v11  }
0x1b4: {  	[tilespmem:s25+$0xFFFFFF50] =	vst v10;
	v10 =	vld [tilespmem:s26+$0xFFFFFED0]  }
0x1b5: {  	[tilespmem:s25+$0x50] =	vst v7;
	v7 =	vld [tilespmem:s26+$0xFFFFFFD0]  }
0x1b6: {  	v3 =	vand.u32 $0xFFFF0000, v3  }
0x1b7: {  	v3 =	vmul.f32 v3, v6  }
0x1b8: {  	v5 =	vand.u32 $0xFFFF0000, v5;
	v11 =	vld [tilespmem:s26+$0xD0]  }
0x1b9: {  	[tilespmem:s25+$0x1D0] =	vst v3;
	v3 =	vand.u32 $0xFFFF0000, v8;
	v5 =	vmul.f32 v5, v10  }
0x1ba: {  	v6 =	vld [tilespmem:s28+$0xE0];
	v3 =	vmul.f32 v3, v7  }
0x1bb: {  	v7 =	vld [tilespmem:s26+$0x160];
	[tilespmem:s25+$0xFFFFFED0] =	vst v5  }
0x1bc: {  	v8 =	vand.u32 $0xFFFF0000, v9;
	[tilespmem:s25+$0xFFFFFFD0] =	vst v3;
	v3 =	vld [tilespmem:s28+$0xFFFFFF60]  }
0x1bd: {  	v5 =	vmul.f32 v8, v11;
	v9 =	vld [tilespmem:s26+$0xFFFFFE60]  }
0x1be: {  	v8 =	vld [tilespmem:s28+$0xFFFFFFE0]  }
0x1bf: {  	[tilespmem:s25+$0xD0] =	vst v5;
	v10 =	vld [tilespmem:s26+$0xFFFFFF60]  }
0x1c0: {  	v11 =	vshll.u32 v6, $0x10;
	v5 =	vld [tilespmem:s28+$0x60]  }
0x1c1: {  	v27 =	vld [tilespmem:s26+$0x60];
	v7 =	vmul.f32 v11, v7  }
0x1c2: {  	v11 =	vshll.u32 v3, $0x10  }
0x1c3: {  	[tilespmem:s25+$0x160] =	vst v7;
	v9 =	vmul.f32 v11, v9  }
0x1c4: {  	v7 =	vshll.u32 v8, $0x10;
	v11 =	vld [tilespmem:s26+$0x1E0]  }
0x1c5: {  	v28 =	vshll.u32 v5, $0x10;
	v7 =	vmul.f32 v7, v10;
	[tilespmem:s25+$0xFFFFFE60] =	vst v9  }
0x1c6: {  	v9 =	vmul.f32 v28, v27;
	v10 =	vld [tilespmem:s26+$0xFFFFFEE0]  }
0x1c7: {  	[tilespmem:s25+$0xFFFFFF60] =	vst v7  }
0x1c8: {  	v6 =	vand.u32 $0xFFFF0000, v6;
	v7 =	vld [tilespmem:s26+$0xFFFFFFE0];
	[tilespmem:s25+$0x60] =	vst v9  }
0x1c9: {  	v9 =	vld [tilespmem:s26+$0xE0];
	v6 =	vmul.f32 v6, v11  }
0x1ca: {  	v3 =	vand.u32 $0xFFFF0000, v3  }
0x1cb: {  	[tilespmem:s25+$0x1E0] =	vst v6;
	v3 =	vmul.f32 v3, v10  }
0x1cc: {  	v6 =	vand.u32 $0xFFFF0000, v8;
	v8 =	vld [tilespmem:s28+$0xF0]  }
0x1cd: {  	v5 =	vand.u32 $0xFFFF0000, v5;
	v6 =	vmul.f32 v6, v7;
	v7 =	vld [tilespmem:s26+$0x170];
	[tilespmem:s25+$0xFFFFFEE0] =	vst v3  }
0x1ce: {  	v3 =	vmul.f32 v5, v9;
	v5 =	vld [tilespmem:s28+$0xFFFFFF70]  }
0x1cf: {  	[tilespmem:s25+$0xFFFFFFE0] =	vst v6;
	v9 =	vld [tilespmem:s26+$0xFFFFFE70]  }
0x1d0: {  	v6 =	vld [tilespmem:s28+$0xFFFFFFF0]  }
0x1d1: {  	[tilespmem:s25+$0xE0] =	vst v3;
	v10 =	vld [tilespmem:s26+$0xFFFFFF70]  }
0x1d2: {  	v3 =	vld [tilespmem:s28+$0x70]  }
0x1d3: {  	v11 =	vld [tilespmem:s26+$0x70]  }
0x1d4: {  	v29 =	vshll.u32 v8, $0x10  }
0x1d5: {  	v7 =	vmul.f32 v29, v7;
	v30 =	vshll.u32 v5, $0x10  }
0x1d6: {  	v31 =	vshll.u32 v6, $0x10;
	v9 =	vmul.f32 v30, v9  }
0x1d7: {  	[tilespmem:s25+$0x170] =	vst v7;
	v7 =	vshll.u32 v3, $0x10;
	v10 =	vmul.f32 v31, v10  }
0x1d8: {  	v32 =	vld [tilespmem:s26+$0x1F0];
	[tilespmem:s25+$0xFFFFFE70] =	vst v9;
	v7 =	vmul.f32 v7, v11  }
0x1d9: {  	[tilespmem:s25+$0xFFFFFF70] =	vst v10;
	v9 =	vld [tilespmem:s26+$0xFFFFFEF0]  }
0x1da: {  	v10 =	vld [tilespmem:s26+$0xFFFFFFF0];
	[tilespmem:s25+$0x70] =	vst v7  }
0x1db: {  	v7 =	vld [tilespmem:s26+$0xF0]  }
0x1dc: {  	v1 =	vmul.f32 v1, v4;
	v4 =	vand.u32 $0xFFFF0000, v8  }
0x1dd: {  	[tilespmem:s24+$0xFFFFFFF0] =	vst v2;
	v2 =	vmul.f32 v4, v32;
	v4 =	vand.u32 $0xFFFF0000, v5  }
0x1de: {  	[tilespmem:s24+$0xF0] =	vst v1;
	v1 =	vand.u32 $0xFFFF0000, v6;
	v4 =	vmul.f32 v4, v9  }
0x1df: {  	[tilespmem:s25+$0x1F0] =	vst v2;
	v2 =	vand.u32 $0xFFFF0000, v3;
	v1 =	vmul.f32 v1, v10  }
0x1e0: {  	[tilespmem:s25+$0xFFFFFEF0] =	vst v4;
	v2 =	vmul.f32 v2, v7  }
0x1e1: {  	[tilespmem:s25+$0xFFFFFFF0] =	vst v1  }
0x1e2: {  	s4 =	simm.s32 @!p2 $0xA;
	[tilespmem:s25+$0xF0] =	vst v2  }
0x1e3: {  	[spmem:s3] =	stream.indirect.scatter.add.f32 [tilespmem:s30], [sflag:$0x9], $0x80, s17, s10, $0xb8;
	[tilespmem:$0x1DB80] =	vst v63  }
0x1e4: {  	_ =	swait.ge @!p2 [sflag:s4], $0x2000  }
0x1e5: {  	[sflag:s4] =	ssyncset.done @!p2 $0x0  }
0x1e6: {  	[sflag:s4] =	ssyncadd.s32 @!p2 $0xFFFFE000  }
0x1e7: {  	_ =	swait.ge [sflag:s18], $0x2000  }
0x1e8: {  	[sflag:s18] =	ssyncset.done $0x0  }
0x1e9: {  	[sflag:s18] =	ssyncadd.s32 $0xFFFFE000  }
0x1ea: {  	_ =	swait.ge [sflag:s19], $0x1000  }
0x1eb: {  	[sflag:s19] =	ssyncset.done $0x0  }
0x1ec: {  	[sflag:s19] =	ssyncadd.s32 $0xFFFFF000  }
0x1ed: {  	v1 =	vld [tilespmem:$0x180]  }
0x1ee: {  	v2 =	vld [tilespmem:$0x190]  }
0x1ef: {  	v3 =	vld [tilespmem:$0x1A0]  }
0x1f0: {  	v4 =	vld [tilespmem:$0x1B0];
	_ =	sdelay $0x1  }
0x1f1: {  	s4 =	sshll.u32 @!p1 s2, $0x7;
	[tilespmem:$0x280] =	vst v1  }
0x1f2: {  	s4 =	sadd.s32 @!p1 s4, s29;
	[tilespmem:$0x290] =	vst v2  }
0x1f3: {  	s4 =	sshrl.u32 @!p1 s4, $0x3;
	[tilespmem:$0x2A0] =	vst v3  }
0x1f4: {  	s15 =	simm.s32 @!p1 $0x0;
	s24 =	simm.s32 @!p1 $0x80;
	s8 =	sadd.s32 @!p1 s5, s4;
	[tilespmem:$0x2B0] =	vst v4  }
0x1f5: {  	[tilespmem:s24], [sflag:$0x2] =	stream.linear.gather @!p1 [hbm4b:s8+s15], $0x40, $0x38;
	[tilespmem:$0x1DB80] =	vst v63  }
0x1f6: {  	s4 =	sadd.s32 @!p1 s6, s4;
	s8 =	simm.s32 @!p1 $0x180  }
0x1f7: {  	[tilespmem:s8], [sflag:$0x4] =	stream.linear.gather @!p1 [hbm4b:s4+s15], $0x40, $0x38;
	[tilespmem:$0x1DB80] =	vst v63  }
0x1f8: {  	s4 =	simm.s32 @!p1 $0x1  }
0x1f9: {  	_ =	swait.ge @!p1 [sflag:s4], $0x40  }
0x1fa: {  	[sflag:s4] =	ssyncset.done @!p1 $0x0  }
0x1fb: {  	[sflag:s4] =	ssyncadd.s32 @!p1 $0xFFFFFFC0;
	s4 =	simm.s32 @!p1 $0x3  }
0x1fc: {  	_ =	swait.ge @!p1 [sflag:s4], $0x40  }
0x1fd: {  	[sflag:s4] =	ssyncset.done @!p1 $0x0  }
0x1fe: {  	s8 =	simm.s32 @!p1 $0x300;
	[sflag:s4] =	ssyncadd.s32 @!p1 $0xFFFFFFC0;
	s4 =	simm.s32 @!p1 $0x40  }
0x1ff: {  	[tilespmem:s8], [sflag:$0x5] =	stream.indirect.gather @!p1 [hbm4b:s0+s4], $0x80, s15, s4, $0xb8;
	[tilespmem:$0x1DB80] =	vst v63  }
0x200: {  	s4 =	sshll.u32 @!p1 s9, $0x9  }
0x201: {  	s26 =	simm.s32 $0x5400;
	s8 =	simm.s32 @!p1 $0x4300;
	s4 =	sadd.s32 @!p1 s4, s22  }
0x202: {  	[tilespmem:s8], [sflag:$0x7] =	stream.linear.gather @!p1 [hbm4b:s4+s15], $0x1000, $0x38;
	[tilespmem:$0x1DB80] =	vst v63  }
0x203: {  	s28 =	simm.s32 $0x2500;
	v1 =	vld [tilespmem:s26+$0x80]  }
0x204: {  	v2 =	vld [tilespmem:s28+$0x100];
	_ =	sdelay $0x3  }
0x205: {  	v3 =	vld [tilespmem:s26+$0xFFFFFF80];
	v4 =	vshll.u32 v1, $0x10  }
0x206: {  	v5 =	vld [tilespmem:s26+$0xFFFFFF00];
	v2 =	vmul.f32 v4, v2  }
0x207: {  	s9 =	simm.s32 $0x8500;
	v4 =	vld [tilespmem:s28+$0xFFFFFE00]  }
0x208: {  	v6 =	vld [tilespmem:s28+$0xFFFFFF00];
	[tilespmem:s9+$0x100] =	vst v2  }
0x209: {  	v2 =	vld [tilespmem:s28+$0x180]  }
0x20a: {  	v7 =	vld [tilespmem:s26+$0x0]  }
0x20b: {  	v9 =	vld [tilespmem:s28+$0x0];
	v8 =	vshll.u32 v5, $0x10  }
0x20c: {  	v4 =	vmul.f32 v8, v4  }
0x20d: {  	v1 =	vand.u32 $0xFFFF0000, v1  }
0x20e: {  	v10 =	vshll.u32 v3, $0x10;
	[tilespmem:s9+$0xFFFFFE00] =	vst v4;
	v1 =	vmul.f32 v1, v2  }
0x20f: {  	v6 =	vmul.f32 v10, v6;
	v2 =	vshll.u32 v7, $0x10;
	v4 =	vld [tilespmem:s28+$0xFFFFFE80]  }
0x210: {  	v2 =	vmul.f32 v2, v9;
	[tilespmem:s9+$0x180] =	vst v1  }
0x211: {  	[tilespmem:s9+$0xFFFFFF00] =	vst v6;
	v1 =	vld [tilespmem:s26+$0x90]  }
0x212: {  	[tilespmem:s9+$0x0] =	vst v2;
	v2 =	vld [tilespmem:s28+$0x110]  }
0x213: {  	v5 =	vand.u32 $0xFFFF0000, v5;
	v6 =	vld [tilespmem:s28+$0xFFFFFF80]  }
0x214: {  	v4 =	vmul.f32 v5, v4  }
0x215: {  	v8 =	vld [tilespmem:s28+$0x80]  }
0x216: {  	[tilespmem:s9+$0xFFFFFE80] =	vst v4;
	v4 =	vshll.u32 v1, $0x10  }
0x217: {  	v3 =	vand.u32 $0xFFFF0000, v3;
	v2 =	vmul.f32 v4, v2  }
0x218: {  	v3 =	vmul.f32 v3, v6;
	v6 =	vld [tilespmem:s26+$0xFFFFFF10]  }
0x219: {  	v5 =	vand.u32 $0xFFFF0000, v7;
	v4 =	vld [tilespmem:s28+$0xFFFFFE10];
	[tilespmem:s9+$0x110] =	vst v2  }
0x21a: {  	[tilespmem:s9+$0xFFFFFF80] =	vst v3;
	v3 =	vmul.f32 v5, v8;
	v2 =	vld [tilespmem:s28+$0x190]  }
0x21b: {  	v5 =	vld [tilespmem:s26+$0xFFFFFF90]  }
0x21c: {  	v7 =	vld [tilespmem:s28+$0xFFFFFF10];
	[tilespmem:s9+$0x80] =	vst v3  }
0x21d: {  	v3 =	vld [tilespmem:s26+$0x10];
	v8 =	vshll.u32 v6, $0x10  }
0x21e: {  	v1 =	vand.u32 $0xFFFF0000, v1;
	v9 =	vld [tilespmem:s28+$0x10];
	v4 =	vmul.f32 v8, v4  }
0x21f: {  	v1 =	vmul.f32 v1, v2  }
0x220: {  	[tilespmem:s9+$0xFFFFFE10] =	vst v4;
	v2 =	vshll.u32 v5, $0x10  }
0x221: {  	v4 =	vld [tilespmem:s28+$0xFFFFFE90];
	v2 =	vmul.f32 v2, v7;
	[tilespmem:s9+$0x190] =	vst v1  }
0x222: {  	v8 =	vshll.u32 v3, $0x10;
	v7 =	vld [tilespmem:s26+$0xA0]  }
0x223: {  	v1 =	vmul.f32 v8, v9;
	[tilespmem:s9+$0xFFFFFF10] =	vst v2;
	v2 =	vld [tilespmem:s28+$0x120]  }
0x224: {  	v8 =	vld [tilespmem:s28+$0xFFFFFF90]  }
0x225: {  	[tilespmem:s9+$0x10] =	vst v1;
	v1 =	vand.u32 $0xFFFF0000, v6  }
0x226: {  	v6 =	vld [tilespmem:s28+$0x90];
	v1 =	vmul.f32 v1, v4  }
0x227: {  	v4 =	vshll.u32 v7, $0x10  }
0x228: {  	v5 =	vand.u32 $0xFFFF0000, v5;
	[tilespmem:s9+$0xFFFFFE90] =	vst v1;
	v1 =	vmul.f32 v4, v2  }
0x229: {  	v2 =	vand.u32 $0xFFFF0000, v3;
	v3 =	vld [tilespmem:s26+$0xFFFFFF20];
	v4 =	vmul.f32 v5, v8  }
0x22a: {  	v5 =	vld [tilespmem:s28+$0xFFFFFE20];
	[tilespmem:s9+$0x120] =	vst v1  }
0x22b: {  	v2 =	vmul.f32 v2, v6;
	[tilespmem:s9+$0xFFFFFF90] =	vst v4;
	v1 =	vld [tilespmem:s28+$0x1A0]  }
0x22c: {  	v4 =	vld [tilespmem:s26+$0xFFFFFFA0]  }
0x22d: {  	[tilespmem:s9+$0x90] =	vst v2;
	v8 =	vld [tilespmem:s28+$0xFFFFFF20]  }
0x22e: {  	v2 =	vld [tilespmem:s26+$0x20];
	v6 =	vshll.u32 v3, $0x10  }
0x22f: {  	v7 =	vand.u32 $0xFFFF0000, v7;
	v5 =	vmul.f32 v6, v5;
	v6 =	vld [tilespmem:s28+$0x20]  }
0x230: {  	v1 =	vmul.f32 v7, v1  }
0x231: {  	[tilespmem:s9+$0xFFFFFE20] =	vst v5  }
0x232: {  	v7 =	vshll.u32 v4, $0x10;
	v5 =	vld [tilespmem:s28+$0xFFFFFEA0];
	[tilespmem:s9+$0x1A0] =	vst v1  }
0x233: {  	v7 =	vmul.f32 v7, v8;
	v1 =	vshll.u32 v2, $0x10;
	v8 =	vld [tilespmem:s26+$0xB0]  }
0x234: {  	v1 =	vmul.f32 v1, v6;
	v6 =	vld [tilespmem:s28+$0x130]  }
0x235: {  	[tilespmem:s9+$0xFFFFFF20] =	vst v7  }
0x236: {  	v3 =	vand.u32 $0xFFFF0000, v3;
	v7 =	vld [tilespmem:s28+$0xFFFFFFA0];
	[tilespmem:s9+$0x20] =	vst v1  }
0x237: {  	v1 =	vmul.f32 v3, v5;
	v3 =	vld [tilespmem:s28+$0xA0]  }
0x238: {  	v5 =	vshll.u32 v8, $0x10  }
0x239: {  	[tilespmem:s9+$0xFFFFFEA0] =	vst v1;
	v1 =	vmul.f32 v5, v6  }
0x23a: {  	v5 =	vld [tilespmem:s26+$0xFFFFFF30]  }
0x23b: {  	v4 =	vand.u32 $0xFFFF0000, v4;
	v2 =	vand.u32 $0xFFFF0000, v2;
	v6 =	vld [tilespmem:s28+$0xFFFFFE30];
	[tilespmem:s9+$0x130] =	vst v1  }
0x23c: {  	v4 =	vmul.f32 v4, v7;
	v1 =	vmul.f32 v2, v3;
	v2 =	vld [tilespmem:s28+$0x1B0];
	_ =	sdelay $0x1  }
0x23d: {  	[tilespmem:s9+$0xFFFFFFA0] =	vst v4  }
0x23e: {  	v3 =	vld [tilespmem:s26+$0xFFFFFFB0];
	[tilespmem:s9+$0xA0] =	vst v1;
	v1 =	vshll.u32 v5, $0x10  }
0x23f: {  	v7 =	vand.u32 $0xFFFF0000, v8;
	v1 =	vmul.f32 v1, v6;
	v6 =	vld [tilespmem:s28+$0xFFFFFF30]  }
0x240: {  	v4 =	vld [tilespmem:s26+$0x30];
	v2 =	vmul.f32 v7, v2  }
0x241: {  	v8 =	vld [tilespmem:s28+$0x30];
	[tilespmem:s9+$0xFFFFFE30] =	vst v1  }
0x242: {  	v1 =	vld [tilespmem:s28+$0xFFFFFEB0];
	[tilespmem:s9+$0x1B0] =	vst v2  }
0x243: {  	v2 =	vshll.u32 v3, $0x10;
	v7 =	vld [tilespmem:s26+$0xC0]  }
0x244: {  	v2 =	vmul.f32 v2, v6;
	v6 =	vld [tilespmem:s28+$0x140]  }
0x245: {  	v9 =	vshll.u32 v4, $0x10  }
0x246: {  	v5 =	vand.u32 $0xFFFF0000, v5;
	v8 =	vmul.f32 v9, v8;
	[tilespmem:s9+$0xFFFFFF30] =	vst v2  }
0x247: {  	v1 =	vmul.f32 v5, v1;
	v2 =	vld [tilespmem:s28+$0xFFFFFFB0]  }
0x248: {  	[tilespmem:s9+$0x30] =	vst v8;
	v8 =	vshll.u32 v7, $0x10  }
0x249: {  	v5 =	vld [tilespmem:s28+$0xB0];
	[tilespmem:s9+$0xFFFFFEB0] =	vst v1;
	v1 =	vmul.f32 v8, v6  }
0x24a: {  	v6 =	vld [tilespmem:s26+$0xFFFFFF40]  }
0x24b: {  	v3 =	vand.u32 $0xFFFF0000, v3;
	v8 =	vld [tilespmem:s28+$0xFFFFFE40];
	[tilespmem:s9+$0x140] =	vst v1  }
0x24c: {  	v2 =	vmul.f32 v3, v2;
	v3 =	vld [tilespmem:s28+$0x1C0]  }
0x24d: {  	v1 =	vand.u32 $0xFFFF0000, v4  }
0x24e: {  	v1 =	vmul.f32 v1, v5  }
0x24f: {  	[tilespmem:s9+$0xFFFFFFB0] =	vst v2;
	v2 =	vshll.u32 v6, $0x10  }
0x250: {  	v5 =	vand.u32 $0xFFFF0000, v7;
	[tilespmem:s9+$0xB0] =	vst v1;
	v1 =	vmul.f32 v2, v8  }
0x251: {  	v2 =	vld [tilespmem:s26+$0x40];
	v3 =	vmul.f32 v5, v3  }
0x252: {  	[tilespmem:s9+$0xFFFFFE40] =	vst v1;
	v1 =	vld [tilespmem:s28+$0x40]  }
0x253: {  	v5 =	vld [tilespmem:s28+$0xFFFFFEC0];
	[tilespmem:s9+$0x1C0] =	vst v3  }
0x254: {  	v3 =	vld [tilespmem:s26+$0xD0]  }
0x255: {  	v8 =	vld [tilespmem:s28+$0x150];
	_ =	sdelay $0x1  }
0x256: {  	v4 =	vld [tilespmem:s26+$0xFFFFFFC0];
	v10 =	vshll.u32 v2, $0x10  }
0x257: {  	v7 =	vld [tilespmem:s28+$0xFFFFFF40];
	v6 =	vand.u32 $0xFFFF0000, v6;
	v1 =	vmul.f32 v10, v1  }
0x258: {  	s25 =	simm.s32 $0x5600;
	v5 =	vmul.f32 v6, v5;
	v6 =	vshll.u32 v3, $0x10  }
0x259: {  	v11 =	vld [tilespmem:s25+$0xFFFFFF80];
	[tilespmem:s9+$0x40] =	vst v1;
	v1 =	vmul.f32 v6, v8  }
0x25a: {  	s8 =	simm.s32 $0x2900;
	v33 =	vld [tilespmem:s25+$0x0]  }
0x25b: {  	v34 =	vld [tilespmem:s8+$0xFFFFFE00];
	v9 =	vshll.u32 v4, $0x10;
	[tilespmem:s9+$0x150] =	vst v1  }
0x25c: {  	v7 =	vmul.f32 v9, v7;
	v1 =	vld [tilespmem:s28+$0x1D0]  }
0x25d: {  	v9 =	vld [tilespmem:s25+$0x80]  }
0x25e: {  	[tilespmem:s9+$0xFFFFFF40] =	vst v7;
	v10 =	vld [tilespmem:s8+$0x100]  }
0x25f: {  	v7 =	vld [tilespmem:s28+$0xFFFFFFC0]  }
0x260: {  	[tilespmem:s9+$0xFFFFFEC0] =	vst v5;
	v5 =	vld [tilespmem:s28+$0xC0];
	v3 =	vand.u32 $0xFFFF0000, v3  }
0x261: {  	v6 =	vld [tilespmem:s26+$0xFFFFFF50];
	v1 =	vmul.f32 v3, v1  }
0x262: {  	v3 =	vld [tilespmem:s25+$0xFFFFFF00]  }
0x263: {  	v14 =	vshll.u32 v9, $0x10;
	v8 =	vld [tilespmem:s28+$0xFFFFFE50];
	[tilespmem:s9+$0x1D0] =	vst v1  }
0x264: {  	v1 =	vmul.f32 v14, v10;
	v10 =	vld [tilespmem:s26+$0xE0]  }
0x265: {  	s24 =	simm.s32 $0x8900;
	v4 =	vand.u32 $0xFFFF0000, v4;
	v35 =	vld [tilespmem:s28+$0x160]  }
0x266: {  	v2 =	vand.u32 $0xFFFF0000, v2;
	v4 =	vmul.f32 v4, v7;
	v7 =	vld [tilespmem:s8+$0xFFFFFF00];
	[tilespmem:s24+$0x100] =	vst v1  }
0x267: {  	v1 =	vmul.f32 v2, v5;
	v2 =	vshll.u32 v3, $0x10;
	v5 =	vld [tilespmem:s8+$0x180]  }
0x268: {  	[tilespmem:s9+$0xFFFFFFC0] =	vst v4;
	v4 =	vld [tilespmem:s8+$0x0];
	v2 =	vmul.f32 v2, v34  }
0x269: {  	v36 =	vld [tilespmem:s26+$0xFFFFFFD0];
	[tilespmem:s9+$0xC0] =	vst v1;
	v1 =	vshll.u32 v10, $0x10  }
0x26a: {  	v15 =	vshll.u32 v11, $0x10;
	v16 =	vld [tilespmem:s26+$0x50];
	[tilespmem:s24+$0xFFFFFE00] =	vst v2;
	v1 =	vmul.f32 v1, v35  }
0x26b: {  	v9 =	vand.u32 $0xFFFF0000, v9;
	v7 =	vmul.f32 v15, v7;
	v2 =	vld [tilespmem:s8+$0xFFFFFE80]  }
0x26c: {  	v37 =	vld [tilespmem:s28+$0x50];
	v5 =	vmul.f32 v9, v5;
	[tilespmem:s9+$0x160] =	vst v1  }
0x26d: {  	[tilespmem:s24+$0xFFFFFF00] =	vst v7;
	v1 =	vshll.u32 v33, $0x10;
	v7 =	vld [tilespmem:s28+$0x1E0]  }
0x26e: {  	v1 =	vmul.f32 v1, v4;
	v4 =	vld [tilespmem:s8+$0xFFFFFF80];
	[tilespmem:s24+$0x180] =	vst v5  }
0x26f: {  	v3 =	vand.u32 $0xFFFF0000, v3;
	v5 =	vld [tilespmem:s25+$0x90]  }
0x270: {  	[tilespmem:s24+$0x0] =	vst v1;
	v1 =	vmul.f32 v3, v2;
	v2 =	vld [tilespmem:s8+$0x110]  }
0x271: {  	v10 =	vand.u32 $0xFFFF0000, v10;
	v3 =	vld [tilespmem:s8+$0x80]  }
0x272: {  	v9 =	vld [tilespmem:s28+$0xFFFFFF50];
	[tilespmem:s24+$0xFFFFFE80] =	vst v1;
	v1 =	vmul.f32 v10, v7  }
0x273: {  	v7 =	vand.u32 $0xFFFF0000, v11;
	v10 =	vld [tilespmem:s25+$0xFFFFFF10]  }
0x274: {  	v4 =	vmul.f32 v7, v4;
	v7 =	vld [tilespmem:s8+$0xFFFFFE10];
	v11 =	vshll.u32 v5, $0x10;
	[tilespmem:s9+$0x1E0] =	vst v1  }
0x275: {  	v12 =	vand.u32 $0xFFFF0000, v33;
	v2 =	vmul.f32 v11, v2;
	v1 =	vld [tilespmem:s26+$0xF0]  }
0x276: {  	[tilespmem:s24+$0xFFFFFF80] =	vst v4;
	v3 =	vmul.f32 v12, v3;
	v4 =	vld [tilespmem:s28+$0x170]  }
0x277: {  	v11 =	vld [tilespmem:s25+$0xFFFFFF90];
	[tilespmem:s24+$0x110] =	vst v2  }
0x278: {  	v2 =	vshll.u32 v10, $0x10;
	[tilespmem:s24+$0x80] =	vst v3;
	v3 =	vld [tilespmem:s8+$0x190]  }
0x279: {  	v38 =	vshll.u32 v6, $0x10;
	v39 =	vld [tilespmem:s8+$0xFFFFFF10];
	v2 =	vmul.f32 v2, v7  }
0x27a: {  	v8 =	vmul.f32 v38, v8;
	v7 =	vld [tilespmem:s25+$0x10];
	v40 =	vshll.u32 v1, $0x10  }
0x27b: {  	v41 =	vld [tilespmem:s8+$0x10];
	[tilespmem:s24+$0xFFFFFE10] =	vst v2;
	v2 =	vshll.u32 v36, $0x10;
	v4 =	vmul.f32 v40, v4  }
0x27c: {  	[tilespmem:s9+$0xFFFFFE50] =	vst v8;
	v5 =	vand.u32 $0xFFFF0000, v5;
	v2 =	vmul.f32 v2, v9;
	v8 =	vld [tilespmem:s8+$0xFFFFFE90]  }
0x27d: {  	v3 =	vmul.f32 v5, v3;
	v5 =	vld [tilespmem:s28+$0xFFFFFED0];
	[tilespmem:s9+$0x170] =	vst v4  }
0x27e: {  	[tilespmem:s9+$0xFFFFFF50] =	vst v2;
	v4 =	vshll.u32 v11, $0x10;
	v2 =	vld [tilespmem:s28+$0x1F0]  }
0x27f: {  	v9 =	vshll.u32 v7, $0x10;
	v4 =	vmul.f32 v4, v39;
	[tilespmem:s24+$0x190] =	vst v3;
	v3 =	vld [tilespmem:s28+$0xFFFFFFD0]  }
0x280: {  	v10 =	vand.u32 $0xFFFF0000, v10;
	v9 =	vmul.f32 v9, v41;
	v42 =	vld [tilespmem:s25+$0xA0]  }
0x281: {  	v8 =	vmul.f32 v10, v8;
	[tilespmem:s24+$0xFFFFFF10] =	vst v4;
	v4 =	vld [tilespmem:s8+$0x120]  }
0x282: {  	v10 =	vshll.u32 v16, $0x10;
	[tilespmem:s24+$0x10] =	vst v9;
	v43 =	vld [tilespmem:s8+$0xFFFFFF90]  }
0x283: {  	v6 =	vand.u32 $0xFFFF0000, v6;
	v9 =	vmul.f32 v10, v37;
	[tilespmem:s24+$0xFFFFFE90] =	vst v8;
	v8 =	vld [tilespmem:s8+$0x90]  }
0x284: {  	v10 =	vand.u32 $0xFFFF0000, v36;
	v5 =	vmul.f32 v6, v5;
	v6 =	vld [tilespmem:s25+$0xFFFFFF20]  }
0x285: {  	[tilespmem:s9+$0x50] =	vst v9;
	v3 =	vmul.f32 v10, v3;
	v9 =	vld [tilespmem:s8+$0xFFFFFE20];
	v10 =	vshll.u32 v42, $0x10  }
0x286: {  	v11 =	vand.u32 $0xFFFF0000, v11;
	[tilespmem:s9+$0xFFFFFED0] =	vst v5;
	v5 =	vld [tilespmem:s28+$0xD0];
	v4 =	vmul.f32 v10, v4  }
0x287: {  	v7 =	vand.u32 $0xFFFF0000, v7;
	[tilespmem:s9+$0xFFFFFFD0] =	vst v3;
	v10 =	vld [tilespmem:s26+$0xFFFFFF60];
	v3 =	vmul.f32 v11, v43  }
0x288: {  	v7 =	vmul.f32 v7, v8;
	[tilespmem:s24+$0x120] =	vst v4;
	v4 =	vld [tilespmem:s26+$0xFFFFFFE0]  }
0x289: {  	[tilespmem:s24+$0xFFFFFF90] =	vst v3;
	v3 =	vld [tilespmem:s8+$0x1A0]  }
0x28a: {  	v8 =	vshll.u32 v6, $0x10;
	v11 =	vld [tilespmem:s25+$0xFFFFFFA0];
	[tilespmem:s24+$0x90] =	vst v7  }
0x28b: {  	v7 =	vand.u32 $0xFFFF0000, v16;
	v8 =	vmul.f32 v8, v9;
	v9 =	vld [tilespmem:s25+$0x20]  }
0x28c: {  	v5 =	vmul.f32 v7, v5;
	v7 =	vld [tilespmem:s8+$0xFFFFFF20]  }
0x28d: {  	v12 =	vand.u32 $0xFFFF0000, v42;
	[tilespmem:s24+$0xFFFFFE20] =	vst v8;
	v8 =	vld [tilespmem:s8+$0x20]  }
0x28e: {  	[tilespmem:s9+$0xD0] =	vst v5;
	v5 =	vld [tilespmem:s8+$0xFFFFFEA0];
	v3 =	vmul.f32 v12, v3  }
0x28f: {  	v44 =	vld [tilespmem:s26+$0x60]  }
0x290: {  	v45 =	vshll.u32 v11, $0x10;
	[tilespmem:s24+$0x1A0] =	vst v3;
	v3 =	vld [tilespmem:s28+$0xFFFFFE60]  }
0x291: {  	v46 =	vshll.u32 v9, $0x10;
	v7 =	vmul.f32 v45, v7;
	v47 =	vld [tilespmem:s25+$0xB0]  }
0x292: {  	v6 =	vand.u32 $0xFFFF0000, v6;
	v8 =	vmul.f32 v46, v8;
	v48 =	vld [tilespmem:s8+$0x130]  }
0x293: {  	v5 =	vmul.f32 v6, v5;
	[tilespmem:s24+$0xFFFFFF20] =	vst v7;
	v6 =	vld [tilespmem:s28+$0xFFFFFF60]  }
0x294: {  	v7 =	vld [tilespmem:s8+$0xFFFFFFA0];
	[tilespmem:s24+$0x20] =	vst v8  }
0x295: {  	v8 =	vshll.u32 v10, $0x10;
	[tilespmem:s24+$0xFFFFFEA0] =	vst v5;
	v5 =	vld [tilespmem:s8+$0xA0]  }
0x296: {  	v3 =	vmul.f32 v8, v3;
	v8 =	vld [tilespmem:s25+$0xFFFFFF30];
	v49 =	vshll.u32 v47, $0x10  }
0x297: {  	v50 =	vshll.u32 v4, $0x10;
	v51 =	vld [tilespmem:s8+$0xFFFFFE30];
	v14 =	vmul.f32 v49, v48  }
0x298: {  	v11 =	vand.u32 $0xFFFF0000, v11;
	[tilespmem:s9+$0xFFFFFE60] =	vst v3;
	v3 =	vmul.f32 v50, v6;
	v6 =	vld [tilespmem:s28+$0x60]  }
0x299: {  	v9 =	vand.u32 $0xFFFF0000, v9;
	v7 =	vmul.f32 v11, v7;
	v11 =	vld [tilespmem:s28+$0xFFFFFEE0];
	[tilespmem:s24+$0x130] =	vst v14  }
0x29a: {  	v5 =	vmul.f32 v9, v5;
	[tilespmem:s9+$0xFFFFFF60] =	vst v3;
	v9 =	vld [tilespmem:s8+$0x1B0]  }
0x29b: {  	[tilespmem:s24+$0xFFFFFFA0] =	vst v7;
	v3 =	vld [tilespmem:s28+$0xFFFFFFE0]  }
0x29c: {  	v7 =	vshll.u32 v8, $0x10;
	v52 =	vld [tilespmem:s25+$0xFFFFFFB0];
	[tilespmem:s24+$0xA0] =	vst v5  }
0x29d: {  	v5 =	vshll.u32 v44, $0x10;
	v7 =	vmul.f32 v7, v51;
	v53 =	vld [tilespmem:s25+$0x30]  }
0x29e: {  	v13 =	vand.u32 $0xFFFF0000, v47;
	v5 =	vmul.f32 v5, v6;
	v6 =	vld [tilespmem:s8+$0xFFFFFF30]  }
0x29f: {  	[tilespmem:s24+$0xFFFFFE30] =	vst v7;
	v7 =	vld [tilespmem:s8+$0x30];
	v9 =	vmul.f32 v13, v9  }
0x2a0: {  	v10 =	vand.u32 $0xFFFF0000, v10;
	[tilespmem:s9+$0x60] =	vst v5;
	v5 =	vld [tilespmem:s8+$0xFFFFFEB0]  }
0x2a1: {  	v4 =	vand.u32 $0xFFFF0000, v4;
	v10 =	vmul.f32 v10, v11;
	[tilespmem:s24+$0x1B0] =	vst v9;
	v9 =	vld [tilespmem:s28+$0xE0]  }
0x2a2: {  	v3 =	vmul.f32 v4, v3;
	v4 =	vshll.u32 v52, $0x10;
	v11 =	vld [tilespmem:s25+$0xC0]  }
0x2a3: {  	[tilespmem:s9+$0xFFFFFEE0] =	vst v10;
	v4 =	vmul.f32 v4, v6;
	v6 =	vld [tilespmem:s8+$0x140]  }
0x2a4: {  	v55 =	vld [tilespmem:s28+$0xFFFFFE70];
	v10 =	vshll.u32 v53, $0x10;
	[tilespmem:s9+$0xFFFFFFE0] =	vst v3  }
0x2a5: {  	v8 =	vand.u32 $0xFFFF0000, v8;
	v3 =	vmul.f32 v10, v7;
	v7 =	vld [tilespmem:s26+$0xFFFFFF70];
	[tilespmem:s24+$0xFFFFFF30] =	vst v4  }
0x2a6: {  	v5 =	vmul.f32 v8, v5;
	v8 =	vand.u32 $0xFFFF0000, v44;
	v10 =	vld [tilespmem:s8+$0xFFFFFFB0]  }
0x2a7: {  	v4 =	vld [tilespmem:s26+$0xFFFFFFF0];
	[tilespmem:s24+$0x30] =	vst v3;
	v3 =	vmul.f32 v8, v9;
	v8 =	vshll.u32 v11, $0x10  }
0x2a8: {  	[tilespmem:s24+$0xFFFFFEB0] =	vst v5;
	v5 =	vld [tilespmem:s8+$0xB0];
	v6 =	vmul.f32 v8, v6  }
0x2a9: {  	v9 =	vld [tilespmem:s25+$0xFFFFFF40];
	[tilespmem:s9+$0xE0] =	vst v3  }
0x2aa: {  	v3 =	vld [tilespmem:s8+$0xFFFFFE40];
	v8 =	vand.u32 $0xFFFF0000, v52;
	[tilespmem:s24+$0x140] =	vst v6  }
0x2ab: {  	v8 =	vmul.f32 v8, v10;
	v10 =	vld [tilespmem:s8+$0x1C0]  }
0x2ac: {  	v54 =	vand.u32 $0xFFFF0000, v53;
	v6 =	vld [tilespmem:s26+$0x70]  }
0x2ad: {  	v5 =	vmul.f32 v54, v5;
	[tilespmem:s24+$0xFFFFFFB0] =	vst v8;
	v8 =	vld [tilespmem:s28+$0xFFFFFF70]  }
0x2ae: {  	v56 =	vshll.u32 v9, $0x10;
	v57 =	vld [tilespmem:s25+$0xFFFFFFC0]  }
0x2af: {  	[tilespmem:s24+$0xB0] =	vst v5;
	v5 =	vand.u32 $0xFFFF0000, v11;
	v11 =	vld [tilespmem:s8+$0xFFFFFF40];
	v3 =	vmul.f32 v56, v3  }
0x2b0: {  	v58 =	vld [tilespmem:s25+$0x40];
	v5 =	vmul.f32 v5, v10  }
0x2b1: {  	[tilespmem:s24+$0xFFFFFE40] =	vst v3;
	v10 =	vld [tilespmem:s8+$0x40]  }
0x2b2: {  	v3 =	vshll.u32 v7, $0x10;
	v59 =	vld [tilespmem:s8+$0xFFFFFEC0];
	[tilespmem:s24+$0x1C0] =	vst v5  }
0x2b3: {  	v12 =	vmul.f32 v3, v55;
	v5 =	vshll.u32 v4, $0x10;
	v3 =	vld [tilespmem:s25+$0xD0]  }
0x2b4: {  	v5 =	vmul.f32 v5, v8;
	v8 =	vshll.u32 v57, $0x10;
	v60 =	vld [tilespmem:s8+$0x150]  }
0x2b5: {  	[tilespmem:s9+$0xFFFFFE70] =	vst v12;
	v61 =	vshll.u32 v58, $0x10;
	v8 =	vmul.f32 v8, v11;
	v11 =	vld [tilespmem:s28+$0x70]  }
0x2b6: {  	v9 =	vand.u32 $0xFFFF0000, v9;
	[tilespmem:s9+$0xFFFFFF70] =	vst v5;
	v5 =	vmul.f32 v61, v10;
	v10 =	vld [tilespmem:s28+$0xFFFFFEF0]  }
0x2b7: {  	v1 =	vand.u32 $0xFFFF0000, v1;
	v9 =	vmul.f32 v9, v59;
	[tilespmem:s24+$0xFFFFFF40] =	vst v8;
	v62 =	vld [tilespmem:s28+$0xFFFFFFF0]  }
0x2b8: {  	v1 =	vmul.f32 v1, v2;
	v63 =	vld [tilespmem:s8+$0xFFFFFFC0];
	[tilespmem:s24+$0x40] =	vst v5;
	v2 =	vshll.u32 v3, $0x10  }
0x2b9: {  	v8 =	vshll.u32 v6, $0x10;
	[tilespmem:s24+$0xFFFFFEC0] =	vst v9;
	v9 =	vld [tilespmem:s8+$0xC0];
	v2 =	vmul.f32 v2, v60  }
0x2ba: {  	[tilespmem:s9+$0x1F0] =	vst v1;
	v1 =	vand.u32 $0xFFFF0000, v7;
	v5 =	vld [tilespmem:s25+$0xFFFFFF50];
	v8 =	vmul.f32 v8, v11  }
0x2bb: {  	v7 =	vld [tilespmem:s8+$0xFFFFFE50];
	v11 =	vmul.f32 v1, v10;
	[tilespmem:s24+$0x150] =	vst v2;
	v2 =	vand.u32 $0xFFFF0000, v4  }
0x2bc: {  	v1 =	vand.u32 $0xFFFF0000, v6;
	v4 =	vand.u32 $0xFFFF0000, v57;
	[tilespmem:s9+$0x70] =	vst v8;
	v6 =	vld [tilespmem:s8+$0x1D0];
	v2 =	vmul.f32 v2, v62  }
0x2bd: {  	s4 =	simm.s32 $0x4;
	s15 =	simm.s32 $0x5800;
	s26 =	simm.s32 $0x2900;
	v8 =	vand.u32 $0xFFFF0000, v58;
	v10 =	vmul.f32 v4, v63;
	[tilespmem:s9+$0xFFFFFEF0] =	vst v11;
	v4 =	vld [tilespmem:s28+$0xF0]  }
.LBB2_7:
0x2be: {  	v11 =	vld [tilespmem:s15+$0x80];
	s4 =	sadd.s32 $0x4, s4;
	v8 =	vmul.f32 v8, v9;
	s8 =	sadd.s32 $0x400, s8;
	[tilespmem:s9+$0xFFFFFFF0] =	vst v2  }
0x2bf: {  	v9 =	vld [tilespmem:s8+$0x100];
	p1 =	slt.u32 s4, $0x1C;
	v12 =	vshll.u32 v5, $0x10;
	v2 =	vand.u32 $0xFFFF0000, v5;
	[tilespmem:s24+$0xFFFFFFC0] =	vst v10  }
0x2c0: {  	v3 =	vand.u32 $0xFFFF0000, v3;
	v5 =	vld [tilespmem:s15+$0xFFFFFF80];
	v7 =	vmul.f32 v12, v7;
	[tilespmem:s24+$0xC0] =	vst v8  }
0x2c1: {  	v8 =	vld [tilespmem:s15+$0x0];
	v3 =	vmul.f32 v3, v6  }
0x2c2: {  	v6 =	vld [tilespmem:s15+$0xFFFFFF00];
	[tilespmem:s24+$0xFFFFFE50] =	vst v7;
	v1 =	vmul.f32 v1, v4  }
0x2c3: {  	v4 =	vld [tilespmem:s8+$0xFFFFFE00];
	v7 =	vshll.u32 v11, $0x10;
	[tilespmem:s24+$0x1D0] =	vst v3  }
0x2c4: {  	v3 =	vmul.f32 v7, v9;
	v7 =	vld [tilespmem:s25+$0xE0];
	[tilespmem:s9+$0xF0] =	vst v1;
	s9 =	smov.u32 s24  }
0x2c5: {  	s24 =	sadd.s32 $0x400, s24;
	v1 =	vshll.u32 v5, $0x10;
	v5 =	vand.u32 $0xFFFF0000, v5;
	v9 =	vld [tilespmem:s26+$0x160]  }
0x2c6: {  	v10 =	vld [tilespmem:s8+$0xFFFFFF00];
	v12 =	vshll.u32 v8, $0x10;
	v8 =	vand.u32 $0xFFFF0000, v8;
	[tilespmem:s24+$0x100] =	vst v3  }
0x2c7: {  	v3 =	vshll.u32 v6, $0x10;
	v6 =	vand.u32 $0xFFFF0000, v6;
	v13 =	vld [tilespmem:s8+$0x180]  }
0x2c8: {  	v3 =	vmul.f32 v3, v4;
	v4 =	vld [tilespmem:s8+$0x0]  }
0x2c9: {  	v14 =	vld [tilespmem:s25+$0xFFFFFFD0];
	v15 =	vshll.u32 v7, $0x10  }
0x2ca: {  	[tilespmem:s24+$0xFFFFFE00] =	vst v3;
	v3 =	vld [tilespmem:s25+$0x50];
	v9 =	vmul.f32 v15, v9  }
0x2cb: {  	v15 =	vld [tilespmem:s8+$0xFFFFFE80];
	v1 =	vmul.f32 v1, v10;
	v10 =	vand.u32 $0xFFFF0000, v11  }
0x2cc: {  	v10 =	vmul.f32 v10, v13;
	v11 =	vld [tilespmem:s26+$0xFFFFFF50];
	[tilespmem:s9+$0x160] =	vst v9  }
0x2cd: {  	[tilespmem:s24+$0xFFFFFF00] =	vst v1;
	v1 =	vmul.f32 v12, v4;
	v4 =	vld [tilespmem:s26+$0x1E0]  }
0x2ce: {  	v9 =	vld [tilespmem:s8+$0xFFFFFF80];
	[tilespmem:s24+$0x180] =	vst v10;
	v10 =	vshll.u32 v14, $0x10;
	v12 =	vand.u32 $0xFFFF0000, v14  }
0x2cf: {  	[tilespmem:s24+$0x0] =	vst v1;
	v1 =	vld [tilespmem:s15+$0x90];
	v13 =	vshll.u32 v3, $0x10;
	v3 =	vand.u32 $0xFFFF0000, v3  }
0x2d0: {  	v6 =	vmul.f32 v6, v15;
	v14 =	vld [tilespmem:s8+$0x110]  }
0x2d1: {  	v7 =	vand.u32 $0xFFFF0000, v7;
	v15 =	vld [tilespmem:s8+$0x80];
	v10 =	vmul.f32 v10, v11  }
0x2d2: {  	[tilespmem:s24+$0xFFFFFE80] =	vst v6;
	v6 =	vld [tilespmem:s26+$0x50];
	v4 =	vmul.f32 v7, v4  }
0x2d3: {  	v7 =	vld [tilespmem:s15+$0xFFFFFF10];
	v5 =	vmul.f32 v5, v9;
	[tilespmem:s9+$0xFFFFFF50] =	vst v10  }
0x2d4: {  	v9 =	vld [tilespmem:s8+$0xFFFFFE10];
	v10 =	vshll.u32 v1, $0x10;
	[tilespmem:s9+$0x1E0] =	vst v4  }
0x2d5: {  	[tilespmem:s24+$0xFFFFFF80] =	vst v5;
	v4 =	vmul.f32 v10, v14;
	v5 =	vld [tilespmem:s25+$0xF0]  }
0x2d6: {  	v8 =	vmul.f32 v8, v15;
	v10 =	vld [tilespmem:s26+$0x170]  }
0x2d7: {  	v11 =	vld [tilespmem:s15+$0xFFFFFF90];
	[tilespmem:s24+$0x110] =	vst v4;
	v4 =	vmul.f32 v13, v6  }
0x2d8: {  	v6 =	vshll.u32 v7, $0x10;
	v7 =	vand.u32 $0xFFFF0000, v7;
	[tilespmem:s24+$0x80] =	vst v8;
	v8 =	vld [tilespmem:s8+$0x190]  }
0x2d9: {  	v6 =	vmul.f32 v6, v9;
	v9 =	vld [tilespmem:s15+$0x10];
	[tilespmem:s9+$0x50] =	vst v4  }
0x2da: {  	v4 =	vld [tilespmem:s8+$0xFFFFFF10];
	v13 =	vshll.u32 v5, $0x10  }
0x2db: {  	[tilespmem:s24+$0xFFFFFE10] =	vst v6;
	v6 =	vld [tilespmem:s8+$0x10];
	v10 =	vmul.f32 v13, v10  }
0x2dc: {  	v1 =	vand.u32 $0xFFFF0000, v1;
	v13 =	vld [tilespmem:s8+$0xFFFFFE90];
	v14 =	vshll.u32 v11, $0x10;
	v11 =	vand.u32 $0xFFFF0000, v11  }
0x2dd: {  	v1 =	vmul.f32 v1, v8;
	v8 =	vld [tilespmem:s26+$0xFFFFFED0];
	[tilespmem:s9+$0x170] =	vst v10  }
0x2de: {  	v10 =	vshll.u32 v9, $0x10;
	v9 =	vand.u32 $0xFFFF0000, v9;
	v15 =	vld [tilespmem:s26+$0x1F0]  }
0x2df: {  	v4 =	vmul.f32 v14, v4;
	[tilespmem:s24+$0x190] =	vst v1;
	v1 =	vld [tilespmem:s26+$0xFFFFFFD0]  }
0x2e0: {  	v6 =	vmul.f32 v10, v6;
	v10 =	vld [tilespmem:s15+$0xA0]  }
0x2e1: {  	v7 =	vmul.f32 v7, v13;
	[tilespmem:s24+$0xFFFFFF10] =	vst v4;
	v4 =	vld [tilespmem:s8+$0x120]  }
0x2e2: {  	v5 =	vand.u32 $0xFFFF0000, v5;
	v13 =	vld [tilespmem:s8+$0xFFFFFF90];
	[tilespmem:s24+$0x10] =	vst v6;
	v2 =	vmul.f32 v2, v8  }
0x2e3: {  	[tilespmem:s24+$0xFFFFFE90] =	vst v7;
	v6 =	vld [tilespmem:s8+$0x90];
	v5 =	vmul.f32 v5, v15  }
0x2e4: {  	v7 =	vld [tilespmem:s15+$0xFFFFFF20];
	[tilespmem:s9+$0xFFFFFED0] =	vst v2;
	v1 =	vmul.f32 v12, v1  }
0x2e5: {  	v2 =	vld [tilespmem:s8+$0xFFFFFE20];
	v8 =	vshll.u32 v10, $0x10;
	[tilespmem:s9+$0x1F0] =	vst v5  }
0x2e6: {  	v4 =	vmul.f32 v8, v4;
	[tilespmem:s9+$0xFFFFFFD0] =	vst v1;
	v1 =	vld [tilespmem:s26+$0xD0]  }
0x2e7: {  	v5 =	vmul.f32 v11, v13;
	v8 =	vld [tilespmem:s25+$0xFFFFFF60]  }
0x2e8: {  	v6 =	vmul.f32 v9, v6;
	[tilespmem:s24+$0x120] =	vst v4;
	v4 =	vld [tilespmem:s25+$0xFFFFFFE0]  }
0x2e9: {  	v9 =	vshll.u32 v7, $0x10;
	v7 =	vand.u32 $0xFFFF0000, v7;
	[tilespmem:s24+$0xFFFFFF90] =	vst v5;
	v5 =	vld [tilespmem:s8+$0x1A0]  }
0x2ea: {  	v2 =	vmul.f32 v9, v2;
	v9 =	vld [tilespmem:s15+$0xFFFFFFA0];
	[tilespmem:s24+$0x90] =	vst v6  }
0x2eb: {  	v6 =	vld [tilespmem:s15+$0x20];
	v1 =	vmul.f32 v3, v1  }
0x2ec: {  	[tilespmem:s24+$0xFFFFFE20] =	vst v2;
	v2 =	vld [tilespmem:s8+$0xFFFFFF20];
	v3 =	vshll.u32 v8, $0x10;
	v8 =	vand.u32 $0xFFFF0000, v8  }
0x2ed: {  	v10 =	vand.u32 $0xFFFF0000, v10;
	v11 =	vld [tilespmem:s8+$0x20];
	v12 =	vshll.u32 v4, $0x10;
	v4 =	vand.u32 $0xFFFF0000, v4;
	[tilespmem:s9+$0xD0] =	vst v1  }
0x2ee: {  	v1 =	vld [tilespmem:s8+$0xFFFFFEA0];
	v5 =	vmul.f32 v10, v5  }
0x2ef: {  	v10 =	vshll.u32 v9, $0x10;
	v9 =	vand.u32 $0xFFFF0000, v9;
	v13 =	vld [tilespmem:s25+$0x60]  }
0x2f0: {  	v14 =	vshll.u32 v6, $0x10;
	v6 =	vand.u32 $0xFFFF0000, v6;
	[tilespmem:s24+$0x1A0] =	vst v5;
	v5 =	vld [tilespmem:s26+$0xFFFFFE60]  }
0x2f1: {  	v2 =	vmul.f32 v10, v2;
	v10 =	vld [tilespmem:s15+$0xB0]  }
0x2f2: {  	v11 =	vmul.f32 v14, v11;
	v14 =	vld [tilespmem:s8+$0x130]  }
0x2f3: {  	v1 =	vmul.f32 v7, v1;
	[tilespmem:s24+$0xFFFFFF20] =	vst v2;
	v2 =	vld [tilespmem:s26+$0xFFFFFF60]  }
0x2f4: {  	v7 =	vld [tilespmem:s8+$0xFFFFFFA0];
	[tilespmem:s24+$0x20] =	vst v11;
	v11 =	vshll.u32 v13, $0x10;
	v13 =	vand.u32 $0xFFFF0000, v13  }
0x2f5: {  	[tilespmem:s24+$0xFFFFFEA0] =	vst v1;
	v1 =	vld [tilespmem:s8+$0xA0];
	v3 =	vmul.f32 v3, v5  }
0x2f6: {  	v5 =	vld [tilespmem:s15+$0xFFFFFF30];
	v15 =	vshll.u32 v10, $0x10  }
0x2f7: {  	v16 =	vld [tilespmem:s8+$0xFFFFFE30];
	v14 =	vmul.f32 v15, v14;
	[tilespmem:s9+$0xFFFFFE60] =	vst v3  }
0x2f8: {  	v2 =	vmul.f32 v12, v2;
	v3 =	vld [tilespmem:s26+$0x60]  }
0x2f9: {  	v7 =	vmul.f32 v9, v7;
	[tilespmem:s24+$0x130] =	vst v14;
	v9 =	vld [tilespmem:s26+$0xFFFFFEE0]  }
0x2fa: {  	v1 =	vmul.f32 v6, v1;
	v6 =	vld [tilespmem:s8+$0x1B0];
	[tilespmem:s9+$0xFFFFFF60] =	vst v2  }
0x2fb: {  	v2 =	vshll.u32 v5, $0x10;
	v5 =	vand.u32 $0xFFFF0000, v5;
	[tilespmem:s24+$0xFFFFFFA0] =	vst v7;
	v7 =	vld [tilespmem:s26+$0xFFFFFFE0]  }
0x2fc: {  	v2 =	vmul.f32 v2, v16;
	v12 =	vld [tilespmem:s15+$0xFFFFFFB0];
	[tilespmem:s24+$0xA0] =	vst v1  }
0x2fd: {  	v1 =	vld [tilespmem:s15+$0x30];
	v3 =	vmul.f32 v11, v3  }
0x2fe: {  	v10 =	vand.u32 $0xFFFF0000, v10;
	[tilespmem:s24+$0xFFFFFE30] =	vst v2;
	v2 =	vld [tilespmem:s8+$0xFFFFFF30];
	v8 =	vmul.f32 v8, v9  }
0x2ff: {  	v9 =	vld [tilespmem:s8+$0x30];
	v6 =	vmul.f32 v10, v6;
	[tilespmem:s9+$0x60] =	vst v3  }
0x300: {  	v3 =	vld [tilespmem:s8+$0xFFFFFEB0];
	[tilespmem:s9+$0xFFFFFEE0] =	vst v8;
	v4 =	vmul.f32 v4, v7  }
0x301: {  	v7 =	vshll.u32 v12, $0x10;
	v8 =	vand.u32 $0xFFFF0000, v12;
	[tilespmem:s24+$0x1B0] =	vst v6;
	v6 =	vld [tilespmem:s26+$0xE0]  }
0x302: {  	v10 =	vshll.u32 v1, $0x10;
	v1 =	vand.u32 $0xFFFF0000, v1;
	v11 =	vld [tilespmem:s15+$0xC0];
	[tilespmem:s9+$0xFFFFFFE0] =	vst v4  }
0x303: {  	v2 =	vmul.f32 v7, v2;
	v4 =	vld [tilespmem:s8+$0x140]  }
0x304: {  	v7 =	vmul.f32 v10, v9;
	v9 =	vld [tilespmem:s25+$0xFFFFFF70]  }
0x305: {  	v3 =	vmul.f32 v5, v3;
	[tilespmem:s24+$0xFFFFFF30] =	vst v2;
	v2 =	vld [tilespmem:s25+$0xFFFFFFF0]  }
0x306: {  	v5 =	vld [tilespmem:s8+$0xFFFFFFB0];
	[tilespmem:s24+$0x30] =	vst v7;
	v6 =	vmul.f32 v13, v6  }
0x307: {  	[tilespmem:s24+$0xFFFFFEB0] =	vst v3;
	v3 =	vld [tilespmem:s8+$0xB0];
	v7 =	vshll.u32 v11, $0x10  }
0x308: {  	v10 =	vld [tilespmem:s15+$0xFFFFFF40];
	v4 =	vmul.f32 v7, v4;
	[tilespmem:s9+$0xE0] =	vst v6  }
0x309: {  	v6 =	vld [tilespmem:s8+$0xFFFFFE40];
	v7 =	vshll.u32 v9, $0x10;
	v12 =	vand.u32 $0xFFFF0000, v9  }
0x30a: {  	[tilespmem:s24+$0x140] =	vst v4;
	v4 =	vshll.u32 v2, $0x10;
	v2 =	vand.u32 $0xFFFF0000, v2;
	v9 =	vld [tilespmem:s25+$0x70];
	s25 =	smov.u32 s15  }
0x30b: {  	v5 =	vmul.f32 v8, v5;
	v8 =	vld [tilespmem:s8+$0x1C0]  }
0x30c: {  	v1 =	vmul.f32 v1, v3;
	v3 =	vld [tilespmem:s26+$0xFFFFFE70]  }
0x30d: {  	v13 =	vshll.u32 v10, $0x10;
	v10 =	vand.u32 $0xFFFF0000, v10;
	[tilespmem:s24+$0xFFFFFFB0] =	vst v5;
	v5 =	vld [tilespmem:s26+$0xFFFFFF70]  }
0x30e: {  	v6 =	vmul.f32 v13, v6;
	v13 =	vld [tilespmem:s15+$0xFFFFFFC0];
	[tilespmem:s24+$0xB0] =	vst v1  }
0x30f: {  	v11 =	vand.u32 $0xFFFF0000, v11;
	v14 =	vld [tilespmem:s15+$0x40];
	v15 =	vshll.u32 v9, $0x10;
	v1 =	vand.u32 $0xFFFF0000, v9  }
0x310: {  	[tilespmem:s24+$0xFFFFFE40] =	vst v6;
	v6 =	vld [tilespmem:s8+$0xFFFFFF40];
	v8 =	vmul.f32 v11, v8  }
0x311: {  	v9 =	vld [tilespmem:s8+$0x40];
	v7 =	vmul.f32 v7, v3  }
0x312: {  	v11 =	vld [tilespmem:s8+$0xFFFFFEC0];
	[tilespmem:s24+$0x1C0] =	vst v8;
	v4 =	vmul.f32 v4, v5  }
0x313: {  	v5 =	vshll.u32 v13, $0x10;
	v13 =	vand.u32 $0xFFFF0000, v13;
	v3 =	vld [tilespmem:s15+$0xD0];
	[tilespmem:s9+$0xFFFFFE70] =	vst v7  }
0x314: {  	v7 =	vshll.u32 v14, $0x10;
	v8 =	vand.u32 $0xFFFF0000, v14;
	v14 =	vld [tilespmem:s8+$0x150];
	[tilespmem:s9+$0xFFFFFF70] =	vst v4  }
0x315: {  	v4 =	vmul.f32 v5, v6;
	v6 =	vld [tilespmem:s26+$0x70]  }
0x316: {  	v5 =	vmul.f32 v7, v9;
	v16 =	vld [tilespmem:s26+$0xFFFFFEF0]  }
0x317: {  	v7 =	vmul.f32 v10, v11;
	[tilespmem:s24+$0xFFFFFF40] =	vst v4;
	v4 =	vld [tilespmem:s26+$0xFFFFFFF0]  }
0x318: {  	v10 =	vld [tilespmem:s8+$0xFFFFFFC0];
	[tilespmem:s24+$0x40] =	vst v5;
	v5 =	vshll.u32 v3, $0x10  }
.Ltmp2:
0x319: {  	[tilespmem:s24+$0xFFFFFEC0] =	vst v7;
	v9 =	vld [tilespmem:s8+$0xC0];
	v11 =	vmul.f32 v5, v14;
	(pc) =	sbr.rel @p1 .LBB2_7-.Ltmp2, $4  }
0x31a: {  	v5 =	vld [tilespmem:s15+$0xFFFFFF50];
	v14 =	vmul.f32 v15, v6  }
0x31b: {  	v7 =	vld [tilespmem:s8+$0xFFFFFE50];
	[tilespmem:s24+$0x150] =	vst v11;
	v11 =	vmul.f32 v12, v16  }
0x31c: {  	v6 =	vld [tilespmem:s8+$0x1D0];
	v2 =	vmul.f32 v2, v4;
	[tilespmem:s9+$0x70] =	vst v14  }
0x31d: {  	s15 =	sadd.s32 $0x200, s15;
	v10 =	vmul.f32 v13, v10;
	[tilespmem:s9+$0xFFFFFEF0] =	vst v11;
	v4 =	vld [tilespmem:s26+$0xF0];
	s26 =	smov.u32 s8  }
0x31e: {  	_ = 	snop  }
0x31f: {  	[tilespmem:s24+$0xFFFFFFC0] =	vst v10  }
0x320: {  	v8 =	vmul.f32 v8, v9;
	v23 =	vld [tilespmem:s25+$0xFFFFFFD0]  }
0x321: {  	v10 =	vld [tilespmem:s26+$0xFFFFFF50]  }
0x322: {  	[tilespmem:s24+$0xC0] =	vst v8  }
0x323: {  	v24 =	vld [tilespmem:s25+$0x50]  }
0x324: {  	v12 =	vshll.u32 v5, $0x10;
	v11 =	vld [tilespmem:s26+$0x50]  }
0x325: {  	v7 =	vmul.f32 v12, v7;
	v25 =	vshll.u32 v23, $0x10  }
0x326: {  	v10 =	vmul.f32 v25, v10  }
0x327: {  	[tilespmem:s24+$0xFFFFFE50] =	vst v7  }
0x328: {  	v28 =	vld [tilespmem:s26+$0xFFFFFED0];
	v26 =	vshll.u32 v24, $0x10;
	[tilespmem:s24+$0xFFFFFF50] =	vst v10  }
0x329: {  	v27 =	vmul.f32 v26, v11;
	v29 =	vld [tilespmem:s26+$0xFFFFFFD0]  }
0x32a: {  	v3 =	vand.u32 $0xFFFF0000, v3  }
0x32b: {  	v3 =	vmul.f32 v3, v6;
	[tilespmem:s24+$0x50] =	vst v27  }
0x32c: {  	v31 =	vand.u32 $0xFFFF0000, v5;
	v30 =	vld [tilespmem:s26+$0xD0]  }
0x32d: {  	[tilespmem:s24+$0x1D0] =	vst v3;
	v3 =	vand.u32 $0xFFFF0000, v23;
	v5 =	vmul.f32 v31, v28  }
0x32e: {  	v32 =	vld [tilespmem:s25+$0xE0];
	v3 =	vmul.f32 v3, v29  }
0x32f: {  	v34 =	vld [tilespmem:s26+$0x160];
	[tilespmem:s24+$0xFFFFFED0] =	vst v5  }
0x330: {  	v33 =	vand.u32 $0xFFFF0000, v24;
	[tilespmem:s24+$0xFFFFFFD0] =	vst v3;
	v3 =	vld [tilespmem:s25+$0xFFFFFF60]  }
0x331: {  	v37 =	vld [tilespmem:s26+$0xFFFFFE60];
	v35 =	vmul.f32 v33, v30  }
0x332: {  	v36 =	vld [tilespmem:s25+$0xFFFFFFE0]  }
0x333: {  	v39 =	vshll.u32 v32, $0x10;
	[tilespmem:s24+$0xD0] =	vst v35;
	v38 =	vld [tilespmem:s26+$0xFFFFFF60]  }
0x334: {  	v7 =	vmul.f32 v39, v34;
	v5 =	vld [tilespmem:s25+$0x60]  }
0x335: {  	v40 =	vld [tilespmem:s26+$0x60];
	v41 =	vshll.u32 v3, $0x10  }
0x336: {  	[tilespmem:s24+$0x160] =	vst v7;
	v9 =	vmul.f32 v41, v37  }
0x337: {  	v43 =	vld [tilespmem:s26+$0x1E0];
	v42 =	vshll.u32 v36, $0x10  }
0x338: {  	v7 =	vmul.f32 v42, v38;
	[tilespmem:s24+$0xFFFFFE60] =	vst v9  }
0x339: {  	v44 =	vshll.u32 v5, $0x10;
	v46 =	vld [tilespmem:s26+$0xFFFFFEE0]  }
0x33a: {  	v45 =	vmul.f32 v44, v40;
	[tilespmem:s24+$0xFFFFFF60] =	vst v7  }
0x33b: {  	v6 =	vand.u32 $0xFFFF0000, v32;
	v7 =	vld [tilespmem:s26+$0xFFFFFFE0]  }
0x33c: {  	v6 =	vmul.f32 v6, v43;
	[tilespmem:s24+$0x60] =	vst v45  }
0x33d: {  	v3 =	vand.u32 $0xFFFF0000, v3;
	v9 =	vld [tilespmem:s26+$0xE0]  }
0x33e: {  	[tilespmem:s24+$0x1E0] =	vst v6;
	v3 =	vmul.f32 v3, v46  }
0x33f: {  	v48 =	vld [tilespmem:s25+$0xF0];
	v47 =	vand.u32 $0xFFFF0000, v36  }
0x340: {  	v49 =	vld [tilespmem:s26+$0x170];
	v6 =	vmul.f32 v47, v7;
	[tilespmem:s24+$0xFFFFFEE0] =	vst v3  }
0x341: {  	v5 =	vand.u32 $0xFFFF0000, v5;
	v50 =	vld [tilespmem:s25+$0xFFFFFF70]  }
0x342: {  	v3 =	vmul.f32 v5, v9;
	[tilespmem:s24+$0xFFFFFFE0] =	vst v6;
	v51 =	vld [tilespmem:s26+$0xFFFFFE70]  }
0x343: {  	v6 =	vld [tilespmem:s25+$0xFFFFFFF0]  }
0x344: {  	[tilespmem:s24+$0xE0] =	vst v3;
	v52 =	vld [tilespmem:s26+$0xFFFFFF70]  }
0x345: {  	v3 =	vld [tilespmem:s25+$0x70]  }
0x346: {  	v53 =	vld [tilespmem:s26+$0x70]  }
0x347: {  	v54 =	vshll.u32 v48, $0x10  }
0x348: {  	v7 =	vmul.f32 v54, v49;
	v55 =	vshll.u32 v50, $0x10  }
0x349: {  	v9 =	vmul.f32 v55, v51;
	v56 =	vshll.u32 v6, $0x10  }
0x34a: {  	[tilespmem:s24+$0x170] =	vst v7;
	v57 =	vmul.f32 v56, v52;
	v58 =	vshll.u32 v3, $0x10  }
0x34b: {  	v59 =	vld [tilespmem:s26+$0x1F0];
	[tilespmem:s24+$0xFFFFFE70] =	vst v9;
	v10 =	vmul.f32 v58, v53  }
0x34c: {  	[tilespmem:s24+$0xFFFFFF70] =	vst v57;
	v60 =	vld [tilespmem:s26+$0xFFFFFEF0]  }
0x34d: {  	v61 =	vld [tilespmem:s26+$0xFFFFFFF0];
	[tilespmem:s24+$0x70] =	vst v10  }
0x34e: {  	v10 =	vld [tilespmem:s26+$0xF0]  }
0x34f: {  	v1 =	vmul.f32 v1, v4;
	v62 =	vand.u32 $0xFFFF0000, v48  }
0x350: {  	[tilespmem:s9+$0xFFFFFFF0] =	vst v2;
	s2 =	sadd.s32 $0x1, s2;
	v63 =	vand.u32 $0xFFFF0000, v50;
	v2 =	vmul.f32 v62, v59  }
0x351: {  	p1 =	sne.s32 s2, $0x9E;
	[tilespmem:s9+$0xF0] =	vst v1;
	v1 =	vand.u32 $0xFFFF0000, v6;
	v4 =	vmul.f32 v63, v60  }
.Ltmp3:
0x352: {  	[tilespmem:s24+$0x1F0] =	vst v2;
	v2 =	vand.u32 $0xFFFF0000, v3;
	v1 =	vmul.f32 v1, v61;
	(pc) =	sbr.rel @p1 .LBB2_4-.Ltmp3, $4  }
0x353: {  	[tilespmem:s24+$0xFFFFFEF0] =	vst v4;
	v2 =	vmul.f32 v2, v10  }
0x354: {  	[tilespmem:s24+$0xFFFFFFF0] =	vst v1  }
0x355: {  	[tilespmem:s24+$0xF0] =	vst v2  }
0x356: {  	[spmem:s3] =	stream.indirect.scatter.add.f32 [tilespmem:s21], [sflag:$0xA], $0x80, s20, s10, $0xb8;
	[tilespmem:$0x1DB80] =	vst v63  }
0x357: {  	s2 =	simm.s32 $0x9  }
0x358: {  	_ =	swait.ge [sflag:s2], $0x2000  }
0x359: {  	[sflag:s2] =	ssyncset.done $0x0  }
0x35a: {  	s24 =	simm.s32 $0xA;
	[sflag:s2] =	ssyncadd.s32 $0xFFFFE000  }
0x35b: {  	_ =	swait.ge [sflag:s24], $0x2000  }
0x35c: {  	[sflag:s24] =	ssyncset.done $0x0  }
0x35d: {  	[sflag:s24] =	ssyncadd.s32 $0xFFFFE000  }
0x35e: {  	s25 =	stileid.u32;
	[bflag:$0x0] =	sbarrier.arrive $0xFFFF  }
0x35f: {  	s2 =	sshll.u32 s25, $0x6;
	s15 =	rddreg [dreg:$0x4]  }
0x360: {  	s2 =	sor.u32 $0x1C0B, s2;
	s8 =	rddreg [dreg:$0x11];
	s4 =	sshrl.u32 s15, $0x3  }
0x361: {  	[hbm:s8], [sflag:s2] =	dma.local [spmem:s4], $0x2700  }
0x362: {  	_ =	swait.ge [sflag:s31], $0x2700  }
0x363: {  	[sflag:s31] =	ssyncset.done $0x0;
	s9 =	rddreg [dreg:$0x15]  }
0x364: {  	s8 =	rddreg [dreg:$0x12];
	[sflag:s31] =	ssyncadd.s32 $0xFFFFD900;
	s4 =	sshrl.u32 @!p0 s9, $0x3  }
0x365: {  	[hbm:s8], [sflag:s2] =	dma.local @!p0 [spmem:s4], $0x100  }
0x366: {  	s2 =	simm.s32 @!p0 $0xB  }
0x367: {  	_ =	swait.ge @!p0 [sflag:s2], $0x100  }
0x368: {  	s26 =	rddreg [dreg:$0x16]  }
0x369: {  	s28 =	rddreg [dreg:$0x13];
	s8 =	sadd.s32 $0x1, s26  }
0x36a: {  	p1 =	sne.s32 s8, s28  }
.Ltmp4:
0x36b: {  	_ = 	snop;
	(pc) =	sbr.rel @p1 .LBB2_1-.Ltmp4, $3  }
0x36c: {  	_ =	sdelay $0x1  }
0x36d: {  	[sflag:s2] =	ssyncset.done @!p0 $0x0  }
0x36e: {  	[sflag:s2] =	ssyncadd.s32 @!p0 $0xFFFFFF00  }
0x36f: {  	_ =	sfence.sel $0x180000  }
0x370: {  	[bflag:$0x0] =	sbarrier.arrive $0xFFFF  }
0x371: {  	_ =	strace $0x90000047  }
0x372: {  	[bflag:$0x2] =	sbarrier.arrive $0xFFFF  }
0x373: {  	s0 =	rddreg [dreg:$0x3]  }
0x374: {  	s0 =	sadd.s32 @!p0 $0x100000, s0  }
0x375: {  	[sflag:s0] =	ssyncadd.tile.s32 @!p0 $0x1;
	_ =	shalt  }
.Lfunc_end2:
_tile_overlayer_lowered:
.L_overlay_start_2:
0x376: {  	(tag) =	ssettag $0x2  }
0x377: {  	s0 =	rddreg [dreg:$0x0];
	s2 =	stileid.u32  }
0x378: {  	s1 =	rddreg [dreg:$0x1];
	p0 =	sne.s32 s2, $0x0  }
0x379: {  	s3 =	rddreg [dreg:$0x2];
	[bflag:$0x3] =	sbarrier.arrive $0xFFFF;
	s2 =	simm.s32 @!p0 $0x1C0B  }
0x37a: {  	[timem:s3], [sflag:s2] =	dma.local @!p0 [hbm:s0], s1  }
0x37b: {  	s0 =	simm.s32 @!p0 $0xB  }
0x37c: {  	_ =	swait.ge @!p0 [sflag:s0], s1  }
0x37d: {  	s1 =	ssub.s32 @!p0 $0x0, s1;
	[sflag:s0] =	ssyncset.done @!p0 $0x0  }
0x37e: {  	[sflag:s0] =	ssyncadd.s32 @!p0 s1  }
0x37f: {  	[bflag:$0x3] =	sbarrier.arrive $0xFFFF  }
0x380: {  	_ =	shalt  }

</sc_bundles>
